<compile_context>
chip_gen: v7x
topology: tpu7x:2x2x1
jax: 0.10.2.dev20260603
libtpu: 0.0.44.dev20260713+nightly
codegen_flags: <defaults>
</compile_context>

<pallas_src>
import jax
import jax.numpy as jnp
from jax import lax
from jax.experimental import pallas as pl
from jax.experimental.pallas import tpu as pltpu
from jax.experimental.pallas import tpu_sc as plsc

_C = 2048
_B = 8192
_NBINS = 10
_EPS = 1e-5

_NC, _NS, _L = 2, 16, 16
_FPW = _C // _NS
_NG = _FPW // _L
_RPC = _B // _NC
_CHUNK = 128
_NCHUNK = _RPC // _CHUNK
_NBUF = 4
_HWORDS = _FPW * _NBINS


def _hist_body(x_hbm, mins_hbm, maxs_hbm, out_hbm, xout_hbm, xbuf, hist,
               mn_v, mx_v, f0, f1, f2, f3, w0, w1, w2, w3):
    cid = lax.axis_index("c")
    sid = lax.axis_index("s")
    col0 = sid * _FPW
    row0 = cid * _RPC
    fsem = (f0, f1, f2, f3)
    wsem = (w0, w1, w2, w3)

    pltpu.sync_copy(mins_hbm.at[pl.ds(col0, _FPW)], mn_v)
    pltpu.sync_copy(maxs_hbm.at[pl.ds(col0, _FPW)], mx_v)

    zero16 = jnp.zeros((_L,), jnp.float32)
    for i in range(_HWORDS // _L):
        hist[pl.ds(i * _L, _L)] = zero16

    iota = lax.iota(jnp.int32, _L)
    ones = jnp.ones((_L,), jnp.float32)
    a_g, b2_g = [], []
    for g in range(_NG):
        mn = mn_v[pl.ds(g * _L, _L)]
        mx = mx_v[pl.ds(g * _L, _L)] + _EPS
        fr = mx - mn
        mns_n = mn / fr
        mxs_n = mx / fr
        diff = mxs_n - mns_n
        a = 8.0 / (fr * diff)
        b = 8.0 * mns_n / diff - 1.0
        base = ((g * _L + iota) * _NBINS).astype(jnp.float32)
        a_g.append(a)
        b2_g.append(b - base)

    def chunk_rows(t):
        return pl.ds(row0 + t * _CHUNK, _CHUNK)

    def chunk_src(t):
        return x_hbm.at[chunk_rows(t), pl.ds(col0, _FPW)]

    def chunk_dst(t):
        return xout_hbm.at[chunk_rows(t), pl.ds(col0, _FPW)]

    def process(buf):
        @plsc.parallel_loop(0, _CHUNK, unroll=8)
        def _(r):
            for g in range(_NG):
                xv = xbuf[buf, r, pl.ds(g * _L, _L)]
                u = xv * a_g[g] - b2_g[g]
                plsc.addupdate_scatter(hist, [u.astype(jnp.int32)], ones)

    for b in range(_NBUF):
        pltpu.async_copy(chunk_src(b), xbuf.at[b], fsem[b])

    def quad_body(q, carry):
        t_base = q * _NBUF
        for b in range(_NBUF):
            t = t_base + b
            pltpu.make_async_copy(chunk_src(0), xbuf.at[b], fsem[b]).wait()
            process(b)
            pltpu.async_copy(xbuf.at[b], chunk_dst(t), wsem[b])
            b2 = (b + 2) % _NBUF
            tf = t + 2

            @pl.when(jnp.logical_and(tf >= _NBUF, tf < _NCHUNK))
            def _():
                pltpu.make_async_copy(xbuf.at[b2], chunk_dst(0),
                                      wsem[b2]).wait()
                pltpu.async_copy(chunk_src(tf), xbuf.at[b2], fsem[b2])
        return carry

    lax.fori_loop(0, _NCHUNK // _NBUF, quad_body, 0)

    for b in range(_NBUF):
        pltpu.make_async_copy(xbuf.at[b], chunk_dst(0), wsem[b]).wait()

    wid = cid * _NS + sid
    pltpu.sync_copy(hist, out_hbm.at[pl.ds(wid * _HWORDS, _HWORDS)])


@jax.jit
def _sc_hist(x, mins, maxs):
    mesh = plsc.VectorSubcoreMesh(core_axis_name="c", subcore_axis_name="s")
    f = pl.kernel(
        _hist_body,
        mesh=mesh,
        out_type=(
            jax.ShapeDtypeStruct((_NC * _NS * _HWORDS,), jnp.float32),
            jax.ShapeDtypeStruct((_B, _C), jnp.float32),
        ),
        compiler_params=pltpu.CompilerParams(needs_layout_passes=False),
        scratch_types=[
            pltpu.VMEM((_NBUF, _CHUNK, _FPW), jnp.float32),
            pltpu.VMEM((_HWORDS,), jnp.float32),
            pltpu.VMEM((_FPW,), jnp.float32),
            pltpu.VMEM((_FPW,), jnp.float32),
        ] + [pltpu.SemaphoreType.DMA] * (2 * _NBUF),
    )
    return f(x, mins, maxs)


def kernel(x, mins, maxs):
    partial, x_out = _sc_hist(x, mins, maxs)
    counts = partial.reshape(_NC, _C, _NBINS).sum(axis=0)
    return x_out, counts

# --- scband reference (transcript-rebuilt; emitter-appended) ---
"""Pipeline reference for scband-soft-bin-stats-27401891348539 (READ-ONLY COPY).

The authoritative reference and input builder live on the scoring server;
editing this copy changes nothing except your own understanding.
"""

import jax, jax.numpy as jnp
import numpy as np

N_FEATURES = 2048
N_BINS = 8
N_BIN_EDGES = N_BINS + 1
BATCH = 8192
EPS = 1e-5


def setup_inputs(seed: int = 0) -> dict:
    key = jax.random.key(seed)
    x = jax.random.normal(key, (BATCH, N_FEATURES), dtype=jnp.float32)
    # State buffers: running mins/maxs per feature, as if set by a prior
    # track_range pass (BinStats.update_range).
    xt = x.T
    mins = xt.min(axis=1)
    maxs = xt.max(axis=1)
    return {"x": x, "mins": mins, "maxs": maxs}


def _bincount2d(idx, minlength):
    # bincount2D_vectorized: per-row bincount via offset trick
    C = idx.shape[0]
    idx = idx.astype(jnp.int32)
    offsets = jnp.arange(C, dtype=jnp.int32)[:, None] * minlength
    flat = (idx + offsets).ravel()
    counts = jnp.bincount(flat, length=C * minlength)
    return counts.reshape(C, minlength)


def reference(x, mins, maxs):
    # --- init_bins (BinStats.init_bins, norm_range=True) ---
    mxs = maxs + EPS
    mns = mins
    feature_ranges = mxs - mns  # [C]
    mxs_n = mxs / feature_ranges
    mns_n = mns / feature_ranges
    t = jnp.linspace(0.0, 1.0, N_BIN_EDGES, dtype=jnp.float32)
    b_edges = mns_n[:, None] + (mxs_n - mns_n)[:, None] * t[None, :]  # [C, n_bin_edges]
    exts = 0.25 * (mxs_n - mns_n)
    r_exts = (mxs_n + exts)[:, None]
    is_relu = jnp.allclose(mns_n, jnp.zeros_like(mns_n))
    l_exts = jnp.where(is_relu, (mns_n - 2.0 * exts)[:, None], (mns_n - exts)[:, None])
    bin_edges = jnp.concatenate([l_exts, b_edges, r_exts], axis=1)  # [C, n_bin_edges + 2]
    # --- _get_batch_counts ---
    xt = x.T  # [C, B]  (transpose(0,1).flatten(1))
    xn = xt / feature_ranges[:, None]  # _norm_inputs
    inner = bin_edges[:, 1:-1]  # [C, n_bin_edges]
    bin_indices = jax.vmap(lambda e, v: jnp.searchsorted(e, v, side='left'))(inner, xn)
    batch_counts = _bincount2d(bin_indices, N_BINS + 2)
    # bin_counts buffer starts at zero -> new counts == batch counts
    bin_counts = batch_counts.astype(jnp.float32)
    # forward returns x unchanged; bin_counts is the updated state buffer
    return x, bin_counts

if __name__ == "__main__":
    import jax
    _d = setup_inputs()
    print(jax.jit(kernel)(*tuple(_d.values())))

</pallas_src>

<mosaic_0001>
#map = affine_map<(d0, d1) -> (0, 0)>
#map1 = affine_map<(d0, d1) -> (0)>
module attributes {stable_mosaic.version = 14 : i64} {
  func.func @_hist_body(%arg0: i32, %arg1: i32, %arg2: memref<8192x2048xf32, #tpu.memory_space<hbm>>, %arg3: memref<2048xf32, #tpu.memory_space<hbm>>, %arg4: memref<2048xf32, #tpu.memory_space<hbm>>, %arg5: memref<40960xf32, #tpu.memory_space<hbm>>, %arg6: memref<8192x2048xf32, #tpu.memory_space<hbm>>, %arg7: memref<4x128x128xf32, #tpu.memory_space<vmem>>, %arg8: memref<1280xf32, #tpu.memory_space<vmem>>, %arg9: memref<128xf32, #tpu.memory_space<vmem>>, %arg10: memref<128xf32, #tpu.memory_space<vmem>>, %arg11: memref<!tpu.dma_semaphore, #tpu.memory_space<semaphore_mem>>, %arg12: memref<!tpu.dma_semaphore, #tpu.memory_space<semaphore_mem>>, %arg13: memref<!tpu.dma_semaphore, #tpu.memory_space<semaphore_mem>>, %arg14: memref<!tpu.dma_semaphore, #tpu.memory_space<semaphore_mem>>, %arg15: memref<!tpu.dma_semaphore, #tpu.memory_space<semaphore_mem>>, %arg16: memref<!tpu.dma_semaphore, #tpu.memory_space<semaphore_mem>>, %arg17: memref<!tpu.dma_semaphore, #tpu.memory_space<semaphore_mem>>, %arg18: memref<!tpu.dma_semaphore, #tpu.memory_space<semaphore_mem>>) attributes {dimension_semantics = [#tpu.dimension_semantics<core_parallel>, #tpu.dimension_semantics<subcore_parallel>], iteration_bounds = array<i64: 2, 16>, scalar_prefetch = 0 : i64, scratch_operands = 12 : i64, tpu.core_type = #tpu.core_type<sc_vector_subcore>, window_params = [{transform_indices = #map}, {transform_indices = #map1}, {transform_indices = #map1}, {transform_indices = #map1}, {transform_indices = #map}]} {
    %mul3A = arith.constant 128 : i32
    %mul3A_0 = arith.muli %arg1, %mul3A : i32
    %mul3A_1 = arith.constant 4096 : i32
    %mul3A_2 = arith.muli %arg0, %mul3A_1 : i32
    "tpu.region"() ({
      %run_scoped3A = tpu.sem_alloc : memref<!tpu.dma_semaphore, #tpu.memory_space<semaphore_mem>>
      %dma_start3A_512 = tpu.memref_slice %arg3[%mul3A_0] : memref<2048xf32, #tpu.memory_space<hbm>> -> memref<128xf32, #tpu.memory_space<hbm>>
      %dma_start3A_513 = tpu.memref_slice %arg3[%mul3A_0] : memref<2048xf32, #tpu.memory_space<hbm>> -> memref<128xf32, #tpu.memory_space<hbm>>
      tpu.enqueue_dma source(%dma_start3A_513 : memref<128xf32, #tpu.memory_space<hbm>>) target(%arg9 : memref<128xf32, #tpu.memory_space<vmem>>) target_semaphore(%run_scoped3A : memref<!tpu.dma_semaphore, #tpu.memory_space<semaphore_mem>>)
      %dma_wait3A_514 = tpu.memref_slice %arg3[%mul3A_0] : memref<2048xf32, #tpu.memory_space<hbm>> -> memref<128xf32, #tpu.memory_space<hbm>>
      %dma_wait3A_515 = tpu.memref_slice %arg3[%mul3A_0] : memref<2048xf32, #tpu.memory_space<hbm>> -> memref<128xf32, #tpu.memory_space<hbm>>
      tpu.wait_dma2 semaphore(%run_scoped3A : memref<!tpu.dma_semaphore, #tpu.memory_space<semaphore_mem>>) src(%dma_wait3A_515 : memref<128xf32, #tpu.memory_space<hbm>>) dst(%arg9 : memref<128xf32, #tpu.memory_space<vmem>>)
      tpu.yield
    }) : () -> ()
    "tpu.region"() ({
      %run_scoped3A = tpu.sem_alloc : memref<!tpu.dma_semaphore, #tpu.memory_space<semaphore_mem>>
      %dma_start3A_512 = tpu.memref_slice %arg4[%mul3A_0] : memref<2048xf32, #tpu.memory_space<hbm>> -> memref<128xf32, #tpu.memory_space<hbm>>
      %dma_start3A_513 = tpu.memref_slice %arg4[%mul3A_0] : memref<2048xf32, #tpu.memory_space<hbm>> -> memref<128xf32, #tpu.memory_space<hbm>>
      tpu.enqueue_dma source(%dma_start3A_513 : memref<128xf32, #tpu.memory_space<hbm>>) target(%arg10 : memref<128xf32, #tpu.memory_space<vmem>>) target_semaphore(%run_scoped3A : memref<!tpu.dma_semaphore, #tpu.memory_space<semaphore_mem>>)
      %dma_wait3A_514 = tpu.memref_slice %arg4[%mul3A_0] : memref<2048xf32, #tpu.memory_space<hbm>> -> memref<128xf32, #tpu.memory_space<hbm>>
      %dma_wait3A_515 = tpu.memref_slice %arg4[%mul3A_0] : memref<2048xf32, #tpu.memory_space<hbm>> -> memref<128xf32, #tpu.memory_space<hbm>>
      tpu.wait_dma2 semaphore(%run_scoped3A : memref<!tpu.dma_semaphore, #tpu.memory_space<semaphore_mem>>) src(%dma_wait3A_515 : memref<128xf32, #tpu.memory_space<hbm>>) dst(%arg10 : memref<128xf32, #tpu.memory_space<vmem>>)
      tpu.yield
    }) : () -> ()
    %broadcast_in_dim3A = arith.constant 0.000000e+00 : f32
    %broadcast_in_dim3A_3 = vector.broadcast %broadcast_in_dim3A : f32 to vector<16xf32>
    %swap3A = arith.constant 0 : index
    %swap3A_4 = tpu.vector_load %arg8[%swap3A] {strides = array<i32>} : memref<1280xf32, #tpu.memory_space<vmem>>, vector<16xf32>,
    tpu.vector_store %arg8[%swap3A], %broadcast_in_dim3A_3 {strides = array<i32>} : memref<1280xf32, #tpu.memory_space<vmem>>, vector<16xf32>,
    %swap3A_5 = arith.constant 16 : index
    %swap3A_6 = tpu.vector_load %arg8[%swap3A_5] {strides = array<i32>} : memref<1280xf32, #tpu.memory_space<vmem>>, vector<16xf32>,
    tpu.vector_store %arg8[%swap3A_5], %broadcast_in_dim3A_3 {strides = array<i32>} : memref<1280xf32, #tpu.memory_space<vmem>>, vector<16xf32>,
    %swap3A_7 = arith.constant 32 : index
    %swap3A_8 = tpu.vector_load %arg8[%swap3A_7] {strides = array<i32>} : memref<1280xf32, #tpu.memory_space<vmem>>, vector<16xf32>,
    tpu.vector_store %arg8[%swap3A_7], %broadcast_in_dim3A_3 {strides = array<i32>} : memref<1280xf32, #tpu.memory_space<vmem>>, vector<16xf32>,
    %swap3A_9 = arith.constant 48 : index
    %swap3A_10 = tpu.vector_load %arg8[%swap3A_9] {strides = array<i32>} : memref<1280xf32, #tpu.memory_space<vmem>>, vector<16xf32>,
    tpu.vector_store %arg8[%swap3A_9], %broadcast_in_dim3A_3 {strides = array<i32>} : memref<1280xf32, #tpu.memory_space<vmem>>, vector<16xf32>,
    %swap3A_11 = arith.constant 64 : index
    %swap3A_12 = tpu.vector_load %arg8[%swap3A_11] {strides = array<i32>} : memref<1280xf32, #tpu.memory_space<vmem>>, vector<16xf32>,
    tpu.vector_store %arg8[%swap3A_11], %broadcast_in_dim3A_3 {strides = array<i32>} : memref<1280xf32, #tpu.memory_space<vmem>>, vector<16xf32>,
    %swap3A_13 = arith.constant 80 : index
    %swap3A_14 = tpu.vector_load %arg8[%swap3A_13] {strides = array<i32>} : memref<1280xf32, #tpu.memory_space<vmem>>, vector<16xf32>,
    tpu.vector_store %arg8[%swap3A_13], %broadcast_in_dim3A_3 {strides = array<i32>} : memref<1280xf32, #tpu.memory_space<vmem>>, vector<16xf32>,
    %swap3A_15 = arith.constant 96 : index
    %swap3A_16 = tpu.vector_load %arg8[%swap3A_15] {strides = array<i32>} : memref<1280xf32, #tpu.memory_space<vmem>>, vector<16xf32>,
    tpu.vector_store %arg8[%swap3A_15], %broadcast_in_dim3A_3 {strides = array<i32>} : memref<1280xf32, #tpu.memory_space<vmem>>, vector<16xf32>,
    %swap3A_17 = arith.constant 112 : index
    %swap3A_18 = tpu.vector_load %arg8[%swap3A_17] {strides = array<i32>} : memref<1280xf32, #tpu.memory_space<vmem>>, vector<16xf32>,
    tpu.vector_store %arg8[%swap3A_17], %broadcast_in_dim3A_3 {strides = array<i32>} : memref<1280xf32, #tpu.memory_space<vmem>>, vector<16xf32>,
    %swap3A_19 = arith.constant 128 : index
    %swap3A_20 = tpu.vector_load %arg8[%swap3A_19] {strides = array<i32>} : memref<1280xf32, #tpu.memory_space<vmem>>, vector<16xf32>,
    tpu.vector_store %arg8[%swap3A_19], %broadcast_in_dim3A_3 {strides = array<i32>} : memref<1280xf32, #tpu.memory_space<vmem>>, vector<16xf32>,
    %swap3A_21 = arith.constant 144 : index
    %swap3A_22 = tpu.vector_load %arg8[%swap3A_21] {strides = array<i32>} : memref<1280xf32, #tpu.memory_space<vmem>>, vector<16xf32>,
    tpu.vector_store %arg8[%swap3A_21], %broadcast_in_dim3A_3 {strides = array<i32>} : memref<1280xf32, #tpu.memory_space<vmem>>, vector<16xf32>,
    %swap3A_23 = arith.constant 160 : index
    %swap3A_24 = tpu.vector_load %arg8[%swap3A_23] {strides = array<i32>} : memref<1280xf32, #tpu.memory_space<vmem>>, vector<16xf32>,
    tpu.vector_store %arg8[%swap3A_23], %broadcast_in_dim3A_3 {strides = array<i32>} : memref<1280xf32, #tpu.memory_space<vmem>>, vector<16xf32>,
    %swap3A_25 = arith.constant 176 : index
    %swap3A_26 = tpu.vector_load %arg8[%swap3A_25] {strides = array<i32>} : memref<1280xf32, #tpu.memory_space<vmem>>, vector<16xf32>,
    tpu.vector_store %arg8[%swap3A_25], %broadcast_in_dim3A_3 {strides = array<i32>} : memref<1280xf32, #tpu.memory_space<vmem>>, vector<16xf32>,
    %swap3A_27 = arith.constant 192 : index
    %swap3A_28 = tpu.vector_load %arg8[%swap3A_27] {strides = array<i32>} : memref<1280xf32, #tpu.memory_space<vmem>>, vector<16xf32>,
    tpu.vector_store %arg8[%swap3A_27], %broadcast_in_dim3A_3 {strides = array<i32>} : memref<1280xf32, #tpu.memory_space<vmem>>, vector<16xf32>,
    %swap3A_29 = arith.constant 208 : index
    %swap3A_30 = tpu.vector_load %arg8[%swap3A_29] {strides = array<i32>} : memref<1280xf32, #tpu.memory_space<vmem>>, vector<16xf32>,
    tpu.vector_store %arg8[%swap3A_29], %broadcast_in_dim3A_3 {strides = array<i32>} : memref<1280xf32, #tpu.memory_space<vmem>>, vector<16xf32>,
    %swap3A_31 = arith.constant 224 : index
    %swap3A_32 = tpu.vector_load %arg8[%swap3A_31] {strides = array<i32>} : memref<1280xf32, #tpu.memory_space<vmem>>, vector<16xf32>,
    tpu.vector_store %arg8[%swap3A_31], %broadcast_in_dim3A_3 {strides = array<i32>} : memref<1280xf32, #tpu.memory_space<vmem>>, vector<16xf32>,
    %swap3A_33 = arith.constant 240 : index
    %swap3A_34 = tpu.vector_load %arg8[%swap3A_33] {strides = array<i32>} : memref<1280xf32, #tpu.memory_space<vmem>>, vector<16xf32>,
    tpu.vector_store %arg8[%swap3A_33], %broadcast_in_dim3A_3 {strides = array<i32>} : memref<1280xf32, #tpu.memory_space<vmem>>, vector<16xf32>,
    %swap3A_35 = arith.constant 256 : index
    %swap3A_36 = tpu.vector_load %arg8[%swap3A_35] {strides = array<i32>} : memref<1280xf32, #tpu.memory_space<vmem>>, vector<16xf32>,
    tpu.vector_store %arg8[%swap3A_35], %broadcast_in_dim3A_3 {strides = array<i32>} : memref<1280xf32, #tpu.memory_space<vmem>>, vector<16xf32>,
    %swap3A_37 = arith.constant 272 : index
    %swap3A_38 = tpu.vector_load %arg8[%swap3A_37] {strides = array<i32>} : memref<1280xf32, #tpu.memory_space<vmem>>, vector<16xf32>,
    tpu.vector_store %arg8[%swap3A_37], %broadcast_in_dim3A_3 {strides = array<i32>} : memref<1280xf32, #tpu.memory_space<vmem>>, vector<16xf32>,
    %swap3A_39 = arith.constant 288 : index
    %swap3A_40 = tpu.vector_load %arg8[%swap3A_39] {strides = array<i32>} : memref<1280xf32, #tpu.memory_space<vmem>>, vector<16xf32>,
    tpu.vector_store %arg8[%swap3A_39], %broadcast_in_dim3A_3 {strides = array<i32>} : memref<1280xf32, #tpu.memory_space<vmem>>, vector<16xf32>,
    %swap3A_41 = arith.constant 304 : index
    %swap3A_42 = tpu.vector_load %arg8[%swap3A_41] {strides = array<i32>} : memref<1280xf32, #tpu.memory_space<vmem>>, vector<16xf32>,
    tpu.vector_store %arg8[%swap3A_41], %broadcast_in_dim3A_3 {strides = array<i32>} : memref<1280xf32, #tpu.memory_space<vmem>>, vector<16xf32>,
    %swap3A_43 = arith.constant 320 : index
    %swap3A_44 = tpu.vector_load %arg8[%swap3A_43] {strides = array<i32>} : memref<1280xf32, #tpu.memory_space<vmem>>, vector<16xf32>,
    tpu.vector_store %arg8[%swap3A_43], %broadcast_in_dim3A_3 {strides = array<i32>} : memref<1280xf32, #tpu.memory_space<vmem>>, vector<16xf32>,
    %swap3A_45 = arith.constant 336 : index
    %swap3A_46 = tpu.vector_load %arg8[%swap3A_45] {strides = array<i32>} : memref<1280xf32, #tpu.memory_space<vmem>>, vector<16xf32>,
    tpu.vector_store %arg8[%swap3A_45], %broadcast_in_dim3A_3 {strides = array<i32>} : memref<1280xf32, #tpu.memory_space<vmem>>, vector<16xf32>,
    %swap3A_47 = arith.constant 352 : index
    %swap3A_48 = tpu.vector_load %arg8[%swap3A_47] {strides = array<i32>} : memref<1280xf32, #tpu.memory_space<vmem>>, vector<16xf32>,
    tpu.vector_store %arg8[%swap3A_47], %broadcast_in_dim3A_3 {strides = array<i32>} : memref<1280xf32, #tpu.memory_space<vmem>>, vector<16xf32>,
    %swap3A_49 = arith.constant 368 : index
    %swap3A_50 = tpu.vector_load %arg8[%swap3A_49] {strides = array<i32>} : memref<1280xf32, #tpu.memory_space<vmem>>, vector<16xf32>,
    tpu.vector_store %arg8[%swap3A_49], %broadcast_in_dim3A_3 {strides = array<i32>} : memref<1280xf32, #tpu.memory_space<vmem>>, vector<16xf32>,
    %swap3A_51 = arith.constant 384 : index
    %swap3A_52 = tpu.vector_load %arg8[%swap3A_51] {strides = array<i32>} : memref<1280xf32, #tpu.memory_space<vmem>>, vector<16xf32>,
    tpu.vector_store %arg8[%swap3A_51], %broadcast_in_dim3A_3 {strides = array<i32>} : memref<1280xf32, #tpu.memory_space<vmem>>, vector<16xf32>,
    %swap3A_53 = arith.constant 400 : index
    %swap3A_54 = tpu.vector_load %arg8[%swap3A_53] {strides = array<i32>} : memref<1280xf32, #tpu.memory_space<vmem>>, vector<16xf32>,
    tpu.vector_store %arg8[%swap3A_53], %broadcast_in_dim3A_3 {strides = array<i32>} : memref<1280xf32, #tpu.memory_space<vmem>>, vector<16xf32>,
    %swap3A_55 = arith.constant 416 : index
    %swap3A_56 = tpu.vector_load %arg8[%swap3A_55] {strides = array<i32>} : memref<1280xf32, #tpu.memory_space<vmem>>, vector<16xf32>,
    tpu.vector_store %arg8[%swap3A_55], %broadcast_in_dim3A_3 {strides = array<i32>} : memref<1280xf32, #tpu.memory_space<vmem>>, vector<16xf32>,
    %swap3A_57 = arith.constant 432 : index
    %swap3A_58 = tpu.vector_load %arg8[%swap3A_57] {strides = array<i32>} : memref<1280xf32, #tpu.memory_space<vmem>>, vector<16xf32>,
    tpu.vector_store %arg8[%swap3A_57], %broadcast_in_dim3A_3 {strides = array<i32>} : memref<1280xf32, #tpu.memory_space<vmem>>, vector<16xf32>,
    %swap3A_59 = arith.constant 448 : index
    %swap3A_60 = tpu.vector_load %arg8[%swap3A_59] {strides = array<i32>} : memref<1280xf32, #tpu.memory_space<vmem>>, vector<16xf32>,
    tpu.vector_store %arg8[%swap3A_59], %broadcast_in_dim3A_3 {strides = array<i32>} : memref<1280xf32, #tpu.memory_space<vmem>>, vector<16xf32>,
    %swap3A_61 = arith.constant 464 : index
    %swap3A_62 = tpu.vector_load %arg8[%swap3A_61] {strides = array<i32>} : memref<1280xf32, #tpu.memory_space<vmem>>, vector<16xf32>,
    tpu.vector_store %arg8[%swap3A_61], %broadcast_in_dim3A_3 {strides = array<i32>} : memref<1280xf32, #tpu.memory_space<vmem>>, vector<16xf32>,
    %swap3A_63 = arith.constant 480 : index
    %swap3A_64 = tpu.vector_load %arg8[%swap3A_63] {strides = array<i32>} : memref<1280xf32, #tpu.memory_space<vmem>>, vector<16xf32>,
    tpu.vector_store %arg8[%swap3A_63], %broadcast_in_dim3A_3 {strides = array<i32>} : memref<1280xf32, #tpu.memory_space<vmem>>, vector<16xf32>,
    %swap3A_65 = arith.constant 496 : index
    %swap3A_66 = tpu.vector_load %arg8[%swap3A_65] {strides = array<i32>} : memref<1280xf32, #tpu.memory_space<vmem>>, vector<16xf32>,
    tpu.vector_store %arg8[%swap3A_65], %broadcast_in_dim3A_3 {strides = array<i32>} : memref<1280xf32, #tpu.memory_space<vmem>>, vector<16xf32>,
    %swap3A_67 = arith.constant 512 : index
    %swap3A_68 = tpu.vector_load %arg8[%swap3A_67] {strides = array<i32>} : memref<1280xf32, #tpu.memory_space<vmem>>, vector<16xf32>,
    tpu.vector_store %arg8[%swap3A_67], %broadcast_in_dim3A_3 {strides = array<i32>} : memref<1280xf32, #tpu.memory_space<vmem>>, vector<16xf32>,
    %swap3A_69 = arith.constant 528 : index
    %swap3A_70 = tpu.vector_load %arg8[%swap3A_69] {strides = array<i32>} : memref<1280xf32, #tpu.memory_space<vmem>>, vector<16xf32>,
    tpu.vector_store %arg8[%swap3A_69], %broadcast_in_dim3A_3 {strides = array<i32>} : memref<1280xf32, #tpu.memory_space<vmem>>, vector<16xf32>,
    %swap3A_71 = arith.constant 544 : index
    %swap3A_72 = tpu.vector_load %arg8[%swap3A_71] {strides = array<i32>} : memref<1280xf32, #tpu.memory_space<vmem>>, vector<16xf32>,
    tpu.vector_store %arg8[%swap3A_71], %broadcast_in_dim3A_3 {strides = array<i32>} : memref<1280xf32, #tpu.memory_space<vmem>>, vector<16xf32>,
    %swap3A_73 = arith.constant 560 : index
    %swap3A_74 = tpu.vector_load %arg8[%swap3A_73] {strides = array<i32>} : memref<1280xf32, #tpu.memory_space<vmem>>, vector<16xf32>,
    tpu.vector_store %arg8[%swap3A_73], %broadcast_in_dim3A_3 {strides = array<i32>} : memref<1280xf32, #tpu.memory_space<vmem>>, vector<16xf32>,
    %swap3A_75 = arith.constant 576 : index
    %swap3A_76 = tpu.vector_load %arg8[%swap3A_75] {strides = array<i32>} : memref<1280xf32, #tpu.memory_space<vmem>>, vector<16xf32>,
    tpu.vector_store %arg8[%swap3A_75], %broadcast_in_dim3A_3 {strides = array<i32>} : memref<1280xf32, #tpu.memory_space<vmem>>, vector<16xf32>,
    %swap3A_77 = arith.constant 592 : index
    %swap3A_78 = tpu.vector_load %arg8[%swap3A_77] {strides = array<i32>} : memref<1280xf32, #tpu.memory_space<vmem>>, vector<16xf32>,
    tpu.vector_store %arg8[%swap3A_77], %broadcast_in_dim3A_3 {strides = array<i32>} : memref<1280xf32, #tpu.memory_space<vmem>>, vector<16xf32>,
    %swap3A_79 = arith.constant 608 : index
    %swap3A_80 = tpu.vector_load %arg8[%swap3A_79] {strides = array<i32>} : memref<1280xf32, #tpu.memory_space<vmem>>, vector<16xf32>,
    tpu.vector_store %arg8[%swap3A_79], %broadcast_in_dim3A_3 {strides = array<i32>} : memref<1280xf32, #tpu.memory_space<vmem>>, vector<16xf32>,
    %swap3A_81 = arith.constant 624 : index
    %swap3A_82 = tpu.vector_load %arg8[%swap3A_81] {strides = array<i32>} : memref<1280xf32, #tpu.memory_space<vmem>>, vector<16xf32>,
    tpu.vector_store %arg8[%swap3A_81], %broadcast_in_dim3A_3 {strides = array<i32>} : memref<1280xf32, #tpu.memory_space<vmem>>, vector<16xf32>,
    %swap3A_83 = arith.constant 640 : index
    %swap3A_84 = tpu.vector_load %arg8[%swap3A_83] {strides = array<i32>} : memref<1280xf32, #tpu.memory_space<vmem>>, vector<16xf32>,
    tpu.vector_store %arg8[%swap3A_83], %broadcast_in_dim3A_3 {strides = array<i32>} : memref<1280xf32, #tpu.memory_space<vmem>>, vector<16xf32>,
    %swap3A_85 = arith.constant 656 : index
    %swap3A_86 = tpu.vector_load %arg8[%swap3A_85] {strides = array<i32>} : memref<1280xf32, #tpu.memory_space<vmem>>, vector<16xf32>,
    tpu.vector_store %arg8[%swap3A_85], %broadcast_in_dim3A_3 {strides = array<i32>} : memref<1280xf32, #tpu.memory_space<vmem>>, vector<16xf32>,
    %swap3A_87 = arith.constant 672 : index
    %swap3A_88 = tpu.vector_load %arg8[%swap3A_87] {strides = array<i32>} : memref<1280xf32, #tpu.memory_space<vmem>>, vector<16xf32>,
    tpu.vector_store %arg8[%swap3A_87], %broadcast_in_dim3A_3 {strides = array<i32>} : memref<1280xf32, #tpu.memory_space<vmem>>, vector<16xf32>,
    %swap3A_89 = arith.constant 688 : index
    %swap3A_90 = tpu.vector_load %arg8[%swap3A_89] {strides = array<i32>} : memref<1280xf32, #tpu.memory_space<vmem>>, vector<16xf32>,
    tpu.vector_store %arg8[%swap3A_89], %broadcast_in_dim3A_3 {strides = array<i32>} : memref<1280xf32, #tpu.memory_space<vmem>>, vector<16xf32>,
    %swap3A_91 = arith.constant 704 : index
    %swap3A_92 = tpu.vector_load %arg8[%swap3A_91] {strides = array<i32>} : memref<1280xf32, #tpu.memory_space<vmem>>, vector<16xf32>,
    tpu.vector_store %arg8[%swap3A_91], %broadcast_in_dim3A_3 {strides = array<i32>} : memref<1280xf32, #tpu.memory_space<vmem>>, vector<16xf32>,
    %swap3A_93 = arith.constant 720 : index
    %swap3A_94 = tpu.vector_load %arg8[%swap3A_93] {strides = array<i32>} : memref<1280xf32, #tpu.memory_space<vmem>>, vector<16xf32>,
    tpu.vector_store %arg8[%swap3A_93], %broadcast_in_dim3A_3 {strides = array<i32>} : memref<1280xf32, #tpu.memory_space<vmem>>, vector<16xf32>,
    %swap3A_95 = arith.constant 736 : index
    %swap3A_96 = tpu.vector_load %arg8[%swap3A_95] {strides = array<i32>} : memref<1280xf32, #tpu.memory_space<vmem>>, vector<16xf32>,
    tpu.vector_store %arg8[%swap3A_95], %broadcast_in_dim3A_3 {strides = array<i32>} : memref<1280xf32, #tpu.memory_space<vmem>>, vector<16xf32>,
    %swap3A_97 = arith.constant 752 : index
    %swap3A_98 = tpu.vector_load %arg8[%swap3A_97] {strides = array<i32>} : memref<1280xf32, #tpu.memory_space<vmem>>, vector<16xf32>,
    tpu.vector_store %arg8[%swap3A_97], %broadcast_in_dim3A_3 {strides = array<i32>} : memref<1280xf32, #tpu.memory_space<vmem>>, vector<16xf32>,
    %swap3A_99 = arith.constant 768 : index
    %swap3A_100 = tpu.vector_load %arg8[%swap3A_99] {strides = array<i32>} : memref<1280xf32, #tpu.memory_space<vmem>>, vector<16xf32>,
    tpu.vector_store %arg8[%swap3A_99], %broadcast_in_dim3A_3 {strides = array<i32>} : memref<1280xf32, #tpu.memory_space<vmem>>, vector<16xf32>,
    %swap3A_101 = arith.constant 784 : index
    %swap3A_102 = tpu.vector_load %arg8[%swap3A_101] {strides = array<i32>} : memref<1280xf32, #tpu.memory_space<vmem>>, vector<16xf32>,
    tpu.vector_store %arg8[%swap3A_101], %broadcast_in_dim3A_3 {strides = array<i32>} : memref<1280xf32, #tpu.memory_space<vmem>>, vector<16xf32>,
    %swap3A_103 = arith.constant 800 : index
    %swap3A_104 = tpu.vector_load %arg8[%swap3A_103] {strides = array<i32>} : memref<1280xf32, #tpu.memory_space<vmem>>, vector<16xf32>,
    tpu.vector_store %arg8[%swap3A_103], %broadcast_in_dim3A_3 {strides = array<i32>} : memref<1280xf32, #tpu.memory_space<vmem>>, vector<16xf32>,
    %swap3A_105 = arith.constant 816 : index
    %swap3A_106 = tpu.vector_load %arg8[%swap3A_105] {strides = array<i32>} : memref<1280xf32, #tpu.memory_space<vmem>>, vector<16xf32>,
    tpu.vector_store %arg8[%swap3A_105], %broadcast_in_dim3A_3 {strides = array<i32>} : memref<1280xf32, #tpu.memory_space<vmem>>, vector<16xf32>,
    %swap3A_107 = arith.constant 832 : index
    %swap3A_108 = tpu.vector_load %arg8[%swap3A_107] {strides = array<i32>} : memref<1280xf32, #tpu.memory_space<vmem>>, vector<16xf32>,
    tpu.vector_store %arg8[%swap3A_107], %broadcast_in_dim3A_3 {strides = array<i32>} : memref<1280xf32, #tpu.memory_space<vmem>>, vector<16xf32>,
    %swap3A_109 = arith.constant 848 : index
    %swap3A_110 = tpu.vector_load %arg8[%swap3A_109] {strides = array<i32>} : memref<1280xf32, #tpu.memory_space<vmem>>, vector<16xf32>,
    tpu.vector_store %arg8[%swap3A_109], %broadcast_in_dim3A_3 {strides = array<i32>} : memref<1280xf32, #tpu.memory_space<vmem>>, vector<16xf32>,
    %swap3A_111 = arith.constant 864 : index
    %swap3A_112 = tpu.vector_load %arg8[%swap3A_111] {strides = array<i32>} : memref<1280xf32, #tpu.memory_space<vmem>>, vector<16xf32>,
    tpu.vector_store %arg8[%swap3A_111], %broadcast_in_dim3A_3 {strides = array<i32>} : memref<1280xf32, #tpu.memory_space<vmem>>, vector<16xf32>,
    %swap3A_113 = arith.constant 880 : index
    %swap3A_114 = tpu.vector_load %arg8[%swap3A_113] {strides = array<i32>} : memref<1280xf32, #tpu.memory_space<vmem>>, vector<16xf32>,
    tpu.vector_store %arg8[%swap3A_113], %broadcast_in_dim3A_3 {strides = array<i32>} : memref<1280xf32, #tpu.memory_space<vmem>>, vector<16xf32>,
    %swap3A_115 = arith.constant 896 : index
    %swap3A_116 = tpu.vector_load %arg8[%swap3A_115] {strides = array<i32>} : memref<1280xf32, #tpu.memory_space<vmem>>, vector<16xf32>,
    tpu.vector_store %arg8[%swap3A_115], %broadcast_in_dim3A_3 {strides = array<i32>} : memref<1280xf32, #tpu.memory_space<vmem>>, vector<16xf32>,
    %swap3A_117 = arith.constant 912 : index
    %swap3A_118 = tpu.vector_load %arg8[%swap3A_117] {strides = array<i32>} : memref<1280xf32, #tpu.memory_space<vmem>>, vector<16xf32>,
    tpu.vector_store %arg8[%swap3A_117], %broadcast_in_dim3A_3 {strides = array<i32>} : memref<1280xf32, #tpu.memory_space<vmem>>, vector<16xf32>,
    %swap3A_119 = arith.constant 928 : index
    %swap3A_120 = tpu.vector_load %arg8[%swap3A_119] {strides = array<i32>} : memref<1280xf32, #tpu.memory_space<vmem>>, vector<16xf32>,
    tpu.vector_store %arg8[%swap3A_119], %broadcast_in_dim3A_3 {strides = array<i32>} : memref<1280xf32, #tpu.memory_space<vmem>>, vector<16xf32>,
    %swap3A_121 = arith.constant 944 : index
    %swap3A_122 = tpu.vector_load %arg8[%swap3A_121] {strides = array<i32>} : memref<1280xf32, #tpu.memory_space<vmem>>, vector<16xf32>,
    tpu.vector_store %arg8[%swap3A_121], %broadcast_in_dim3A_3 {strides = array<i32>} : memref<1280xf32, #tpu.memory_space<vmem>>, vector<16xf32>,
    %swap3A_123 = arith.constant 960 : index
    %swap3A_124 = tpu.vector_load %arg8[%swap3A_123] {strides = array<i32>} : memref<1280xf32, #tpu.memory_space<vmem>>, vector<16xf32>,
    tpu.vector_store %arg8[%swap3A_123], %broadcast_in_dim3A_3 {strides = array<i32>} : memref<1280xf32, #tpu.memory_space<vmem>>, vector<16xf32>,
    %swap3A_125 = arith.constant 976 : index
    %swap3A_126 = tpu.vector_load %arg8[%swap3A_125] {strides = array<i32>} : memref<1280xf32, #tpu.memory_space<vmem>>, vector<16xf32>,
    tpu.vector_store %arg8[%swap3A_125], %broadcast_in_dim3A_3 {strides = array<i32>} : memref<1280xf32, #tpu.memory_space<vmem>>, vector<16xf32>,
    %swap3A_127 = arith.constant 992 : index
    %swap3A_128 = tpu.vector_load %arg8[%swap3A_127] {strides = array<i32>} : memref<1280xf32, #tpu.memory_space<vmem>>, vector<16xf32>,
    tpu.vector_store %arg8[%swap3A_127], %broadcast_in_dim3A_3 {strides = array<i32>} : memref<1280xf32, #tpu.memory_space<vmem>>, vector<16xf32>,
    %swap3A_129 = arith.constant 1008 : index
    %swap3A_130 = tpu.vector_load %arg8[%swap3A_129] {strides = array<i32>} : memref<1280xf32, #tpu.memory_space<vmem>>, vector<16xf32>,
    tpu.vector_store %arg8[%swap3A_129], %broadcast_in_dim3A_3 {strides = array<i32>} : memref<1280xf32, #tpu.memory_space<vmem>>, vector<16xf32>,
    %swap3A_131 = arith.constant 1024 : index
    %swap3A_132 = tpu.vector_load %arg8[%swap3A_131] {strides = array<i32>} : memref<1280xf32, #tpu.memory_space<vmem>>, vector<16xf32>,
    tpu.vector_store %arg8[%swap3A_131], %broadcast_in_dim3A_3 {strides = array<i32>} : memref<1280xf32, #tpu.memory_space<vmem>>, vector<16xf32>,
    %swap3A_133 = arith.constant 1040 : index
    %swap3A_134 = tpu.vector_load %arg8[%swap3A_133] {strides = array<i32>} : memref<1280xf32, #tpu.memory_space<vmem>>, vector<16xf32>,
    tpu.vector_store %arg8[%swap3A_133], %broadcast_in_dim3A_3 {strides = array<i32>} : memref<1280xf32, #tpu.memory_space<vmem>>, vector<16xf32>,
    %swap3A_135 = arith.constant 1056 : index
    %swap3A_136 = tpu.vector_load %arg8[%swap3A_135] {strides = array<i32>} : memref<1280xf32, #tpu.memory_space<vmem>>, vector<16xf32>,
    tpu.vector_store %arg8[%swap3A_135], %broadcast_in_dim3A_3 {strides = array<i32>} : memref<1280xf32, #tpu.memory_space<vmem>>, vector<16xf32>,
    %swap3A_137 = arith.constant 1072 : index
    %swap3A_138 = tpu.vector_load %arg8[%swap3A_137] {strides = array<i32>} : memref<1280xf32, #tpu.memory_space<vmem>>, vector<16xf32>,
    tpu.vector_store %arg8[%swap3A_137], %broadcast_in_dim3A_3 {strides = array<i32>} : memref<1280xf32, #tpu.memory_space<vmem>>, vector<16xf32>,
    %swap3A_139 = arith.constant 1088 : index
    %swap3A_140 = tpu.vector_load %arg8[%swap3A_139] {strides = array<i32>} : memref<1280xf32, #tpu.memory_space<vmem>>, vector<16xf32>,
    tpu.vector_store %arg8[%swap3A_139], %broadcast_in_dim3A_3 {strides = array<i32>} : memref<1280xf32, #tpu.memory_space<vmem>>, vector<16xf32>,
    %swap3A_141 = arith.constant 1104 : index
    %swap3A_142 = tpu.vector_load %arg8[%swap3A_141] {strides = array<i32>} : memref<1280xf32, #tpu.memory_space<vmem>>, vector<16xf32>,
    tpu.vector_store %arg8[%swap3A_141], %broadcast_in_dim3A_3 {strides = array<i32>} : memref<1280xf32, #tpu.memory_space<vmem>>, vector<16xf32>,
    %swap3A_143 = arith.constant 1120 : index
    %swap3A_144 = tpu.vector_load %arg8[%swap3A_143] {strides = array<i32>} : memref<1280xf32, #tpu.memory_space<vmem>>, vector<16xf32>,
    tpu.vector_store %arg8[%swap3A_143], %broadcast_in_dim3A_3 {strides = array<i32>} : memref<1280xf32, #tpu.memory_space<vmem>>, vector<16xf32>,
    %swap3A_145 = arith.constant 1136 : index
    %swap3A_146 = tpu.vector_load %arg8[%swap3A_145] {strides = array<i32>} : memref<1280xf32, #tpu.memory_space<vmem>>, vector<16xf32>,
    tpu.vector_store %arg8[%swap3A_145], %broadcast_in_dim3A_3 {strides = array<i32>} : memref<1280xf32, #tpu.memory_space<vmem>>, vector<16xf32>,
    %swap3A_147 = arith.constant 1152 : index
    %swap3A_148 = tpu.vector_load %arg8[%swap3A_147] {strides = array<i32>} : memref<1280xf32, #tpu.memory_space<vmem>>, vector<16xf32>,
    tpu.vector_store %arg8[%swap3A_147], %broadcast_in_dim3A_3 {strides = array<i32>} : memref<1280xf32, #tpu.memory_space<vmem>>, vector<16xf32>,
    %swap3A_149 = arith.constant 1168 : index
    %swap3A_150 = tpu.vector_load %arg8[%swap3A_149] {strides = array<i32>} : memref<1280xf32, #tpu.memory_space<vmem>>, vector<16xf32>,
    tpu.vector_store %arg8[%swap3A_149], %broadcast_in_dim3A_3 {strides = array<i32>} : memref<1280xf32, #tpu.memory_space<vmem>>, vector<16xf32>,
    %swap3A_151 = arith.constant 1184 : index
    %swap3A_152 = tpu.vector_load %arg8[%swap3A_151] {strides = array<i32>} : memref<1280xf32, #tpu.memory_space<vmem>>, vector<16xf32>,
    tpu.vector_store %arg8[%swap3A_151], %broadcast_in_dim3A_3 {strides = array<i32>} : memref<1280xf32, #tpu.memory_space<vmem>>, vector<16xf32>,
    %swap3A_153 = arith.constant 1200 : index
    %swap3A_154 = tpu.vector_load %arg8[%swap3A_153] {strides = array<i32>} : memref<1280xf32, #tpu.memory_space<vmem>>, vector<16xf32>,
    tpu.vector_store %arg8[%swap3A_153], %broadcast_in_dim3A_3 {strides = array<i32>} : memref<1280xf32, #tpu.memory_space<vmem>>, vector<16xf32>,
    %swap3A_155 = arith.constant 1216 : index
    %swap3A_156 = tpu.vector_load %arg8[%swap3A_155] {strides = array<i32>} : memref<1280xf32, #tpu.memory_space<vmem>>, vector<16xf32>,
    tpu.vector_store %arg8[%swap3A_155], %broadcast_in_dim3A_3 {strides = array<i32>} : memref<1280xf32, #tpu.memory_space<vmem>>, vector<16xf32>,
    %swap3A_157 = arith.constant 1232 : index
    %swap3A_158 = tpu.vector_load %arg8[%swap3A_157] {strides = array<i32>} : memref<1280xf32, #tpu.memory_space<vmem>>, vector<16xf32>,
    tpu.vector_store %arg8[%swap3A_157], %broadcast_in_dim3A_3 {strides = array<i32>} : memref<1280xf32, #tpu.memory_space<vmem>>, vector<16xf32>,
    %swap3A_159 = arith.constant 1248 : index
    %swap3A_160 = tpu.vector_load %arg8[%swap3A_159] {strides = array<i32>} : memref<1280xf32, #tpu.memory_space<vmem>>, vector<16xf32>,
    tpu.vector_store %arg8[%swap3A_159], %broadcast_in_dim3A_3 {strides = array<i32>} : memref<1280xf32, #tpu.memory_space<vmem>>, vector<16xf32>,
    %swap3A_161 = arith.constant 1264 : index
    %swap3A_162 = tpu.vector_load %arg8[%swap3A_161] {strides = array<i32>} : memref<1280xf32, #tpu.memory_space<vmem>>, vector<16xf32>,
    tpu.vector_store %arg8[%swap3A_161], %broadcast_in_dim3A_3 {strides = array<i32>} : memref<1280xf32, #tpu.memory_space<vmem>>, vector<16xf32>,
    %iota3A = tpu.iota {dimensions = array<i32: 0>} : vector<16xi32>
    %broadcast_in_dim3A_163 = arith.constant 1.000000e+00 : f32
    %broadcast_in_dim3A_164 = vector.broadcast %broadcast_in_dim3A_163 : f32 to vector<16xf32>
    %get3A = arith.constant 0 : index
    %get3A_165 = tpu.vector_load %arg9[%get3A] {strides = array<i32>} : memref<128xf32, #tpu.memory_space<vmem>>, vector<16xf32>,
    %get3A_166 = arith.constant 0 : index
    %get3A_167 = tpu.vector_load %arg10[%get3A_166] {strides = array<i32>} : memref<128xf32, #tpu.memory_space<vmem>>, vector<16xf32>,
    %add3A = arith.constant 9.99999974E-6 : f32
    %add3A_168 = vector.broadcast %add3A : f32 to vector<16xf32>
    %add3A_169 = arith.addf %get3A_167, %add3A_168 : vector<16xf32>
    %sub3A = arith.subf %add3A_169, %get3A_165 : vector<16xf32>
    %div3A = arith.divf %get3A_165, %sub3A : vector<16xf32>
    %div3A_170 = arith.divf %add3A_169, %sub3A : vector<16xf32>
    %sub3A_171 = arith.subf %div3A_170, %div3A : vector<16xf32>
    %mul3A_172 = arith.mulf %sub3A, %sub3A_171 : vector<16xf32>
    %div3A_173 = arith.constant 8.000000e+00 : f32
    %div3A_174 = vector.broadcast %div3A_173 : f32 to vector<16xf32>
    %div3A_175 = arith.divf %div3A_174, %mul3A_172 : vector<16xf32>
    %mul3A_176 = arith.constant 8.000000e+00 : f32
    %mul3A_177 = vector.broadcast %mul3A_176 : f32 to vector<16xf32>
    %mul3A_178 = arith.mulf %mul3A_177, %div3A : vector<16xf32>
    %div3A_179 = arith.divf %mul3A_178, %sub3A_171 : vector<16xf32>
    %sub3A_180 = arith.constant 1.000000e+00 : f32
    %sub3A_181 = vector.broadcast %sub3A_180 : f32 to vector<16xf32>
    %sub3A_182 = arith.subf %div3A_179, %sub3A_181 : vector<16xf32>
    %add3A_183 = arith.constant 0 : i32
    %add3A_184 = vector.broadcast %add3A_183 : i32 to vector<16xi32>
    %add3A_185 = arith.addi %add3A_184, %iota3A : vector<16xi32>
    %mul3A_186 = arith.constant 10 : i32
    %mul3A_187 = vector.broadcast %mul3A_186 : i32 to vector<16xi32>
    %mul3A_188 = arith.muli %add3A_185, %mul3A_187 : vector<16xi32>
    %convert_element_type3A = arith.sitofp %mul3A_188 : vector<16xi32> to vector<16xf32>
    %sub3A_189 = arith.subf %sub3A_182, %convert_element_type3A : vector<16xf32>
    %get3A_190 = arith.constant 16 : index
    %get3A_191 = tpu.vector_load %arg9[%get3A_190] {strides = array<i32>} : memref<128xf32, #tpu.memory_space<vmem>>, vector<16xf32>,
    %get3A_192 = arith.constant 16 : index
    %get3A_193 = tpu.vector_load %arg10[%get3A_192] {strides = array<i32>} : memref<128xf32, #tpu.memory_space<vmem>>, vector<16xf32>,
    %add3A_194 = arith.constant 9.99999974E-6 : f32
    %add3A_195 = vector.broadcast %add3A_194 : f32 to vector<16xf32>
    %add3A_196 = arith.addf %get3A_193, %add3A_195 : vector<16xf32>
    %sub3A_197 = arith.subf %add3A_196, %get3A_191 : vector<16xf32>
    %div3A_198 = arith.divf %get3A_191, %sub3A_197 : vector<16xf32>
    %div3A_199 = arith.divf %add3A_196, %sub3A_197 : vector<16xf32>
    %sub3A_200 = arith.subf %div3A_199, %div3A_198 : vector<16xf32>
    %mul3A_201 = arith.mulf %sub3A_197, %sub3A_200 : vector<16xf32>
    %div3A_202 = arith.constant 8.000000e+00 : f32
    %div3A_203 = vector.broadcast %div3A_202 : f32 to vector<16xf32>
    %div3A_204 = arith.divf %div3A_203, %mul3A_201 : vector<16xf32>
    %mul3A_205 = arith.constant 8.000000e+00 : f32
    %mul3A_206 = vector.broadcast %mul3A_205 : f32 to vector<16xf32>
    %mul3A_207 = arith.mulf %mul3A_206, %div3A_198 : vector<16xf32>
    %div3A_208 = arith.divf %mul3A_207, %sub3A_200 : vector<16xf32>
    %sub3A_209 = arith.constant 1.000000e+00 : f32
    %sub3A_210 = vector.broadcast %sub3A_209 : f32 to vector<16xf32>
    %sub3A_211 = arith.subf %div3A_208, %sub3A_210 : vector<16xf32>
    %add3A_212 = arith.constant 16 : i32
    %add3A_213 = vector.broadcast %add3A_212 : i32 to vector<16xi32>
    %add3A_214 = arith.addi %add3A_213, %iota3A : vector<16xi32>
    %mul3A_215 = arith.constant 10 : i32
    %mul3A_216 = vector.broadcast %mul3A_215 : i32 to vector<16xi32>
    %mul3A_217 = arith.muli %add3A_214, %mul3A_216 : vector<16xi32>
    %convert_element_type3A_218 = arith.sitofp %mul3A_217 : vector<16xi32> to vector<16xf32>
    %sub3A_219 = arith.subf %sub3A_211, %convert_element_type3A_218 : vector<16xf32>
    %get3A_220 = arith.constant 32 : index
    %get3A_221 = tpu.vector_load %arg9[%get3A_220] {strides = array<i32>} : memref<128xf32, #tpu.memory_space<vmem>>, vector<16xf32>,
    %get3A_222 = arith.constant 32 : index
    %get3A_223 = tpu.vector_load %arg10[%get3A_222] {strides = array<i32>} : memref<128xf32, #tpu.memory_space<vmem>>, vector<16xf32>,
    %add3A_224 = arith.constant 9.99999974E-6 : f32
    %add3A_225 = vector.broadcast %add3A_224 : f32 to vector<16xf32>
    %add3A_226 = arith.addf %get3A_223, %add3A_225 : vector<16xf32>
    %sub3A_227 = arith.subf %add3A_226, %get3A_221 : vector<16xf32>
    %div3A_228 = arith.divf %get3A_221, %sub3A_227 : vector<16xf32>
    %div3A_229 = arith.divf %add3A_226, %sub3A_227 : vector<16xf32>
    %sub3A_230 = arith.subf %div3A_229, %div3A_228 : vector<16xf32>
    %mul3A_231 = arith.mulf %sub3A_227, %sub3A_230 : vector<16xf32>
    %div3A_232 = arith.constant 8.000000e+00 : f32
    %div3A_233 = vector.broadcast %div3A_232 : f32 to vector<16xf32>
    %div3A_234 = arith.divf %div3A_233, %mul3A_231 : vector<16xf32>
    %mul3A_235 = arith.constant 8.000000e+00 : f32
    %mul3A_236 = vector.broadcast %mul3A_235 : f32 to vector<16xf32>
    %mul3A_237 = arith.mulf %mul3A_236, %div3A_228 : vector<16xf32>
    %div3A_238 = arith.divf %mul3A_237, %sub3A_230 : vector<16xf32>
    %sub3A_239 = arith.constant 1.000000e+00 : f32
    %sub3A_240 = vector.broadcast %sub3A_239 : f32 to vector<16xf32>
    %sub3A_241 = arith.subf %div3A_238, %sub3A_240 : vector<16xf32>
    %add3A_242 = arith.constant 32 : i32
    %add3A_243 = vector.broadcast %add3A_242 : i32 to vector<16xi32>
    %add3A_244 = arith.addi %add3A_243, %iota3A : vector<16xi32>
    %mul3A_245 = arith.constant 10 : i32
    %mul3A_246 = vector.broadcast %mul3A_245 : i32 to vector<16xi32>
    %mul3A_247 = arith.muli %add3A_244, %mul3A_246 : vector<16xi32>
    %convert_element_type3A_248 = arith.sitofp %mul3A_247 : vector<16xi32> to vector<16xf32>
    %sub3A_249 = arith.subf %sub3A_241, %convert_element_type3A_248 : vector<16xf32>
    %get3A_250 = arith.constant 48 : index
    %get3A_251 = tpu.vector_load %arg9[%get3A_250] {strides = array<i32>} : memref<128xf32, #tpu.memory_space<vmem>>, vector<16xf32>,
    %get3A_252 = arith.constant 48 : index
    %get3A_253 = tpu.vector_load %arg10[%get3A_252] {strides = array<i32>} : memref<128xf32, #tpu.memory_space<vmem>>, vector<16xf32>,
    %add3A_254 = arith.constant 9.99999974E-6 : f32
    %add3A_255 = vector.broadcast %add3A_254 : f32 to vector<16xf32>
    %add3A_256 = arith.addf %get3A_253, %add3A_255 : vector<16xf32>
    %sub3A_257 = arith.subf %add3A_256, %get3A_251 : vector<16xf32>
    %div3A_258 = arith.divf %get3A_251, %sub3A_257 : vector<16xf32>
    %div3A_259 = arith.divf %add3A_256, %sub3A_257 : vector<16xf32>
    %sub3A_260 = arith.subf %div3A_259, %div3A_258 : vector<16xf32>
    %mul3A_261 = arith.mulf %sub3A_257, %sub3A_260 : vector<16xf32>
    %div3A_262 = arith.constant 8.000000e+00 : f32
    %div3A_263 = vector.broadcast %div3A_262 : f32 to vector<16xf32>
    %div3A_264 = arith.divf %div3A_263, %mul3A_261 : vector<16xf32>
    %mul3A_265 = arith.constant 8.000000e+00 : f32
    %mul3A_266 = vector.broadcast %mul3A_265 : f32 to vector<16xf32>
    %mul3A_267 = arith.mulf %mul3A_266, %div3A_258 : vector<16xf32>
    %div3A_268 = arith.divf %mul3A_267, %sub3A_260 : vector<16xf32>
    %sub3A_269 = arith.constant 1.000000e+00 : f32
    %sub3A_270 = vector.broadcast %sub3A_269 : f32 to vector<16xf32>
    %sub3A_271 = arith.subf %div3A_268, %sub3A_270 : vector<16xf32>
    %add3A_272 = arith.constant 48 : i32
    %add3A_273 = vector.broadcast %add3A_272 : i32 to vector<16xi32>
    %add3A_274 = arith.addi %add3A_273, %iota3A : vector<16xi32>
    %mul3A_275 = arith.constant 10 : i32
    %mul3A_276 = vector.broadcast %mul3A_275 : i32 to vector<16xi32>
    %mul3A_277 = arith.muli %add3A_274, %mul3A_276 : vector<16xi32>
    %convert_element_type3A_278 = arith.sitofp %mul3A_277 : vector<16xi32> to vector<16xf32>
    %sub3A_279 = arith.subf %sub3A_271, %convert_element_type3A_278 : vector<16xf32>
    %get3A_280 = arith.constant 64 : index
    %get3A_281 = tpu.vector_load %arg9[%get3A_280] {strides = array<i32>} : memref<128xf32, #tpu.memory_space<vmem>>, vector<16xf32>,
    %get3A_282 = arith.constant 64 : index
    %get3A_283 = tpu.vector_load %arg10[%get3A_282] {strides = array<i32>} : memref<128xf32, #tpu.memory_space<vmem>>, vector<16xf32>,
    %add3A_284 = arith.constant 9.99999974E-6 : f32
    %add3A_285 = vector.broadcast %add3A_284 : f32 to vector<16xf32>
    %add3A_286 = arith.addf %get3A_283, %add3A_285 : vector<16xf32>
    %sub3A_287 = arith.subf %add3A_286, %get3A_281 : vector<16xf32>
    %div3A_288 = arith.divf %get3A_281, %sub3A_287 : vector<16xf32>
    %div3A_289 = arith.divf %add3A_286, %sub3A_287 : vector<16xf32>
    %sub3A_290 = arith.subf %div3A_289, %div3A_288 : vector<16xf32>
    %mul3A_291 = arith.mulf %sub3A_287, %sub3A_290 : vector<16xf32>
    %div3A_292 = arith.constant 8.000000e+00 : f32
    %div3A_293 = vector.broadcast %div3A_292 : f32 to vector<16xf32>
    %div3A_294 = arith.divf %div3A_293, %mul3A_291 : vector<16xf32>
    %mul3A_295 = arith.constant 8.000000e+00 : f32
    %mul3A_296 = vector.broadcast %mul3A_295 : f32 to vector<16xf32>
    %mul3A_297 = arith.mulf %mul3A_296, %div3A_288 : vector<16xf32>
    %div3A_298 = arith.divf %mul3A_297, %sub3A_290 : vector<16xf32>
    %sub3A_299 = arith.constant 1.000000e+00 : f32
    %sub3A_300 = vector.broadcast %sub3A_299 : f32 to vector<16xf32>
    %sub3A_301 = arith.subf %div3A_298, %sub3A_300 : vector<16xf32>
    %add3A_302 = arith.constant 64 : i32
    %add3A_303 = vector.broadcast %add3A_302 : i32 to vector<16xi32>
    %add3A_304 = arith.addi %add3A_303, %iota3A : vector<16xi32>
    %mul3A_305 = arith.constant 10 : i32
    %mul3A_306 = vector.broadcast %mul3A_305 : i32 to vector<16xi32>
    %mul3A_307 = arith.muli %add3A_304, %mul3A_306 : vector<16xi32>
    %convert_element_type3A_308 = arith.sitofp %mul3A_307 : vector<16xi32> to vector<16xf32>
    %sub3A_309 = arith.subf %sub3A_301, %convert_element_type3A_308 : vector<16xf32>
    %get3A_310 = arith.constant 80 : index
    %get3A_311 = tpu.vector_load %arg9[%get3A_310] {strides = array<i32>} : memref<128xf32, #tpu.memory_space<vmem>>, vector<16xf32>,
    %get3A_312 = arith.constant 80 : index
    %get3A_313 = tpu.vector_load %arg10[%get3A_312] {strides = array<i32>} : memref<128xf32, #tpu.memory_space<vmem>>, vector<16xf32>,
    %add3A_314 = arith.constant 9.99999974E-6 : f32
    %add3A_315 = vector.broadcast %add3A_314 : f32 to vector<16xf32>
    %add3A_316 = arith.addf %get3A_313, %add3A_315 : vector<16xf32>
    %sub3A_317 = arith.subf %add3A_316, %get3A_311 : vector<16xf32>
    %div3A_318 = arith.divf %get3A_311, %sub3A_317 : vector<16xf32>
    %div3A_319 = arith.divf %add3A_316, %sub3A_317 : vector<16xf32>
    %sub3A_320 = arith.subf %div3A_319, %div3A_318 : vector<16xf32>
    %mul3A_321 = arith.mulf %sub3A_317, %sub3A_320 : vector<16xf32>
    %div3A_322 = arith.constant 8.000000e+00 : f32
    %div3A_323 = vector.broadcast %div3A_322 : f32 to vector<16xf32>
    %div3A_324 = arith.divf %div3A_323, %mul3A_321 : vector<16xf32>
    %mul3A_325 = arith.constant 8.000000e+00 : f32
    %mul3A_326 = vector.broadcast %mul3A_325 : f32 to vector<16xf32>
    %mul3A_327 = arith.mulf %mul3A_326, %div3A_318 : vector<16xf32>
    %div3A_328 = arith.divf %mul3A_327, %sub3A_320 : vector<16xf32>
    %sub3A_329 = arith.constant 1.000000e+00 : f32
    %sub3A_330 = vector.broadcast %sub3A_329 : f32 to vector<16xf32>
    %sub3A_331 = arith.subf %div3A_328, %sub3A_330 : vector<16xf32>
    %add3A_332 = arith.constant 80 : i32
    %add3A_333 = vector.broadcast %add3A_332 : i32 to vector<16xi32>
    %add3A_334 = arith.addi %add3A_333, %iota3A : vector<16xi32>
    %mul3A_335 = arith.constant 10 : i32
    %mul3A_336 = vector.broadcast %mul3A_335 : i32 to vector<16xi32>
    %mul3A_337 = arith.muli %add3A_334, %mul3A_336 : vector<16xi32>
    %convert_element_type3A_338 = arith.sitofp %mul3A_337 : vector<16xi32> to vector<16xf32>
    %sub3A_339 = arith.subf %sub3A_331, %convert_element_type3A_338 : vector<16xf32>
    %get3A_340 = arith.constant 96 : index
    %get3A_341 = tpu.vector_load %arg9[%get3A_340] {strides = array<i32>} : memref<128xf32, #tpu.memory_space<vmem>>, vector<16xf32>,
    %get3A_342 = arith.constant 96 : index
    %get3A_343 = tpu.vector_load %arg10[%get3A_342] {strides = array<i32>} : memref<128xf32, #tpu.memory_space<vmem>>, vector<16xf32>,
    %add3A_344 = arith.constant 9.99999974E-6 : f32
    %add3A_345 = vector.broadcast %add3A_344 : f32 to vector<16xf32>
    %add3A_346 = arith.addf %get3A_343, %add3A_345 : vector<16xf32>
    %sub3A_347 = arith.subf %add3A_346, %get3A_341 : vector<16xf32>
    %div3A_348 = arith.divf %get3A_341, %sub3A_347 : vector<16xf32>
    %div3A_349 = arith.divf %add3A_346, %sub3A_347 : vector<16xf32>
    %sub3A_350 = arith.subf %div3A_349, %div3A_348 : vector<16xf32>
    %mul3A_351 = arith.mulf %sub3A_347, %sub3A_350 : vector<16xf32>
    %div3A_352 = arith.constant 8.000000e+00 : f32
    %div3A_353 = vector.broadcast %div3A_352 : f32 to vector<16xf32>
    %div3A_354 = arith.divf %div3A_353, %mul3A_351 : vector<16xf32>
    %mul3A_355 = arith.constant 8.000000e+00 : f32
    %mul3A_356 = vector.broadcast %mul3A_355 : f32 to vector<16xf32>
    %mul3A_357 = arith.mulf %mul3A_356, %div3A_348 : vector<16xf32>
    %div3A_358 = arith.divf %mul3A_357, %sub3A_350 : vector<16xf32>
    %sub3A_359 = arith.constant 1.000000e+00 : f32
    %sub3A_360 = vector.broadcast %sub3A_359 : f32 to vector<16xf32>
    %sub3A_361 = arith.subf %div3A_358, %sub3A_360 : vector<16xf32>
    %add3A_362 = arith.constant 96 : i32
    %add3A_363 = vector.broadcast %add3A_362 : i32 to vector<16xi32>
    %add3A_364 = arith.addi %add3A_363, %iota3A : vector<16xi32>
    %mul3A_365 = arith.constant 10 : i32
    %mul3A_366 = vector.broadcast %mul3A_365 : i32 to vector<16xi32>
    %mul3A_367 = arith.muli %add3A_364, %mul3A_366 : vector<16xi32>
    %convert_element_type3A_368 = arith.sitofp %mul3A_367 : vector<16xi32> to vector<16xf32>
    %sub3A_369 = arith.subf %sub3A_361, %convert_element_type3A_368 : vector<16xf32>
    %get3A_370 = arith.constant 112 : index
    %get3A_371 = tpu.vector_load %arg9[%get3A_370] {strides = array<i32>} : memref<128xf32, #tpu.memory_space<vmem>>, vector<16xf32>,
    %get3A_372 = arith.constant 112 : index
    %get3A_373 = tpu.vector_load %arg10[%get3A_372] {strides = array<i32>} : memref<128xf32, #tpu.memory_space<vmem>>, vector<16xf32>,
    %add3A_374 = arith.constant 9.99999974E-6 : f32
    %add3A_375 = vector.broadcast %add3A_374 : f32 to vector<16xf32>
    %add3A_376 = arith.addf %get3A_373, %add3A_375 : vector<16xf32>
    %sub3A_377 = arith.subf %add3A_376, %get3A_371 : vector<16xf32>
    %div3A_378 = arith.divf %get3A_371, %sub3A_377 : vector<16xf32>
    %div3A_379 = arith.divf %add3A_376, %sub3A_377 : vector<16xf32>
    %sub3A_380 = arith.subf %div3A_379, %div3A_378 : vector<16xf32>
    %mul3A_381 = arith.mulf %sub3A_377, %sub3A_380 : vector<16xf32>
    %div3A_382 = arith.constant 8.000000e+00 : f32
    %div3A_383 = vector.broadcast %div3A_382 : f32 to vector<16xf32>
    %div3A_384 = arith.divf %div3A_383, %mul3A_381 : vector<16xf32>
    %mul3A_385 = arith.constant 8.000000e+00 : f32
    %mul3A_386 = vector.broadcast %mul3A_385 : f32 to vector<16xf32>
    %mul3A_387 = arith.mulf %mul3A_386, %div3A_378 : vector<16xf32>
    %div3A_388 = arith.divf %mul3A_387, %sub3A_380 : vector<16xf32>
    %sub3A_389 = arith.constant 1.000000e+00 : f32
    %sub3A_390 = vector.broadcast %sub3A_389 : f32 to vector<16xf32>
    %sub3A_391 = arith.subf %div3A_388, %sub3A_390 : vector<16xf32>
    %add3A_392 = arith.constant 112 : i32
    %add3A_393 = vector.broadcast %add3A_392 : i32 to vector<16xi32>
    %add3A_394 = arith.addi %add3A_393, %iota3A : vector<16xi32>
    %mul3A_395 = arith.constant 10 : i32
    %mul3A_396 = vector.broadcast %mul3A_395 : i32 to vector<16xi32>
    %mul3A_397 = arith.muli %add3A_394, %mul3A_396 : vector<16xi32>
    %convert_element_type3A_398 = arith.sitofp %mul3A_397 : vector<16xi32> to vector<16xf32>
    %sub3A_399 = arith.subf %sub3A_391, %convert_element_type3A_398 : vector<16xf32>
    %add3A_400 = arith.constant 0 : i32
    %add3A_401 = arith.addi %mul3A_2, %add3A_400 : i32
    %dma_start3A = arith.constant 0 : i32
    %dma_start3A_402 = arith.constant 0 : i32
    %dma_start3A_403 = arith.constant 0 : i32
    %dma_start3A_404 = tpu.memref_slice %arg7[%dma_start3A, %dma_start3A_402, %dma_start3A_403] : memref<4x128x128xf32, #tpu.memory_space<vmem>> -> memref<1x128x128xf32, #tpu.memory_space<vmem>>
    %dma_start3A_405 = tpu.memref_squeeze %dma_start3A_404 : memref<1x128x128xf32, #tpu.memory_space<vmem>> -> memref<128x128xf32, #tpu.memory_space<vmem>>
    %dma_start3A_406 = tpu.memref_slice %arg2[%add3A_401, %mul3A_0] : memref<8192x2048xf32, #tpu.memory_space<hbm>> -> memref<128x128xf32, #tpu.memory_space<hbm>>
    %dma_start3A_407 = arith.constant 0 : i32
    %dma_start3A_408 = arith.constant 0 : i32
    %dma_start3A_409 = tpu.memref_slice %arg7[%dma_start3A, %dma_start3A_407, %dma_start3A_408] : memref<4x128x128xf32, #tpu.memory_space<vmem>> -> memref<1x128x128xf32, #tpu.memory_space<vmem>>
    %dma_start3A_410 = tpu.memref_squeeze %dma_start3A_409 : memref<1x128x128xf32, #tpu.memory_space<vmem>> -> memref<128x128xf32, #tpu.memory_space<vmem>>
    %dma_start3A_411 = tpu.memref_slice %arg2[%add3A_401, %mul3A_0] : memref<8192x2048xf32, #tpu.memory_space<hbm>> -> memref<128x128xf32, #tpu.memory_space<hbm>>
    tpu.enqueue_dma source(%dma_start3A_411 : memref<128x128xf32, #tpu.memory_space<hbm>>) target(%dma_start3A_410 : memref<128x128xf32, #tpu.memory_space<vmem>>) target_semaphore(%arg11 : memref<!tpu.dma_semaphore, #tpu.memory_space<semaphore_mem>>)
    %add3A_412 = arith.constant 128 : i32
    %add3A_413 = arith.addi %mul3A_2, %add3A_412 : i32
    %dma_start3A_414 = arith.constant 1 : i32
    %dma_start3A_415 = arith.constant 0 : i32
    %dma_start3A_416 = arith.constant 0 : i32
    %dma_start3A_417 = tpu.memref_slice %arg7[%dma_start3A_414, %dma_start3A_415, %dma_start3A_416] : memref<4x128x128xf32, #tpu.memory_space<vmem>> -> memref<1x128x128xf32, #tpu.memory_space<vmem>>
    %dma_start3A_418 = tpu.memref_squeeze %dma_start3A_417 : memref<1x128x128xf32, #tpu.memory_space<vmem>> -> memref<128x128xf32, #tpu.memory_space<vmem>>
    %dma_start3A_419 = tpu.memref_slice %arg2[%add3A_413, %mul3A_0] : memref<8192x2048xf32, #tpu.memory_space<hbm>> -> memref<128x128xf32, #tpu.memory_space<hbm>>
    %dma_start3A_420 = arith.constant 0 : i32
    %dma_start3A_421 = arith.constant 0 : i32
    %dma_start3A_422 = tpu.memref_slice %arg7[%dma_start3A_414, %dma_start3A_420, %dma_start3A_421] : memref<4x128x128xf32, #tpu.memory_space<vmem>> -> memref<1x128x128xf32, #tpu.memory_space<vmem>>
    %dma_start3A_423 = tpu.memref_squeeze %dma_start3A_422 : memref<1x128x128xf32, #tpu.memory_space<vmem>> -> memref<128x128xf32, #tpu.memory_space<vmem>>
    %dma_start3A_424 = tpu.memref_slice %arg2[%add3A_413, %mul3A_0] : memref<8192x2048xf32, #tpu.memory_space<hbm>> -> memref<128x128xf32, #tpu.memory_space<hbm>>
    tpu.enqueue_dma source(%dma_start3A_424 : memref<128x128xf32, #tpu.memory_space<hbm>>) target(%dma_start3A_423 : memref<128x128xf32, #tpu.memory_space<vmem>>) target_semaphore(%arg12 : memref<!tpu.dma_semaphore, #tpu.memory_space<semaphore_mem>>)
    %add3A_425 = arith.constant 256 : i32
    %add3A_426 = arith.addi %mul3A_2, %add3A_425 : i32
    %dma_start3A_427 = arith.constant 2 : i32
    %dma_start3A_428 = arith.constant 0 : i32
    %dma_start3A_429 = arith.constant 0 : i32
    %dma_start3A_430 = tpu.memref_slice %arg7[%dma_start3A_427, %dma_start3A_428, %dma_start3A_429] : memref<4x128x128xf32, #tpu.memory_space<vmem>> -> memref<1x128x128xf32, #tpu.memory_space<vmem>>
    %dma_start3A_431 = tpu.memref_squeeze %dma_start3A_430 : memref<1x128x128xf32, #tpu.memory_space<vmem>> -> memref<128x128xf32, #tpu.memory_space<vmem>>
    %dma_start3A_432 = tpu.memref_slice %arg2[%add3A_426, %mul3A_0] : memref<8192x2048xf32, #tpu.memory_space<hbm>> -> memref<128x128xf32, #tpu.memory_space<hbm>>
    %dma_start3A_433 = arith.constant 0 : i32
    %dma_start3A_434 = arith.constant 0 : i32
    %dma_start3A_435 = tpu.memref_slice %arg7[%dma_start3A_427, %dma_start3A_433, %dma_start3A_434] : memref<4x128x128xf32, #tpu.memory_space<vmem>> -> memref<1x128x128xf32, #tpu.memory_space<vmem>>
    %dma_start3A_436 = tpu.memref_squeeze %dma_start3A_435 : memref<1x128x128xf32, #tpu.memory_space<vmem>> -> memref<128x128xf32, #tpu.memory_space<vmem>>
    %dma_start3A_437 = tpu.memref_slice %arg2[%add3A_426, %mul3A_0] : memref<8192x2048xf32, #tpu.memory_space<hbm>> -> memref<128x128xf32, #tpu.memory_space<hbm>>
    tpu.enqueue_dma source(%dma_start3A_437 : memref<128x128xf32, #tpu.memory_space<hbm>>) target(%dma_start3A_436 : memref<128x128xf32, #tpu.memory_space<vmem>>) target_semaphore(%arg13 : memref<!tpu.dma_semaphore, #tpu.memory_space<semaphore_mem>>)
    %add3A_438 = arith.constant 384 : i32
    %add3A_439 = arith.addi %mul3A_2, %add3A_438 : i32
    %dma_start3A_440 = arith.constant 3 : i32
    %dma_start3A_441 = arith.constant 0 : i32
    %dma_start3A_442 = arith.constant 0 : i32
    %dma_start3A_443 = tpu.memref_slice %arg7[%dma_start3A_440, %dma_start3A_441, %dma_start3A_442] : memref<4x128x128xf32, #tpu.memory_space<vmem>> -> memref<1x128x128xf32, #tpu.memory_space<vmem>>
    %dma_start3A_444 = tpu.memref_squeeze %dma_start3A_443 : memref<1x128x128xf32, #tpu.memory_space<vmem>> -> memref<128x128xf32, #tpu.memory_space<vmem>>
    %dma_start3A_445 = tpu.memref_slice %arg2[%add3A_439, %mul3A_0] : memref<8192x2048xf32, #tpu.memory_space<hbm>> -> memref<128x128xf32, #tpu.memory_space<hbm>>
    %dma_start3A_446 = arith.constant 0 : i32
    %dma_start3A_447 = arith.constant 0 : i32
    %dma_start3A_448 = tpu.memref_slice %arg7[%dma_start3A_440, %dma_start3A_446, %dma_start3A_447] : memref<4x128x128xf32, #tpu.memory_space<vmem>> -> memref<1x128x128xf32, #tpu.memory_space<vmem>>
    %dma_start3A_449 = tpu.memref_squeeze %dma_start3A_448 : memref<1x128x128xf32, #tpu.memory_space<vmem>> -> memref<128x128xf32, #tpu.memory_space<vmem>>
    %dma_start3A_450 = tpu.memref_slice %arg2[%add3A_439, %mul3A_0] : memref<8192x2048xf32, #tpu.memory_space<hbm>> -> memref<128x128xf32, #tpu.memory_space<hbm>>
    tpu.enqueue_dma source(%dma_start3A_450 : memref<128x128xf32, #tpu.memory_space<hbm>>) target(%dma_start3A_449 : memref<128x128xf32, #tpu.memory_space<vmem>>) target_semaphore(%arg14 : memref<!tpu.dma_semaphore, #tpu.memory_space<semaphore_mem>>)
    %scan3A = arith.constant 0 : i32
    %scan3A_451 = arith.constant 0 : i32
    %scan3A_452 = arith.constant 8 : i32
    %scan3A_453 = arith.addi %scan3A_451, %scan3A_452 : i32
    %scan3A_454 = arith.constant 1 : i32
    scf.for %scan3A_512 = %scan3A_451 to %scan3A_453 step %scan3A_454  : i32 {
      %mul3A_513 = arith.constant 4 : i32
      %mul3A_514 = arith.muli %scan3A_512, %mul3A_513 : i32
      %add3A_515 = arith.constant 0 : i32
      %add3A_516 = arith.addi %mul3A_514, %add3A_515 : i32
      %add3A_517 = arith.constant 0 : i32
      %add3A_518 = arith.addi %mul3A_2, %add3A_517 : i32
      %dma_wait3A_519 = arith.constant 0 : i32
      %dma_wait3A_520 = arith.constant 0 : i32
      %dma_wait3A_521 = arith.constant 0 : i32
      %dma_wait3A_522 = tpu.memref_slice %arg7[%dma_wait3A_519, %dma_wait3A_520, %dma_wait3A_521] : memref<4x128x128xf32, #tpu.memory_space<vmem>> -> memref<1x128x128xf32, #tpu.memory_space<vmem>>
      %dma_wait3A_523 = tpu.memref_squeeze %dma_wait3A_522 : memref<1x128x128xf32, #tpu.memory_space<vmem>> -> memref<128x128xf32, #tpu.memory_space<vmem>>
      %dma_wait3A_524 = tpu.memref_slice %arg2[%add3A_518, %mul3A_0] : memref<8192x2048xf32, #tpu.memory_space<hbm>> -> memref<128x128xf32, #tpu.memory_space<hbm>>
      %dma_wait3A_525 = arith.constant 0 : i32
      %dma_wait3A_526 = arith.constant 0 : i32
      %dma_wait3A_527 = tpu.memref_slice %arg7[%dma_wait3A_519, %dma_wait3A_525, %dma_wait3A_526] : memref<4x128x128xf32, #tpu.memory_space<vmem>> -> memref<1x128x128xf32, #tpu.memory_space<vmem>>
      %dma_wait3A_528 = tpu.memref_squeeze %dma_wait3A_527 : memref<1x128x128xf32, #tpu.memory_space<vmem>> -> memref<128x128xf32, #tpu.memory_space<vmem>>
      %dma_wait3A_529 = tpu.memref_slice %arg2[%add3A_518, %mul3A_0] : memref<8192x2048xf32, #tpu.memory_space<hbm>> -> memref<128x128xf32, #tpu.memory_space<hbm>>
      tpu.wait_dma2 semaphore(%arg11 : memref<!tpu.dma_semaphore, #tpu.memory_space<semaphore_mem>>) src(%dma_wait3A_529 : memref<128x128xf32, #tpu.memory_space<hbm>>) dst(%dma_wait3A_528 : memref<128x128xf32, #tpu.memory_space<vmem>>)
      %parallel_loop3A = arith.constant 0 : i32
      %parallel_loop3A_530 = arith.constant 128 : i32
      %parallel_loop3A_531 = arith.constant 1 : i32
      scf.for %parallel_loop3A_678 = %parallel_loop3A to %parallel_loop3A_530 step %parallel_loop3A_531  : i32 {
        %parallel_loop3A_679 = arith.constant 0 : i32
        %parallel_loop3A_680 = arith.index_cast %parallel_loop3A_679 : i32 to index
        %parallel_loop3A_681 = arith.index_cast %parallel_loop3A_678 : i32 to index
        %parallel_loop3A_682 = arith.constant 0 : index
        %parallel_loop3A_683 = tpu.vector_load %arg7[%parallel_loop3A_680, %parallel_loop3A_681, %parallel_loop3A_682] {strides = array<i32>} : memref<4x128x128xf32, #tpu.memory_space<vmem>>, vector<16xf32>,
        %parallel_loop3A_684 = arith.mulf %parallel_loop3A_683, %div3A_175 : vector<16xf32>
        %parallel_loop3A_685 = arith.subf %parallel_loop3A_684, %sub3A_189 : vector<16xf32>
        %parallel_loop3A_686 = arith.fptosi %parallel_loop3A_685 : vector<16xf32> to vector<16xi32>
        tpu.vector_store_idx %arg8[%parallel_loop3A_686], %broadcast_in_dim3A_164 {add = true} : memref<1280xf32, #tpu.memory_space<vmem>>[vector<16xi32>], vector<16xf32>,
        %parallel_loop3A_687 = arith.constant 0 : i32
        %parallel_loop3A_688 = arith.index_cast %parallel_loop3A_687 : i32 to index
        %parallel_loop3A_689 = arith.index_cast %parallel_loop3A_678 : i32 to index
        %parallel_loop3A_690 = arith.constant 16 : index
        %parallel_loop3A_691 = tpu.vector_load %arg7[%parallel_loop3A_688, %parallel_loop3A_689, %parallel_loop3A_690] {strides = array<i32>} : memref<4x128x128xf32, #tpu.memory_space<vmem>>, vector<16xf32>,
        %parallel_loop3A_692 = arith.mulf %parallel_loop3A_691, %div3A_204 : vector<16xf32>
        %parallel_loop3A_693 = arith.subf %parallel_loop3A_692, %sub3A_219 : vector<16xf32>
        %parallel_loop3A_694 = arith.fptosi %parallel_loop3A_693 : vector<16xf32> to vector<16xi32>
        tpu.vector_store_idx %arg8[%parallel_loop3A_694], %broadcast_in_dim3A_164 {add = true} : memref<1280xf32, #tpu.memory_space<vmem>>[vector<16xi32>], vector<16xf32>,
        %parallel_loop3A_695 = arith.constant 0 : i32
        %parallel_loop3A_696 = arith.index_cast %parallel_loop3A_695 : i32 to index
        %parallel_loop3A_697 = arith.index_cast %parallel_loop3A_678 : i32 to index
        %parallel_loop3A_698 = arith.constant 32 : index
        %parallel_loop3A_699 = tpu.vector_load %arg7[%parallel_loop3A_696, %parallel_loop3A_697, %parallel_loop3A_698] {strides = array<i32>} : memref<4x128x128xf32, #tpu.memory_space<vmem>>, vector<16xf32>,
        %parallel_loop3A_700 = arith.mulf %parallel_loop3A_699, %div3A_234 : vector<16xf32>
        %parallel_loop3A_701 = arith.subf %parallel_loop3A_700, %sub3A_249 : vector<16xf32>
        %parallel_loop3A_702 = arith.fptosi %parallel_loop3A_701 : vector<16xf32> to vector<16xi32>
        tpu.vector_store_idx %arg8[%parallel_loop3A_702], %broadcast_in_dim3A_164 {add = true} : memref<1280xf32, #tpu.memory_space<vmem>>[vector<16xi32>], vector<16xf32>,
        %parallel_loop3A_703 = arith.constant 0 : i32
        %parallel_loop3A_704 = arith.index_cast %parallel_loop3A_703 : i32 to index
        %parallel_loop3A_705 = arith.index_cast %parallel_loop3A_678 : i32 to index
        %parallel_loop3A_706 = arith.constant 48 : index
        %parallel_loop3A_707 = tpu.vector_load %arg7[%parallel_loop3A_704, %parallel_loop3A_705, %parallel_loop3A_706] {strides = array<i32>} : memref<4x128x128xf32, #tpu.memory_space<vmem>>, vector<16xf32>,
        %parallel_loop3A_708 = arith.mulf %parallel_loop3A_707, %div3A_264 : vector<16xf32>
        %parallel_loop3A_709 = arith.subf %parallel_loop3A_708, %sub3A_279 : vector<16xf32>
        %parallel_loop3A_710 = arith.fptosi %parallel_loop3A_709 : vector<16xf32> to vector<16xi32>
        tpu.vector_store_idx %arg8[%parallel_loop3A_710], %broadcast_in_dim3A_164 {add = true} : memref<1280xf32, #tpu.memory_space<vmem>>[vector<16xi32>], vector<16xf32>,
        %parallel_loop3A_711 = arith.constant 0 : i32
        %parallel_loop3A_712 = arith.index_cast %parallel_loop3A_711 : i32 to index
        %parallel_loop3A_713 = arith.index_cast %parallel_loop3A_678 : i32 to index
        %parallel_loop3A_714 = arith.constant 64 : index
        %parallel_loop3A_715 = tpu.vector_load %arg7[%parallel_loop3A_712, %parallel_loop3A_713, %parallel_loop3A_714] {strides = array<i32>} : memref<4x128x128xf32, #tpu.memory_space<vmem>>, vector<16xf32>,
        %parallel_loop3A_716 = arith.mulf %parallel_loop3A_715, %div3A_294 : vector<16xf32>
        %parallel_loop3A_717 = arith.subf %parallel_loop3A_716, %sub3A_309 : vector<16xf32>
        %parallel_loop3A_718 = arith.fptosi %parallel_loop3A_717 : vector<16xf32> to vector<16xi32>
        tpu.vector_store_idx %arg8[%parallel_loop3A_718], %broadcast_in_dim3A_164 {add = true} : memref<1280xf32, #tpu.memory_space<vmem>>[vector<16xi32>], vector<16xf32>,
        %parallel_loop3A_719 = arith.constant 0 : i32
        %parallel_loop3A_720 = arith.index_cast %parallel_loop3A_719 : i32 to index
        %parallel_loop3A_721 = arith.index_cast %parallel_loop3A_678 : i32 to index
        %parallel_loop3A_722 = arith.constant 80 : index
        %parallel_loop3A_723 = tpu.vector_load %arg7[%parallel_loop3A_720, %parallel_loop3A_721, %parallel_loop3A_722] {strides = array<i32>} : memref<4x128x128xf32, #tpu.memory_space<vmem>>, vector<16xf32>,
        %parallel_loop3A_724 = arith.mulf %parallel_loop3A_723, %div3A_324 : vector<16xf32>
        %parallel_loop3A_725 = arith.subf %parallel_loop3A_724, %sub3A_339 : vector<16xf32>
        %parallel_loop3A_726 = arith.fptosi %parallel_loop3A_725 : vector<16xf32> to vector<16xi32>
        tpu.vector_store_idx %arg8[%parallel_loop3A_726], %broadcast_in_dim3A_164 {add = true} : memref<1280xf32, #tpu.memory_space<vmem>>[vector<16xi32>], vector<16xf32>,
        %parallel_loop3A_727 = arith.constant 0 : i32
        %parallel_loop3A_728 = arith.index_cast %parallel_loop3A_727 : i32 to index
        %parallel_loop3A_729 = arith.index_cast %parallel_loop3A_678 : i32 to index
        %parallel_loop3A_730 = arith.constant 96 : index
        %parallel_loop3A_731 = tpu.vector_load %arg7[%parallel_loop3A_728, %parallel_loop3A_729, %parallel_loop3A_730] {strides = array<i32>} : memref<4x128x128xf32, #tpu.memory_space<vmem>>, vector<16xf32>,
        %parallel_loop3A_732 = arith.mulf %parallel_loop3A_731, %div3A_354 : vector<16xf32>
        %parallel_loop3A_733 = arith.subf %parallel_loop3A_732, %sub3A_369 : vector<16xf32>
        %parallel_loop3A_734 = arith.fptosi %parallel_loop3A_733 : vector<16xf32> to vector<16xi32>
        tpu.vector_store_idx %arg8[%parallel_loop3A_734], %broadcast_in_dim3A_164 {add = true} : memref<1280xf32, #tpu.memory_space<vmem>>[vector<16xi32>], vector<16xf32>,
        %parallel_loop3A_735 = arith.constant 0 : i32
        %parallel_loop3A_736 = arith.index_cast %parallel_loop3A_735 : i32 to index
        %parallel_loop3A_737 = arith.index_cast %parallel_loop3A_678 : i32 to index
        %parallel_loop3A_738 = arith.constant 112 : index
        %parallel_loop3A_739 = tpu.vector_load %arg7[%parallel_loop3A_736, %parallel_loop3A_737, %parallel_loop3A_738] {strides = array<i32>} : memref<4x128x128xf32, #tpu.memory_space<vmem>>, vector<16xf32>,
        %parallel_loop3A_740 = arith.mulf %parallel_loop3A_739, %div3A_384 : vector<16xf32>
        %parallel_loop3A_741 = arith.subf %parallel_loop3A_740, %sub3A_399 : vector<16xf32>
        %parallel_loop3A_742 = arith.fptosi %parallel_loop3A_741 : vector<16xf32> to vector<16xi32>
        tpu.vector_store_idx %arg8[%parallel_loop3A_742], %broadcast_in_dim3A_164 {add = true} : memref<1280xf32, #tpu.memory_space<vmem>>[vector<16xi32>], vector<16xf32>,
      } {sc.loop_unroll_factor = 8 : i64, sc.parallel_access}
      %mul3A_532 = arith.constant 128 : i32
      %mul3A_533 = arith.muli %add3A_516, %mul3A_532 : i32
      %add3A_534 = arith.addi %mul3A_2, %mul3A_533 : i32
      %dma_start3A_535 = arith.constant 0 : i32
      %dma_start3A_536 = arith.constant 0 : i32
      %dma_start3A_537 = arith.constant 0 : i32
      %dma_start3A_538 = tpu.memref_slice %arg7[%dma_start3A_535, %dma_start3A_536, %dma_start3A_537] : memref<4x128x128xf32, #tpu.memory_space<vmem>> -> memref<1x128x128xf32, #tpu.memory_space<vmem>>
      %dma_start3A_539 = tpu.memref_squeeze %dma_start3A_538 : memref<1x128x128xf32, #tpu.memory_space<vmem>> -> memref<128x128xf32, #tpu.memory_space<vmem>>
      %dma_start3A_540 = tpu.memref_slice %arg6[%add3A_534, %mul3A_0] : memref<8192x2048xf32, #tpu.memory_space<hbm>> -> memref<128x128xf32, #tpu.memory_space<hbm>>
      %dma_start3A_541 = tpu.memref_slice %arg6[%add3A_534, %mul3A_0] : memref<8192x2048xf32, #tpu.memory_space<hbm>> -> memref<128x128xf32, #tpu.memory_space<hbm>>
      %dma_start3A_542 = arith.constant 0 : i32
      %dma_start3A_543 = arith.constant 0 : i32
      %dma_start3A_544 = tpu.memref_slice %arg7[%dma_start3A_535, %dma_start3A_542, %dma_start3A_543] : memref<4x128x128xf32, #tpu.memory_space<vmem>> -> memref<1x128x128xf32, #tpu.memory_space<vmem>>
      %dma_start3A_545 = tpu.memref_squeeze %dma_start3A_544 : memref<1x128x128xf32, #tpu.memory_space<vmem>> -> memref<128x128xf32, #tpu.memory_space<vmem>>
      tpu.enqueue_dma source(%dma_start3A_545 : memref<128x128xf32, #tpu.memory_space<vmem>>) target(%dma_start3A_541 : memref<128x128xf32, #tpu.memory_space<hbm>>) target_semaphore(%arg15 : memref<!tpu.dma_semaphore, #tpu.memory_space<semaphore_mem>>)
      %add3A_546 = arith.constant 2 : i32
      %add3A_547 = arith.addi %add3A_516, %add3A_546 : i32
      %ge3A = arith.constant 4 : i32
      %ge3A_548 = arith.cmpi sge, %add3A_547, %ge3A : i32
      %lt3A = arith.constant 32 : i32
      %lt3A_549 = arith.cmpi slt, %add3A_547, %lt3A : i32
      %and3A = arith.andi %ge3A_548, %lt3A_549 : i1
      %convert_element_type3A_550 = arith.extui %and3A : i1 to i32
      %cond3A = arith.constant 0 : i32
      %cond3A_551 = arith.cmpi ne, %convert_element_type3A_550, %cond3A : i32
      scf.if %cond3A_551 {
        %add3A_678 = arith.constant 0 : i32
        %add3A_679 = arith.addi %mul3A_2, %add3A_678 : i32
        %dma_wait3A_680 = arith.constant 2 : i32
        %dma_wait3A_681 = arith.constant 0 : i32
        %dma_wait3A_682 = arith.constant 0 : i32
        %dma_wait3A_683 = tpu.memref_slice %arg7[%dma_wait3A_680, %dma_wait3A_681, %dma_wait3A_682] : memref<4x128x128xf32, #tpu.memory_space<vmem>> -> memref<1x128x128xf32, #tpu.memory_space<vmem>>
        %dma_wait3A_684 = tpu.memref_squeeze %dma_wait3A_683 : memref<1x128x128xf32, #tpu.memory_space<vmem>> -> memref<128x128xf32, #tpu.memory_space<vmem>>
        %dma_wait3A_685 = tpu.memref_slice %arg6[%add3A_679, %mul3A_0] : memref<8192x2048xf32, #tpu.memory_space<hbm>> -> memref<128x128xf32, #tpu.memory_space<hbm>>
        %dma_wait3A_686 = tpu.memref_slice %arg6[%add3A_679, %mul3A_0] : memref<8192x2048xf32, #tpu.memory_space<hbm>> -> memref<128x128xf32, #tpu.memory_space<hbm>>
        %dma_wait3A_687 = arith.constant 0 : i32
        %dma_wait3A_688 = arith.constant 0 : i32
        %dma_wait3A_689 = tpu.memref_slice %arg7[%dma_wait3A_680, %dma_wait3A_687, %dma_wait3A_688] : memref<4x128x128xf32, #tpu.memory_space<vmem>> -> memref<1x128x128xf32, #tpu.memory_space<vmem>>
        %dma_wait3A_690 = tpu.memref_squeeze %dma_wait3A_689 : memref<1x128x128xf32, #tpu.memory_space<vmem>> -> memref<128x128xf32, #tpu.memory_space<vmem>>
        tpu.wait_dma2 semaphore(%arg17 : memref<!tpu.dma_semaphore, #tpu.memory_space<semaphore_mem>>) src(%dma_wait3A_690 : memref<128x128xf32, #tpu.memory_space<vmem>>) dst(%dma_wait3A_686 : memref<128x128xf32, #tpu.memory_space<hbm>>)
        %mul3A_691 = arith.constant 128 : i32
        %mul3A_692 = arith.muli %add3A_547, %mul3A_691 : i32
        %add3A_693 = arith.addi %mul3A_2, %mul3A_692 : i32
        %dma_start3A_694 = arith.constant 2 : i32
        %dma_start3A_695 = arith.constant 0 : i32
        %dma_start3A_696 = arith.constant 0 : i32
        %dma_start3A_697 = tpu.memref_slice %arg7[%dma_start3A_694, %dma_start3A_695, %dma_start3A_696] : memref<4x128x128xf32, #tpu.memory_space<vmem>> -> memref<1x128x128xf32, #tpu.memory_space<vmem>>
        %dma_start3A_698 = tpu.memref_squeeze %dma_start3A_697 : memref<1x128x128xf32, #tpu.memory_space<vmem>> -> memref<128x128xf32, #tpu.memory_space<vmem>>
        %dma_start3A_699 = tpu.memref_slice %arg2[%add3A_693, %mul3A_0] : memref<8192x2048xf32, #tpu.memory_space<hbm>> -> memref<128x128xf32, #tpu.memory_space<hbm>>
        %dma_start3A_700 = arith.constant 0 : i32
        %dma_start3A_701 = arith.constant 0 : i32
        %dma_start3A_702 = tpu.memref_slice %arg7[%dma_start3A_694, %dma_start3A_700, %dma_start3A_701] : memref<4x128x128xf32, #tpu.memory_space<vmem>> -> memref<1x128x128xf32, #tpu.memory_space<vmem>>
        %dma_start3A_703 = tpu.memref_squeeze %dma_start3A_702 : memref<1x128x128xf32, #tpu.memory_space<vmem>> -> memref<128x128xf32, #tpu.memory_space<vmem>>
        %dma_start3A_704 = tpu.memref_slice %arg2[%add3A_693, %mul3A_0] : memref<8192x2048xf32, #tpu.memory_space<hbm>> -> memref<128x128xf32, #tpu.memory_space<hbm>>
        tpu.enqueue_dma source(%dma_start3A_704 : memref<128x128xf32, #tpu.memory_space<hbm>>) target(%dma_start3A_703 : memref<128x128xf32, #tpu.memory_space<vmem>>) target_semaphore(%arg13 : memref<!tpu.dma_semaphore, #tpu.memory_space<semaphore_mem>>)
      } else {
      }
      %add3A_552 = arith.constant 1 : i32
      %add3A_553 = arith.addi %mul3A_514, %add3A_552 : i32
      %add3A_554 = arith.constant 0 : i32
      %add3A_555 = arith.addi %mul3A_2, %add3A_554 : i32
      %dma_wait3A_556 = arith.constant 1 : i32
      %dma_wait3A_557 = arith.constant 0 : i32
      %dma_wait3A_558 = arith.constant 0 : i32
      %dma_wait3A_559 = tpu.memref_slice %arg7[%dma_wait3A_556, %dma_wait3A_557, %dma_wait3A_558] : memref<4x128x128xf32, #tpu.memory_space<vmem>> -> memref<1x128x128xf32, #tpu.memory_space<vmem>>
      %dma_wait3A_560 = tpu.memref_squeeze %dma_wait3A_559 : memref<1x128x128xf32, #tpu.memory_space<vmem>> -> memref<128x128xf32, #tpu.memory_space<vmem>>
      %dma_wait3A_561 = tpu.memref_slice %arg2[%add3A_555, %mul3A_0] : memref<8192x2048xf32, #tpu.memory_space<hbm>> -> memref<128x128xf32, #tpu.memory_space<hbm>>
      %dma_wait3A_562 = arith.constant 0 : i32
      %dma_wait3A_563 = arith.constant 0 : i32
      %dma_wait3A_564 = tpu.memref_slice %arg7[%dma_wait3A_556, %dma_wait3A_562, %dma_wait3A_563] : memref<4x128x128xf32, #tpu.memory_space<vmem>> -> memref<1x128x128xf32, #tpu.memory_space<vmem>>
      %dma_wait3A_565 = tpu.memref_squeeze %dma_wait3A_564 : memref<1x128x128xf32, #tpu.memory_space<vmem>> -> memref<128x128xf32, #tpu.memory_space<vmem>>
      %dma_wait3A_566 = tpu.memref_slice %arg2[%add3A_555, %mul3A_0] : memref<8192x2048xf32, #tpu.memory_space<hbm>> -> memref<128x128xf32, #tpu.memory_space<hbm>>
      tpu.wait_dma2 semaphore(%arg12 : memref<!tpu.dma_semaphore, #tpu.memory_space<semaphore_mem>>) src(%dma_wait3A_566 : memref<128x128xf32, #tpu.memory_space<hbm>>) dst(%dma_wait3A_565 : memref<128x128xf32, #tpu.memory_space<vmem>>)
      %parallel_loop3A_567 = arith.constant 0 : i32
      %parallel_loop3A_568 = arith.constant 128 : i32
      %parallel_loop3A_569 = arith.constant 1 : i32
      scf.for %parallel_loop3A_678 = %parallel_loop3A_567 to %parallel_loop3A_568 step %parallel_loop3A_569  : i32 {
        %parallel_loop3A_679 = arith.constant 1 : i32
        %parallel_loop3A_680 = arith.index_cast %parallel_loop3A_679 : i32 to index
        %parallel_loop3A_681 = arith.index_cast %parallel_loop3A_678 : i32 to index
        %parallel_loop3A_682 = arith.constant 0 : index
        %parallel_loop3A_683 = tpu.vector_load %arg7[%parallel_loop3A_680, %parallel_loop3A_681, %parallel_loop3A_682] {strides = array<i32>} : memref<4x128x128xf32, #tpu.memory_space<vmem>>, vector<16xf32>,
        %parallel_loop3A_684 = arith.mulf %parallel_loop3A_683, %div3A_175 : vector<16xf32>
        %parallel_loop3A_685 = arith.subf %parallel_loop3A_684, %sub3A_189 : vector<16xf32>
        %parallel_loop3A_686 = arith.fptosi %parallel_loop3A_685 : vector<16xf32> to vector<16xi32>
        tpu.vector_store_idx %arg8[%parallel_loop3A_686], %broadcast_in_dim3A_164 {add = true} : memref<1280xf32, #tpu.memory_space<vmem>>[vector<16xi32>], vector<16xf32>,
        %parallel_loop3A_687 = arith.constant 1 : i32
        %parallel_loop3A_688 = arith.index_cast %parallel_loop3A_687 : i32 to index
        %parallel_loop3A_689 = arith.index_cast %parallel_loop3A_678 : i32 to index
        %parallel_loop3A_690 = arith.constant 16 : index
        %parallel_loop3A_691 = tpu.vector_load %arg7[%parallel_loop3A_688, %parallel_loop3A_689, %parallel_loop3A_690] {strides = array<i32>} : memref<4x128x128xf32, #tpu.memory_space<vmem>>, vector<16xf32>,
        %parallel_loop3A_692 = arith.mulf %parallel_loop3A_691, %div3A_204 : vector<16xf32>
        %parallel_loop3A_693 = arith.subf %parallel_loop3A_692, %sub3A_219 : vector<16xf32>
        %parallel_loop3A_694 = arith.fptosi %parallel_loop3A_693 : vector<16xf32> to vector<16xi32>
        tpu.vector_store_idx %arg8[%parallel_loop3A_694], %broadcast_in_dim3A_164 {add = true} : memref<1280xf32, #tpu.memory_space<vmem>>[vector<16xi32>], vector<16xf32>,
        %parallel_loop3A_695 = arith.constant 1 : i32
        %parallel_loop3A_696 = arith.index_cast %parallel_loop3A_695 : i32 to index
        %parallel_loop3A_697 = arith.index_cast %parallel_loop3A_678 : i32 to index
        %parallel_loop3A_698 = arith.constant 32 : index
        %parallel_loop3A_699 = tpu.vector_load %arg7[%parallel_loop3A_696, %parallel_loop3A_697, %parallel_loop3A_698] {strides = array<i32>} : memref<4x128x128xf32, #tpu.memory_space<vmem>>, vector<16xf32>,
        %parallel_loop3A_700 = arith.mulf %parallel_loop3A_699, %div3A_234 : vector<16xf32>
        %parallel_loop3A_701 = arith.subf %parallel_loop3A_700, %sub3A_249 : vector<16xf32>
        %parallel_loop3A_702 = arith.fptosi %parallel_loop3A_701 : vector<16xf32> to vector<16xi32>
        tpu.vector_store_idx %arg8[%parallel_loop3A_702], %broadcast_in_dim3A_164 {add = true} : memref<1280xf32, #tpu.memory_space<vmem>>[vector<16xi32>], vector<16xf32>,
        %parallel_loop3A_703 = arith.constant 1 : i32
        %parallel_loop3A_704 = arith.index_cast %parallel_loop3A_703 : i32 to index
        %parallel_loop3A_705 = arith.index_cast %parallel_loop3A_678 : i32 to index
        %parallel_loop3A_706 = arith.constant 48 : index
        %parallel_loop3A_707 = tpu.vector_load %arg7[%parallel_loop3A_704, %parallel_loop3A_705, %parallel_loop3A_706] {strides = array<i32>} : memref<4x128x128xf32, #tpu.memory_space<vmem>>, vector<16xf32>,
        %parallel_loop3A_708 = arith.mulf %parallel_loop3A_707, %div3A_264 : vector<16xf32>
        %parallel_loop3A_709 = arith.subf %parallel_loop3A_708, %sub3A_279 : vector<16xf32>
        %parallel_loop3A_710 = arith.fptosi %parallel_loop3A_709 : vector<16xf32> to vector<16xi32>
        tpu.vector_store_idx %arg8[%parallel_loop3A_710], %broadcast_in_dim3A_164 {add = true} : memref<1280xf32, #tpu.memory_space<vmem>>[vector<16xi32>], vector<16xf32>,
        %parallel_loop3A_711 = arith.constant 1 : i32
        %parallel_loop3A_712 = arith.index_cast %parallel_loop3A_711 : i32 to index
        %parallel_loop3A_713 = arith.index_cast %parallel_loop3A_678 : i32 to index
        %parallel_loop3A_714 = arith.constant 64 : index
        %parallel_loop3A_715 = tpu.vector_load %arg7[%parallel_loop3A_712, %parallel_loop3A_713, %parallel_loop3A_714] {strides = array<i32>} : memref<4x128x128xf32, #tpu.memory_space<vmem>>, vector<16xf32>,
        %parallel_loop3A_716 = arith.mulf %parallel_loop3A_715, %div3A_294 : vector<16xf32>
        %parallel_loop3A_717 = arith.subf %parallel_loop3A_716, %sub3A_309 : vector<16xf32>
        %parallel_loop3A_718 = arith.fptosi %parallel_loop3A_717 : vector<16xf32> to vector<16xi32>
        tpu.vector_store_idx %arg8[%parallel_loop3A_718], %broadcast_in_dim3A_164 {add = true} : memref<1280xf32, #tpu.memory_space<vmem>>[vector<16xi32>], vector<16xf32>,
        %parallel_loop3A_719 = arith.constant 1 : i32
        %parallel_loop3A_720 = arith.index_cast %parallel_loop3A_719 : i32 to index
        %parallel_loop3A_721 = arith.index_cast %parallel_loop3A_678 : i32 to index
        %parallel_loop3A_722 = arith.constant 80 : index
        %parallel_loop3A_723 = tpu.vector_load %arg7[%parallel_loop3A_720, %parallel_loop3A_721, %parallel_loop3A_722] {strides = array<i32>} : memref<4x128x128xf32, #tpu.memory_space<vmem>>, vector<16xf32>,
        %parallel_loop3A_724 = arith.mulf %parallel_loop3A_723, %div3A_324 : vector<16xf32>
        %parallel_loop3A_725 = arith.subf %parallel_loop3A_724, %sub3A_339 : vector<16xf32>
        %parallel_loop3A_726 = arith.fptosi %parallel_loop3A_725 : vector<16xf32> to vector<16xi32>
        tpu.vector_store_idx %arg8[%parallel_loop3A_726], %broadcast_in_dim3A_164 {add = true} : memref<1280xf32, #tpu.memory_space<vmem>>[vector<16xi32>], vector<16xf32>,
        %parallel_loop3A_727 = arith.constant 1 : i32
        %parallel_loop3A_728 = arith.index_cast %parallel_loop3A_727 : i32 to index
        %parallel_loop3A_729 = arith.index_cast %parallel_loop3A_678 : i32 to index
        %parallel_loop3A_730 = arith.constant 96 : index
        %parallel_loop3A_731 = tpu.vector_load %arg7[%parallel_loop3A_728, %parallel_loop3A_729, %parallel_loop3A_730] {strides = array<i32>} : memref<4x128x128xf32, #tpu.memory_space<vmem>>, vector<16xf32>,
        %parallel_loop3A_732 = arith.mulf %parallel_loop3A_731, %div3A_354 : vector<16xf32>
        %parallel_loop3A_733 = arith.subf %parallel_loop3A_732, %sub3A_369 : vector<16xf32>
        %parallel_loop3A_734 = arith.fptosi %parallel_loop3A_733 : vector<16xf32> to vector<16xi32>
        tpu.vector_store_idx %arg8[%parallel_loop3A_734], %broadcast_in_dim3A_164 {add = true} : memref<1280xf32, #tpu.memory_space<vmem>>[vector<16xi32>], vector<16xf32>,
        %parallel_loop3A_735 = arith.constant 1 : i32
        %parallel_loop3A_736 = arith.index_cast %parallel_loop3A_735 : i32 to index
        %parallel_loop3A_737 = arith.index_cast %parallel_loop3A_678 : i32 to index
        %parallel_loop3A_738 = arith.constant 112 : index
        %parallel_loop3A_739 = tpu.vector_load %arg7[%parallel_loop3A_736, %parallel_loop3A_737, %parallel_loop3A_738] {strides = array<i32>} : memref<4x128x128xf32, #tpu.memory_space<vmem>>, vector<16xf32>,
        %parallel_loop3A_740 = arith.mulf %parallel_loop3A_739, %div3A_384 : vector<16xf32>
        %parallel_loop3A_741 = arith.subf %parallel_loop3A_740, %sub3A_399 : vector<16xf32>
        %parallel_loop3A_742 = arith.fptosi %parallel_loop3A_741 : vector<16xf32> to vector<16xi32>
        tpu.vector_store_idx %arg8[%parallel_loop3A_742], %broadcast_in_dim3A_164 {add = true} : memref<1280xf32, #tpu.memory_space<vmem>>[vector<16xi32>], vector<16xf32>,
      } {sc.loop_unroll_factor = 8 : i64, sc.parallel_access}
      %mul3A_570 = arith.constant 128 : i32
      %mul3A_571 = arith.muli %add3A_553, %mul3A_570 : i32
      %add3A_572 = arith.addi %mul3A_2, %mul3A_571 : i32
      %dma_start3A_573 = arith.constant 1 : i32
      %dma_start3A_574 = arith.constant 0 : i32
      %dma_start3A_575 = arith.constant 0 : i32
      %dma_start3A_576 = tpu.memref_slice %arg7[%dma_start3A_573, %dma_start3A_574, %dma_start3A_575] : memref<4x128x128xf32, #tpu.memory_space<vmem>> -> memref<1x128x128xf32, #tpu.memory_space<vmem>>
      %dma_start3A_577 = tpu.memref_squeeze %dma_start3A_576 : memref<1x128x128xf32, #tpu.memory_space<vmem>> -> memref<128x128xf32, #tpu.memory_space<vmem>>
      %dma_start3A_578 = tpu.memref_slice %arg6[%add3A_572, %mul3A_0] : memref<8192x2048xf32, #tpu.memory_space<hbm>> -> memref<128x128xf32, #tpu.memory_space<hbm>>
      %dma_start3A_579 = tpu.memref_slice %arg6[%add3A_572, %mul3A_0] : memref<8192x2048xf32, #tpu.memory_space<hbm>> -> memref<128x128xf32, #tpu.memory_space<hbm>>
      %dma_start3A_580 = arith.constant 0 : i32
      %dma_start3A_581 = arith.constant 0 : i32
      %dma_start3A_582 = tpu.memref_slice %arg7[%dma_start3A_573, %dma_start3A_580, %dma_start3A_581] : memref<4x128x128xf32, #tpu.memory_space<vmem>> -> memref<1x128x128xf32, #tpu.memory_space<vmem>>
      %dma_start3A_583 = tpu.memref_squeeze %dma_start3A_582 : memref<1x128x128xf32, #tpu.memory_space<vmem>> -> memref<128x128xf32, #tpu.memory_space<vmem>>
      tpu.enqueue_dma source(%dma_start3A_583 : memref<128x128xf32, #tpu.memory_space<vmem>>) target(%dma_start3A_579 : memref<128x128xf32, #tpu.memory_space<hbm>>) target_semaphore(%arg16 : memref<!tpu.dma_semaphore, #tpu.memory_space<semaphore_mem>>)
      %add3A_584 = arith.constant 2 : i32
      %add3A_585 = arith.addi %add3A_553, %add3A_584 : i32
      %ge3A_586 = arith.constant 4 : i32
      %ge3A_587 = arith.cmpi sge, %add3A_585, %ge3A_586 : i32
      %lt3A_588 = arith.constant 32 : i32
      %lt3A_589 = arith.cmpi slt, %add3A_585, %lt3A_588 : i32
      %and3A_590 = arith.andi %ge3A_587, %lt3A_589 : i1
      %convert_element_type3A_591 = arith.extui %and3A_590 : i1 to i32
      %cond3A_592 = arith.constant 0 : i32
      %cond3A_593 = arith.cmpi ne, %convert_element_type3A_591, %cond3A_592 : i32
      scf.if %cond3A_593 {
        %add3A_678 = arith.constant 0 : i32
        %add3A_679 = arith.addi %mul3A_2, %add3A_678 : i32
        %dma_wait3A_680 = arith.constant 3 : i32
        %dma_wait3A_681 = arith.constant 0 : i32
        %dma_wait3A_682 = arith.constant 0 : i32
        %dma_wait3A_683 = tpu.memref_slice %arg7[%dma_wait3A_680, %dma_wait3A_681, %dma_wait3A_682] : memref<4x128x128xf32, #tpu.memory_space<vmem>> -> memref<1x128x128xf32, #tpu.memory_space<vmem>>
        %dma_wait3A_684 = tpu.memref_squeeze %dma_wait3A_683 : memref<1x128x128xf32, #tpu.memory_space<vmem>> -> memref<128x128xf32, #tpu.memory_space<vmem>>
        %dma_wait3A_685 = tpu.memref_slice %arg6[%add3A_679, %mul3A_0] : memref<8192x2048xf32, #tpu.memory_space<hbm>> -> memref<128x128xf32, #tpu.memory_space<hbm>>
        %dma_wait3A_686 = tpu.memref_slice %arg6[%add3A_679, %mul3A_0] : memref<8192x2048xf32, #tpu.memory_space<hbm>> -> memref<128x128xf32, #tpu.memory_space<hbm>>
        %dma_wait3A_687 = arith.constant 0 : i32
        %dma_wait3A_688 = arith.constant 0 : i32
        %dma_wait3A_689 = tpu.memref_slice %arg7[%dma_wait3A_680, %dma_wait3A_687, %dma_wait3A_688] : memref<4x128x128xf32, #tpu.memory_space<vmem>> -> memref<1x128x128xf32, #tpu.memory_space<vmem>>
        %dma_wait3A_690 = tpu.memref_squeeze %dma_wait3A_689 : memref<1x128x128xf32, #tpu.memory_space<vmem>> -> memref<128x128xf32, #tpu.memory_space<vmem>>
        tpu.wait_dma2 semaphore(%arg18 : memref<!tpu.dma_semaphore, #tpu.memory_space<semaphore_mem>>) src(%dma_wait3A_690 : memref<128x128xf32, #tpu.memory_space<vmem>>) dst(%dma_wait3A_686 : memref<128x128xf32, #tpu.memory_space<hbm>>)
        %mul3A_691 = arith.constant 128 : i32
        %mul3A_692 = arith.muli %add3A_585, %mul3A_691 : i32
        %add3A_693 = arith.addi %mul3A_2, %mul3A_692 : i32
        %dma_start3A_694 = arith.constant 3 : i32
        %dma_start3A_695 = arith.constant 0 : i32
        %dma_start3A_696 = arith.constant 0 : i32
        %dma_start3A_697 = tpu.memref_slice %arg7[%dma_start3A_694, %dma_start3A_695, %dma_start3A_696] : memref<4x128x128xf32, #tpu.memory_space<vmem>> -> memref<1x128x128xf32, #tpu.memory_space<vmem>>
        %dma_start3A_698 = tpu.memref_squeeze %dma_start3A_697 : memref<1x128x128xf32, #tpu.memory_space<vmem>> -> memref<128x128xf32, #tpu.memory_space<vmem>>
        %dma_start3A_699 = tpu.memref_slice %arg2[%add3A_693, %mul3A_0] : memref<8192x2048xf32, #tpu.memory_space<hbm>> -> memref<128x128xf32, #tpu.memory_space<hbm>>
        %dma_start3A_700 = arith.constant 0 : i32
        %dma_start3A_701 = arith.constant 0 : i32
        %dma_start3A_702 = tpu.memref_slice %arg7[%dma_start3A_694, %dma_start3A_700, %dma_start3A_701] : memref<4x128x128xf32, #tpu.memory_space<vmem>> -> memref<1x128x128xf32, #tpu.memory_space<vmem>>
        %dma_start3A_703 = tpu.memref_squeeze %dma_start3A_702 : memref<1x128x128xf32, #tpu.memory_space<vmem>> -> memref<128x128xf32, #tpu.memory_space<vmem>>
        %dma_start3A_704 = tpu.memref_slice %arg2[%add3A_693, %mul3A_0] : memref<8192x2048xf32, #tpu.memory_space<hbm>> -> memref<128x128xf32, #tpu.memory_space<hbm>>
        tpu.enqueue_dma source(%dma_start3A_704 : memref<128x128xf32, #tpu.memory_space<hbm>>) target(%dma_start3A_703 : memref<128x128xf32, #tpu.memory_space<vmem>>) target_semaphore(%arg14 : memref<!tpu.dma_semaphore, #tpu.memory_space<semaphore_mem>>)
      } else {
      }
      %add3A_594 = arith.constant 2 : i32
      %add3A_595 = arith.addi %mul3A_514, %add3A_594 : i32
      %add3A_596 = arith.constant 0 : i32
      %add3A_597 = arith.addi %mul3A_2, %add3A_596 : i32
      %dma_wait3A_598 = arith.constant 2 : i32
      %dma_wait3A_599 = arith.constant 0 : i32
      %dma_wait3A_600 = arith.constant 0 : i32
      %dma_wait3A_601 = tpu.memref_slice %arg7[%dma_wait3A_598, %dma_wait3A_599, %dma_wait3A_600] : memref<4x128x128xf32, #tpu.memory_space<vmem>> -> memref<1x128x128xf32, #tpu.memory_space<vmem>>
      %dma_wait3A_602 = tpu.memref_squeeze %dma_wait3A_601 : memref<1x128x128xf32, #tpu.memory_space<vmem>> -> memref<128x128xf32, #tpu.memory_space<vmem>>
      %dma_wait3A_603 = tpu.memref_slice %arg2[%add3A_597, %mul3A_0] : memref<8192x2048xf32, #tpu.memory_space<hbm>> -> memref<128x128xf32, #tpu.memory_space<hbm>>
      %dma_wait3A_604 = arith.constant 0 : i32
      %dma_wait3A_605 = arith.constant 0 : i32
      %dma_wait3A_606 = tpu.memref_slice %arg7[%dma_wait3A_598, %dma_wait3A_604, %dma_wait3A_605] : memref<4x128x128xf32, #tpu.memory_space<vmem>> -> memref<1x128x128xf32, #tpu.memory_space<vmem>>
      %dma_wait3A_607 = tpu.memref_squeeze %dma_wait3A_606 : memref<1x128x128xf32, #tpu.memory_space<vmem>> -> memref<128x128xf32, #tpu.memory_space<vmem>>
      %dma_wait3A_608 = tpu.memref_slice %arg2[%add3A_597, %mul3A_0] : memref<8192x2048xf32, #tpu.memory_space<hbm>> -> memref<128x128xf32, #tpu.memory_space<hbm>>
      tpu.wait_dma2 semaphore(%arg13 : memref<!tpu.dma_semaphore, #tpu.memory_space<semaphore_mem>>) src(%dma_wait3A_608 : memref<128x128xf32, #tpu.memory_space<hbm>>) dst(%dma_wait3A_607 : memref<128x128xf32, #tpu.memory_space<vmem>>)
      %parallel_loop3A_609 = arith.constant 0 : i32
      %parallel_loop3A_610 = arith.constant 128 : i32
      %parallel_loop3A_611 = arith.constant 1 : i32
      scf.for %parallel_loop3A_678 = %parallel_loop3A_609 to %parallel_loop3A_610 step %parallel_loop3A_611  : i32 {
        %parallel_loop3A_679 = arith.constant 2 : i32
        %parallel_loop3A_680 = arith.index_cast %parallel_loop3A_679 : i32 to index
        %parallel_loop3A_681 = arith.index_cast %parallel_loop3A_678 : i32 to index
        %parallel_loop3A_682 = arith.constant 0 : index
        %parallel_loop3A_683 = tpu.vector_load %arg7[%parallel_loop3A_680, %parallel_loop3A_681, %parallel_loop3A_682] {strides = array<i32>} : memref<4x128x128xf32, #tpu.memory_space<vmem>>, vector<16xf32>,
        %parallel_loop3A_684 = arith.mulf %parallel_loop3A_683, %div3A_175 : vector<16xf32>
        %parallel_loop3A_685 = arith.subf %parallel_loop3A_684, %sub3A_189 : vector<16xf32>
        %parallel_loop3A_686 = arith.fptosi %parallel_loop3A_685 : vector<16xf32> to vector<16xi32>
        tpu.vector_store_idx %arg8[%parallel_loop3A_686], %broadcast_in_dim3A_164 {add = true} : memref<1280xf32, #tpu.memory_space<vmem>>[vector<16xi32>], vector<16xf32>,
        %parallel_loop3A_687 = arith.constant 2 : i32
        %parallel_loop3A_688 = arith.index_cast %parallel_loop3A_687 : i32 to index
        %parallel_loop3A_689 = arith.index_cast %parallel_loop3A_678 : i32 to index
        %parallel_loop3A_690 = arith.constant 16 : index
        %parallel_loop3A_691 = tpu.vector_load %arg7[%parallel_loop3A_688, %parallel_loop3A_689, %parallel_loop3A_690] {strides = array<i32>} : memref<4x128x128xf32, #tpu.memory_space<vmem>>, vector<16xf32>,
        %parallel_loop3A_692 = arith.mulf %parallel_loop3A_691, %div3A_204 : vector<16xf32>
        %parallel_loop3A_693 = arith.subf %parallel_loop3A_692, %sub3A_219 : vector<16xf32>
        %parallel_loop3A_694 = arith.fptosi %parallel_loop3A_693 : vector<16xf32> to vector<16xi32>
        tpu.vector_store_idx %arg8[%parallel_loop3A_694], %broadcast_in_dim3A_164 {add = true} : memref<1280xf32, #tpu.memory_space<vmem>>[vector<16xi32>], vector<16xf32>,
        %parallel_loop3A_695 = arith.constant 2 : i32
        %parallel_loop3A_696 = arith.index_cast %parallel_loop3A_695 : i32 to index
        %parallel_loop3A_697 = arith.index_cast %parallel_loop3A_678 : i32 to index
        %parallel_loop3A_698 = arith.constant 32 : index
        %parallel_loop3A_699 = tpu.vector_load %arg7[%parallel_loop3A_696, %parallel_loop3A_697, %parallel_loop3A_698] {strides = array<i32>} : memref<4x128x128xf32, #tpu.memory_space<vmem>>, vector<16xf32>,
        %parallel_loop3A_700 = arith.mulf %parallel_loop3A_699, %div3A_234 : vector<16xf32>
        %parallel_loop3A_701 = arith.subf %parallel_loop3A_700, %sub3A_249 : vector<16xf32>
        %parallel_loop3A_702 = arith.fptosi %parallel_loop3A_701 : vector<16xf32> to vector<16xi32>
        tpu.vector_store_idx %arg8[%parallel_loop3A_702], %broadcast_in_dim3A_164 {add = true} : memref<1280xf32, #tpu.memory_space<vmem>>[vector<16xi32>], vector<16xf32>,
        %parallel_loop3A_703 = arith.constant 2 : i32
        %parallel_loop3A_704 = arith.index_cast %parallel_loop3A_703 : i32 to index
        %parallel_loop3A_705 = arith.index_cast %parallel_loop3A_678 : i32 to index
        %parallel_loop3A_706 = arith.constant 48 : index
        %parallel_loop3A_707 = tpu.vector_load %arg7[%parallel_loop3A_704, %parallel_loop3A_705, %parallel_loop3A_706] {strides = array<i32>} : memref<4x128x128xf32, #tpu.memory_space<vmem>>, vector<16xf32>,
        %parallel_loop3A_708 = arith.mulf %parallel_loop3A_707, %div3A_264 : vector<16xf32>
        %parallel_loop3A_709 = arith.subf %parallel_loop3A_708, %sub3A_279 : vector<16xf32>
        %parallel_loop3A_710 = arith.fptosi %parallel_loop3A_709 : vector<16xf32> to vector<16xi32>
        tpu.vector_store_idx %arg8[%parallel_loop3A_710], %broadcast_in_dim3A_164 {add = true} : memref<1280xf32, #tpu.memory_space<vmem>>[vector<16xi32>], vector<16xf32>,
        %parallel_loop3A_711 = arith.constant 2 : i32
        %parallel_loop3A_712 = arith.index_cast %parallel_loop3A_711 : i32 to index
        %parallel_loop3A_713 = arith.index_cast %parallel_loop3A_678 : i32 to index
        %parallel_loop3A_714 = arith.constant 64 : index
        %parallel_loop3A_715 = tpu.vector_load %arg7[%parallel_loop3A_712, %parallel_loop3A_713, %parallel_loop3A_714] {strides = array<i32>} : memref<4x128x128xf32, #tpu.memory_space<vmem>>, vector<16xf32>,
        %parallel_loop3A_716 = arith.mulf %parallel_loop3A_715, %div3A_294 : vector<16xf32>
        %parallel_loop3A_717 = arith.subf %parallel_loop3A_716, %sub3A_309 : vector<16xf32>
        %parallel_loop3A_718 = arith.fptosi %parallel_loop3A_717 : vector<16xf32> to vector<16xi32>
        tpu.vector_store_idx %arg8[%parallel_loop3A_718], %broadcast_in_dim3A_164 {add = true} : memref<1280xf32, #tpu.memory_space<vmem>>[vector<16xi32>], vector<16xf32>,
        %parallel_loop3A_719 = arith.constant 2 : i32
        %parallel_loop3A_720 = arith.index_cast %parallel_loop3A_719 : i32 to index
        %parallel_loop3A_721 = arith.index_cast %parallel_loop3A_678 : i32 to index
        %parallel_loop3A_722 = arith.constant 80 : index
        %parallel_loop3A_723 = tpu.vector_load %arg7[%parallel_loop3A_720, %parallel_loop3A_721, %parallel_loop3A_722] {strides = array<i32>} : memref<4x128x128xf32, #tpu.memory_space<vmem>>, vector<16xf32>,
        %parallel_loop3A_724 = arith.mulf %parallel_loop3A_723, %div3A_324 : vector<16xf32>
        %parallel_loop3A_725 = arith.subf %parallel_loop3A_724, %sub3A_339 : vector<16xf32>
        %parallel_loop3A_726 = arith.fptosi %parallel_loop3A_725 : vector<16xf32> to vector<16xi32>
        tpu.vector_store_idx %arg8[%parallel_loop3A_726], %broadcast_in_dim3A_164 {add = true} : memref<1280xf32, #tpu.memory_space<vmem>>[vector<16xi32>], vector<16xf32>,
        %parallel_loop3A_727 = arith.constant 2 : i32
        %parallel_loop3A_728 = arith.index_cast %parallel_loop3A_727 : i32 to index
        %parallel_loop3A_729 = arith.index_cast %parallel_loop3A_678 : i32 to index
        %parallel_loop3A_730 = arith.constant 96 : index
        %parallel_loop3A_731 = tpu.vector_load %arg7[%parallel_loop3A_728, %parallel_loop3A_729, %parallel_loop3A_730] {strides = array<i32>} : memref<4x128x128xf32, #tpu.memory_space<vmem>>, vector<16xf32>,
        %parallel_loop3A_732 = arith.mulf %parallel_loop3A_731, %div3A_354 : vector<16xf32>
        %parallel_loop3A_733 = arith.subf %parallel_loop3A_732, %sub3A_369 : vector<16xf32>
        %parallel_loop3A_734 = arith.fptosi %parallel_loop3A_733 : vector<16xf32> to vector<16xi32>
        tpu.vector_store_idx %arg8[%parallel_loop3A_734], %broadcast_in_dim3A_164 {add = true} : memref<1280xf32, #tpu.memory_space<vmem>>[vector<16xi32>], vector<16xf32>,
        %parallel_loop3A_735 = arith.constant 2 : i32
        %parallel_loop3A_736 = arith.index_cast %parallel_loop3A_735 : i32 to index
        %parallel_loop3A_737 = arith.index_cast %parallel_loop3A_678 : i32 to index
        %parallel_loop3A_738 = arith.constant 112 : index
        %parallel_loop3A_739 = tpu.vector_load %arg7[%parallel_loop3A_736, %parallel_loop3A_737, %parallel_loop3A_738] {strides = array<i32>} : memref<4x128x128xf32, #tpu.memory_space<vmem>>, vector<16xf32>,
        %parallel_loop3A_740 = arith.mulf %parallel_loop3A_739, %div3A_384 : vector<16xf32>
        %parallel_loop3A_741 = arith.subf %parallel_loop3A_740, %sub3A_399 : vector<16xf32>
        %parallel_loop3A_742 = arith.fptosi %parallel_loop3A_741 : vector<16xf32> to vector<16xi32>
        tpu.vector_store_idx %arg8[%parallel_loop3A_742], %broadcast_in_dim3A_164 {add = true} : memref<1280xf32, #tpu.memory_space<vmem>>[vector<16xi32>], vector<16xf32>,
      } {sc.loop_unroll_factor = 8 : i64, sc.parallel_access}
      %mul3A_612 = arith.constant 128 : i32
      %mul3A_613 = arith.muli %add3A_595, %mul3A_612 : i32
      %add3A_614 = arith.addi %mul3A_2, %mul3A_613 : i32
      %dma_start3A_615 = arith.constant 2 : i32
      %dma_start3A_616 = arith.constant 0 : i32
      %dma_start3A_617 = arith.constant 0 : i32
      %dma_start3A_618 = tpu.memref_slice %arg7[%dma_start3A_615, %dma_start3A_616, %dma_start3A_617] : memref<4x128x128xf32, #tpu.memory_space<vmem>> -> memref<1x128x128xf32, #tpu.memory_space<vmem>>
      %dma_start3A_619 = tpu.memref_squeeze %dma_start3A_618 : memref<1x128x128xf32, #tpu.memory_space<vmem>> -> memref<128x128xf32, #tpu.memory_space<vmem>>
      %dma_start3A_620 = tpu.memref_slice %arg6[%add3A_614, %mul3A_0] : memref<8192x2048xf32, #tpu.memory_space<hbm>> -> memref<128x128xf32, #tpu.memory_space<hbm>>
      %dma_start3A_621 = tpu.memref_slice %arg6[%add3A_614, %mul3A_0] : memref<8192x2048xf32, #tpu.memory_space<hbm>> -> memref<128x128xf32, #tpu.memory_space<hbm>>
      %dma_start3A_622 = arith.constant 0 : i32
      %dma_start3A_623 = arith.constant 0 : i32
      %dma_start3A_624 = tpu.memref_slice %arg7[%dma_start3A_615, %dma_start3A_622, %dma_start3A_623] : memref<4x128x128xf32, #tpu.memory_space<vmem>> -> memref<1x128x128xf32, #tpu.memory_space<vmem>>
      %dma_start3A_625 = tpu.memref_squeeze %dma_start3A_624 : memref<1x128x128xf32, #tpu.memory_space<vmem>> -> memref<128x128xf32, #tpu.memory_space<vmem>>
      tpu.enqueue_dma source(%dma_start3A_625 : memref<128x128xf32, #tpu.memory_space<vmem>>) target(%dma_start3A_621 : memref<128x128xf32, #tpu.memory_space<hbm>>) target_semaphore(%arg17 : memref<!tpu.dma_semaphore, #tpu.memory_space<semaphore_mem>>)
      %add3A_626 = arith.constant 2 : i32
      %add3A_627 = arith.addi %add3A_595, %add3A_626 : i32
      %ge3A_628 = arith.constant 4 : i32
      %ge3A_629 = arith.cmpi sge, %add3A_627, %ge3A_628 : i32
      %lt3A_630 = arith.constant 32 : i32
      %lt3A_631 = arith.cmpi slt, %add3A_627, %lt3A_630 : i32
      %and3A_632 = arith.andi %ge3A_629, %lt3A_631 : i1
      %convert_element_type3A_633 = arith.extui %and3A_632 : i1 to i32
      %cond3A_634 = arith.constant 0 : i32
      %cond3A_635 = arith.cmpi ne, %convert_element_type3A_633, %cond3A_634 : i32
      scf.if %cond3A_635 {
        %add3A_678 = arith.constant 0 : i32
        %add3A_679 = arith.addi %mul3A_2, %add3A_678 : i32
        %dma_wait3A_680 = arith.constant 0 : i32
        %dma_wait3A_681 = arith.constant 0 : i32
        %dma_wait3A_682 = arith.constant 0 : i32
        %dma_wait3A_683 = tpu.memref_slice %arg7[%dma_wait3A_680, %dma_wait3A_681, %dma_wait3A_682] : memref<4x128x128xf32, #tpu.memory_space<vmem>> -> memref<1x128x128xf32, #tpu.memory_space<vmem>>
        %dma_wait3A_684 = tpu.memref_squeeze %dma_wait3A_683 : memref<1x128x128xf32, #tpu.memory_space<vmem>> -> memref<128x128xf32, #tpu.memory_space<vmem>>
        %dma_wait3A_685 = tpu.memref_slice %arg6[%add3A_679, %mul3A_0] : memref<8192x2048xf32, #tpu.memory_space<hbm>> -> memref<128x128xf32, #tpu.memory_space<hbm>>
        %dma_wait3A_686 = tpu.memref_slice %arg6[%add3A_679, %mul3A_0] : memref<8192x2048xf32, #tpu.memory_space<hbm>> -> memref<128x128xf32, #tpu.memory_space<hbm>>
        %dma_wait3A_687 = arith.constant 0 : i32
        %dma_wait3A_688 = arith.constant 0 : i32
        %dma_wait3A_689 = tpu.memref_slice %arg7[%dma_wait3A_680, %dma_wait3A_687, %dma_wait3A_688] : memref<4x128x128xf32, #tpu.memory_space<vmem>> -> memref<1x128x128xf32, #tpu.memory_space<vmem>>
        %dma_wait3A_690 = tpu.memref_squeeze %dma_wait3A_689 : memref<1x128x128xf32, #tpu.memory_space<vmem>> -> memref<128x128xf32, #tpu.memory_space<vmem>>
        tpu.wait_dma2 semaphore(%arg15 : memref<!tpu.dma_semaphore, #tpu.memory_space<semaphore_mem>>) src(%dma_wait3A_690 : memref<128x128xf32, #tpu.memory_space<vmem>>) dst(%dma_wait3A_686 : memref<128x128xf32, #tpu.memory_space<hbm>>)
        %mul3A_691 = arith.constant 128 : i32
        %mul3A_692 = arith.muli %add3A_627, %mul3A_691 : i32
        %add3A_693 = arith.addi %mul3A_2, %mul3A_692 : i32
        %dma_start3A_694 = arith.constant 0 : i32
        %dma_start3A_695 = arith.constant 0 : i32
        %dma_start3A_696 = arith.constant 0 : i32
        %dma_start3A_697 = tpu.memref_slice %arg7[%dma_start3A_694, %dma_start3A_695, %dma_start3A_696] : memref<4x128x128xf32, #tpu.memory_space<vmem>> -> memref<1x128x128xf32, #tpu.memory_space<vmem>>
        %dma_start3A_698 = tpu.memref_squeeze %dma_start3A_697 : memref<1x128x128xf32, #tpu.memory_space<vmem>> -> memref<128x128xf32, #tpu.memory_space<vmem>>
        %dma_start3A_699 = tpu.memref_slice %arg2[%add3A_693, %mul3A_0] : memref<8192x2048xf32, #tpu.memory_space<hbm>> -> memref<128x128xf32, #tpu.memory_space<hbm>>
        %dma_start3A_700 = arith.constant 0 : i32
        %dma_start3A_701 = arith.constant 0 : i32
        %dma_start3A_702 = tpu.memref_slice %arg7[%dma_start3A_694, %dma_start3A_700, %dma_start3A_701] : memref<4x128x128xf32, #tpu.memory_space<vmem>> -> memref<1x128x128xf32, #tpu.memory_space<vmem>>
        %dma_start3A_703 = tpu.memref_squeeze %dma_start3A_702 : memref<1x128x128xf32, #tpu.memory_space<vmem>> -> memref<128x128xf32, #tpu.memory_space<vmem>>
        %dma_start3A_704 = tpu.memref_slice %arg2[%add3A_693, %mul3A_0] : memref<8192x2048xf32, #tpu.memory_space<hbm>> -> memref<128x128xf32, #tpu.memory_space<hbm>>
        tpu.enqueue_dma source(%dma_start3A_704 : memref<128x128xf32, #tpu.memory_space<hbm>>) target(%dma_start3A_703 : memref<128x128xf32, #tpu.memory_space<vmem>>) target_semaphore(%arg11 : memref<!tpu.dma_semaphore, #tpu.memory_space<semaphore_mem>>)
      } else {
      }
      %add3A_636 = arith.constant 3 : i32
      %add3A_637 = arith.addi %mul3A_514, %add3A_636 : i32
      %add3A_638 = arith.constant 0 : i32
      %add3A_639 = arith.addi %mul3A_2, %add3A_638 : i32
      %dma_wait3A_640 = arith.constant 3 : i32
      %dma_wait3A_641 = arith.constant 0 : i32
      %dma_wait3A_642 = arith.constant 0 : i32
      %dma_wait3A_643 = tpu.memref_slice %arg7[%dma_wait3A_640, %dma_wait3A_641, %dma_wait3A_642] : memref<4x128x128xf32, #tpu.memory_space<vmem>> -> memref<1x128x128xf32, #tpu.memory_space<vmem>>
      %dma_wait3A_644 = tpu.memref_squeeze %dma_wait3A_643 : memref<1x128x128xf32, #tpu.memory_space<vmem>> -> memref<128x128xf32, #tpu.memory_space<vmem>>
      %dma_wait3A_645 = tpu.memref_slice %arg2[%add3A_639, %mul3A_0] : memref<8192x2048xf32, #tpu.memory_space<hbm>> -> memref<128x128xf32, #tpu.memory_space<hbm>>
      %dma_wait3A_646 = arith.constant 0 : i32
      %dma_wait3A_647 = arith.constant 0 : i32
      %dma_wait3A_648 = tpu.memref_slice %arg7[%dma_wait3A_640, %dma_wait3A_646, %dma_wait3A_647] : memref<4x128x128xf32, #tpu.memory_space<vmem>> -> memref<1x128x128xf32, #tpu.memory_space<vmem>>
      %dma_wait3A_649 = tpu.memref_squeeze %dma_wait3A_648 : memref<1x128x128xf32, #tpu.memory_space<vmem>> -> memref<128x128xf32, #tpu.memory_space<vmem>>
      %dma_wait3A_650 = tpu.memref_slice %arg2[%add3A_639, %mul3A_0] : memref<8192x2048xf32, #tpu.memory_space<hbm>> -> memref<128x128xf32, #tpu.memory_space<hbm>>
      tpu.wait_dma2 semaphore(%arg14 : memref<!tpu.dma_semaphore, #tpu.memory_space<semaphore_mem>>) src(%dma_wait3A_650 : memref<128x128xf32, #tpu.memory_space<hbm>>) dst(%dma_wait3A_649 : memref<128x128xf32, #tpu.memory_space<vmem>>)
      %parallel_loop3A_651 = arith.constant 0 : i32
      %parallel_loop3A_652 = arith.constant 128 : i32
      %parallel_loop3A_653 = arith.constant 1 : i32
      scf.for %parallel_loop3A_678 = %parallel_loop3A_651 to %parallel_loop3A_652 step %parallel_loop3A_653  : i32 {
        %parallel_loop3A_679 = arith.constant 3 : i32
        %parallel_loop3A_680 = arith.index_cast %parallel_loop3A_679 : i32 to index
        %parallel_loop3A_681 = arith.index_cast %parallel_loop3A_678 : i32 to index
        %parallel_loop3A_682 = arith.constant 0 : index
        %parallel_loop3A_683 = tpu.vector_load %arg7[%parallel_loop3A_680, %parallel_loop3A_681, %parallel_loop3A_682] {strides = array<i32>} : memref<4x128x128xf32, #tpu.memory_space<vmem>>, vector<16xf32>,
        %parallel_loop3A_684 = arith.mulf %parallel_loop3A_683, %div3A_175 : vector<16xf32>
        %parallel_loop3A_685 = arith.subf %parallel_loop3A_684, %sub3A_189 : vector<16xf32>
        %parallel_loop3A_686 = arith.fptosi %parallel_loop3A_685 : vector<16xf32> to vector<16xi32>
        tpu.vector_store_idx %arg8[%parallel_loop3A_686], %broadcast_in_dim3A_164 {add = true} : memref<1280xf32, #tpu.memory_space<vmem>>[vector<16xi32>], vector<16xf32>,
        %parallel_loop3A_687 = arith.constant 3 : i32
        %parallel_loop3A_688 = arith.index_cast %parallel_loop3A_687 : i32 to index
        %parallel_loop3A_689 = arith.index_cast %parallel_loop3A_678 : i32 to index
        %parallel_loop3A_690 = arith.constant 16 : index
        %parallel_loop3A_691 = tpu.vector_load %arg7[%parallel_loop3A_688, %parallel_loop3A_689, %parallel_loop3A_690] {strides = array<i32>} : memref<4x128x128xf32, #tpu.memory_space<vmem>>, vector<16xf32>,
        %parallel_loop3A_692 = arith.mulf %parallel_loop3A_691, %div3A_204 : vector<16xf32>
        %parallel_loop3A_693 = arith.subf %parallel_loop3A_692, %sub3A_219 : vector<16xf32>
        %parallel_loop3A_694 = arith.fptosi %parallel_loop3A_693 : vector<16xf32> to vector<16xi32>
        tpu.vector_store_idx %arg8[%parallel_loop3A_694], %broadcast_in_dim3A_164 {add = true} : memref<1280xf32, #tpu.memory_space<vmem>>[vector<16xi32>], vector<16xf32>,
        %parallel_loop3A_695 = arith.constant 3 : i32
        %parallel_loop3A_696 = arith.index_cast %parallel_loop3A_695 : i32 to index
        %parallel_loop3A_697 = arith.index_cast %parallel_loop3A_678 : i32 to index
        %parallel_loop3A_698 = arith.constant 32 : index
        %parallel_loop3A_699 = tpu.vector_load %arg7[%parallel_loop3A_696, %parallel_loop3A_697, %parallel_loop3A_698] {strides = array<i32>} : memref<4x128x128xf32, #tpu.memory_space<vmem>>, vector<16xf32>,
        %parallel_loop3A_700 = arith.mulf %parallel_loop3A_699, %div3A_234 : vector<16xf32>
        %parallel_loop3A_701 = arith.subf %parallel_loop3A_700, %sub3A_249 : vector<16xf32>
        %parallel_loop3A_702 = arith.fptosi %parallel_loop3A_701 : vector<16xf32> to vector<16xi32>
        tpu.vector_store_idx %arg8[%parallel_loop3A_702], %broadcast_in_dim3A_164 {add = true} : memref<1280xf32, #tpu.memory_space<vmem>>[vector<16xi32>], vector<16xf32>,
        %parallel_loop3A_703 = arith.constant 3 : i32
        %parallel_loop3A_704 = arith.index_cast %parallel_loop3A_703 : i32 to index
        %parallel_loop3A_705 = arith.index_cast %parallel_loop3A_678 : i32 to index
        %parallel_loop3A_706 = arith.constant 48 : index
        %parallel_loop3A_707 = tpu.vector_load %arg7[%parallel_loop3A_704, %parallel_loop3A_705, %parallel_loop3A_706] {strides = array<i32>} : memref<4x128x128xf32, #tpu.memory_space<vmem>>, vector<16xf32>,
        %parallel_loop3A_708 = arith.mulf %parallel_loop3A_707, %div3A_264 : vector<16xf32>
        %parallel_loop3A_709 = arith.subf %parallel_loop3A_708, %sub3A_279 : vector<16xf32>
        %parallel_loop3A_710 = arith.fptosi %parallel_loop3A_709 : vector<16xf32> to vector<16xi32>
        tpu.vector_store_idx %arg8[%parallel_loop3A_710], %broadcast_in_dim3A_164 {add = true} : memref<1280xf32, #tpu.memory_space<vmem>>[vector<16xi32>], vector<16xf32>,
        %parallel_loop3A_711 = arith.constant 3 : i32
        %parallel_loop3A_712 = arith.index_cast %parallel_loop3A_711 : i32 to index
        %parallel_loop3A_713 = arith.index_cast %parallel_loop3A_678 : i32 to index
        %parallel_loop3A_714 = arith.constant 64 : index
        %parallel_loop3A_715 = tpu.vector_load %arg7[%parallel_loop3A_712, %parallel_loop3A_713, %parallel_loop3A_714] {strides = array<i32>} : memref<4x128x128xf32, #tpu.memory_space<vmem>>, vector<16xf32>,
        %parallel_loop3A_716 = arith.mulf %parallel_loop3A_715, %div3A_294 : vector<16xf32>
        %parallel_loop3A_717 = arith.subf %parallel_loop3A_716, %sub3A_309 : vector<16xf32>
        %parallel_loop3A_718 = arith.fptosi %parallel_loop3A_717 : vector<16xf32> to vector<16xi32>
        tpu.vector_store_idx %arg8[%parallel_loop3A_718], %broadcast_in_dim3A_164 {add = true} : memref<1280xf32, #tpu.memory_space<vmem>>[vector<16xi32>], vector<16xf32>,
        %parallel_loop3A_719 = arith.constant 3 : i32
        %parallel_loop3A_720 = arith.index_cast %parallel_loop3A_719 : i32 to index
        %parallel_loop3A_721 = arith.index_cast %parallel_loop3A_678 : i32 to index
        %parallel_loop3A_722 = arith.constant 80 : index
        %parallel_loop3A_723 = tpu.vector_load %arg7[%parallel_loop3A_720, %parallel_loop3A_721, %parallel_loop3A_722] {strides = array<i32>} : memref<4x128x128xf32, #tpu.memory_space<vmem>>, vector<16xf32>,
        %parallel_loop3A_724 = arith.mulf %parallel_loop3A_723, %div3A_324 : vector<16xf32>
        %parallel_loop3A_725 = arith.subf %parallel_loop3A_724, %sub3A_339 : vector<16xf32>
        %parallel_loop3A_726 = arith.fptosi %parallel_loop3A_725 : vector<16xf32> to vector<16xi32>
        tpu.vector_store_idx %arg8[%parallel_loop3A_726], %broadcast_in_dim3A_164 {add = true} : memref<1280xf32, #tpu.memory_space<vmem>>[vector<16xi32>], vector<16xf32>,
        %parallel_loop3A_727 = arith.constant 3 : i32
        %parallel_loop3A_728 = arith.index_cast %parallel_loop3A_727 : i32 to index
        %parallel_loop3A_729 = arith.index_cast %parallel_loop3A_678 : i32 to index
        %parallel_loop3A_730 = arith.constant 96 : index
        %parallel_loop3A_731 = tpu.vector_load %arg7[%parallel_loop3A_728, %parallel_loop3A_729, %parallel_loop3A_730] {strides = array<i32>} : memref<4x128x128xf32, #tpu.memory_space<vmem>>, vector<16xf32>,
        %parallel_loop3A_732 = arith.mulf %parallel_loop3A_731, %div3A_354 : vector<16xf32>
        %parallel_loop3A_733 = arith.subf %parallel_loop3A_732, %sub3A_369 : vector<16xf32>
        %parallel_loop3A_734 = arith.fptosi %parallel_loop3A_733 : vector<16xf32> to vector<16xi32>
        tpu.vector_store_idx %arg8[%parallel_loop3A_734], %broadcast_in_dim3A_164 {add = true} : memref<1280xf32, #tpu.memory_space<vmem>>[vector<16xi32>], vector<16xf32>,
        %parallel_loop3A_735 = arith.constant 3 : i32
        %parallel_loop3A_736 = arith.index_cast %parallel_loop3A_735 : i32 to index
        %parallel_loop3A_737 = arith.index_cast %parallel_loop3A_678 : i32 to index
        %parallel_loop3A_738 = arith.constant 112 : index
        %parallel_loop3A_739 = tpu.vector_load %arg7[%parallel_loop3A_736, %parallel_loop3A_737, %parallel_loop3A_738] {strides = array<i32>} : memref<4x128x128xf32, #tpu.memory_space<vmem>>, vector<16xf32>,
        %parallel_loop3A_740 = arith.mulf %parallel_loop3A_739, %div3A_384 : vector<16xf32>
        %parallel_loop3A_741 = arith.subf %parallel_loop3A_740, %sub3A_399 : vector<16xf32>
        %parallel_loop3A_742 = arith.fptosi %parallel_loop3A_741 : vector<16xf32> to vector<16xi32>
        tpu.vector_store_idx %arg8[%parallel_loop3A_742], %broadcast_in_dim3A_164 {add = true} : memref<1280xf32, #tpu.memory_space<vmem>>[vector<16xi32>], vector<16xf32>,
      } {sc.loop_unroll_factor = 8 : i64, sc.parallel_access}
      %mul3A_654 = arith.constant 128 : i32
      %mul3A_655 = arith.muli %add3A_637, %mul3A_654 : i32
      %add3A_656 = arith.addi %mul3A_2, %mul3A_655 : i32
      %dma_start3A_657 = arith.constant 3 : i32
      %dma_start3A_658 = arith.constant 0 : i32
      %dma_start3A_659 = arith.constant 0 : i32
      %dma_start3A_660 = tpu.memref_slice %arg7[%dma_start3A_657, %dma_start3A_658, %dma_start3A_659] : memref<4x128x128xf32, #tpu.memory_space<vmem>> -> memref<1x128x128xf32, #tpu.memory_space<vmem>>
      %dma_start3A_661 = tpu.memref_squeeze %dma_start3A_660 : memref<1x128x128xf32, #tpu.memory_space<vmem>> -> memref<128x128xf32, #tpu.memory_space<vmem>>
      %dma_start3A_662 = tpu.memref_slice %arg6[%add3A_656, %mul3A_0] : memref<8192x2048xf32, #tpu.memory_space<hbm>> -> memref<128x128xf32, #tpu.memory_space<hbm>>
      %dma_start3A_663 = tpu.memref_slice %arg6[%add3A_656, %mul3A_0] : memref<8192x2048xf32, #tpu.memory_space<hbm>> -> memref<128x128xf32, #tpu.memory_space<hbm>>
      %dma_start3A_664 = arith.constant 0 : i32
      %dma_start3A_665 = arith.constant 0 : i32
      %dma_start3A_666 = tpu.memref_slice %arg7[%dma_start3A_657, %dma_start3A_664, %dma_start3A_665] : memref<4x128x128xf32, #tpu.memory_space<vmem>> -> memref<1x128x128xf32, #tpu.memory_space<vmem>>
      %dma_start3A_667 = tpu.memref_squeeze %dma_start3A_666 : memref<1x128x128xf32, #tpu.memory_space<vmem>> -> memref<128x128xf32, #tpu.memory_space<vmem>>
      tpu.enqueue_dma source(%dma_start3A_667 : memref<128x128xf32, #tpu.memory_space<vmem>>) target(%dma_start3A_663 : memref<128x128xf32, #tpu.memory_space<hbm>>) target_semaphore(%arg18 : memref<!tpu.dma_semaphore, #tpu.memory_space<semaphore_mem>>)
      %add3A_668 = arith.constant 2 : i32
      %add3A_669 = arith.addi %add3A_637, %add3A_668 : i32
      %ge3A_670 = arith.constant 4 : i32
      %ge3A_671 = arith.cmpi sge, %add3A_669, %ge3A_670 : i32
      %lt3A_672 = arith.constant 32 : i32
      %lt3A_673 = arith.cmpi slt, %add3A_669, %lt3A_672 : i32
      %and3A_674 = arith.andi %ge3A_671, %lt3A_673 : i1
      %convert_element_type3A_675 = arith.extui %and3A_674 : i1 to i32
      %cond3A_676 = arith.constant 0 : i32
      %cond3A_677 = arith.cmpi ne, %convert_element_type3A_675, %cond3A_676 : i32
      scf.if %cond3A_677 {
        %add3A_678 = arith.constant 0 : i32
        %add3A_679 = arith.addi %mul3A_2, %add3A_678 : i32
        %dma_wait3A_680 = arith.constant 1 : i32
        %dma_wait3A_681 = arith.constant 0 : i32
        %dma_wait3A_682 = arith.constant 0 : i32
        %dma_wait3A_683 = tpu.memref_slice %arg7[%dma_wait3A_680, %dma_wait3A_681, %dma_wait3A_682] : memref<4x128x128xf32, #tpu.memory_space<vmem>> -> memref<1x128x128xf32, #tpu.memory_space<vmem>>
        %dma_wait3A_684 = tpu.memref_squeeze %dma_wait3A_683 : memref<1x128x128xf32, #tpu.memory_space<vmem>> -> memref<128x128xf32, #tpu.memory_space<vmem>>
        %dma_wait3A_685 = tpu.memref_slice %arg6[%add3A_679, %mul3A_0] : memref<8192x2048xf32, #tpu.memory_space<hbm>> -> memref<128x128xf32, #tpu.memory_space<hbm>>
        %dma_wait3A_686 = tpu.memref_slice %arg6[%add3A_679, %mul3A_0] : memref<8192x2048xf32, #tpu.memory_space<hbm>> -> memref<128x128xf32, #tpu.memory_space<hbm>>
        %dma_wait3A_687 = arith.constant 0 : i32
        %dma_wait3A_688 = arith.constant 0 : i32
        %dma_wait3A_689 = tpu.memref_slice %arg7[%dma_wait3A_680, %dma_wait3A_687, %dma_wait3A_688] : memref<4x128x128xf32, #tpu.memory_space<vmem>> -> memref<1x128x128xf32, #tpu.memory_space<vmem>>
        %dma_wait3A_690 = tpu.memref_squeeze %dma_wait3A_689 : memref<1x128x128xf32, #tpu.memory_space<vmem>> -> memref<128x128xf32, #tpu.memory_space<vmem>>
        tpu.wait_dma2 semaphore(%arg16 : memref<!tpu.dma_semaphore, #tpu.memory_space<semaphore_mem>>) src(%dma_wait3A_690 : memref<128x128xf32, #tpu.memory_space<vmem>>) dst(%dma_wait3A_686 : memref<128x128xf32, #tpu.memory_space<hbm>>)
        %mul3A_691 = arith.constant 128 : i32
        %mul3A_692 = arith.muli %add3A_669, %mul3A_691 : i32
        %add3A_693 = arith.addi %mul3A_2, %mul3A_692 : i32
        %dma_start3A_694 = arith.constant 1 : i32
        %dma_start3A_695 = arith.constant 0 : i32
        %dma_start3A_696 = arith.constant 0 : i32
        %dma_start3A_697 = tpu.memref_slice %arg7[%dma_start3A_694, %dma_start3A_695, %dma_start3A_696] : memref<4x128x128xf32, #tpu.memory_space<vmem>> -> memref<1x128x128xf32, #tpu.memory_space<vmem>>
        %dma_start3A_698 = tpu.memref_squeeze %dma_start3A_697 : memref<1x128x128xf32, #tpu.memory_space<vmem>> -> memref<128x128xf32, #tpu.memory_space<vmem>>
        %dma_start3A_699 = tpu.memref_slice %arg2[%add3A_693, %mul3A_0] : memref<8192x2048xf32, #tpu.memory_space<hbm>> -> memref<128x128xf32, #tpu.memory_space<hbm>>
        %dma_start3A_700 = arith.constant 0 : i32
        %dma_start3A_701 = arith.constant 0 : i32
        %dma_start3A_702 = tpu.memref_slice %arg7[%dma_start3A_694, %dma_start3A_700, %dma_start3A_701] : memref<4x128x128xf32, #tpu.memory_space<vmem>> -> memref<1x128x128xf32, #tpu.memory_space<vmem>>
        %dma_start3A_703 = tpu.memref_squeeze %dma_start3A_702 : memref<1x128x128xf32, #tpu.memory_space<vmem>> -> memref<128x128xf32, #tpu.memory_space<vmem>>
        %dma_start3A_704 = tpu.memref_slice %arg2[%add3A_693, %mul3A_0] : memref<8192x2048xf32, #tpu.memory_space<hbm>> -> memref<128x128xf32, #tpu.memory_space<hbm>>
        tpu.enqueue_dma source(%dma_start3A_704 : memref<128x128xf32, #tpu.memory_space<hbm>>) target(%dma_start3A_703 : memref<128x128xf32, #tpu.memory_space<vmem>>) target_semaphore(%arg12 : memref<!tpu.dma_semaphore, #tpu.memory_space<semaphore_mem>>)
      } else {
      }
    }
    %scan3A_455 = arith.constant 8 : i32
    %add3A_456 = arith.constant 0 : i32
    %add3A_457 = arith.addi %mul3A_2, %add3A_456 : i32
    %dma_wait3A = arith.constant 0 : i32
    %dma_wait3A_458 = arith.constant 0 : i32
    %dma_wait3A_459 = arith.constant 0 : i32
    %dma_wait3A_460 = tpu.memref_slice %arg7[%dma_wait3A, %dma_wait3A_458, %dma_wait3A_459] : memref<4x128x128xf32, #tpu.memory_space<vmem>> -> memref<1x128x128xf32, #tpu.memory_space<vmem>>
    %dma_wait3A_461 = tpu.memref_squeeze %dma_wait3A_460 : memref<1x128x128xf32, #tpu.memory_space<vmem>> -> memref<128x128xf32, #tpu.memory_space<vmem>>
    %dma_wait3A_462 = tpu.memref_slice %arg6[%add3A_457, %mul3A_0] : memref<8192x2048xf32, #tpu.memory_space<hbm>> -> memref<128x128xf32, #tpu.memory_space<hbm>>
    %dma_wait3A_463 = tpu.memref_slice %arg6[%add3A_457, %mul3A_0] : memref<8192x2048xf32, #tpu.memory_space<hbm>> -> memref<128x128xf32, #tpu.memory_space<hbm>>
    %dma_wait3A_464 = arith.constant 0 : i32
    %dma_wait3A_465 = arith.constant 0 : i32
    %dma_wait3A_466 = tpu.memref_slice %arg7[%dma_wait3A, %dma_wait3A_464, %dma_wait3A_465] : memref<4x128x128xf32, #tpu.memory_space<vmem>> -> memref<1x128x128xf32, #tpu.memory_space<vmem>>
    %dma_wait3A_467 = tpu.memref_squeeze %dma_wait3A_466 : memref<1x128x128xf32, #tpu.memory_space<vmem>> -> memref<128x128xf32, #tpu.memory_space<vmem>>
    tpu.wait_dma2 semaphore(%arg15 : memref<!tpu.dma_semaphore, #tpu.memory_space<semaphore_mem>>) src(%dma_wait3A_467 : memref<128x128xf32, #tpu.memory_space<vmem>>) dst(%dma_wait3A_463 : memref<128x128xf32, #tpu.memory_space<hbm>>)
    %add3A_468 = arith.constant 0 : i32
    %add3A_469 = arith.addi %mul3A_2, %add3A_468 : i32
    %dma_wait3A_470 = arith.constant 1 : i32
    %dma_wait3A_471 = arith.constant 0 : i32
    %dma_wait3A_472 = arith.constant 0 : i32
    %dma_wait3A_473 = tpu.memref_slice %arg7[%dma_wait3A_470, %dma_wait3A_471, %dma_wait3A_472] : memref<4x128x128xf32, #tpu.memory_space<vmem>> -> memref<1x128x128xf32, #tpu.memory_space<vmem>>
    %dma_wait3A_474 = tpu.memref_squeeze %dma_wait3A_473 : memref<1x128x128xf32, #tpu.memory_space<vmem>> -> memref<128x128xf32, #tpu.memory_space<vmem>>
    %dma_wait3A_475 = tpu.memref_slice %arg6[%add3A_469, %mul3A_0] : memref<8192x2048xf32, #tpu.memory_space<hbm>> -> memref<128x128xf32, #tpu.memory_space<hbm>>
    %dma_wait3A_476 = tpu.memref_slice %arg6[%add3A_469, %mul3A_0] : memref<8192x2048xf32, #tpu.memory_space<hbm>> -> memref<128x128xf32, #tpu.memory_space<hbm>>
    %dma_wait3A_477 = arith.constant 0 : i32
    %dma_wait3A_478 = arith.constant 0 : i32
    %dma_wait3A_479 = tpu.memref_slice %arg7[%dma_wait3A_470, %dma_wait3A_477, %dma_wait3A_478] : memref<4x128x128xf32, #tpu.memory_space<vmem>> -> memref<1x128x128xf32, #tpu.memory_space<vmem>>
    %dma_wait3A_480 = tpu.memref_squeeze %dma_wait3A_479 : memref<1x128x128xf32, #tpu.memory_space<vmem>> -> memref<128x128xf32, #tpu.memory_space<vmem>>
    tpu.wait_dma2 semaphore(%arg16 : memref<!tpu.dma_semaphore, #tpu.memory_space<semaphore_mem>>) src(%dma_wait3A_480 : memref<128x128xf32, #tpu.memory_space<vmem>>) dst(%dma_wait3A_476 : memref<128x128xf32, #tpu.memory_space<hbm>>)
    %add3A_481 = arith.constant 0 : i32
    %add3A_482 = arith.addi %mul3A_2, %add3A_481 : i32
    %dma_wait3A_483 = arith.constant 2 : i32
    %dma_wait3A_484 = arith.constant 0 : i32
    %dma_wait3A_485 = arith.constant 0 : i32
    %dma_wait3A_486 = tpu.memref_slice %arg7[%dma_wait3A_483, %dma_wait3A_484, %dma_wait3A_485] : memref<4x128x128xf32, #tpu.memory_space<vmem>> -> memref<1x128x128xf32, #tpu.memory_space<vmem>>
    %dma_wait3A_487 = tpu.memref_squeeze %dma_wait3A_486 : memref<1x128x128xf32, #tpu.memory_space<vmem>> -> memref<128x128xf32, #tpu.memory_space<vmem>>
    %dma_wait3A_488 = tpu.memref_slice %arg6[%add3A_482, %mul3A_0] : memref<8192x2048xf32, #tpu.memory_space<hbm>> -> memref<128x128xf32, #tpu.memory_space<hbm>>
    %dma_wait3A_489 = tpu.memref_slice %arg6[%add3A_482, %mul3A_0] : memref<8192x2048xf32, #tpu.memory_space<hbm>> -> memref<128x128xf32, #tpu.memory_space<hbm>>
    %dma_wait3A_490 = arith.constant 0 : i32
    %dma_wait3A_491 = arith.constant 0 : i32
    %dma_wait3A_492 = tpu.memref_slice %arg7[%dma_wait3A_483, %dma_wait3A_490, %dma_wait3A_491] : memref<4x128x128xf32, #tpu.memory_space<vmem>> -> memref<1x128x128xf32, #tpu.memory_space<vmem>>
    %dma_wait3A_493 = tpu.memref_squeeze %dma_wait3A_492 : memref<1x128x128xf32, #tpu.memory_space<vmem>> -> memref<128x128xf32, #tpu.memory_space<vmem>>
    tpu.wait_dma2 semaphore(%arg17 : memref<!tpu.dma_semaphore, #tpu.memory_space<semaphore_mem>>) src(%dma_wait3A_493 : memref<128x128xf32, #tpu.memory_space<vmem>>) dst(%dma_wait3A_489 : memref<128x128xf32, #tpu.memory_space<hbm>>)
    %add3A_494 = arith.constant 0 : i32
    %add3A_495 = arith.addi %mul3A_2, %add3A_494 : i32
    %dma_wait3A_496 = arith.constant 3 : i32
    %dma_wait3A_497 = arith.constant 0 : i32
    %dma_wait3A_498 = arith.constant 0 : i32
    %dma_wait3A_499 = tpu.memref_slice %arg7[%dma_wait3A_496, %dma_wait3A_497, %dma_wait3A_498] : memref<4x128x128xf32, #tpu.memory_space<vmem>> -> memref<1x128x128xf32, #tpu.memory_space<vmem>>
    %dma_wait3A_500 = tpu.memref_squeeze %dma_wait3A_499 : memref<1x128x128xf32, #tpu.memory_space<vmem>> -> memref<128x128xf32, #tpu.memory_space<vmem>>
    %dma_wait3A_501 = tpu.memref_slice %arg6[%add3A_495, %mul3A_0] : memref<8192x2048xf32, #tpu.memory_space<hbm>> -> memref<128x128xf32, #tpu.memory_space<hbm>>
    %dma_wait3A_502 = tpu.memref_slice %arg6[%add3A_495, %mul3A_0] : memref<8192x2048xf32, #tpu.memory_space<hbm>> -> memref<128x128xf32, #tpu.memory_space<hbm>>
    %dma_wait3A_503 = arith.constant 0 : i32
    %dma_wait3A_504 = arith.constant 0 : i32
    %dma_wait3A_505 = tpu.memref_slice %arg7[%dma_wait3A_496, %dma_wait3A_503, %dma_wait3A_504] : memref<4x128x128xf32, #tpu.memory_space<vmem>> -> memref<1x128x128xf32, #tpu.memory_space<vmem>>
    %dma_wait3A_506 = tpu.memref_squeeze %dma_wait3A_505 : memref<1x128x128xf32, #tpu.memory_space<vmem>> -> memref<128x128xf32, #tpu.memory_space<vmem>>
    tpu.wait_dma2 semaphore(%arg18 : memref<!tpu.dma_semaphore, #tpu.memory_space<semaphore_mem>>) src(%dma_wait3A_506 : memref<128x128xf32, #tpu.memory_space<vmem>>) dst(%dma_wait3A_502 : memref<128x128xf32, #tpu.memory_space<hbm>>)
    %mul3A_507 = arith.constant 16 : i32
    %mul3A_508 = arith.muli %arg0, %mul3A_507 : i32
    %add3A_509 = arith.addi %mul3A_508, %arg1 : i32
    %mul3A_510 = arith.constant 1280 : i32
    %mul3A_511 = arith.muli %add3A_509, %mul3A_510 : i32
    "tpu.region"() ({
      %run_scoped3A = tpu.sem_alloc : memref<!tpu.dma_semaphore, #tpu.memory_space<semaphore_mem>>
      %dma_start3A_512 = tpu.memref_slice %arg5[%mul3A_511] : memref<40960xf32, #tpu.memory_space<hbm>> -> memref<1280xf32, #tpu.memory_space<hbm>>
      %dma_start3A_513 = tpu.memref_slice %arg5[%mul3A_511] : memref<40960xf32, #tpu.memory_space<hbm>> -> memref<1280xf32, #tpu.memory_space<hbm>>
      tpu.enqueue_dma source(%arg8 : memref<1280xf32, #tpu.memory_space<vmem>>) target(%dma_start3A_513 : memref<1280xf32, #tpu.memory_space<hbm>>) target_semaphore(%run_scoped3A : memref<!tpu.dma_semaphore, #tpu.memory_space<semaphore_mem>>)
      %dma_wait3A_514 = tpu.memref_slice %arg5[%mul3A_511] : memref<40960xf32, #tpu.memory_space<hbm>> -> memref<1280xf32, #tpu.memory_space<hbm>>
      %dma_wait3A_515 = tpu.memref_slice %arg5[%mul3A_511] : memref<40960xf32, #tpu.memory_space<hbm>> -> memref<1280xf32, #tpu.memory_space<hbm>>
      tpu.wait_dma2 semaphore(%run_scoped3A : memref<!tpu.dma_semaphore, #tpu.memory_space<semaphore_mem>>) src(%arg8 : memref<1280xf32, #tpu.memory_space<vmem>>) dst(%dma_wait3A_515 : memref<1280xf32, #tpu.memory_space<hbm>>)
      tpu.yield
    }) : () -> ()
    return
  }
}

</mosaic_0001>

<sc_bundles>
// kernel: _sc_hist.3.cloned.1.call-start
scs
__scs_entry_jumppad:
0x0: {  	(pc) =	sbr.rel $0x88, $3  }
0x1: {  	(tag) =	ssettag $0x0;
	lr =	simm.s32 $0x1  }
0x2: {  	[smem:$0x3F9E] =	sst lr;
	_ =	strace $0xD0000000  }
0x3: {  	_ = 	snop  }
0x4: {  	_ = 	snop  }
0x5: {  	_ = 	snop  }
0x6: {  	_ = 	snop  }
0x7: {  	_ = 	snop  }
__scs_overlays_trampoline_lowered:
0x8: {  	[smem:$0x3FAD] =	sst s0  }
0x9: {  	[smem:$0x3FAE] =	sst s1  }
0xa: {  	[smem:$0x3FAF] =	sst s2  }
0xb: {  	[smem:$0x3FB0] =	sst s3  }
0xc: {  	[smem:$0x3FB1] =	sst s4  }
0xd: {  	[smem:$0x3FB2] =	sst s5  }
0xe: {  	[smem:$0x3FB3] =	sst s6  }
0xf: {  	[smem:$0x3FB4] =	sst s7  }
0x10: {  	[smem:$0x3FB5] =	sst s8  }
0x11: {  	[smem:$0x3FB6] =	sst s9;
	s0 =	simm.s32 @!p0 $0x0  }
0x12: {  	s1 =	sld [smem:$0x3F9C];
	s0 =	simm.s32 @p0 $0x1  }
0x13: {  	[smem:$0x3FB7] =	sst s0;
	s0 =	simm.s32 @!p1 $0x0  }
0x14: {  	s2 =	sld [smem:$0x3F9B];
	s0 =	simm.s32 @p1 $0x1  }
0x15: {  	[smem:$0x3FB8] =	sst s0;
	s0 =	simm.s32 @!p2 $0x0  }
0x16: {  	s3 =	sld [smem:$0x3FDB];
	s0 =	simm.s32 @p2 $0x1  }
0x17: {  	s4 =	simm.s32 $0x1BF5;
	[smem:$0x3FBA] =	sst s0  }
0x18: {  	s0 =	sld [smem:$0x3F9D];
	_ =	swait.ge [sflag:s4], $0x0  }
0x19: {  	s7 =	sld [smem:$0x3F9E]  }
0x1a: {  	s8 =	sadd.s32 $0xFFFFE003, lr  }
0x1b: {  	s9 =	sadd.s32 $0xFFFFFEF7, lr;
	s5 =	simm.s32 $0xFFFFFFFF;
	p2 =	slt.u32 s8, $0xFFFFF086  }
0x1c: {  	p1 =	slt.u32 s9, $0xF7A;
	s5 =	simm.s32 @!p2 $0x0  }
0x1d: {  	s5 =	simm.s32 @p1 $0x1;
	p0 =	seq.s32 s7, s2  }
0x1e: {  	s7 =	smul.u32 @!p0 $0xF7A, s2;
	p2 =	seq.s32 @!p0 s5, $0x0  }
0x1f: {  	s9 =	smul.u32 $0xF7A, s1;
	s8 =	simm.s32 @!p0 $0x1BF5;
	p2 =	por !p2, p0  }
0x20: {  	[sflag:s8] =	ssyncset.s32 @!p0 $0xFFFFF086;
	s6 =	sadd.s32 @!p0 s3, s7;
	s7 =	simm.s32 @!p0 $0x108  }
0x21: {  	s3 =	sadd.s32 s3, s9;
	s6 =	sadd.s32 @!p0 $0x88, s6;
	s7 =	simm.s32 @p2 $0x1082  }
0x22: {  	[simem:s7], [sflag:s8] =	dma.local @!p0 [hbm:s6], $0xF7A  }
0x23: {  	s9 =	sor.u32 $0xD0000000, s2;
	s6 =	simm.s32 $0x108;
	_ =	swait.ge @!p0 [sflag:s8], $0x0  }
0x24: {  	s3 =	sadd.s32 $0x88, s3;
	s6 =	simm.s32 @!p1 $0x1082;
	[sflag:s4] =	ssyncset.s32 $0xFFFFF086  }
0x25: {  	[simem:s6], [sflag:s4] =	dma.local [hbm:s3], $0xF7A  }
0x26: {  	[smem:$0x3F9E] =	sst s1;
	(tag) =	ssettag s2;
	_ =	strace s9  }
0x27: {  	s1 =	sld [smem:$0x3FAE]  }
0x28: {  	s2 =	sld [smem:$0x3FAF]  }
0x29: {  	s4 =	sld [smem:$0x3FB1]  }
0x2a: {  	p0 =	seq.s32 s5, $0x0;
	s5 =	sld [smem:$0x3FB2]  }
0x2b: {  	s6 =	sld [smem:$0x3FB3]  }
0x2c: {  	s7 =	sld [smem:$0x3FB4]  }
0x2d: {  	s3 =	simm.s32 $0x108;
	s8 =	sld [smem:$0x3FB5]  }
0x2e: {  	s3 =	simm.s32 @!p0 $0x1082;
	s9 =	sld [smem:$0x3FB6]  }
0x2f: {  	lr =	sadd.s32 s0, s3;
	s0 =	sld [smem:$0x3FAD]  }
0x30: {  	s3 =	sld [smem:$0x3FB0]  }
0x31: {  	[smem:$0x3FB9] =	sst s10  }
0x32: {  	s10 =	sld [smem:$0x3FB7];
	_ =	sdelay $0x3  }
0x33: {  	p0 =	seq.s32 s10, $0x1;
	s10 =	sld [smem:$0x3FB9];
	_ =	sdelay $0x3  }
0x34: {  	[smem:$0x3FB9] =	sst s10  }
0x35: {  	s10 =	sld [smem:$0x3FB8];
	_ =	sdelay $0x3  }
0x36: {  	p1 =	seq.s32 s10, $0x1;
	s10 =	sld [smem:$0x3FB9];
	_ =	sdelay $0x3  }
0x37: {  	[smem:$0x3FB9] =	sst s10  }
0x38: {  	s10 =	sld [smem:$0x3FBA]  }
0x39: {  	_ = 	snop;
	(pc) =	sbr.ind lr, $3  }
0x3a: {  	_ = 	snop  }
0x3b: {  	_ = 	snop  }
0x3c: {  	p2 =	seq.s32 s10, $0x1;
	s10 =	sld [smem:$0x3FB9]  }
0x3d: {  	_ =	shalt  }
0x3e: {  	_ =	shalt  }
0x3f: {  	_ =	shalt  }
0x40: {  	_ =	shalt  }
0x41: {  	_ =	shalt  }
0x42: {  	_ =	shalt  }
0x43: {  	_ =	shalt  }
0x44: {  	_ =	shalt  }
0x45: {  	_ =	shalt  }
0x46: {  	_ =	shalt  }
0x47: {  	_ =	shalt  }
0x48: {  	_ =	shalt  }
0x49: {  	_ =	shalt  }
0x4a: {  	_ =	shalt  }
0x4b: {  	_ =	shalt  }
0x4c: {  	_ =	shalt  }
0x4d: {  	_ =	shalt  }
0x4e: {  	_ =	shalt  }
0x4f: {  	_ =	shalt  }
0x50: {  	_ =	shalt  }
0x51: {  	_ =	shalt  }
0x52: {  	_ =	shalt  }
0x53: {  	_ =	shalt  }
0x54: {  	_ =	shalt  }
0x55: {  	_ =	shalt  }
0x56: {  	_ =	shalt  }
0x57: {  	_ =	shalt  }
0x58: {  	_ =	shalt  }
0x59: {  	_ =	shalt  }
0x5a: {  	_ =	shalt  }
0x5b: {  	_ =	shalt  }
0x5c: {  	_ =	shalt  }
0x5d: {  	_ =	shalt  }
0x5e: {  	_ =	shalt  }
0x5f: {  	_ =	shalt  }
0x60: {  	_ =	shalt  }
0x61: {  	_ =	shalt  }
0x62: {  	_ =	shalt  }
0x63: {  	_ =	shalt  }
0x64: {  	_ =	shalt  }
0x65: {  	_ =	shalt  }
0x66: {  	_ =	shalt  }
0x67: {  	_ =	shalt  }
0x68: {  	_ =	shalt  }
0x69: {  	_ =	shalt  }
0x6a: {  	_ =	shalt  }
0x6b: {  	_ =	shalt  }
0x6c: {  	_ =	shalt  }
0x6d: {  	_ =	shalt  }
0x6e: {  	_ =	shalt  }
0x6f: {  	_ =	shalt  }
0x70: {  	_ =	shalt  }
0x71: {  	_ =	shalt  }
0x72: {  	_ =	shalt  }
0x73: {  	_ =	shalt  }
0x74: {  	_ =	shalt  }
0x75: {  	_ =	shalt  }
0x76: {  	_ =	shalt  }
0x77: {  	_ =	shalt  }
0x78: {  	_ =	shalt  }
0x79: {  	_ =	shalt  }
0x7a: {  	_ =	shalt  }
0x7b: {  	_ =	shalt  }
0x7c: {  	_ =	shalt  }
0x7d: {  	_ =	shalt  }
0x7e: {  	_ =	shalt  }
0x7f: {  	_ =	shalt  }
0x80: {  	_ =	shalt  }
0x81: {  	_ =	shalt  }
0x82: {  	_ =	shalt  }
0x83: {  	_ =	shalt  }
0x84: {  	_ =	shalt  }
0x85: {  	_ =	shalt  }
0x86: {  	_ =	shalt  }
0x87: {  	_ =	shalt  }
.Lfunc_end0:
.L_simem_size_0:
called_computation_lowered:
.L_overlay_start_0:
0x88: {  	s2 =	sld [smem:$0x3FD9]  }
0x89: {  	s3 =	sld [smem:$0x3FFE];
	_ =	sdelay $0x1  }
0x8a: {  	s1 =	srdreg.scid  }
0x8b: {  	s0 =	sand.u32 $0x1, s1  }
0x8c: {  	s15 =	sshll.u32 s0, $0xA;
	s2 =	sadd.s32 s3, s2  }
0x8d: {  	s2 =	sadd.s32 s2, s15  }
0x8e: {  	[smem:$0x3FC5] =	sst s2  }
0x8f: {  	_ = 	snop  }
0x90: {  	s2 =	sld [smem:$0x3FD0]  }
0x91: {  	s16 =	sld [smem:$0x3FC9]  }
0x92: {  	s4 =	sld [smem:$0x3FC8]  }
0x93: {  	s6 =	simm.s32 $0xA;
	s7 =	simm.s32 $0x10;
	s5 =	sld [smem:$0x3FC7]  }
0x94: {  	[smem:s7], [sflag:s6] =	dma.local [hbm:s2], $0x1  }
0x95: {  	_ =	swait.eq [sflag:s6], $0x1  }
0x96: {  	[sflag:s6] =	ssyncset.done $0x0  }
0x97: {  	s17 =	sld [smem:$0x10];
	[sflag:s6] =	ssyncadd.s32 $0xFFFFFFFF  }
0x98: {  	s18 =	sld [smem:$0x11];
	(tm) =	ssettm $0x1  }
0x99: {  	s19 =	sld [smem:$0x3FFB];
	_ =	sdelay $0x3  }
0x9a: {  	_ =	strace s19  }
0x9b: {  	s7 =	sld [smem:$0x3FFC];
	_ =	sdelay $0x3  }
0x9c: {  	_ =	strace s7  }
0x9d: {  	s7 =	sld [smem:$0x3FFD];
	_ =	sdelay $0x3  }
0x9e: {  	_ =	strace s7  }
0x9f: {  	_ =	strace $0x8FFFFFFF  }
0xa0: {  	s20 =	sld [smem:$0x3FDB];
	_ =	sdelay $0x1  }
0xa1: {  	s8 =	simm.s32 $_scs_section_size  }
0xa2: {  	s9 =	simm.s32 $_size__tile_overlayer_lowered;
	s10 =	simm.s32 $_tile_overlayer_lowered  }
0xa3: {  	s23 =	simm.s32 $0x1BFF;
	s22 =	sshll.u32 s10, $0x1;
	s7 =	sadd.s32 s8, s20  }
0xa4: {  	s11 =	simm.s32 $0x0;
	s21 =	sshll.u32 s9, $0x1;
	s9 =	sadd.s32 s22, s7  }
0xa5: {  	[timem:s11], [sflag:s23] =	dma.local [hbm:s9], s21  }
0xa6: {  	_ =	swait.ge [sflag:s23], s21  }
0xa7: {  	s8 =	ssub.s32 $0x0, s21;
	[sflag:s23] =	ssyncset.done $0x0  }
0xa8: {  	[sflag:s23] =	ssyncadd.s32 s8;
	_ =	sdelay $0x1  }
0xa9: {  	s24 =	simm.s32 $0x1B8B  }
0xaa: {  	_ =	swait.ge [sflag:s24], $0x1  }
0xab: {  	[sflag:s24] =	ssyncset.done $0x0  }
0xac: {  	s25 =	simm.s32 $0x1B8E;
	[sflag:s24] =	ssyncadd.s32 $0xFFFFFFFF  }
0xad: {  	s26 =	simm.s32 $execute0_lowered;
	[smem:$0x3FD2] =	sst s25  }
0xae: {  	s8 =	sshll.u32 s26, $0x1;
	_ =	strace $0x80000046;
	[dreg:$0x1] =	wrdreg $0xFFFFFFFF  }
0xaf: {  	s28 =	simm.s32 $_size_execute0_lowered;
	s7 =	sadd.s32 s7, s8;
	[dreg:$0x0] =	wrdreg $0x0  }
0xb0: {  	s8 =	sshll.u32 s28, $0x1;
	[dreg:$0x2] =	wrdreg s7  }
0xb1: {  	[dreg:$0x3] =	wrdreg s8  }
0xb2: {  	[dreg:$0x4] =	wrdreg $0xC0  }
0xb3: {  	_ =	task [dreg:s11], $0x5FFFF  }
0xb4: {  	[dreg:$0x1] =	wrdreg $0xFFFFFFFF  }
0xb5: {  	[dreg:$0x0] =	wrdreg $0x60  }
0xb6: {  	[dreg:$0x2] =	wrdreg s16  }
0xb7: {  	[dreg:$0x3] =	wrdreg s4  }
0xb8: {  	[dreg:$0x4] =	wrdreg s5  }
0xb9: {  	[dreg:$0x5] =	wrdreg s17  }
0xba: {  	[dreg:$0x6] =	wrdreg s18  }
0xbb: {  	[dreg:$0x7] =	wrdreg $0x9  }
0xbc: {  	_ =	task.clear_ibuf [dreg:s11], $0x8FFFF;
	_ =	strace $0x90000046  }
0xbd: {  	s29 =	simm.s32 $0x9;
	_ =	strace $0x80000048  }
0xbe: {  	_ =	swait.ge [sflag:s29], $0x1  }
0xbf: {  	[sflag:s29] =	ssyncadd.s32 $0xFFFFFFFF  }
0xc0: {  	_ =	strace $0x90000048  }
0xc1: {  	_ =	sfence  }
0xc2: {  	s30 =	sld [smem:$0x0];
	_ =	sdelay $0x2  }
0xc3: {  	s31 =	sshll.u32 s1, $0xD;
	s1 =	sshrl.u32 s1, $0x2  }
0xc4: {  	s3 =	sand.u32 $0x4000, s31;
	s1 =	sadd.s32 s1, s30  }
0xc5: {  	s0 =	sor.u32 s3, s0;
	s1 =	sshll.u32 s1, $0x11  }
0xc6: {  	s0 =	sor.u32 s1, s0  }
0xc7: {  	s0 =	sadd.s32 $0x8F2B, s0  }
0xc8: {  	[sflag:s0] =	ssyncadd.remote.s32 $0x1  }
0xc9: {  	_ =	sfence.sel $0xFFFF  }
0xca: {  	[dreg:$0x0] =	wrdreg $0xFFFFFFFF;
	(pc) =	sbr.abs _section_cstart, $3  }
0xcb: {  	[dreg:$0x1] =	wrdreg $0xFFFFFFFF  }
0xcc: {  	_ =	task.clear_ibuf [dreg:s11], $0x2FFFF;
	_ =	strace $0x9FFFFFFF  }
0xcd: {  	(tm) =	ssettm $0x7FFFFFFF  }
tec
execute0_lowered:
.L_overlay_start_1:
0x0: {  	(tag) =	ssettag $0x1  }
0x1: {  	v0 =	vimm.f32 $0.0e+00  }
0x2: {  	v1 =	vimm.f32 $-1.500000000e+02;
	vm14 =	vcmask $0x300;
	v2 =	vimm.f32 $-3.100000000e+02  }
0x3: {  	vm13 =	vcmask $0x704;
	vm12 =	vcmask $0xB08;
	vm11 =	vcmask $0xF0C  }
0x4: {  	vm10 =	vcmask $0x1310;
	vm9 =	vcmask $0x1714;
	vm8 =	vcmask $0x1B18  }
0x5: {  	vm7 =	vcmask $0x1F1C;
	vm6 =	vcmask $0x2320;
	vm5 =	vcmask $0x2724  }
0x6: {  	vm4 =	vcmask $0x2B28;
	vm3 =	vcmask $0x2F2C;
	vm2 =	vcmask $0x3330  }
0x7: {  	vm1 =	vcmask $0x3734;
	vm0 =	vcmask $0x3B38;
	v3 =	vimm.f32 $-4.700000000e+02  }
0x8: {  	v4 =	vimm.f32 $-6.300000000e+02;
	v5 =	vimm.f32 $-7.900000000e+02;
	v6 =	vimm.f32 $-9.500000000e+02  }
0x9: {  	v7 =	vimm.f32 $-1.110000000e+03;
	v8 =	vimm.f32 $-1.270000000e+03;
	v9 =	vimm.f32 $1.000000000e+00  }
0xa: {  	v1 =	vsel vm14, $0x80000000, v1;
	v2 =	vsel vm14, $0xC3200000, v2;
	v3 =	vsel vm14, $0xC3A00000, v3  }
0xb: {  	v4 =	vsel vm14, $0xC3F00000, v4;
	v5 =	vsel vm14, $0xC4200000, v5;
	v6 =	vsel vm14, $0xC4480000, v6  }
0xc: {  	v7 =	vsel vm14, $0xC4700000, v7;
	v8 =	vsel vm14, $0xC48C0000, v8;
	v1 =	vsel vm13, $0xC1200000, v1  }
0xd: {  	v2 =	vsel vm13, $0xC32A0000, v2;
	v3 =	vsel vm13, $0xC3A50000, v3;
	v4 =	vsel vm13, $0xC3F50000, v4  }
0xe: {  	v5 =	vsel vm13, $0xC4228000, v5;
	v6 =	vsel vm13, $0xC44A8000, v6;
	v7 =	vsel vm13, $0xC4728000, v7  }
0xf: {  	v8 =	vsel vm13, $0xC48D4000, v8;
	v1 =	vsel vm12, $0xC1A00000, v1;
	v2 =	vsel vm12, $0xC3340000, v2  }
0x10: {  	v3 =	vsel vm12, $0xC3AA0000, v3;
	v4 =	vsel vm12, $0xC3FA0000, v4;
	v5 =	vsel vm12, $0xC4250000, v5  }
0x11: {  	v6 =	vsel vm12, $0xC44D0000, v6;
	v7 =	vsel vm12, $0xC4750000, v7;
	v8 =	vsel vm12, $0xC48E8000, v8  }
0x12: {  	v1 =	vsel vm11, $0xC1F00000, v1;
	v2 =	vsel vm11, $0xC33E0000, v2;
	v3 =	vsel vm11, $0xC3AF0000, v3  }
0x13: {  	v4 =	vsel vm11, $0xC3FF0000, v4;
	v5 =	vsel vm11, $0xC4278000, v5;
	v6 =	vsel vm11, $0xC44F8000, v6  }
0x14: {  	v7 =	vsel vm11, $0xC4778000, v7;
	v8 =	vsel vm11, $0xC48FC000, v8;
	v1 =	vsel vm10, $0xC2200000, v1  }
0x15: {  	v2 =	vsel vm10, $0xC3480000, v2;
	v3 =	vsel vm10, $0xC3B40000, v3;
	v4 =	vsel vm10, $0xC4020000, v4  }
0x16: {  	v5 =	vsel vm10, $0xC42A0000, v5;
	v6 =	vsel vm10, $0xC4520000, v6;
	v7 =	vsel vm10, $0xC47A0000, v7  }
0x17: {  	v8 =	vsel vm10, $0xC4910000, v8;
	v1 =	vsel vm9, $0xC2480000, v1;
	v2 =	vsel vm9, $0xC3520000, v2  }
0x18: {  	v3 =	vsel vm9, $0xC3B90000, v3;
	v4 =	vsel vm9, $0xC4048000, v4;
	v5 =	vsel vm9, $0xC42C8000, v5  }
0x19: {  	v6 =	vsel vm9, $0xC4548000, v6;
	v7 =	vsel vm9, $0xC47C8000, v7;
	v8 =	vsel vm9, $0xC4924000, v8  }
0x1a: {  	v1 =	vsel vm8, $0xC2700000, v1;
	v2 =	vsel vm8, $0xC35C0000, v2;
	v3 =	vsel vm8, $0xC3BE0000, v3  }
0x1b: {  	v4 =	vsel vm8, $0xC4070000, v4;
	v5 =	vsel vm8, $0xC42F0000, v5;
	v6 =	vsel vm8, $0xC4570000, v6  }
0x1c: {  	s0 =	rddreg [dreg:$0x0];
	v7 =	vsel vm8, $0xC47F0000, v7;
	v8 =	vsel vm8, $0xC4938000, v8;
	v1 =	vsel vm7, $0xC28C0000, v1  }
0x1d: {  	s1 =	rddreg [dreg:$0x1];
	v2 =	vsel vm7, $0xC3660000, v2;
	v3 =	vsel vm7, $0xC3C30000, v3;
	v4 =	vsel vm7, $0xC4098000, v4  }
0x1e: {  	s4 =	rddreg [dreg:$0x2];
	v5 =	vsel vm7, $0xC4318000, v5;
	v6 =	vsel vm7, $0xC4598000, v6;
	v7 =	vsel vm7, $0xC480C000, v7  }
0x1f: {  	s8 =	rddreg [dreg:$0x3];
	v8 =	vsel vm7, $0xC494C000, v8;
	v1 =	vsel vm6, $0xC2A00000, v1;
	v2 =	vsel vm6, $0xC3700000, v2  }
0x20: {  	s3 =	srdreg.scid;
	s2 =	rddreg [dreg:$0x4];
	v3 =	vsel vm6, $0xC3C80000, v3;
	v4 =	vsel vm6, $0xC40C0000, v4;
	v5 =	vsel vm6, $0xC4340000, v5  }
0x21: {  	s12 =	stileid.u32;
	s19 =	simm.s32 $0x9;
	s28 =	simm.s32 $0x2;
	v6 =	vsel vm6, $0xC45C0000, v6;
	v7 =	vsel vm6, $0xC4820000, v7;
	v8 =	vsel vm6, $0xC4960000, v8  }
0x22: {  	s29 =	simm.s32 $0x3;
	s30 =	simm.s32 $0x4;
	s31 =	simm.s32 $0x5;
	v1 =	vsel vm5, $0xC2B40000, v1;
	v2 =	vsel vm5, $0xC37A0000, v2;
	v3 =	vsel vm5, $0xC3CD0000, v3  }
0x23: {  	s18 =	simm.s32 $0x8;
	s20 =	simm.s32 $0x0;
	s9 =	sand.u32 $0x1, s3;
	v4 =	vsel vm5, $0xC40E8000, v4;
	v5 =	vsel vm5, $0xC4368000, v5;
	v6 =	vsel vm5, $0xC45E8000, v6  }
0x24: {  	s3 =	simm.s32 $0x0;
	s10 =	sshll.u32 s12, $0x4;
	s5 =	ssub.s32 $0x2, s9;
	v7 =	vsel vm5, $0xC4834000, v7;
	v8 =	vsel vm5, $0xC4974000, v8;
	v1 =	vsel vm4, $0xC2C80000, v1  }
0x25: {  	[smem:$0x7FF] =	sst s3;
	s1 =	sadd.s32 s1, s10;
	s4 =	sadd.s32 s4, s10;
	v2 =	vsel vm4, $0xC3820000, v2;
	v3 =	vsel vm4, $0xC3D20000, v3;
	v4 =	vsel vm4, $0xC4110000, v4  }
0x26: {  	s6 =	sshrl.u32 s5, $0x1;
	_ =	strace $0x80000047;
	[dreg:$0x6] =	wrdreg s1;
	v5 =	vsel vm4, $0xC4390000, v5;
	v6 =	vsel vm4, $0xC4610000, v6;
	v7 =	vsel vm4, $0xC4848000, v7  }
0x27: {  	s7 =	sshll.u32 s9, $0x17;
	[dreg:$0x7] =	wrdreg s4;
	s11 =	ssub.s32 s5, s6;
	v8 =	vsel vm4, $0xC4988000, v8;
	v1 =	vsel vm3, $0xC2DC0000, v1;
	v2 =	vsel vm3, $0xC3870000, v2  }
0x28: {  	s5 =	sshll.u32 s9, $0xC;
	s6 =	sshll.u32 s12, $0xA;
	s9 =	sshll.u32 s9, $0x4;
	v3 =	vsel vm3, $0xC3D70000, v3;
	v4 =	vsel vm3, $0xC4138000, v4;
	v5 =	vsel vm3, $0xC43B8000, v5  }
0x29: {  	s7 =	sor.u32 s6, s7;
	s9 =	sor.u32 s12, s9;
	s14 =	sor.u32 $0x200, s5;
	v6 =	vsel vm3, $0xC4638000, v6;
	v7 =	vsel vm3, $0xC485C000, v7;
	v8 =	vsel vm3, $0xC499C000, v8  }
0x2a: {  	s15 =	sor.u32 $0x280, s5;
	s26 =	smax.u32 s11, $0x1;
	s21 =	sshrl.u32 s7, $0x3;
	v1 =	vsel vm2, $0xC2F00000, v1;
	v2 =	vsel vm2, $0xC38C0000, v2;
	v3 =	vsel vm2, $0xC3DC0000, v3  }
0x2b: {  	s23 =	smul.u32 $0xA0, s9;
	[dreg:$0xd] =	wrdreg s26;
	s22 =	sadd.s32 s0, s21;
	v4 =	vsel vm2, $0xC4160000, v4;
	v5 =	vsel vm2, $0xC43E0000, v5;
	v6 =	vsel vm2, $0xC4660000, v6  }
0x2c: {  	s26 =	simm.s32 $0x10000;
	s24 =	sadd.s32 $0x8000, s22;
	[dreg:$0x8] =	wrdreg s22;
	v7 =	vsel vm2, $0xC4870000, v7;
	v8 =	vsel vm2, $0xC49B0000, v8;
	v1 =	vsel vm1, $0xC3020000, v1  }
.Ltmp0:
0x2d: {  	s25 =	sadd.s32 $0x10000, s22;
	[dreg:$0x9] =	wrdreg s24;
	v2 =	vsel vm1, $0xC3910000, v2;
	v3 =	vsel vm1, $0xC3E10000, v3;
	v4 =	vsel vm1, $0xC4188000, v4;
	(pc) =	sbr.rel .LBB2_1-.Ltmp0, $4  }
0x2e: {  	s21 =	simm.s32 $0x400;
	s4 =	sadd.s32 $0x18000, s22;
	[dreg:$0xa] =	wrdreg s25;
	v5 =	vsel vm1, $0xC4408000, v5;
	v6 =	vsel vm1, $0xC4688000, v6;
	v7 =	vsel vm1, $0xC4884000, v7  }
0x2f: {  	s1 =	sadd.s32 s8, s23;
	s22 =	simm.s32 $0x4000;
	[dreg:$0xb] =	wrdreg s4;
	v8 =	vsel vm1, $0xC49C4000, v8;
	v1 =	vsel vm0, $0xC30C0000, v1;
	v2 =	vsel vm0, $0xC3960000, v2  }
0x30: {  	s23 =	simm.s32 $0x8000;
	[dreg:$0xc] =	wrdreg s1;
	s24 =	simm.s32 $0xC000;
	v3 =	vsel vm0, $0xC3E60000, v3;
	v4 =	vsel vm0, $0xC41B0000, v4;
	v5 =	vsel vm0, $0xC4430000, v5  }
0x31: {  	s25 =	simm.s32 $0x1;
	s1 =	simm.s32 $0x6;
	s4 =	simm.s32 $0x7;
	v6 =	vsel vm0, $0xC46B0000, v6;
	v7 =	vsel vm0, $0xC4898000, v7;
	v8 =	vsel vm0, $0xC49D8000, v8  }
.LBB2_12:
0x32: {  	_ =	swait.ge [sflag:s31], $0x4000  }
0x33: {  	[sflag:s31] =	ssyncset.done $0x0  }
0x34: {  	[sflag:s31] =	ssyncadd.s32 $0xFFFFC000  }
0x35: {  	_ =	swait.ge [sflag:s1], $0x4000  }
0x36: {  	[sflag:s1] =	ssyncset.done $0x0  }
0x37: {  	[sflag:s1] =	ssyncadd.s32 $0xFFFFC000  }
0x38: {  	_ =	swait.ge [sflag:s4], $0x4000  }
0x39: {  	[sflag:s4] =	ssyncset.done $0x0  }
0x3a: {  	[sflag:s4] =	ssyncadd.s32 $0xFFFFC000  }
0x3b: {  	_ =	swait.ge [sflag:s18], $0x4000  }
0x3c: {  	[sflag:s18] =	ssyncset.done $0x0  }
0x3d: {  	s8 =	rddreg [dreg:$0xc];
	[sflag:s18] =	ssyncadd.s32 $0xFFFFC000  }
0x3e: {  	[hbm4b:s8+s3] =	stream.linear.scatter [tilespmem:s26], [sflag:$0x9], $0x500, $0x38;
	[tilespmem:$0x10600] =	vst v63  }
0x3f: {  	_ =	swait.ge [sflag:s19], $0x500  }
0x40: {  	s20 =	sadd.s32 $0x1, s20;
	s17 =	rddreg [dreg:$0xd]  }
0x41: {  	p0 =	sne.s32 s20, s17  }
.Ltmp1:
0x42: {  	_ = 	snop;
	(pc) =	sbr.rel @!p0 .LBB2_13-.Ltmp1, $3  }
0x43: {  	_ =	sdelay $0x1  }
0x44: {  	[sflag:s19] =	ssyncset.done $0x0  }
0x45: {  	[sflag:s19] =	ssyncadd.s32 $0xFFFFFB00  }
.LBB2_1:
0x46: {  	s8 =	rddreg [dreg:$0x6];
	s9 =	simm.s32 $0x10500  }
0x47: {  	[tilespmem:s9], [sflag:$0x9] =	stream.linear.gather [hbm4b:s8+s3], $0x80, $0x38;
	[tilespmem:$0x10600] =	vst v63  }
0x48: {  	_ =	swait.ge [sflag:s19], $0x80  }
0x49: {  	[sflag:s19] =	ssyncset.done $0x0  }
0x4a: {  	s11 =	simm.s32 $0x10580;
	s10 =	rddreg [dreg:$0x7];
	[sflag:s19] =	ssyncadd.s32 $0xFFFFFF80  }
0x4b: {  	[tilespmem:s11], [sflag:$0x9] =	stream.linear.gather [hbm4b:s10+s3], $0x80, $0x38;
	[tilespmem:$0x10600] =	vst v63  }
0x4c: {  	_ =	swait.ge [sflag:s19], $0x80  }
0x4d: {  	[sflag:s19] =	ssyncset.done $0x0  }
0x4e: {  	[sflag:s19] =	ssyncadd.s32 $0xFFFFFF80  }
0x4f: {  	v10 =	vld [tilespmem:$0x10580];
	_ =	sdelay $0x1  }
0x50: {  	v11 =	vld [tilespmem:$0x10500];
	_ =	sdelay $0x2  }
0x51: {  	v10 =	vadd.f32 $9.999999740e-06, v10;
	_ =	sdelay $0x1  }
0x52: {  	v12 =	vsub.f32 v10, v11;
	_ =	sdelay $0x1  }
0x53: {  	(erf) = vrcp.f32 v12;
	_ =	sdelay $0x8  }
0x54: {  	v14 =	vld [tilespmem:$0x10590];
	v13 =	vpop (erf)  }
0x55: {  	v11 =	vmul.f32 v13, v11;
	v10 =	vmul.f32 v13, v10  }
0x56: {  	v15 =	vld [tilespmem:$0x10510]  }
0x57: {  	v10 =	vsub.f32 v10, v11;
	_ =	sdelay $0x1  }
0x58: {  	v16 =	vadd.f32 $9.999999740e-06, v14;
	v12 =	vmul.f32 v10, v12;
	_ =	sdelay $0x1  }
0x59: {  	(erf) = vrcp.f32 v12;
	v12 =	vsub.f32 v16, v15  }
0x5a: {  	(erf) = vrcp.f32 v10  }
0x5b: {  	(erf) = vrcp.f32 v12;
	_ =	sdelay $0x6  }
0x5c: {  	v10 =	vpop (erf)  }
0x5d: {  	v13 =	vpop (erf)  }
0x5e: {  	v18 =	vld [tilespmem:$0x105A0];
	v17 =	vpop (erf)  }
0x5f: {  	v14 =	vmul.f32 v17, v15;
	v15 =	vmul.f32 v17, v16  }
0x60: {  	v17 =	vld [tilespmem:$0x10520]  }
0x61: {  	v15 =	vsub.f32 v15, v14;
	_ =	sdelay $0x1  }
0x62: {  	v18 =	vadd.f32 $9.999999740e-06, v18;
	v12 =	vmul.f32 v15, v12;
	_ =	sdelay $0x1  }
0x63: {  	v19 =	vsub.f32 v18, v17;
	(erf) = vrcp.f32 v12  }
0x64: {  	(erf) = vrcp.f32 v15  }
0x65: {  	(erf) = vrcp.f32 v19;
	_ =	sdelay $0x6  }
0x66: {  	v12 =	vpop (erf)  }
0x67: {  	v16 =	vpop (erf)  }
0x68: {  	v20 =	vld [tilespmem:$0x105B0];
	v15 =	vpop (erf)  }
0x69: {  	v17 =	vmul.f32 v15, v17;
	v15 =	vmul.f32 v15, v18  }
0x6a: {  	v18 =	vld [tilespmem:$0x10530]  }
0x6b: {  	v15 =	vsub.f32 v15, v17;
	_ =	sdelay $0x1  }
0x6c: {  	v21 =	vadd.f32 $9.999999740e-06, v20;
	v19 =	vmul.f32 v15, v19;
	_ =	sdelay $0x1  }
0x6d: {  	v22 =	vsub.f32 v21, v18;
	(erf) = vrcp.f32 v19  }
0x6e: {  	(erf) = vrcp.f32 v15  }
0x6f: {  	(erf) = vrcp.f32 v22;
	_ =	sdelay $0x6  }
0x70: {  	v15 =	vpop (erf)  }
0x71: {  	v19 =	vpop (erf)  }
0x72: {  	v24 =	vld [tilespmem:$0x105C0];
	v23 =	vpop (erf)  }
0x73: {  	v20 =	vmul.f32 v23, v18;
	v18 =	vmul.f32 v23, v21  }
0x74: {  	v21 =	vld [tilespmem:$0x10540]  }
0x75: {  	v18 =	vsub.f32 v18, v20;
	_ =	sdelay $0x1  }
0x76: {  	v23 =	vadd.f32 $9.999999740e-06, v24;
	v22 =	vmul.f32 v18, v22;
	_ =	sdelay $0x1  }
0x77: {  	(erf) = vrcp.f32 v22;
	v22 =	vsub.f32 v23, v21  }
0x78: {  	[tilespmem:$0x10000] =	vst v0;
	(erf) = vrcp.f32 v18  }
0x79: {  	[tilespmem:$0x10010] =	vst v0;
	(erf) = vrcp.f32 v22  }
0x7a: {  	[tilespmem:$0x10020] =	vst v0  }
0x7b: {  	[tilespmem:$0x10030] =	vst v0  }
0x7c: {  	[tilespmem:$0x10040] =	vst v0  }
0x7d: {  	[tilespmem:$0x10050] =	vst v0  }
0x7e: {  	[tilespmem:$0x10060] =	vst v0  }
0x7f: {  	[tilespmem:$0x10070] =	vst v0  }
0x80: {  	[tilespmem:$0x10080] =	vst v0;
	v18 =	vpop (erf)  }
0x81: {  	[tilespmem:$0x10090] =	vst v0;
	v24 =	vpop (erf)  }
0x82: {  	[tilespmem:$0x100A0] =	vst v0;
	v26 =	vld [tilespmem:$0x105D0];
	v25 =	vpop (erf)  }
0x83: {  	[tilespmem:$0x100B0] =	vst v0;
	v21 =	vmul.f32 v25, v21;
	v23 =	vmul.f32 v25, v23  }
0x84: {  	[tilespmem:$0x100C0] =	vst v0;
	v25 =	vld [tilespmem:$0x10550]  }
0x85: {  	[tilespmem:$0x100D0] =	vst v0;
	v23 =	vsub.f32 v23, v21  }
0x86: {  	[tilespmem:$0x100E0] =	vst v0  }
0x87: {  	[tilespmem:$0x100F0] =	vst v0;
	v26 =	vadd.f32 $9.999999740e-06, v26;
	v22 =	vmul.f32 v23, v22  }
0x88: {  	[tilespmem:$0x10100] =	vst v0  }
0x89: {  	[tilespmem:$0x10110] =	vst v0;
	(erf) = vrcp.f32 v22;
	v22 =	vsub.f32 v26, v25  }
0x8a: {  	[tilespmem:$0x10120] =	vst v0;
	(erf) = vrcp.f32 v23  }
0x8b: {  	[tilespmem:$0x10130] =	vst v0;
	(erf) = vrcp.f32 v22  }
0x8c: {  	[tilespmem:$0x10140] =	vst v0  }
0x8d: {  	[tilespmem:$0x10150] =	vst v0  }
0x8e: {  	[tilespmem:$0x10160] =	vst v0  }
0x8f: {  	[tilespmem:$0x10170] =	vst v0  }
0x90: {  	[tilespmem:$0x10180] =	vst v0  }
0x91: {  	[tilespmem:$0x10190] =	vst v0  }
0x92: {  	[tilespmem:$0x101A0] =	vst v0;
	v23 =	vpop (erf)  }
0x93: {  	[tilespmem:$0x101B0] =	vst v0;
	v27 =	vpop (erf)  }
0x94: {  	[tilespmem:$0x101C0] =	vst v0;
	v29 =	vld [tilespmem:$0x105E0];
	v28 =	vpop (erf)  }
0x95: {  	[tilespmem:$0x101D0] =	vst v0;
	v25 =	vmul.f32 v28, v25;
	v26 =	vmul.f32 v28, v26  }
0x96: {  	[tilespmem:$0x101E0] =	vst v0;
	v61 =	vld [tilespmem:$0x10560]  }
0x97: {  	[tilespmem:$0x101F0] =	vst v0;
	v26 =	vsub.f32 v26, v25  }
0x98: {  	[tilespmem:$0x10200] =	vst v0  }
0x99: {  	[tilespmem:$0x10210] =	vst v0;
	v29 =	vadd.f32 $9.999999740e-06, v29;
	v22 =	vmul.f32 v26, v22  }
0x9a: {  	[tilespmem:$0x10220] =	vst v0  }
0x9b: {  	[tilespmem:$0x10230] =	vst v0;
	(erf) = vrcp.f32 v22;
	v22 =	vsub.f32 v29, v61  }
0x9c: {  	[tilespmem:$0x10240] =	vst v0;
	(erf) = vrcp.f32 v26  }
0x9d: {  	[tilespmem:$0x10250] =	vst v0;
	(erf) = vrcp.f32 v22  }
0x9e: {  	[tilespmem:$0x10260] =	vst v0  }
0x9f: {  	[tilespmem:$0x10270] =	vst v0  }
0xa0: {  	[tilespmem:$0x10280] =	vst v0  }
0xa1: {  	[tilespmem:$0x10290] =	vst v0  }
0xa2: {  	[tilespmem:$0x102A0] =	vst v0  }
0xa3: {  	[tilespmem:$0x102B0] =	vst v0  }
0xa4: {  	[tilespmem:$0x102C0] =	vst v0;
	v26 =	vpop (erf)  }
0xa5: {  	[tilespmem:$0x102D0] =	vst v0;
	v30 =	vpop (erf)  }
0xa6: {  	[tilespmem:$0x102E0] =	vst v0;
	v32 =	vld [tilespmem:$0x105F0];
	v31 =	vpop (erf)  }
0xa7: {  	[tilespmem:$0x102F0] =	vst v0;
	v28 =	vmul.f32 v31, v61;
	v29 =	vmul.f32 v31, v29  }
0xa8: {  	[tilespmem:$0x10300] =	vst v0;
	v62 =	vld [tilespmem:$0x10570]  }
0xa9: {  	[tilespmem:$0x10310] =	vst v0;
	v29 =	vsub.f32 v29, v28  }
0xaa: {  	[tilespmem:$0x10320] =	vst v0  }
0xab: {  	[tilespmem:$0x10330] =	vst v0;
	v32 =	vadd.f32 $9.999999740e-06, v32;
	v22 =	vmul.f32 v29, v22  }
0xac: {  	[tilespmem:$0x10340] =	vst v0  }
0xad: {  	[tilespmem:$0x10350] =	vst v0;
	(erf) = vrcp.f32 v22;
	v22 =	vsub.f32 v32, v62  }
0xae: {  	[tilespmem:$0x10360] =	vst v0;
	(erf) = vrcp.f32 v29  }
0xaf: {  	[tilespmem:$0x10370] =	vst v0;
	(erf) = vrcp.f32 v22  }
0xb0: {  	[tilespmem:$0x10380] =	vst v0  }
0xb1: {  	[tilespmem:$0x10390] =	vst v0  }
0xb2: {  	[tilespmem:$0x103A0] =	vst v0  }
0xb3: {  	[tilespmem:$0x103B0] =	vst v0  }
0xb4: {  	[tilespmem:$0x103C0] =	vst v0  }
0xb5: {  	[tilespmem:$0x103D0] =	vst v0  }
0xb6: {  	[tilespmem:$0x103E0] =	vst v0;
	v63 =	vpop (erf)  }
0xb7: {  	[tilespmem:$0x103F0] =	vst v0;
	v33 =	vpop (erf)  }
0xb8: {  	[tilespmem:$0x10400] =	vst v0;
	v34 =	vpop (erf)  }
0xb9: {  	[tilespmem:$0x10410] =	vst v0;
	v31 =	vmul.f32 v34, v62;
	v32 =	vmul.f32 v34, v32  }
0xba: {  	[tilespmem:$0x10420] =	vst v0  }
0xbb: {  	[tilespmem:$0x10430] =	vst v0;
	v32 =	vsub.f32 v32, v31  }
0xbc: {  	[tilespmem:$0x10440] =	vst v0  }
0xbd: {  	[tilespmem:$0x10450] =	vst v0;
	v22 =	vmul.f32 v32, v22  }
0xbe: {  	[tilespmem:$0x10460] =	vst v0;
	v11 =	vmul.f32 $8.000000000e+00, v11  }
0xbf: {  	[tilespmem:$0x10470] =	vst v0;
	v14 =	vmul.f32 $8.000000000e+00, v14;
	(erf) = vrcp.f32 v22  }
0xc0: {  	[tilespmem:$0x10480] =	vst v0;
	v11 =	vmul.f32 v13, v11;
	(erf) = vrcp.f32 v32  }
0xc1: {  	[tilespmem:$0x10490] =	vst v0;
	v13 =	vmul.f32 v16, v14;
	v14 =	vmul.f32 $8.000000000e+00, v17  }
0xc2: {  	[tilespmem:$0x104A0] =	vst v0  }
0xc3: {  	[tilespmem:$0x104B0] =	vst v0;
	v17 =	vmul.f32 v19, v14;
	v19 =	vmul.f32 $8.000000000e+00, v21  }
0xc4: {  	[tilespmem:$0x104C0] =	vst v0;
	v11 =	vadd.f32 $-1.000000000e+00, v11;
	v13 =	vadd.f32 $-1.000000000e+00, v13;
	v16 =	vmul.f32 $8.000000000e+00, v20  }
0xc5: {  	[tilespmem:$0x104D0] =	vst v0;
	v14 =	vmul.f32 $8.000000000e+00, v15;
	v15 =	vadd.f32 $-1.000000000e+00, v17;
	v17 =	vmul.f32 v27, v19  }
0xc6: {  	[tilespmem:$0x104E0] =	vst v0;
	v10 =	vmul.f32 $8.000000000e+00, v10;
	v11 =	vadd.f32 v1, v11;
	v16 =	vmul.f32 v24, v16  }
0xc7: {  	s12 =	rddreg [dreg:$0x8];
	[tilespmem:$0x104F0] =	vst v0;
	v12 =	vmul.f32 $8.000000000e+00, v12;
	v13 =	vadd.f32 v2, v13;
	v19 =	vmul.f32 $8.000000000e+00, v25  }
0xc8: {  	[tilespmem:s3], [sflag:$0x1] =	stream.strided.gather [hbm4b:s12+s21], $0x4000, s22, s21, $0x38;
	v16 =	vadd.f32 $-1.000000000e+00, v16;
	v20 =	vmul.f32 $8.000000000e+00, v28;
	v21 =	vmul.f32 $8.000000000e+00, v31;
	v24 =	vpop (erf);
	[tilespmem:$0x10600] =	vst v63  }
0xc9: {  	s13 =	rddreg [dreg:$0x9];
	v15 =	vadd.f32 v3, v15;
	v19 =	vmul.f32 v30, v19;
	v22 =	vadd.f32 $-1.000000000e+00, v17;
	v17 =	vpop (erf)  }
0xca: {  	[tilespmem:s22], [sflag:$0x2] =	stream.strided.gather [hbm4b:s13+s21], $0x4000, s22, s21, $0x38;
	v16 =	vadd.f32 v4, v16;
	v20 =	vmul.f32 v33, v20;
	v21 =	vmul.f32 v17, v21;
	[tilespmem:$0x10600] =	vst v63  }
0xcb: {  	s16 =	rddreg [dreg:$0xa];
	v17 =	vmul.f32 $8.000000000e+00, v18;
	v18 =	vadd.f32 v5, v22;
	v22 =	vadd.f32 $-1.000000000e+00, v19  }
0xcc: {  	[tilespmem:s23], [sflag:$0x3] =	stream.strided.gather [hbm4b:s16+s21], $0x4000, s22, s21, $0x38;
	v19 =	vmul.f32 $8.000000000e+00, v23;
	v23 =	vadd.f32 $-1.000000000e+00, v20;
	v25 =	vadd.f32 $-1.000000000e+00, v21;
	[tilespmem:$0x10600] =	vst v63  }
0xcd: {  	s8 =	simm.s32 $0x0;
	s17 =	rddreg [dreg:$0xb];
	v24 =	vmul.f32 $8.000000000e+00, v24;
	v20 =	vmul.f32 $8.000000000e+00, v26;
	v21 =	vadd.f32 v6, v22  }
0xce: {  	[tilespmem:s24], [sflag:$0x4] =	stream.strided.gather [hbm4b:s17+s21], $0x4000, s22, s21, $0x38;
	v22 =	vmul.f32 $8.000000000e+00, v63;
	v23 =	vadd.f32 v7, v23;
	v25 =	vadd.f32 v8, v25;
	[tilespmem:$0x10600] =	vst v63  }
.LBB2_2:
0xcf: {  	_ =	swait.ge [sflag:s25], $0x4000  }
0xd0: {  	[sflag:s25] =	ssyncset.done $0x0  }
0xd1: {  	s11 =	simm.s32 $0x200;
	[sflag:s25] =	ssyncadd.s32 $0xFFFFC000  }
0xd2: {  	v26 =	vld [tilespmem:s11+$0x180];
	_ =	sdelay $0x4  }
0xd3: {  	v26 =	vmul.f32 v26, v10;
	_ =	sdelay $0x1  }
0xd4: {  	v27 =	vld [tilespmem:s11+$0xFFFFFE80];
	v26 =	vsub.f32 v26, v11  }
0xd5: {  	v28 =	vld [tilespmem:s11+$0xFFFFFF00]  }
0xd6: {  	v29 =	vld [tilespmem:s11+$0xFFFFFF80];
	v26 =	vtrunc.f32 v26  }
0xd7: {  	v30 =	vld [tilespmem:s11+$0x0];
	v26 =	vcvt.f32.s32 v26  }
0xd8: {  	v32 =	vld [tilespmem:s11+$0xFFFFFE00];
	_ =	sdelay $0x1  }
0xd9: {  	v31 =	vld [tilespmem:s11+$0x80];
	v27 =	vmul.f32 v27, v10;
	_ =	sdelay $0x1  }
0xda: {  	v28 =	vmul.f32 v28, v10;
	v30 =	vmul.f32 v30, v10;
	v27 =	vsub.f32 v27, v11  }
0xdb: {  	v29 =	vmul.f32 v29, v10;
	v32 =	vmul.f32 v32, v10;
	[tilespmem:v26+s26+$0x0] =	vst.idx.add.f32.msk $0xffff, v9  }
0xdc: {  	v28 =	vsub.f32 v28, v11;
	v27 =	vtrunc.f32 v27;
	v26 =	vsub.f32 v30, v11;
	v30 =	vld [tilespmem:s11+$0x190]  }
0xdd: {  	v31 =	vmul.f32 v31, v10;
	v29 =	vsub.f32 v29, v11;
	v27 =	vcvt.f32.s32 v27  }
0xde: {  	v32 =	vsub.f32 v32, v11;
	v28 =	vtrunc.f32 v28;
	v26 =	vtrunc.f32 v26  }
0xdf: {  	v29 =	vtrunc.f32 v29;
	v26 =	vcvt.f32.s32 v26  }
0xe0: {  	v31 =	vsub.f32 v31, v11;
	v32 =	vtrunc.f32 v32;
	v28 =	vcvt.f32.s32 v28  }
0xe1: {  	v29 =	vcvt.f32.s32 v29;
	v30 =	vmul.f32 v30, v12  }
0xe2: {  	v33 =	vld [tilespmem:s11+$0x100];
	v31 =	vtrunc.f32 v31;
	v32 =	vcvt.f32.s32 v32  }
0xe3: {  	v31 =	vcvt.f32.s32 v31;
	[tilespmem:v27+s26+$0x0] =	vst.idx.add.f32.msk $0xffff, v9;
	v27 =	vsub.f32 v30, v13;
	_ =	sdelay $0x1  }
0xe4: {  	[tilespmem:v26+s26+$0x0] =	vst.idx.add.f32.msk $0xffff, v9;
	v26 =	vtrunc.f32 v27  }
0xe5: {  	[tilespmem:v28+s26+$0x0] =	vst.idx.add.f32.msk $0xffff, v9;
	v26 =	vcvt.f32.s32 v26  }
0xe6: {  	[tilespmem:v29+s26+$0x0] =	vst.idx.add.f32.msk $0xffff, v9  }
0xe7: {  	[tilespmem:v32+s26+$0x0] =	vst.idx.add.f32.msk $0xffff, v9;
	v27 =	vmul.f32 v33, v10  }
0xe8: {  	[tilespmem:v31+s26+$0x0] =	vst.idx.add.f32.msk $0xffff, v9  }
0xe9: {  	v28 =	vld [tilespmem:s11+$0xFFFFFE10];
	v27 =	vsub.f32 v27, v11  }
0xea: {  	v29 =	vld [tilespmem:s11+$0xFFFFFE90]  }
0xeb: {  	v27 =	vtrunc.f32 v27;
	[tilespmem:v26+s26+$0x0] =	vst.idx.add.f32.msk $0xffff, v9  }
0xec: {  	v26 =	vcvt.f32.s32 v27;
	v27 =	vld [tilespmem:s11+$0x1A0]  }
0xed: {  	v31 =	vld [tilespmem:s11+$0xFFFFFF90]  }
0xee: {  	v30 =	vld [tilespmem:s11+$0xFFFFFF10]  }
0xef: {  	v28 =	vmul.f32 v28, v12  }
0xf0: {  	v29 =	vmul.f32 v29, v12  }
0xf1: {  	v59 =	vld [tilespmem:s11+$0x90];
	v28 =	vsub.f32 v28, v13;
	v27 =	vmul.f32 v27, v14  }
0xf2: {  	v31 =	vmul.f32 v31, v12;
	v29 =	vsub.f32 v29, v13  }
0xf3: {  	v58 =	vld [tilespmem:s11+$0x10];
	v28 =	vtrunc.f32 v28;
	v30 =	vmul.f32 v30, v12;
	v27 =	vsub.f32 v27, v15  }
0xf4: {  	v31 =	vsub.f32 v31, v13;
	v29 =	vtrunc.f32 v29;
	v28 =	vcvt.f32.s32 v28;
	[tilespmem:v26+s26+$0x0] =	vst.idx.add.f32.msk $0xffff, v9  }
0xf5: {  	v29 =	vcvt.f32.s32 v29;
	v26 =	vsub.f32 v30, v13;
	v60 =	vld [tilespmem:s11+$0x110];
	v27 =	vtrunc.f32 v27  }
0xf6: {  	v33 =	vmul.f32 v59, v12;
	v27 =	vcvt.f32.s32 v27  }
0xf7: {  	v31 =	vtrunc.f32 v31;
	v26 =	vtrunc.f32 v26  }
0xf8: {  	v33 =	vsub.f32 v33, v13;
	v30 =	vmul.f32 v58, v12;
	v26 =	vcvt.f32.s32 v26  }
0xf9: {  	v31 =	vcvt.f32.s32 v31  }
0xfa: {  	[tilespmem:v28+s26+$0x0] =	vst.idx.add.f32.msk $0xffff, v9;
	v28 =	vtrunc.f32 v33;
	v30 =	vsub.f32 v30, v13;
	v32 =	vmul.f32 v60, v12  }
0xfb: {  	[tilespmem:v29+s26+$0x0] =	vst.idx.add.f32.msk $0xffff, v9;
	v28 =	vcvt.f32.s32 v28  }
0xfc: {  	v30 =	vtrunc.f32 v30;
	v32 =	vsub.f32 v32, v13;
	[tilespmem:v27+s26+$0x0] =	vst.idx.add.f32.msk $0xffff, v9  }
0xfd: {  	v30 =	vcvt.f32.s32 v30;
	v27 =	vld [tilespmem:s11+$0x1B0]  }
0xfe: {  	[tilespmem:v26+s26+$0x0] =	vst.idx.add.f32.msk $0xffff, v9;
	v26 =	vtrunc.f32 v32  }
0xff: {  	[tilespmem:v31+s26+$0x0] =	vst.idx.add.f32.msk $0xffff, v9;
	v26 =	vcvt.f32.s32 v26  }
0x100: {  	v61 =	vld [tilespmem:s11+$0xFFFFFE20]  }
0x101: {  	[tilespmem:v28+s26+$0x0] =	vst.idx.add.f32.msk $0xffff, v9  }
0x102: {  	v28 =	vld [tilespmem:s11+$0xFFFFFEA0];
	v27 =	vmul.f32 v27, v17  }
0x103: {  	[tilespmem:v30+s26+$0x0] =	vst.idx.add.f32.msk $0xffff, v9  }
0x104: {  	v31 =	vld [tilespmem:s11+$0x20];
	v27 =	vsub.f32 v27, v16  }
0x105: {  	[tilespmem:v26+s26+$0x0] =	vst.idx.add.f32.msk $0xffff, v9;
	v26 =	vmul.f32 v61, v14  }
0x106: {  	v27 =	vtrunc.f32 v27  }
0x107: {  	v63 =	vld [tilespmem:s11+$0x120];
	v26 =	vsub.f32 v26, v15;
	v27 =	vcvt.f32.s32 v27  }
0x108: {  	v28 =	vmul.f32 v28, v14  }
0x109: {  	v26 =	vtrunc.f32 v26  }
0x10a: {  	v28 =	vsub.f32 v28, v15;
	v31 =	vmul.f32 v31, v14;
	v26 =	vcvt.f32.s32 v26  }
0x10b: {  	v30 =	vld [tilespmem:s11+$0xFFFFFFA0]  }
0x10c: {  	v62 =	vld [tilespmem:s11+$0xA0];
	v28 =	vtrunc.f32 v28;
	v31 =	vsub.f32 v31, v15;
	v33 =	vmul.f32 v63, v14  }
0x10d: {  	v28 =	vcvt.f32.s32 v28;
	[tilespmem:v27+s26+$0x0] =	vst.idx.add.f32.msk $0xffff, v9  }
0x10e: {  	v27 =	vtrunc.f32 v31;
	v31 =	vsub.f32 v33, v15;
	v36 =	vld [tilespmem:s11+$0x1C0]  }
0x10f: {  	v27 =	vcvt.f32.s32 v27  }
0x110: {  	v30 =	vmul.f32 v30, v14;
	[tilespmem:v26+s26+$0x0] =	vst.idx.add.f32.msk $0xffff, v9;
	v26 =	vtrunc.f32 v31  }
0x111: {  	v32 =	vmul.f32 v62, v14;
	v26 =	vcvt.f32.s32 v26  }
0x112: {  	v29 =	vld [tilespmem:s11+$0xFFFFFF20];
	v30 =	vsub.f32 v30, v15  }
0x113: {  	v32 =	vsub.f32 v32, v15;
	[tilespmem:v28+s26+$0x0] =	vst.idx.add.f32.msk $0xffff, v9;
	v28 =	vmul.f32 v36, v19  }
0x114: {  	v30 =	vtrunc.f32 v30  }
0x115: {  	v32 =	vtrunc.f32 v32;
	v30 =	vcvt.f32.s32 v30;
	[tilespmem:v27+s26+$0x0] =	vst.idx.add.f32.msk $0xffff, v9;
	v27 =	vsub.f32 v28, v18  }
0x116: {  	v37 =	vld [tilespmem:s11+$0xFFFFFE30];
	v31 =	vcvt.f32.s32 v32  }
0x117: {  	[tilespmem:v26+s26+$0x0] =	vst.idx.add.f32.msk $0xffff, v9;
	v26 =	vtrunc.f32 v27  }
0x118: {  	v29 =	vmul.f32 v29, v14;
	v26 =	vcvt.f32.s32 v26  }
0x119: {  	v27 =	vld [tilespmem:s11+$0xFFFFFEB0]  }
0x11a: {  	v29 =	vsub.f32 v29, v15  }
0x11b: {  	[tilespmem:v30+s26+$0x0] =	vst.idx.add.f32.msk $0xffff, v9;
	v30 =	vmul.f32 v37, v17  }
0x11c: {  	v29 =	vtrunc.f32 v29;
	[tilespmem:v31+s26+$0x0] =	vst.idx.add.f32.msk $0xffff, v9  }
0x11d: {  	v29 =	vcvt.f32.s32 v29;
	v30 =	vsub.f32 v30, v16;
	v38 =	vld [tilespmem:s11+$0xB0]  }
0x11e: {  	v27 =	vmul.f32 v27, v17;
	[tilespmem:v26+s26+$0x0] =	vst.idx.add.f32.msk $0xffff, v9  }
0x11f: {  	v26 =	vtrunc.f32 v30;
	v30 =	vld [tilespmem:s11+$0x1D0]  }
0x120: {  	v27 =	vsub.f32 v27, v16  }
0x121: {  	v26 =	vcvt.f32.s32 v26  }
0x122: {  	v27 =	vtrunc.f32 v27  }
0x123: {  	[tilespmem:v29+s26+$0x0] =	vst.idx.add.f32.msk $0xffff, v9;
	v32 =	vmul.f32 v38, v17;
	v27 =	vcvt.f32.s32 v27  }
0x124: {  	v28 =	vld [tilespmem:s11+$0xFFFFFF30];
	v30 =	vmul.f32 v30, v20  }
0x125: {  	v32 =	vsub.f32 v32, v16  }
0x126: {  	v29 =	vld [tilespmem:s11+$0xFFFFFFB0];
	v30 =	vsub.f32 v30, v21  }
0x127: {  	[tilespmem:v26+s26+$0x0] =	vst.idx.add.f32.msk $0xffff, v9;
	v26 =	vtrunc.f32 v32  }
0x128: {  	v31 =	vld [tilespmem:s11+$0x30];
	v26 =	vcvt.f32.s32 v26;
	v30 =	vtrunc.f32 v30  }
0x129: {  	v28 =	vmul.f32 v28, v17;
	[tilespmem:v27+s26+$0x0] =	vst.idx.add.f32.msk $0xffff, v9;
	v27 =	vcvt.f32.s32 v30  }
0x12a: {  	v39 =	vld [tilespmem:s11+$0x130]  }
0x12b: {  	v28 =	vsub.f32 v28, v16  }
0x12c: {  	v29 =	vmul.f32 v29, v17  }
0x12d: {  	v31 =	vmul.f32 v31, v17;
	v28 =	vtrunc.f32 v28;
	v40 =	vld [tilespmem:s11+$0xFFFFFE40]  }
0x12e: {  	v29 =	vsub.f32 v29, v16;
	v28 =	vcvt.f32.s32 v28;
	[tilespmem:v26+s26+$0x0] =	vst.idx.add.f32.msk $0xffff, v9  }
0x12f: {  	v31 =	vsub.f32 v31, v16;
	v33 =	vmul.f32 v39, v17;
	[tilespmem:v27+s26+$0x0] =	vst.idx.add.f32.msk $0xffff, v9  }
0x130: {  	s9 =	simm.s32 $0x600;
	v29 =	vtrunc.f32 v29;
	v26 =	vld [tilespmem:s11+$0x1E0]  }
0x131: {  	v45 =	vld [tilespmem:s9+$0xFFFFFF00];
	v29 =	vcvt.f32.s32 v29;
	v31 =	vtrunc.f32 v31;
	v33 =	vsub.f32 v33, v16  }
0x132: {  	v31 =	vcvt.f32.s32 v31;
	v41 =	vld [tilespmem:s11+$0xFFFFFEC0]  }
0x133: {  	v46 =	vld [tilespmem:s9+$0xFFFFFF80];
	v30 =	vtrunc.f32 v33  }
0x134: {  	[tilespmem:v28+s26+$0x0] =	vst.idx.add.f32.msk $0xffff, v9;
	v30 =	vcvt.f32.s32 v30;
	v27 =	vmul.f32 v40, v19  }
0x135: {  	v28 =	vld [tilespmem:s11+$0xFFFFFF40];
	v26 =	vmul.f32 v26, v22  }
0x136: {  	v34 =	vld [tilespmem:s9+$0x0];
	v27 =	vsub.f32 v27, v18  }
0x137: {  	[tilespmem:v29+s26+$0x0] =	vst.idx.add.f32.msk $0xffff, v9;
	v29 =	vmul.f32 v41, v19;
	v26 =	vsub.f32 v26, v23  }
0x138: {  	[tilespmem:v31+s26+$0x0] =	vst.idx.add.f32.msk $0xffff, v9;
	v27 =	vtrunc.f32 v27  }
0x139: {  	v31 =	vld [tilespmem:s11+$0x40];
	v29 =	vsub.f32 v29, v18;
	v27 =	vcvt.f32.s32 v27;
	v26 =	vtrunc.f32 v26  }
0x13a: {  	v28 =	vmul.f32 v28, v19;
	[tilespmem:v30+s26+$0x0] =	vst.idx.add.f32.msk $0xffff, v9;
	v26 =	vcvt.f32.s32 v26  }
0x13b: {  	v30 =	vld [tilespmem:s11+$0xFFFFFFC0];
	v29 =	vtrunc.f32 v29  }
0x13c: {  	v28 =	vsub.f32 v28, v18;
	v43 =	vld [tilespmem:s11+$0x140];
	v29 =	vcvt.f32.s32 v29  }
0x13d: {  	v35 =	vld [tilespmem:s9+$0x80]  }
0x13e: {  	v31 =	vmul.f32 v31, v19;
	v42 =	vld [tilespmem:s11+$0xC0];
	v28 =	vtrunc.f32 v28  }
0x13f: {  	[tilespmem:v27+s26+$0x0] =	vst.idx.add.f32.msk $0xffff, v9;
	v27 =	vcvt.f32.s32 v28  }
0x140: {  	v31 =	vsub.f32 v31, v18;
	v30 =	vmul.f32 v30, v19;
	[tilespmem:v26+s26+$0x0] =	vst.idx.add.f32.msk $0xffff, v9  }
0x141: {  	v33 =	vmul.f32 v43, v19;
	v26 =	vld [tilespmem:s11+$0x1F0]  }
0x142: {  	v31 =	vtrunc.f32 v31;
	v30 =	vsub.f32 v30, v18;
	[tilespmem:v29+s26+$0x0] =	vst.idx.add.f32.msk $0xffff, v9  }
0x143: {  	v32 =	vmul.f32 v42, v19;
	v33 =	vsub.f32 v33, v18;
	v29 =	vcvt.f32.s32 v31;
	v31 =	vld [tilespmem:s11+$0xFFFFFED0]  }
0x144: {  	v28 =	vtrunc.f32 v30;
	v44 =	vld [tilespmem:s11+$0xFFFFFE50]  }
0x145: {  	v30 =	vsub.f32 v32, v18;
	v33 =	vtrunc.f32 v33;
	v28 =	vcvt.f32.s32 v28;
	[tilespmem:v27+s26+$0x0] =	vst.idx.add.f32.msk $0xffff, v9  }
0x146: {  	v33 =	vcvt.f32.s32 v33;
	v27 =	vld [tilespmem:s9+$0x180];
	v26 =	vmul.f32 v26, v24  }
0x147: {  	v36 =	vld [tilespmem:s9+$0x100];
	v30 =	vtrunc.f32 v30  }
0x148: {  	v37 =	vld [tilespmem:s9+$0xFFFFFE00];
	v30 =	vcvt.f32.s32 v30;
	v31 =	vmul.f32 v31, v20;
	v26 =	vsub.f32 v26, v25  }
0x149: {  	[tilespmem:v29+s26+$0x0] =	vst.idx.add.f32.msk $0xffff, v9;
	v29 =	vmul.f32 v44, v20  }
0x14a: {  	v39 =	vld [tilespmem:s11+$0x50];
	v31 =	vsub.f32 v31, v21;
	v26 =	vtrunc.f32 v26  }
0x14b: {  	[tilespmem:v28+s26+$0x0] =	vst.idx.add.f32.msk $0xffff, v9;
	v29 =	vsub.f32 v29, v21;
	v27 =	vmul.f32 v27, v10;
	v26 =	vcvt.f32.s32 v26  }
0x14c: {  	[tilespmem:v33+s26+$0x0] =	vst.idx.add.f32.msk $0xffff, v9;
	v31 =	vtrunc.f32 v31  }
0x14d: {  	v28 =	vld [tilespmem:s11+$0xFFFFFF50];
	v31 =	vcvt.f32.s32 v31;
	v29 =	vtrunc.f32 v29;
	v27 =	vsub.f32 v27, v11  }
0x14e: {  	v47 =	vmul.f32 v34, v10;
	[tilespmem:v30+s26+$0x0] =	vst.idx.add.f32.msk $0xffff, v9;
	v29 =	vcvt.f32.s32 v29  }
0x14f: {  	v30 =	vld [tilespmem:s9+$0xFFFFFE80];
	v27 =	vtrunc.f32 v27  }
0x150: {  	v32 =	vmul.f32 v45, v10;
	v33 =	vsub.f32 v47, v11;
	v38 =	vld [tilespmem:s11+$0xFFFFFFD0];
	v27 =	vcvt.f32.s32 v27  }
0x151: {  	v35 =	vmul.f32 v35, v10;
	[tilespmem:v26+s26+$0x0] =	vst.idx.add.f32.msk $0xffff, v9;
	v26 =	vmul.f32 v46, v10  }
0x152: {  	v37 =	vmul.f32 v37, v10;
	v32 =	vsub.f32 v32, v11;
	v40 =	vld [tilespmem:s11+$0x150];
	v33 =	vtrunc.f32 v33  }
0x153: {  	v36 =	vmul.f32 v36, v10;
	v33 =	vcvt.f32.s32 v33;
	[tilespmem:v31+s26+$0x0] =	vst.idx.add.f32.msk $0xffff, v9;
	v26 =	vsub.f32 v26, v11  }
0x154: {  	v30 =	vmul.f32 v30, v10;
	v31 =	vsub.f32 v37, v11;
	[tilespmem:v29+s26+$0x0] =	vst.idx.add.f32.msk $0xffff, v9;
	v29 =	vtrunc.f32 v32  }
0x155: {  	v49 =	vsub.f32 v35, v11;
	v48 =	vld [tilespmem:s11+$0xD0];
	v29 =	vcvt.f32.s32 v29;
	v26 =	vtrunc.f32 v26  }
0x156: {  	v30 =	vsub.f32 v30, v11;
	v31 =	vtrunc.f32 v31;
	[tilespmem:v27+s26+$0x0] =	vst.idx.add.f32.msk $0xffff, v9;
	v26 =	vcvt.f32.s32 v26  }
0x157: {  	v32 =	vtrunc.f32 v49;
	v31 =	vcvt.f32.s32 v31;
	v50 =	vld [tilespmem:s9+$0x190]  }
0x158: {  	v52 =	vld [tilespmem:s11+$0xFFFFFEE0];
	v30 =	vtrunc.f32 v30;
	v32 =	vcvt.f32.s32 v32  }
0x159: {  	[tilespmem:v33+s26+$0x0] =	vst.idx.add.f32.msk $0xffff, v9;
	v30 =	vcvt.f32.s32 v30;
	v27 =	vsub.f32 v36, v11  }
0x15a: {  	v57 =	vld [tilespmem:s9+$0x10]  }
0x15b: {  	v27 =	vtrunc.f32 v27;
	[tilespmem:v29+s26+$0x0] =	vst.idx.add.f32.msk $0xffff, v9;
	v29 =	vmul.f32 v38, v20  }
0x15c: {  	v27 =	vcvt.f32.s32 v27;
	[tilespmem:v26+s26+$0x0] =	vst.idx.add.f32.msk $0xffff, v9;
	v26 =	vmul.f32 v50, v12  }
0x15d: {  	[tilespmem:v31+s26+$0x0] =	vst.idx.add.f32.msk $0xffff, v9;
	v29 =	vsub.f32 v29, v21  }
0x15e: {  	[tilespmem:v32+s26+$0x0] =	vst.idx.add.f32.msk $0xffff, v9;
	v31 =	vmul.f32 v48, v20;
	v26 =	vsub.f32 v26, v13  }
0x15f: {  	v28 =	vmul.f32 v28, v20;
	[tilespmem:v30+s26+$0x0] =	vst.idx.add.f32.msk $0xffff, v9;
	v29 =	vtrunc.f32 v29  }
0x160: {  	v55 =	vld [tilespmem:s9+$0xFFFFFF10];
	v31 =	vsub.f32 v31, v21;
	v29 =	vcvt.f32.s32 v29;
	v26 =	vtrunc.f32 v26  }
0x161: {  	v28 =	vsub.f32 v28, v21;
	v30 =	vmul.f32 v39, v20;
	v58 =	vld [tilespmem:s9+$0x90];
	v26 =	vcvt.f32.s32 v26  }
0x162: {  	v31 =	vtrunc.f32 v31;
	[tilespmem:v27+s26+$0x0] =	vst.idx.add.f32.msk $0xffff, v9  }
0x163: {  	v31 =	vcvt.f32.s32 v31;
	v27 =	vtrunc.f32 v28;
	v28 =	vsub.f32 v30, v21;
	v30 =	vld [tilespmem:s9+$0xFFFFFE10]  }
0x164: {  	v53 =	vmul.f32 v40, v20;
	v54 =	vld [tilespmem:s9+$0xFFFFFE90]  }
0x165: {  	v56 =	vld [tilespmem:s9+$0xFFFFFF90]  }
0x166: {  	v32 =	vsub.f32 v53, v21;
	v27 =	vcvt.f32.s32 v27;
	v28 =	vtrunc.f32 v28;
	[tilespmem:v29+s26+$0x0] =	vst.idx.add.f32.msk $0xffff, v9  }
0x167: {  	v34 =	vmul.f32 v55, v12;
	v28 =	vcvt.f32.s32 v28;
	[tilespmem:v26+s26+$0x0] =	vst.idx.add.f32.msk $0xffff, v9  }
0x168: {  	v32 =	vtrunc.f32 v32;
	v30 =	vmul.f32 v30, v12;
	v59 =	vld [tilespmem:s9+$0x1A0]  }
0x169: {  	v29 =	vsub.f32 v34, v13;
	[tilespmem:v31+s26+$0x0] =	vst.idx.add.f32.msk $0xffff, v9;
	v31 =	vmul.f32 v58, v12;
	v26 =	vcvt.f32.s32 v32  }
0x16a: {  	v51 =	vld [tilespmem:s11+$0xFFFFFE60];
	v33 =	vmul.f32 v54, v12;
	v30 =	vsub.f32 v30, v13  }
0x16b: {  	v60 =	vld [tilespmem:s9+$0x110];
	v29 =	vtrunc.f32 v29;
	v31 =	vsub.f32 v31, v13;
	v61 =	vmul.f32 v56, v12  }
0x16c: {  	[tilespmem:v27+s26+$0x0] =	vst.idx.add.f32.msk $0xffff, v9;
	v27 =	vsub.f32 v33, v13;
	v29 =	vcvt.f32.s32 v29;
	v30 =	vtrunc.f32 v30  }
0x16d: {  	[tilespmem:v28+s26+$0x0] =	vst.idx.add.f32.msk $0xffff, v9;
	v30 =	vcvt.f32.s32 v30;
	v28 =	vsub.f32 v61, v13;
	v32 =	vmul.f32 v59, v14  }
0x16e: {  	v42 =	vld [tilespmem:s11+$0xFFFFFFE0];
	v31 =	vtrunc.f32 v31;
	v27 =	vtrunc.f32 v27  }
0x16f: {  	v31 =	vcvt.f32.s32 v31;
	[tilespmem:v26+s26+$0x0] =	vst.idx.add.f32.msk $0xffff, v9;
	v26 =	vtrunc.f32 v28;
	v28 =	vsub.f32 v32, v15  }
0x170: {  	v62 =	vmul.f32 v57, v12;
	v45 =	vld [tilespmem:s11+$0xE0];
	v27 =	vcvt.f32.s32 v27  }
0x171: {  	v63 =	vld [tilespmem:s11+$0xFFFFFF60];
	v26 =	vcvt.f32.s32 v26;
	v28 =	vtrunc.f32 v28  }
0x172: {  	v34 =	vsub.f32 v62, v13;
	v41 =	vmul.f32 v60, v12;
	[tilespmem:v29+s26+$0x0] =	vst.idx.add.f32.msk $0xffff, v9;
	v28 =	vcvt.f32.s32 v28  }
0x173: {  	[tilespmem:v30+s26+$0x0] =	vst.idx.add.f32.msk $0xffff, v9  }
0x174: {  	v33 =	vsub.f32 v41, v13;
	v30 =	vtrunc.f32 v34;
	v44 =	vld [tilespmem:s9+$0xFFFFFE20]  }
0x175: {  	[tilespmem:v31+s26+$0x0] =	vst.idx.add.f32.msk $0xffff, v9;
	v30 =	vcvt.f32.s32 v30  }
0x176: {  	v33 =	vtrunc.f32 v33;
	[tilespmem:v27+s26+$0x0] =	vst.idx.add.f32.msk $0xffff, v9;
	v32 =	vmul.f32 v63, v22  }
0x177: {  	v29 =	vmul.f32 v52, v22;
	v27 =	vmul.f32 v51, v22;
	[tilespmem:v26+s26+$0x0] =	vst.idx.add.f32.msk $0xffff, v9  }
0x178: {  	v33 =	vcvt.f32.s32 v33;
	v31 =	vsub.f32 v32, v23;
	[tilespmem:v28+s26+$0x0] =	vst.idx.add.f32.msk $0xffff, v9  }
0x179: {  	v26 =	vsub.f32 v27, v23;
	v27 =	vmul.f32 v44, v14;
	v28 =	vsub.f32 v29, v23;
	v29 =	vld [tilespmem:s9+$0x1B0]  }
0x17a: {  	v43 =	vld [tilespmem:s11+$0x60]  }
0x17b: {  	[tilespmem:v30+s26+$0x0] =	vst.idx.add.f32.msk $0xffff, v9;
	v30 =	vmul.f32 v42, v22;
	v31 =	vtrunc.f32 v31;
	v27 =	vsub.f32 v27, v15  }
0x17c: {  	v52 =	vld [tilespmem:s9+$0xA0];
	v31 =	vcvt.f32.s32 v31  }
0x17d: {  	v48 =	vld [tilespmem:s9+$0xFFFFFF20];
	v30 =	vsub.f32 v30, v23;
	v26 =	vtrunc.f32 v26;
	v27 =	vtrunc.f32 v27  }
0x17e: {  	v49 =	vld [tilespmem:s9+$0xFFFFFFA0];
	v27 =	vcvt.f32.s32 v27;
	v29 =	vmul.f32 v29, v17  }
0x17f: {  	[tilespmem:v33+s26+$0x0] =	vst.idx.add.f32.msk $0xffff, v9;
	v30 =	vtrunc.f32 v30;
	v26 =	vcvt.f32.s32 v26  }
0x180: {  	v47 =	vld [tilespmem:s9+$0xFFFFFEA0];
	v30 =	vcvt.f32.s32 v30;
	v29 =	vsub.f32 v29, v16  }
0x181: {  	v53 =	vld [tilespmem:s9+$0x120];
	v57 =	vmul.f32 v52, v14;
	v28 =	vtrunc.f32 v28  }
0x182: {  	v51 =	vld [tilespmem:s9+$0x20];
	v28 =	vcvt.f32.s32 v28;
	v29 =	vtrunc.f32 v29  }
0x183: {  	v35 =	vmul.f32 v49, v14;
	[tilespmem:v31+s26+$0x0] =	vst.idx.add.f32.msk $0xffff, v9;
	v31 =	vsub.f32 v57, v15;
	v29 =	vcvt.f32.s32 v29  }
0x184: {  	[tilespmem:v27+s26+$0x0] =	vst.idx.add.f32.msk $0xffff, v9;
	v27 =	vmul.f32 v48, v14  }
0x185: {  	v33 =	vmul.f32 v47, v14;
	v31 =	vtrunc.f32 v31;
	[tilespmem:v26+s26+$0x0] =	vst.idx.add.f32.msk $0xffff, v9;
	v26 =	vsub.f32 v35, v15  }
0x186: {  	v58 =	vmul.f32 v53, v14;
	[tilespmem:v30+s26+$0x0] =	vst.idx.add.f32.msk $0xffff, v9;
	v30 =	vcvt.f32.s32 v31;
	v27 =	vsub.f32 v27, v15  }
0x187: {  	v33 =	vsub.f32 v33, v15;
	v37 =	vmul.f32 v51, v14;
	v26 =	vtrunc.f32 v26;
	v55 =	vld [tilespmem:s9+$0xFFFFFE30]  }
0x188: {  	v26 =	vcvt.f32.s32 v26;
	[tilespmem:v28+s26+$0x0] =	vst.idx.add.f32.msk $0xffff, v9;
	v27 =	vtrunc.f32 v27  }
0x189: {  	v33 =	vtrunc.f32 v33;
	v28 =	vsub.f32 v37, v15;
	v27 =	vcvt.f32.s32 v27;
	[tilespmem:v29+s26+$0x0] =	vst.idx.add.f32.msk $0xffff, v9  }
0x18a: {  	v33 =	vcvt.f32.s32 v33;
	v59 =	vld [tilespmem:s9+$0x1C0]  }
0x18b: {  	v56 =	vld [tilespmem:s11+$0x160];
	v28 =	vtrunc.f32 v28;
	v29 =	vsub.f32 v58, v15  }
0x18c: {  	v50 =	vmul.f32 v45, v22;
	[tilespmem:v30+s26+$0x0] =	vst.idx.add.f32.msk $0xffff, v9;
	v28 =	vcvt.f32.s32 v28  }
0x18d: {  	v61 =	vld [tilespmem:s9+$0xB0];
	v29 =	vtrunc.f32 v29  }
0x18e: {  	v36 =	vsub.f32 v50, v23;
	[tilespmem:v26+s26+$0x0] =	vst.idx.add.f32.msk $0xffff, v9;
	v26 =	vmul.f32 v55, v17;
	v29 =	vcvt.f32.s32 v29  }
0x18f: {  	[tilespmem:v27+s26+$0x0] =	vst.idx.add.f32.msk $0xffff, v9;
	v27 =	vmul.f32 v59, v19  }
0x190: {  	v54 =	vtrunc.f32 v36;
	[tilespmem:v33+s26+$0x0] =	vst.idx.add.f32.msk $0xffff, v9;
	v26 =	vsub.f32 v26, v16  }
0x191: {  	v34 =	vcvt.f32.s32 v54;
	v31 =	vld [tilespmem:s9+$0xFFFFFFB0];
	v27 =	vsub.f32 v27, v18  }
0x192: {  	v33 =	vmul.f32 v61, v17;
	[tilespmem:v28+s26+$0x0] =	vst.idx.add.f32.msk $0xffff, v9;
	v26 =	vtrunc.f32 v26  }
0x193: {  	v30 =	vld [tilespmem:s9+$0xFFFFFF30];
	v26 =	vcvt.f32.s32 v26;
	v27 =	vtrunc.f32 v27  }
0x194: {  	v28 =	vmul.f32 v56, v22;
	[tilespmem:v29+s26+$0x0] =	vst.idx.add.f32.msk $0xffff, v9;
	v27 =	vcvt.f32.s32 v27  }
0x195: {  	v29 =	vld [tilespmem:s9+$0xFFFFFEB0]  }
0x196: {  	v60 =	vld [tilespmem:s9+$0x30];
	v33 =	vsub.f32 v33, v16;
	v28 =	vsub.f32 v28, v23  }
0x197: {  	v46 =	vmul.f32 v43, v22;
	[tilespmem:v34+s26+$0x0] =	vst.idx.add.f32.msk $0xffff, v9  }
0x198: {  	v43 =	vld [tilespmem:s11+$0xFFFFFF70];
	v33 =	vtrunc.f32 v33;
	v28 =	vtrunc.f32 v28  }
0x199: {  	v28 =	vcvt.f32.s32 v28;
	[tilespmem:v26+s26+$0x0] =	vst.idx.add.f32.msk $0xffff, v9;
	v26 =	vmul.f32 v31, v17  }
0x19a: {  	v33 =	vcvt.f32.s32 v33;
	v29 =	vmul.f32 v29, v17;
	[tilespmem:v27+s26+$0x0] =	vst.idx.add.f32.msk $0xffff, v9  }
0x19b: {  	v31 =	vmul.f32 v60, v17;
	v26 =	vsub.f32 v26, v16;
	v27 =	vmul.f32 v30, v17;
	v30 =	vld [tilespmem:s9+$0x1D0]  }
0x19c: {  	v44 =	vld [tilespmem:s11+$0xFFFFFFF0];
	v29 =	vsub.f32 v29, v16  }
0x19d: {  	v42 =	vld [tilespmem:s11+$0xFFFFFEF0];
	v31 =	vsub.f32 v31, v16;
	v26 =	vtrunc.f32 v26  }
0x19e: {  	v63 =	vld [tilespmem:s9+$0xFFFFFE40];
	v26 =	vcvt.f32.s32 v26;
	v29 =	vtrunc.f32 v29  }
0x19f: {  	[tilespmem:v28+s26+$0x0] =	vst.idx.add.f32.msk $0xffff, v9;
	v31 =	vtrunc.f32 v31;
	v28 =	vcvt.f32.s32 v29  }
0x1a0: {  	v62 =	vld [tilespmem:s9+$0x130];
	v31 =	vcvt.f32.s32 v31;
	v27 =	vsub.f32 v27, v16;
	v30 =	vmul.f32 v30, v20  }
0x1a1: {  	[tilespmem:v33+s26+$0x0] =	vst.idx.add.f32.msk $0xffff, v9  }
0x1a2: {  	v53 =	vld [tilespmem:s9+$0xC0];
	v27 =	vtrunc.f32 v27;
	v30 =	vsub.f32 v30, v21  }
0x1a3: {  	v29 =	vld [tilespmem:s11+$0xFFFFFE70];
	v27 =	vcvt.f32.s32 v27  }
0x1a4: {  	[tilespmem:v26+s26+$0x0] =	vst.idx.add.f32.msk $0xffff, v9;
	v30 =	vtrunc.f32 v30  }
0x1a5: {  	v32 =	vsub.f32 v46, v23;
	[tilespmem:v28+s26+$0x0] =	vst.idx.add.f32.msk $0xffff, v9;
	v28 =	vcvt.f32.s32 v30  }
0x1a6: {  	v34 =	vmul.f32 v62, v17;
	[tilespmem:v31+s26+$0x0] =	vst.idx.add.f32.msk $0xffff, v9;
	v31 =	vmul.f32 v43, v24  }
0x1a7: {  	v32 =	vtrunc.f32 v32;
	v51 =	vld [tilespmem:s9+$0xFFFFFFC0]  }
0x1a8: {  	v32 =	vcvt.f32.s32 v32;
	v34 =	vsub.f32 v34, v16;
	v31 =	vsub.f32 v31, v25;
	v47 =	vld [tilespmem:s9+$0xFFFFFEC0]  }
0x1a9: {  	v58 =	vmul.f32 v53, v19;
	[tilespmem:v27+s26+$0x0] =	vst.idx.add.f32.msk $0xffff, v9;
	v27 =	vmul.f32 v63, v19  }
0x1aa: {  	v52 =	vld [tilespmem:s9+$0x40];
	v31 =	vtrunc.f32 v31;
	v30 =	vtrunc.f32 v34  }
0x1ab: {  	v26 =	vmul.f32 v29, v24;
	v30 =	vcvt.f32.s32 v30;
	v27 =	vsub.f32 v27, v18;
	[tilespmem:v28+s26+$0x0] =	vst.idx.add.f32.msk $0xffff, v9  }
0x1ac: {  	v29 =	vmul.f32 v42, v24;
	v31 =	vcvt.f32.s32 v31;
	v49 =	vld [tilespmem:s9+$0x1E0]  }
0x1ad: {  	v46 =	vld [tilespmem:s11+$0xF0];
	v26 =	vsub.f32 v26, v25;
	v48 =	vmul.f32 v47, v19;
	v27 =	vtrunc.f32 v27  }
0x1ae: {  	[tilespmem:v32+s26+$0x0] =	vst.idx.add.f32.msk $0xffff, v9;
	v35 =	vmul.f32 v51, v19;
	v27 =	vcvt.f32.s32 v27  }
0x1af: {  	v36 =	vmul.f32 v52, v19;
	v26 =	vtrunc.f32 v26;
	v50 =	vld [tilespmem:s9+$0xFFFFFF40];
	v32 =	vsub.f32 v48, v18  }
0x1b0: {  	v45 =	vld [tilespmem:s11+$0x70];
	v29 =	vsub.f32 v29, v25;
	v26 =	vcvt.f32.s32 v26;
	v28 =	vmul.f32 v44, v24  }
0x1b1: {  	[tilespmem:v30+s26+$0x0] =	vst.idx.add.f32.msk $0xffff, v9;
	v32 =	vtrunc.f32 v32;
	v33 =	vmul.f32 v49, v22  }
0x1b2: {  	v29 =	vtrunc.f32 v29;
	v28 =	vsub.f32 v28, v25;
	v32 =	vcvt.f32.s32 v32;
	v54 =	vld [tilespmem:s9+$0x140]  }
0x1b3: {  	v56 =	vld [tilespmem:s11+$0x170];
	v57 =	vsub.f32 v35, v18;
	v29 =	vcvt.f32.s32 v29;
	v33 =	vsub.f32 v33, v23  }
0x1b4: {  	v36 =	vsub.f32 v36, v18;
	v28 =	vtrunc.f32 v28;
	[tilespmem:v27+s26+$0x0] =	vst.idx.add.f32.msk $0xffff, v9;
	v27 =	vmul.f32 v50, v19  }
0x1b5: {  	v35 =	vsub.f32 v58, v18;
	[tilespmem:v31+s26+$0x0] =	vst.idx.add.f32.msk $0xffff, v9;
	v28 =	vcvt.f32.s32 v28;
	v33 =	vtrunc.f32 v33  }
0x1b6: {  	v60 =	vtrunc.f32 v36;
	[tilespmem:v26+s26+$0x0] =	vst.idx.add.f32.msk $0xffff, v9;
	v33 =	vcvt.f32.s32 v33  }
0x1b7: {  	v62 =	vtrunc.f32 v35;
	v55 =	vld [tilespmem:s9+$0xFFFFFE50];
	v27 =	vsub.f32 v27, v18;
	v38 =	vmul.f32 v54, v19  }
0x1b8: {  	v31 =	vcvt.f32.s32 v62;
	[tilespmem:v32+s26+$0x0] =	vst.idx.add.f32.msk $0xffff, v9;
	v32 =	vtrunc.f32 v57  }
0x1b9: {  	[tilespmem:v29+s26+$0x0] =	vst.idx.add.f32.msk $0xffff, v9;
	v27 =	vtrunc.f32 v27;
	v26 =	vcvt.f32.s32 v32;
	v61 =	vsub.f32 v38, v18  }
0x1ba: {  	v29 =	vcvt.f32.s32 v60;
	v59 =	vld [tilespmem:s9+$0xFFFFFED0];
	v27 =	vcvt.f32.s32 v27  }
0x1bb: {  	v63 =	vtrunc.f32 v61;
	[tilespmem:v28+s26+$0x0] =	vst.idx.add.f32.msk $0xffff, v9;
	v28 =	vmul.f32 v46, v24  }
0x1bc: {  	v30 =	vmul.f32 v45, v24;
	v32 =	vcvt.f32.s32 v63;
	[tilespmem:v33+s26+$0x0] =	vst.idx.add.f32.msk $0xffff, v9  }
0x1bd: {  	v34 =	vmul.f32 v55, v20;
	v28 =	vsub.f32 v28, v25;
	v33 =	vld [tilespmem:s9+$0x1F0]  }
0x1be: {  	[tilespmem:v31+s26+$0x0] =	vst.idx.add.f32.msk $0xffff, v9;
	v30 =	vsub.f32 v30, v25  }
0x1bf: {  	v34 =	vsub.f32 v34, v21;
	[tilespmem:v26+s26+$0x0] =	vst.idx.add.f32.msk $0xffff, v9;
	v26 =	vtrunc.f32 v28;
	v28 =	vmul.f32 v56, v24  }
0x1c0: {  	[tilespmem:v27+s26+$0x0] =	vst.idx.add.f32.msk $0xffff, v9;
	v27 =	vtrunc.f32 v30;
	v30 =	vmul.f32 v59, v20  }
0x1c1: {  	[tilespmem:v29+s26+$0x0] =	vst.idx.add.f32.msk $0xffff, v9;
	v29 =	vtrunc.f32 v34;
	v28 =	vsub.f32 v28, v25  }
0x1c2: {  	v26 =	vcvt.f32.s32 v26;
	v30 =	vsub.f32 v30, v21;
	[tilespmem:v32+s26+$0x0] =	vst.idx.add.f32.msk $0xffff, v9;
	v31 =	vmul.f32 v33, v24  }
0x1c3: {  	v29 =	vcvt.f32.s32 v29;
	v27 =	vcvt.f32.s32 v27;
	v32 =	vld [tilespmem:s9+$0xFFFFFF50]  }
0x1c4: {  	v28 =	vtrunc.f32 v28;
	v30 =	vtrunc.f32 v30;
	v33 =	vld [tilespmem:s9+$0xFFFFFFD0];
	v31 =	vsub.f32 v31, v25  }
0x1c5: {  	s12 =	simm.s32 $0xA00;
	s11 =	simm.s32 $0x8;
	v34 =	vld [tilespmem:s9+$0x50];
	v28 =	vcvt.f32.s32 v28;
	v30 =	vcvt.f32.s32 v30  }
.LBB2_3:
0x1c6: {  	v35 =	vld [tilespmem:s12+$0x180];
	s11 =	sadd.s32 $0x8, s11;
	v31 =	vtrunc.f32 v31  }
0x1c7: {  	v36 =	vld [tilespmem:s12+$0xFFFFFE80];
	p0 =	slt.u32 s11, $0x78;
	v31 =	vcvt.f32.s32 v31  }
0x1c8: {  	v37 =	vld [tilespmem:s12+$0xFFFFFF00];
	v32 =	vmul.f32 v32, v20  }
0x1c9: {  	v38 =	vld [tilespmem:s12+$0xFFFFFF80];
	v33 =	vmul.f32 v33, v20  }
0x1ca: {  	v39 =	vld [tilespmem:s12+$0x0];
	v32 =	vsub.f32 v32, v21;
	v34 =	vmul.f32 v34, v20  }
0x1cb: {  	v40 =	vld [tilespmem:s12+$0x80];
	v35 =	vmul.f32 v35, v10;
	v33 =	vsub.f32 v33, v21  }
0x1cc: {  	v36 =	vmul.f32 v36, v10;
	v41 =	vld [tilespmem:s12+$0x100];
	v32 =	vtrunc.f32 v32;
	v34 =	vsub.f32 v34, v21  }
0x1cd: {  	v37 =	vmul.f32 v37, v10;
	v35 =	vsub.f32 v35, v11;
	v33 =	vtrunc.f32 v33;
	[tilespmem:v31+s26+$0x0] =	vst.idx.add.f32.msk $0xffff, v9  }
0x1ce: {  	v31 =	vld [tilespmem:s12+$0xFFFFFE00];
	v36 =	vsub.f32 v36, v11;
	v38 =	vmul.f32 v38, v10;
	v34 =	vtrunc.f32 v34  }
0x1cf: {  	v37 =	vsub.f32 v37, v11;
	v39 =	vmul.f32 v39, v10;
	v35 =	vtrunc.f32 v35;
	v42 =	vld [tilespmem:s9+$0xD0]  }
0x1d0: {  	v38 =	vsub.f32 v38, v11;
	v40 =	vmul.f32 v40, v10;
	v35 =	vcvt.f32.s32 v35;
	v43 =	vld [tilespmem:s9+$0x150]  }
0x1d1: {  	v36 =	vtrunc.f32 v36;
	v39 =	vsub.f32 v39, v11;
	v41 =	vmul.f32 v41, v10;
	[tilespmem:v29+s26+$0x0] =	vst.idx.add.f32.msk $0xffff, v9  }
0x1d2: {  	v29 =	vtrunc.f32 v37;
	v37 =	vtrunc.f32 v38;
	v38 =	vsub.f32 v40, v11;
	[tilespmem:v30+s26+$0x0] =	vst.idx.add.f32.msk $0xffff, v9  }
0x1d3: {  	v30 =	vmul.f32 v31, v10;
	v31 =	vtrunc.f32 v39;
	v39 =	vsub.f32 v41, v11;
	v40 =	vld [tilespmem:s9+$0xFFFFFE60]  }
0x1d4: {  	v36 =	vcvt.f32.s32 v36;
	v38 =	vtrunc.f32 v38;
	v41 =	vld [tilespmem:s9+$0xFFFFFEE0]  }
0x1d5: {  	v29 =	vcvt.f32.s32 v29;
	v30 =	vsub.f32 v30, v11;
	v39 =	vtrunc.f32 v39;
	[tilespmem:v27+s26+$0x0] =	vst.idx.add.f32.msk $0xffff, v9  }
0x1d6: {  	v31 =	vcvt.f32.s32 v31;
	v27 =	vcvt.f32.s32 v37;
	[tilespmem:v35+s26+$0x0] =	vst.idx.add.f32.msk $0xffff, v9  }
0x1d7: {  	v35 =	vcvt.f32.s32 v38;
	v30 =	vtrunc.f32 v30;
	v37 =	vld [tilespmem:s12+$0x190]  }
0x1d8: {  	v38 =	vcvt.f32.s32 v39;
	v30 =	vcvt.f32.s32 v30;
	[tilespmem:v26+s26+$0x0] =	vst.idx.add.f32.msk $0xffff, v9  }
0x1d9: {  	v39 =	vmul.f32 v43, v20;
	v26 =	vmul.f32 v42, v20;
	[tilespmem:v28+s26+$0x0] =	vst.idx.add.f32.msk $0xffff, v9  }
0x1da: {  	v28 =	vcvt.f32.s32 v32;
	v32 =	vcvt.f32.s32 v33;
	[tilespmem:v36+s26+$0x0] =	vst.idx.add.f32.msk $0xffff, v9  }
0x1db: {  	v33 =	vsub.f32 v39, v21;
	v26 =	vsub.f32 v26, v21;
	[tilespmem:v29+s26+$0x0] =	vst.idx.add.f32.msk $0xffff, v9;
	v29 =	vcvt.f32.s32 v34  }
0x1dc: {  	v34 =	vmul.f32 v40, v22;
	[tilespmem:v27+s26+$0x0] =	vst.idx.add.f32.msk $0xffff, v9;
	v27 =	vmul.f32 v37, v12  }
0x1dd: {  	v26 =	vtrunc.f32 v26;
	[tilespmem:v31+s26+$0x0] =	vst.idx.add.f32.msk $0xffff, v9;
	v31 =	vtrunc.f32 v33  }
0x1de: {  	[tilespmem:v30+s26+$0x0] =	vst.idx.add.f32.msk $0xffff, v9;
	v27 =	vsub.f32 v27, v13;
	v30 =	vcvt.f32.s32 v26;
	v31 =	vcvt.f32.s32 v31  }
0x1df: {  	v33 =	vmul.f32 v41, v22;
	v26 =	vsub.f32 v34, v23;
	[tilespmem:v35+s26+$0x0] =	vst.idx.add.f32.msk $0xffff, v9  }
0x1e0: {  	[tilespmem:v38+s26+$0x0] =	vst.idx.add.f32.msk $0xffff, v9;
	v27 =	vtrunc.f32 v27  }
0x1e1: {  	v26 =	vtrunc.f32 v26;
	v34 =	vld [tilespmem:s12+$0xFFFFFE10];
	v35 =	vcvt.f32.s32 v27;
	v27 =	vsub.f32 v33, v23  }
0x1e2: {  	v26 =	vcvt.f32.s32 v26;
	v33 =	vld [tilespmem:s12+$0xFFFFFE90]  }
0x1e3: {  	v36 =	vld [tilespmem:s12+$0xFFFFFF10];
	v27 =	vtrunc.f32 v27  }
0x1e4: {  	v37 =	vld [tilespmem:s12+$0xFFFFFF90];
	v27 =	vcvt.f32.s32 v27  }
0x1e5: {  	v38 =	vld [tilespmem:s12+$0x10]  }
0x1e6: {  	v34 =	vmul.f32 v34, v12;
	v39 =	vld [tilespmem:s12+$0x90]  }
0x1e7: {  	v33 =	vmul.f32 v33, v12;
	[tilespmem:v35+s26+$0x0] =	vst.idx.add.f32.msk $0xffff, v9  }
0x1e8: {  	v34 =	vsub.f32 v34, v13;
	v35 =	vmul.f32 v36, v12;
	v36 =	vld [tilespmem:s12+$0x1A0]  }
0x1e9: {  	v33 =	vsub.f32 v33, v13;
	v37 =	vmul.f32 v37, v12;
	v40 =	vld [tilespmem:s12+$0x110]  }
0x1ea: {  	v34 =	vtrunc.f32 v34;
	v35 =	vsub.f32 v35, v13;
	v38 =	vmul.f32 v38, v12;
	[tilespmem:v28+s26+$0x0] =	vst.idx.add.f32.msk $0xffff, v9  }
0x1eb: {  	v28 =	vtrunc.f32 v33;
	v33 =	vsub.f32 v37, v13;
	v37 =	vmul.f32 v39, v12;
	[tilespmem:v32+s26+$0x0] =	vst.idx.add.f32.msk $0xffff, v9  }
0x1ec: {  	v32 =	vcvt.f32.s32 v34;
	v34 =	vtrunc.f32 v35;
	v35 =	vsub.f32 v38, v13;
	[tilespmem:v29+s26+$0x0] =	vst.idx.add.f32.msk $0xffff, v9  }
0x1ed: {  	v29 =	vtrunc.f32 v33;
	v33 =	vsub.f32 v37, v13;
	v36 =	vmul.f32 v36, v14;
	[tilespmem:v30+s26+$0x0] =	vst.idx.add.f32.msk $0xffff, v9  }
0x1ee: {  	v30 =	vtrunc.f32 v35;
	v35 =	vmul.f32 v40, v12;
	[tilespmem:v31+s26+$0x0] =	vst.idx.add.f32.msk $0xffff, v9  }
0x1ef: {  	v28 =	vcvt.f32.s32 v28;
	v31 =	vtrunc.f32 v33;
	v33 =	vsub.f32 v36, v15;
	v36 =	vld [tilespmem:s9+$0xFFFFFF60]  }
0x1f0: {  	v34 =	vcvt.f32.s32 v34;
	v29 =	vcvt.f32.s32 v29;
	v35 =	vsub.f32 v35, v13;
	v37 =	vld [tilespmem:s9+$0xFFFFFFE0]  }
0x1f1: {  	v30 =	vcvt.f32.s32 v30;
	v33 =	vtrunc.f32 v33;
	v38 =	vld [tilespmem:s9+$0x60]  }
0x1f2: {  	[tilespmem:v32+s26+$0x0] =	vst.idx.add.f32.msk $0xffff, v9;
	v32 =	vtrunc.f32 v35;
	v33 =	vcvt.f32.s32 v33  }
0x1f3: {  	v31 =	vcvt.f32.s32 v31;
	v35 =	vld [tilespmem:s12+$0xFFFFFE20];
	v32 =	vcvt.f32.s32 v32  }
0x1f4: {  	v36 =	vmul.f32 v36, v22;
	v39 =	vld [tilespmem:s9+$0xE0]  }
0x1f5: {  	[tilespmem:v28+s26+$0x0] =	vst.idx.add.f32.msk $0xffff, v9;
	v28 =	vmul.f32 v37, v22  }
0x1f6: {  	[tilespmem:v34+s26+$0x0] =	vst.idx.add.f32.msk $0xffff, v9;
	v34 =	vsub.f32 v36, v23;
	v36 =	vmul.f32 v38, v22  }
0x1f7: {  	[tilespmem:v29+s26+$0x0] =	vst.idx.add.f32.msk $0xffff, v9;
	v28 =	vsub.f32 v28, v23  }
0x1f8: {  	v29 =	vmul.f32 v35, v14;
	[tilespmem:v33+s26+$0x0] =	vst.idx.add.f32.msk $0xffff, v9;
	v33 =	vtrunc.f32 v34;
	v34 =	vsub.f32 v36, v23  }
0x1f9: {  	v35 =	vld [tilespmem:s12+$0x1B0];
	v28 =	vtrunc.f32 v28;
	v36 =	vmul.f32 v39, v22  }
0x1fa: {  	v29 =	vsub.f32 v29, v15;
	[tilespmem:v30+s26+$0x0] =	vst.idx.add.f32.msk $0xffff, v9;
	v30 =	vcvt.f32.s32 v33;
	v33 =	vtrunc.f32 v34  }
0x1fb: {  	v28 =	vcvt.f32.s32 v28;
	[tilespmem:v31+s26+$0x0] =	vst.idx.add.f32.msk $0xffff, v9;
	v31 =	vcvt.f32.s32 v33;
	v33 =	vsub.f32 v36, v23  }
0x1fc: {  	v29 =	vtrunc.f32 v29;
	[tilespmem:v32+s26+$0x0] =	vst.idx.add.f32.msk $0xffff, v9  }
0x1fd: {  	v29 =	vcvt.f32.s32 v29;
	v32 =	vld [tilespmem:s12+$0xFFFFFEA0];
	v33 =	vtrunc.f32 v33  }
0x1fe: {  	v34 =	vld [tilespmem:s12+$0xFFFFFF20];
	v35 =	vmul.f32 v35, v17;
	v33 =	vcvt.f32.s32 v33  }
0x1ff: {  	v36 =	vld [tilespmem:s12+$0xFFFFFFA0]  }
0x200: {  	v37 =	vld [tilespmem:s12+$0x20];
	v35 =	vsub.f32 v35, v16  }
0x201: {  	v38 =	vld [tilespmem:s12+$0xA0]  }
0x202: {  	v32 =	vmul.f32 v32, v14;
	v39 =	vld [tilespmem:s12+$0x120];
	v35 =	vtrunc.f32 v35  }
0x203: {  	[tilespmem:v29+s26+$0x0] =	vst.idx.add.f32.msk $0xffff, v9;
	v29 =	vmul.f32 v34, v14;
	v34 =	vcvt.f32.s32 v35  }
0x204: {  	v35 =	vld [tilespmem:s12+$0xFFFFFE30];
	v32 =	vsub.f32 v32, v15;
	v36 =	vmul.f32 v36, v14  }
0x205: {  	v29 =	vsub.f32 v29, v15;
	v37 =	vmul.f32 v37, v14;
	v40 =	vld [tilespmem:s9+$0x160]  }
0x206: {  	v32 =	vtrunc.f32 v32;
	v36 =	vsub.f32 v36, v15;
	v38 =	vmul.f32 v38, v14;
	[tilespmem:v26+s26+$0x0] =	vst.idx.add.f32.msk $0xffff, v9  }
0x207: {  	v26 =	vtrunc.f32 v29;
	v29 =	vsub.f32 v37, v15;
	v37 =	vmul.f32 v39, v14;
	[tilespmem:v27+s26+$0x0] =	vst.idx.add.f32.msk $0xffff, v9  }
0x208: {  	v27 =	vcvt.f32.s32 v32;
	v32 =	vtrunc.f32 v36;
	v36 =	vsub.f32 v38, v15;
	[tilespmem:v30+s26+$0x0] =	vst.idx.add.f32.msk $0xffff, v9  }
0x209: {  	v26 =	vcvt.f32.s32 v26;
	v29 =	vtrunc.f32 v29;
	v30 =	vsub.f32 v37, v15;
	[tilespmem:v34+s26+$0x0] =	vst.idx.add.f32.msk $0xffff, v9  }
0x20a: {  	v32 =	vcvt.f32.s32 v32;
	v34 =	vtrunc.f32 v36;
	v36 =	vld [tilespmem:s12+$0x1C0]  }
0x20b: {  	v29 =	vcvt.f32.s32 v29;
	v30 =	vtrunc.f32 v30;
	[tilespmem:v28+s26+$0x0] =	vst.idx.add.f32.msk $0xffff, v9  }
0x20c: {  	v28 =	vcvt.f32.s32 v34;
	v30 =	vcvt.f32.s32 v30;
	[tilespmem:v31+s26+$0x0] =	vst.idx.add.f32.msk $0xffff, v9  }
0x20d: {  	v31 =	vmul.f32 v35, v17;
	[tilespmem:v33+s26+$0x0] =	vst.idx.add.f32.msk $0xffff, v9;
	v33 =	vmul.f32 v40, v22  }
0x20e: {  	[tilespmem:v27+s26+$0x0] =	vst.idx.add.f32.msk $0xffff, v9  }
0x20f: {  	v27 =	vsub.f32 v31, v16;
	[tilespmem:v26+s26+$0x0] =	vst.idx.add.f32.msk $0xffff, v9;
	v26 =	vmul.f32 v36, v19  }
0x210: {  	v31 =	vsub.f32 v33, v23;
	[tilespmem:v32+s26+$0x0] =	vst.idx.add.f32.msk $0xffff, v9  }
0x211: {  	v27 =	vtrunc.f32 v27;
	[tilespmem:v29+s26+$0x0] =	vst.idx.add.f32.msk $0xffff, v9;
	v26 =	vsub.f32 v26, v18  }
0x212: {  	v27 =	vcvt.f32.s32 v27;
	[tilespmem:v28+s26+$0x0] =	vst.idx.add.f32.msk $0xffff, v9;
	v28 =	vtrunc.f32 v31  }
0x213: {  	[tilespmem:v30+s26+$0x0] =	vst.idx.add.f32.msk $0xffff, v9;
	v26 =	vtrunc.f32 v26;
	v28 =	vcvt.f32.s32 v28  }
0x214: {  	v29 =	vld [tilespmem:s12+$0xFFFFFEB0];
	v26 =	vcvt.f32.s32 v26  }
0x215: {  	v30 =	vld [tilespmem:s12+$0xFFFFFF30]  }
0x216: {  	v31 =	vld [tilespmem:s12+$0xFFFFFFB0]  }
0x217: {  	v32 =	vld [tilespmem:s12+$0x30]  }
0x218: {  	v33 =	vld [tilespmem:s12+$0xB0]  }
0x219: {  	v29 =	vmul.f32 v29, v17;
	v34 =	vld [tilespmem:s12+$0x130]  }
0x21a: {  	v30 =	vmul.f32 v30, v17;
	[tilespmem:v26+s26+$0x0] =	vst.idx.add.f32.msk $0xffff, v9  }
0x21b: {  	v26 =	vsub.f32 v29, v16;
	v29 =	vmul.f32 v31, v17;
	v31 =	vld [tilespmem:s12+$0x1D0]  }
0x21c: {  	[tilespmem:v27+s26+$0x0] =	vst.idx.add.f32.msk $0xffff, v9;
	v27 =	vsub.f32 v30, v16;
	v30 =	vmul.f32 v32, v17  }
0x21d: {  	v32 =	vld [tilespmem:s12+$0xFFFFFE40];
	v26 =	vtrunc.f32 v26;
	v29 =	vsub.f32 v29, v16;
	v33 =	vmul.f32 v33, v17  }
0x21e: {  	v27 =	vtrunc.f32 v27;
	v30 =	vsub.f32 v30, v16;
	v34 =	vmul.f32 v34, v17;
	[tilespmem:v28+s26+$0x0] =	vst.idx.add.f32.msk $0xffff, v9  }
0x21f: {  	v26 =	vcvt.f32.s32 v26;
	v28 =	vtrunc.f32 v29;
	v29 =	vsub.f32 v33, v16;
	v33 =	vld [tilespmem:s9+$0xFFFFFE70]  }
0x220: {  	v30 =	vtrunc.f32 v30;
	v34 =	vsub.f32 v34, v16;
	v31 =	vmul.f32 v31, v20;
	v35 =	vld [tilespmem:s9+$0xFFFFFEF0]  }
0x221: {  	v27 =	vcvt.f32.s32 v27;
	v29 =	vtrunc.f32 v29;
	v36 =	vld [tilespmem:s9+$0xFFFFFF70]  }
0x222: {  	v28 =	vcvt.f32.s32 v28;
	v34 =	vtrunc.f32 v34;
	v31 =	vsub.f32 v31, v21;
	v37 =	vld [tilespmem:s9+$0xFFFFFFF0]  }
0x223: {  	v30 =	vcvt.f32.s32 v30;
	v29 =	vcvt.f32.s32 v29;
	v38 =	vld [tilespmem:s9+$0x70]  }
0x224: {  	v34 =	vcvt.f32.s32 v34;
	v31 =	vtrunc.f32 v31;
	v39 =	vld [tilespmem:s9+$0xF0]  }
0x225: {  	v32 =	vmul.f32 v32, v19;
	[tilespmem:v26+s26+$0x0] =	vst.idx.add.f32.msk $0xffff, v9;
	v26 =	vcvt.f32.s32 v31  }
0x226: {  	v33 =	vmul.f32 v33, v24;
	v35 =	vmul.f32 v35, v24;
	v31 =	vld [tilespmem:s12+$0xFFFFFEC0]  }
0x227: {  	v32 =	vsub.f32 v32, v18;
	[tilespmem:v27+s26+$0x0] =	vst.idx.add.f32.msk $0xffff, v9;
	v27 =	vmul.f32 v36, v24  }
0x228: {  	[tilespmem:v28+s26+$0x0] =	vst.idx.add.f32.msk $0xffff, v9;
	v28 =	vmul.f32 v37, v24;
	v36 =	vmul.f32 v38, v24  }
0x229: {  	v32 =	vtrunc.f32 v32;
	[tilespmem:v30+s26+$0x0] =	vst.idx.add.f32.msk $0xffff, v9;
	v30 =	vsub.f32 v33, v25;
	v33 =	vmul.f32 v39, v24  }
0x22a: {  	v32 =	vcvt.f32.s32 v32;
	v27 =	vsub.f32 v27, v25;
	[tilespmem:v29+s26+$0x0] =	vst.idx.add.f32.msk $0xffff, v9;
	v29 =	vsub.f32 v35, v25  }
0x22b: {  	v28 =	vsub.f32 v28, v25;
	v31 =	vmul.f32 v31, v19;
	[tilespmem:v26+s26+$0x0] =	vst.idx.add.f32.msk $0xffff, v9;
	v26 =	vtrunc.f32 v30  }
0x22c: {  	v35 =	vsub.f32 v36, v25;
	v33 =	vsub.f32 v33, v25;
	v30 =	vld [tilespmem:s12+$0x1E0];
	v29 =	vtrunc.f32 v29  }
0x22d: {  	v27 =	vtrunc.f32 v27;
	v28 =	vtrunc.f32 v28;
	v31 =	vsub.f32 v31, v18;
	[tilespmem:v34+s26+$0x0] =	vst.idx.add.f32.msk $0xffff, v9  }
0x22e: {  	v35 =	vtrunc.f32 v35;
	v33 =	vtrunc.f32 v33;
	v34 =	vld [tilespmem:s12+$0xFFFFFF40]  }
0x22f: {  	v37 =	vcvt.f32.s32 v26;
	v31 =	vtrunc.f32 v31;
	v36 =	vld [tilespmem:s12+$0xFFFFFFC0]  }
0x230: {  	v29 =	vcvt.f32.s32 v29;
	v31 =	vcvt.f32.s32 v31;
	v38 =	vld [tilespmem:s12+$0x40]  }
0x231: {  	v39 =	vld [tilespmem:s12+$0xC0];
	v26 =	vmul.f32 v30, v22;
	v30 =	vcvt.f32.s32 v27  }
0x232: {  	v28 =	vcvt.f32.s32 v28;
	v27 =	vcvt.f32.s32 v35;
	v40 =	vld [tilespmem:s12+$0x140]  }
0x233: {  	[tilespmem:v32+s26+$0x0] =	vst.idx.add.f32.msk $0xffff, v9;
	v32 =	vmul.f32 v34, v19;
	v34 =	vsub.f32 v26, v23;
	v26 =	vcvt.f32.s32 v33  }
0x234: {  	v33 =	vld [tilespmem:s12+$0xFFFFFE50];
	v35 =	vmul.f32 v36, v19  }
0x235: {  	v32 =	vsub.f32 v32, v18;
	v36 =	vmul.f32 v38, v19;
	v34 =	vtrunc.f32 v34;
	v38 =	vld [tilespmem:s9+$0x170];
	s9 =	smov.u32 s12  }
0x236: {  	[tilespmem:v31+s26+$0x0] =	vst.idx.add.f32.msk $0xffff, v9;
	v31 =	vsub.f32 v35, v18;
	v35 =	vmul.f32 v39, v19;
	v34 =	vcvt.f32.s32 v34  }
0x237: {  	v39 =	vld [tilespmem:s12+$0xFFFFFED0];
	v32 =	vtrunc.f32 v32;
	v36 =	vsub.f32 v36, v18;
	v40 =	vmul.f32 v40, v19  }
0x238: {  	v32 =	vcvt.f32.s32 v32;
	v31 =	vtrunc.f32 v31;
	v35 =	vsub.f32 v35, v18;
	[tilespmem:v37+s26+$0x0] =	vst.idx.add.f32.msk $0xffff, v9  }
0x239: {  	v31 =	vcvt.f32.s32 v31;
	v36 =	vtrunc.f32 v36;
	v37 =	vsub.f32 v40, v18;
	[tilespmem:v29+s26+$0x0] =	vst.idx.add.f32.msk $0xffff, v9  }
0x23a: {  	v29 =	vcvt.f32.s32 v36;
	v35 =	vtrunc.f32 v35;
	[tilespmem:v30+s26+$0x0] =	vst.idx.add.f32.msk $0xffff, v9  }
0x23b: {  	v30 =	vcvt.f32.s32 v35;
	v35 =	vtrunc.f32 v37;
	[tilespmem:v28+s26+$0x0] =	vst.idx.add.f32.msk $0xffff, v9  }
0x23c: {  	v28 =	vmul.f32 v33, v20;
	v33 =	vcvt.f32.s32 v35;
	[tilespmem:v34+s26+$0x0] =	vst.idx.add.f32.msk $0xffff, v9  }
0x23d: {  	v36 =	vmul.f32 v38, v24;
	v34 =	vmul.f32 v39, v20;
	v35 =	vld [tilespmem:s12+$0x1F0]  }
0x23e: {  	v28 =	vsub.f32 v28, v21;
	[tilespmem:v32+s26+$0x0] =	vst.idx.add.f32.msk $0xffff, v9  }
0x23f: {  	v32 =	vsub.f32 v34, v21;
	[tilespmem:v31+s26+$0x0] =	vst.idx.add.f32.msk $0xffff, v9;
	v31 =	vsub.f32 v36, v25  }
0x240: {  	v28 =	vtrunc.f32 v28;
	[tilespmem:v29+s26+$0x0] =	vst.idx.add.f32.msk $0xffff, v9  }
.Ltmp2:
0x241: {  	v29 =	vcvt.f32.s32 v28;
	v28 =	vtrunc.f32 v32;
	[tilespmem:v30+s26+$0x0] =	vst.idx.add.f32.msk $0xffff, v9;
	(pc) =	sbr.rel @p0 .LBB2_3-.Ltmp2, $4  }
0x242: {  	v30 =	vcvt.f32.s32 v28;
	[tilespmem:v33+s26+$0x0] =	vst.idx.add.f32.msk $0xffff, v9;
	v28 =	vmul.f32 v35, v24  }
0x243: {  	v34 =	vtrunc.f32 v31;
	v32 =	vld [tilespmem:s12+$0xFFFFFF50]  }
0x244: {  	v33 =	vld [tilespmem:s12+$0xFFFFFFD0];
	v31 =	vsub.f32 v28, v25;
	v28 =	vcvt.f32.s32 v34  }
0x245: {  	s12 =	sadd.s32 $0x400, s12;
	v34 =	vld [tilespmem:s9+$0x50]  }
0x246: {  	v35 =	vld [tilespmem:s9+$0xD0];
	_ =	sdelay $0x2  }
0x247: {  	v32 =	vmul.f32 v32, v20  }
0x248: {  	v34 =	vmul.f32 v34, v20  }
0x249: {  	v32 =	vsub.f32 v32, v21;
	v35 =	vmul.f32 v35, v20  }
0x24a: {  	v34 =	vsub.f32 v34, v21  }
0x24b: {  	v33 =	vmul.f32 v33, v20;
	v32 =	vtrunc.f32 v32;
	v35 =	vsub.f32 v35, v21  }
0x24c: {  	v32 =	vcvt.f32.s32 v32;
	v34 =	vtrunc.f32 v34  }
0x24d: {  	[tilespmem:v29+s26+$0x0] =	vst.idx.add.f32.msk $0xffff, v9;
	v33 =	vsub.f32 v33, v21;
	v29 =	vcvt.f32.s32 v34;
	v61 =	vtrunc.f32 v35  }
0x24e: {  	[tilespmem:v30+s26+$0x0] =	vst.idx.add.f32.msk $0xffff, v9;
	v30 =	vcvt.f32.s32 v61  }
0x24f: {  	v36 =	vld [tilespmem:s9+$0x150];
	v33 =	vtrunc.f32 v33  }
0x250: {  	v33 =	vcvt.f32.s32 v33  }
0x251: {  	v63 =	vld [tilespmem:s9+$0xFFFFFEE0]  }
0x252: {  	[tilespmem:v32+s26+$0x0] =	vst.idx.add.f32.msk $0xffff, v9  }
0x253: {  	[tilespmem:v29+s26+$0x0] =	vst.idx.add.f32.msk $0xffff, v9  }
0x254: {  	v29 =	vmul.f32 v36, v20;
	[tilespmem:v30+s26+$0x0] =	vst.idx.add.f32.msk $0xffff, v9  }
0x255: {  	v30 =	vld [tilespmem:s9+$0xFFFFFF60]  }
0x256: {  	[tilespmem:v33+s26+$0x0] =	vst.idx.add.f32.msk $0xffff, v9;
	v29 =	vsub.f32 v29, v21  }
0x257: {  	v40 =	vld [tilespmem:s9+$0xFFFFFFE0]  }
0x258: {  	v42 =	vld [tilespmem:s9+$0x60];
	v29 =	vtrunc.f32 v29  }
0x259: {  	v35 =	vmul.f32 v63, v22;
	v29 =	vcvt.f32.s32 v29  }
0x25a: {  	v30 =	vmul.f32 v30, v22  }
0x25b: {  	v35 =	vsub.f32 v35, v23;
	v43 =	vld [tilespmem:s9+$0xE0]  }
0x25c: {  	v32 =	vmul.f32 v40, v22;
	v30 =	vsub.f32 v30, v23  }
0x25d: {  	v35 =	vtrunc.f32 v35;
	v34 =	vmul.f32 v42, v22  }
0x25e: {  	v62 =	vld [tilespmem:s9+$0xFFFFFE60];
	v35 =	vcvt.f32.s32 v35;
	v32 =	vsub.f32 v32, v23;
	v30 =	vtrunc.f32 v30  }
0x25f: {  	v34 =	vsub.f32 v34, v23;
	[tilespmem:v29+s26+$0x0] =	vst.idx.add.f32.msk $0xffff, v9;
	v30 =	vcvt.f32.s32 v30  }
0x260: {  	v36 =	vmul.f32 v43, v22;
	v29 =	vtrunc.f32 v32;
	v45 =	vld [tilespmem:s9+$0x160]  }
0x261: {  	v34 =	vtrunc.f32 v34;
	v29 =	vcvt.f32.s32 v29  }
0x262: {  	v44 =	vsub.f32 v36, v23;
	v34 =	vcvt.f32.s32 v34  }
0x263: {  	v41 =	vmul.f32 v62, v22  }
0x264: {  	[tilespmem:v35+s26+$0x0] =	vst.idx.add.f32.msk $0xffff, v9;
	v32 =	vtrunc.f32 v44  }
0x265: {  	v33 =	vsub.f32 v41, v23;
	v32 =	vcvt.f32.s32 v32;
	[tilespmem:v30+s26+$0x0] =	vst.idx.add.f32.msk $0xffff, v9;
	v30 =	vmul.f32 v45, v22  }
0x266: {  	v46 =	vld [tilespmem:s9+$0xFFFFFEF0]  }
0x267: {  	v33 =	vtrunc.f32 v33;
	[tilespmem:v29+s26+$0x0] =	vst.idx.add.f32.msk $0xffff, v9;
	v29 =	vsub.f32 v30, v23  }
0x268: {  	v33 =	vcvt.f32.s32 v33;
	[tilespmem:v34+s26+$0x0] =	vst.idx.add.f32.msk $0xffff, v9  }
0x269: {  	v47 =	vld [tilespmem:s9+$0xFFFFFF70];
	v29 =	vtrunc.f32 v29  }
0x26a: {  	v49 =	vld [tilespmem:s9+$0x70];
	v29 =	vcvt.f32.s32 v29  }
0x26b: {  	[tilespmem:v32+s26+$0x0] =	vst.idx.add.f32.msk $0xffff, v9  }
0x26c: {  	v48 =	vld [tilespmem:s9+$0xFFFFFFF0]  }
0x26d: {  	v31 =	vtrunc.f32 v31;
	v50 =	vld [tilespmem:s9+$0xF0]  }
0x26e: {  	v31 =	vcvt.f32.s32 v31;
	[tilespmem:v33+s26+$0x0] =	vst.idx.add.f32.msk $0xffff, v9  }
0x26f: {  	v30 =	vld [tilespmem:s9+$0xFFFFFE70];
	v51 =	vmul.f32 v47, v24;
	v35 =	vmul.f32 v49, v24  }
0x270: {  	[tilespmem:v29+s26+$0x0] =	vst.idx.add.f32.msk $0xffff, v9  }
0x271: {  	v34 =	vmul.f32 v48, v24;
	v32 =	vsub.f32 v51, v25;
	v35 =	vsub.f32 v35, v25;
	v52 =	vld [tilespmem:s9+$0x170]  }
0x272: {  	v36 =	vmul.f32 v50, v24  }
0x273: {  	[tilespmem:v27+s26+$0x0] =	vst.idx.add.f32.msk $0xffff, v9;
	v34 =	vsub.f32 v34, v25;
	v32 =	vtrunc.f32 v32;
	v27 =	vtrunc.f32 v35  }
0x274: {  	v29 =	vmul.f32 v30, v24;
	v30 =	vmul.f32 v46, v24  }
0x275: {  	[tilespmem:v31+s26+$0x0] =	vst.idx.add.f32.msk $0xffff, v9;
	v31 =	vsub.f32 v36, v25;
	v34 =	vtrunc.f32 v34;
	v32 =	vcvt.f32.s32 v32  }
0x276: {  	v27 =	vcvt.f32.s32 v27;
	v29 =	vsub.f32 v29, v25;
	v33 =	vmul.f32 v52, v24  }
0x277: {  	[tilespmem:v26+s26+$0x0] =	vst.idx.add.f32.msk $0xffff, v9;
	v26 =	vtrunc.f32 v31;
	v34 =	vcvt.f32.s32 v34;
	v30 =	vsub.f32 v30, v25  }
0x278: {  	v26 =	vcvt.f32.s32 v26;
	v29 =	vtrunc.f32 v29;
	v33 =	vsub.f32 v33, v25  }
0x279: {  	v30 =	vtrunc.f32 v30;
	v29 =	vcvt.f32.s32 v29  }
0x27a: {  	[tilespmem:v28+s26+$0x0] =	vst.idx.add.f32.msk $0xffff, v9;
	v30 =	vcvt.f32.s32 v30;
	v28 =	vtrunc.f32 v33  }
0x27b: {  	[tilespmem:v32+s26+$0x0] =	vst.idx.add.f32.msk $0xffff, v9;
	v28 =	vcvt.f32.s32 v28  }
0x27c: {  	[tilespmem:v27+s26+$0x0] =	vst.idx.add.f32.msk $0xffff, v9  }
0x27d: {  	[tilespmem:v34+s26+$0x0] =	vst.idx.add.f32.msk $0xffff, v9  }
0x27e: {  	s13 =	sshll.u32 s8, $0x14;
	[tilespmem:v26+s26+$0x0] =	vst.idx.add.f32.msk $0xffff, v9  }
0x27f: {  	s12 =	sshll.u32 s8, $0x2;
	s9 =	sadd.s32 s7, s13;
	[tilespmem:v29+s26+$0x0] =	vst.idx.add.f32.msk $0xffff, v9  }
0x280: {  	s16 =	sadd.s32 $0xFFFFFFFC, s12;
	s9 =	sshrl.u32 s9, $0x3;
	[tilespmem:v30+s26+$0x0] =	vst.idx.add.f32.msk $0xffff, v9  }
0x281: {  	s11 =	sor.u32 $0x2, s12;
	p0 =	sgt.u32 s16, $0x1B;
	s9 =	sadd.s32 s2, s9;
	[tilespmem:v28+s26+$0x0] =	vst.idx.add.f32.msk $0xffff, v9  }
0x282: {  	[hbm4b:s9+s21] =	stream.strided.scatter [tilespmem:s3], [sflag:$0x5], $0x4000, s22, s21, $0x38;
	[tilespmem:$0x10600] =	vst v63  }
0x283: {  	s13 =	sshll.u32 @!p0 s11, $0x12;
	s9 =	simm.s32 @!p0 $0x7  }
0x284: {  	s16 =	simm.s32 @!p0 $0x4000;
	s13 =	sor.u32 @!p0 s7, s13;
	_ =	swait.ge @!p0 [sflag:s9], $0x4000  }
0x285: {  	s17 =	simm.s32 @!p0 $0x8000;
	s13 =	sshrl.u32 @!p0 s13, $0x3;
	[sflag:s9] =	ssyncset.done @!p0 $0x0  }
0x286: {  	[sflag:s9] =	ssyncadd.s32 @!p0 $0xFFFFC000;
	s9 =	sadd.s32 @!p0 s0, s13;
	s13 =	simm.s32 @!p0 $0x400  }
0x287: {  	[tilespmem:s17], [sflag:$0x3] =	stream.strided.gather @!p0 [hbm4b:s9+s13], $0x4000, s16, s13, $0x38;
	[tilespmem:$0x10600] =	vst v63  }
0x288: {  	_ =	swait.ge [sflag:s28], $0x4000  }
0x289: {  	[sflag:s28] =	ssyncset.done $0x0  }
0x28a: {  	s17 =	simm.s32 $0x4000;
	[sflag:s28] =	ssyncadd.s32 $0xFFFFC000  }
0x28b: {  	v26 =	vld [tilespmem:s17+$0x380];
	_ =	sdelay $0x4  }
0x28c: {  	v26 =	vmul.f32 v26, v10;
	_ =	sdelay $0x1  }
0x28d: {  	v27 =	vld [tilespmem:s17+$0x80];
	v26 =	vsub.f32 v26, v11  }
0x28e: {  	v28 =	vld [tilespmem:s17+$0x100]  }
0x28f: {  	v29 =	vld [tilespmem:s17+$0x180];
	v26 =	vtrunc.f32 v26  }
0x290: {  	v30 =	vld [tilespmem:s17+$0x200];
	v26 =	vcvt.f32.s32 v26  }
0x291: {  	v53 =	vld [tilespmem:s17+$0x0];
	_ =	sdelay $0x1  }
0x292: {  	v31 =	vld [tilespmem:s17+$0x280];
	v27 =	vmul.f32 v27, v10;
	_ =	sdelay $0x1  }
0x293: {  	v28 =	vmul.f32 v28, v10;
	v30 =	vmul.f32 v30, v10;
	v27 =	vsub.f32 v27, v11  }
0x294: {  	v29 =	vmul.f32 v29, v10;
	v32 =	vmul.f32 v53, v10;
	[tilespmem:v26+s26+$0x0] =	vst.idx.add.f32.msk $0xffff, v9  }
0x295: {  	v28 =	vsub.f32 v28, v11;
	v27 =	vtrunc.f32 v27;
	v26 =	vsub.f32 v30, v11;
	v30 =	vld [tilespmem:s17+$0x390]  }
0x296: {  	v31 =	vmul.f32 v31, v10;
	v29 =	vsub.f32 v29, v11;
	v27 =	vcvt.f32.s32 v27  }
0x297: {  	v32 =	vsub.f32 v32, v11;
	v28 =	vtrunc.f32 v28;
	v26 =	vtrunc.f32 v26  }
0x298: {  	v29 =	vtrunc.f32 v29;
	v26 =	vcvt.f32.s32 v26  }
0x299: {  	v31 =	vsub.f32 v31, v11;
	v32 =	vtrunc.f32 v32;
	v28 =	vcvt.f32.s32 v28  }
0x29a: {  	v29 =	vcvt.f32.s32 v29;
	v30 =	vmul.f32 v30, v12  }
0x29b: {  	v54 =	vld [tilespmem:s17+$0x300];
	v31 =	vtrunc.f32 v31;
	v32 =	vcvt.f32.s32 v32  }
0x29c: {  	v31 =	vcvt.f32.s32 v31;
	[tilespmem:v27+s26+$0x0] =	vst.idx.add.f32.msk $0xffff, v9;
	v27 =	vsub.f32 v30, v13;
	_ =	sdelay $0x1  }
0x29d: {  	[tilespmem:v26+s26+$0x0] =	vst.idx.add.f32.msk $0xffff, v9;
	v26 =	vtrunc.f32 v27  }
0x29e: {  	[tilespmem:v28+s26+$0x0] =	vst.idx.add.f32.msk $0xffff, v9;
	v26 =	vcvt.f32.s32 v26  }
0x29f: {  	[tilespmem:v29+s26+$0x0] =	vst.idx.add.f32.msk $0xffff, v9  }
0x2a0: {  	[tilespmem:v32+s26+$0x0] =	vst.idx.add.f32.msk $0xffff, v9;
	v27 =	vmul.f32 v54, v10  }
0x2a1: {  	[tilespmem:v31+s26+$0x0] =	vst.idx.add.f32.msk $0xffff, v9  }
0x2a2: {  	v28 =	vld [tilespmem:s17+$0x10];
	v27 =	vsub.f32 v27, v11  }
0x2a3: {  	v29 =	vld [tilespmem:s17+$0x90]  }
0x2a4: {  	v27 =	vtrunc.f32 v27;
	[tilespmem:v26+s26+$0x0] =	vst.idx.add.f32.msk $0xffff, v9  }
0x2a5: {  	v26 =	vcvt.f32.s32 v27;
	v27 =	vld [tilespmem:s17+$0x3A0]  }
0x2a6: {  	v31 =	vld [tilespmem:s17+$0x190]  }
0x2a7: {  	v30 =	vld [tilespmem:s17+$0x110]  }
0x2a8: {  	v28 =	vmul.f32 v28, v12  }
0x2a9: {  	v29 =	vmul.f32 v29, v12  }
0x2aa: {  	v56 =	vld [tilespmem:s17+$0x290];
	v28 =	vsub.f32 v28, v13;
	v27 =	vmul.f32 v27, v14  }
0x2ab: {  	v31 =	vmul.f32 v31, v12;
	v29 =	vsub.f32 v29, v13  }
0x2ac: {  	v55 =	vld [tilespmem:s17+$0x210];
	v28 =	vtrunc.f32 v28;
	v30 =	vmul.f32 v30, v12;
	v27 =	vsub.f32 v27, v15  }
0x2ad: {  	v31 =	vsub.f32 v31, v13;
	v29 =	vtrunc.f32 v29;
	v28 =	vcvt.f32.s32 v28;
	[tilespmem:v26+s26+$0x0] =	vst.idx.add.f32.msk $0xffff, v9  }
0x2ae: {  	v29 =	vcvt.f32.s32 v29;
	v26 =	vsub.f32 v30, v13;
	v57 =	vld [tilespmem:s17+$0x310];
	v27 =	vtrunc.f32 v27  }
0x2af: {  	v33 =	vmul.f32 v56, v12;
	v27 =	vcvt.f32.s32 v27  }
0x2b0: {  	v31 =	vtrunc.f32 v31;
	v26 =	vtrunc.f32 v26  }
0x2b1: {  	v33 =	vsub.f32 v33, v13;
	v30 =	vmul.f32 v55, v12;
	v26 =	vcvt.f32.s32 v26  }
0x2b2: {  	v31 =	vcvt.f32.s32 v31  }
0x2b3: {  	[tilespmem:v28+s26+$0x0] =	vst.idx.add.f32.msk $0xffff, v9;
	v28 =	vtrunc.f32 v33;
	v30 =	vsub.f32 v30, v13;
	v32 =	vmul.f32 v57, v12  }
0x2b4: {  	[tilespmem:v29+s26+$0x0] =	vst.idx.add.f32.msk $0xffff, v9;
	v28 =	vcvt.f32.s32 v28  }
0x2b5: {  	v30 =	vtrunc.f32 v30;
	v32 =	vsub.f32 v32, v13;
	[tilespmem:v27+s26+$0x0] =	vst.idx.add.f32.msk $0xffff, v9  }
0x2b6: {  	v30 =	vcvt.f32.s32 v30;
	v27 =	vld [tilespmem:s17+$0x3B0]  }
0x2b7: {  	[tilespmem:v26+s26+$0x0] =	vst.idx.add.f32.msk $0xffff, v9;
	v26 =	vtrunc.f32 v32  }
0x2b8: {  	[tilespmem:v31+s26+$0x0] =	vst.idx.add.f32.msk $0xffff, v9;
	v26 =	vcvt.f32.s32 v26  }
0x2b9: {  	v58 =	vld [tilespmem:s17+$0x20]  }
0x2ba: {  	[tilespmem:v28+s26+$0x0] =	vst.idx.add.f32.msk $0xffff, v9  }
0x2bb: {  	v28 =	vld [tilespmem:s17+$0xA0];
	v27 =	vmul.f32 v27, v17  }
0x2bc: {  	[tilespmem:v30+s26+$0x0] =	vst.idx.add.f32.msk $0xffff, v9  }
0x2bd: {  	v31 =	vld [tilespmem:s17+$0x220];
	v27 =	vsub.f32 v27, v16  }
0x2be: {  	[tilespmem:v26+s26+$0x0] =	vst.idx.add.f32.msk $0xffff, v9;
	v26 =	vmul.f32 v58, v14  }
0x2bf: {  	v27 =	vtrunc.f32 v27  }
0x2c0: {  	v60 =	vld [tilespmem:s17+$0x320];
	v26 =	vsub.f32 v26, v15;
	v27 =	vcvt.f32.s32 v27  }
0x2c1: {  	v28 =	vmul.f32 v28, v14  }
0x2c2: {  	v26 =	vtrunc.f32 v26  }
0x2c3: {  	v28 =	vsub.f32 v28, v15;
	v31 =	vmul.f32 v31, v14;
	v26 =	vcvt.f32.s32 v26  }
0x2c4: {  	v30 =	vld [tilespmem:s17+$0x1A0]  }
0x2c5: {  	v59 =	vld [tilespmem:s17+$0x2A0];
	v28 =	vtrunc.f32 v28;
	v31 =	vsub.f32 v31, v15;
	v33 =	vmul.f32 v60, v14  }
0x2c6: {  	v28 =	vcvt.f32.s32 v28;
	[tilespmem:v27+s26+$0x0] =	vst.idx.add.f32.msk $0xffff, v9  }
0x2c7: {  	v27 =	vtrunc.f32 v31;
	v31 =	vsub.f32 v33, v15;
	v61 =	vld [tilespmem:s17+$0x3C0]  }
0x2c8: {  	v27 =	vcvt.f32.s32 v27  }
0x2c9: {  	v30 =	vmul.f32 v30, v14;
	[tilespmem:v26+s26+$0x0] =	vst.idx.add.f32.msk $0xffff, v9;
	v26 =	vtrunc.f32 v31  }
0x2ca: {  	v32 =	vmul.f32 v59, v14;
	v26 =	vcvt.f32.s32 v26  }
0x2cb: {  	v29 =	vld [tilespmem:s17+$0x120];
	v30 =	vsub.f32 v30, v15  }
0x2cc: {  	v32 =	vsub.f32 v32, v15;
	[tilespmem:v28+s26+$0x0] =	vst.idx.add.f32.msk $0xffff, v9;
	v28 =	vmul.f32 v61, v19  }
0x2cd: {  	v30 =	vtrunc.f32 v30  }
0x2ce: {  	v32 =	vtrunc.f32 v32;
	v30 =	vcvt.f32.s32 v30;
	[tilespmem:v27+s26+$0x0] =	vst.idx.add.f32.msk $0xffff, v9;
	v27 =	vsub.f32 v28, v18  }
0x2cf: {  	v62 =	vld [tilespmem:s17+$0x30];
	v31 =	vcvt.f32.s32 v32  }
0x2d0: {  	[tilespmem:v26+s26+$0x0] =	vst.idx.add.f32.msk $0xffff, v9;
	v26 =	vtrunc.f32 v27  }
0x2d1: {  	v29 =	vmul.f32 v29, v14;
	v26 =	vcvt.f32.s32 v26  }
0x2d2: {  	v27 =	vld [tilespmem:s17+$0xB0]  }
0x2d3: {  	v29 =	vsub.f32 v29, v15  }
0x2d4: {  	[tilespmem:v30+s26+$0x0] =	vst.idx.add.f32.msk $0xffff, v9;
	v30 =	vmul.f32 v62, v17  }
0x2d5: {  	v29 =	vtrunc.f32 v29;
	[tilespmem:v31+s26+$0x0] =	vst.idx.add.f32.msk $0xffff, v9  }
0x2d6: {  	v29 =	vcvt.f32.s32 v29;
	v30 =	vsub.f32 v30, v16;
	v63 =	vld [tilespmem:s17+$0x2B0]  }
0x2d7: {  	v27 =	vmul.f32 v27, v17;
	[tilespmem:v26+s26+$0x0] =	vst.idx.add.f32.msk $0xffff, v9  }
0x2d8: {  	v26 =	vtrunc.f32 v30;
	v30 =	vld [tilespmem:s17+$0x3D0]  }
0x2d9: {  	v27 =	vsub.f32 v27, v16  }
0x2da: {  	v26 =	vcvt.f32.s32 v26  }
0x2db: {  	v27 =	vtrunc.f32 v27  }
0x2dc: {  	[tilespmem:v29+s26+$0x0] =	vst.idx.add.f32.msk $0xffff, v9;
	v32 =	vmul.f32 v63, v17;
	v27 =	vcvt.f32.s32 v27  }
0x2dd: {  	v28 =	vld [tilespmem:s17+$0x130];
	v30 =	vmul.f32 v30, v20  }
0x2de: {  	v32 =	vsub.f32 v32, v16  }
0x2df: {  	v29 =	vld [tilespmem:s17+$0x1B0];
	v30 =	vsub.f32 v30, v21  }
0x2e0: {  	[tilespmem:v26+s26+$0x0] =	vst.idx.add.f32.msk $0xffff, v9;
	v26 =	vtrunc.f32 v32  }
0x2e1: {  	v31 =	vld [tilespmem:s17+$0x230];
	v26 =	vcvt.f32.s32 v26;
	v30 =	vtrunc.f32 v30  }
0x2e2: {  	v28 =	vmul.f32 v28, v17;
	[tilespmem:v27+s26+$0x0] =	vst.idx.add.f32.msk $0xffff, v9;
	v27 =	vcvt.f32.s32 v30  }
0x2e3: {  	v36 =	vld [tilespmem:s17+$0x330]  }
0x2e4: {  	v28 =	vsub.f32 v28, v16  }
0x2e5: {  	v29 =	vmul.f32 v29, v17  }
0x2e6: {  	v31 =	vmul.f32 v31, v17;
	v28 =	vtrunc.f32 v28;
	v37 =	vld [tilespmem:s17+$0x40]  }
0x2e7: {  	v29 =	vsub.f32 v29, v16;
	v28 =	vcvt.f32.s32 v28;
	[tilespmem:v26+s26+$0x0] =	vst.idx.add.f32.msk $0xffff, v9  }
0x2e8: {  	v31 =	vsub.f32 v31, v16;
	v33 =	vmul.f32 v36, v17;
	[tilespmem:v27+s26+$0x0] =	vst.idx.add.f32.msk $0xffff, v9  }
0x2e9: {  	s9 =	simm.s32 $0x4400;
	v29 =	vtrunc.f32 v29;
	v26 =	vld [tilespmem:s17+$0x3E0]  }
0x2ea: {  	v42 =	vld [tilespmem:s9+$0x100];
	v29 =	vcvt.f32.s32 v29;
	v31 =	vtrunc.f32 v31;
	v33 =	vsub.f32 v33, v16  }
0x2eb: {  	v31 =	vcvt.f32.s32 v31;
	v38 =	vld [tilespmem:s17+$0xC0]  }
0x2ec: {  	v43 =	vld [tilespmem:s9+$0x180];
	v30 =	vtrunc.f32 v33  }
0x2ed: {  	[tilespmem:v28+s26+$0x0] =	vst.idx.add.f32.msk $0xffff, v9;
	v30 =	vcvt.f32.s32 v30;
	v27 =	vmul.f32 v37, v19  }
0x2ee: {  	v28 =	vld [tilespmem:s17+$0x140];
	v26 =	vmul.f32 v26, v22  }
0x2ef: {  	v44 =	vld [tilespmem:s9+$0x200];
	v27 =	vsub.f32 v27, v18  }
0x2f0: {  	[tilespmem:v29+s26+$0x0] =	vst.idx.add.f32.msk $0xffff, v9;
	v29 =	vmul.f32 v38, v19;
	v26 =	vsub.f32 v26, v23  }
0x2f1: {  	[tilespmem:v31+s26+$0x0] =	vst.idx.add.f32.msk $0xffff, v9;
	v27 =	vtrunc.f32 v27  }
0x2f2: {  	v31 =	vld [tilespmem:s17+$0x240];
	v29 =	vsub.f32 v29, v18;
	v27 =	vcvt.f32.s32 v27;
	v26 =	vtrunc.f32 v26  }
0x2f3: {  	v28 =	vmul.f32 v28, v19;
	[tilespmem:v30+s26+$0x0] =	vst.idx.add.f32.msk $0xffff, v9;
	v26 =	vcvt.f32.s32 v26  }
0x2f4: {  	v30 =	vld [tilespmem:s17+$0x1C0];
	v29 =	vtrunc.f32 v29  }
0x2f5: {  	v28 =	vsub.f32 v28, v18;
	v40 =	vld [tilespmem:s17+$0x340];
	v29 =	vcvt.f32.s32 v29  }
0x2f6: {  	v45 =	vld [tilespmem:s9+$0x280]  }
0x2f7: {  	v31 =	vmul.f32 v31, v19;
	v39 =	vld [tilespmem:s17+$0x2C0];
	v28 =	vtrunc.f32 v28  }
0x2f8: {  	[tilespmem:v27+s26+$0x0] =	vst.idx.add.f32.msk $0xffff, v9;
	v27 =	vcvt.f32.s32 v28  }
0x2f9: {  	v31 =	vsub.f32 v31, v18;
	v30 =	vmul.f32 v30, v19;
	[tilespmem:v26+s26+$0x0] =	vst.idx.add.f32.msk $0xffff, v9  }
0x2fa: {  	v33 =	vmul.f32 v40, v19;
	v26 =	vld [tilespmem:s17+$0x3F0]  }
0x2fb: {  	v31 =	vtrunc.f32 v31;
	v30 =	vsub.f32 v30, v18;
	[tilespmem:v29+s26+$0x0] =	vst.idx.add.f32.msk $0xffff, v9  }
0x2fc: {  	v32 =	vmul.f32 v39, v19;
	v33 =	vsub.f32 v33, v18;
	v29 =	vcvt.f32.s32 v31;
	v31 =	vld [tilespmem:s17+$0xD0]  }
0x2fd: {  	v28 =	vtrunc.f32 v30;
	v41 =	vld [tilespmem:s17+$0x50]  }
0x2fe: {  	v30 =	vsub.f32 v32, v18;
	v33 =	vtrunc.f32 v33;
	v28 =	vcvt.f32.s32 v28;
	[tilespmem:v27+s26+$0x0] =	vst.idx.add.f32.msk $0xffff, v9  }
0x2ff: {  	v33 =	vcvt.f32.s32 v33;
	v27 =	vld [tilespmem:s9+$0x380];
	v26 =	vmul.f32 v26, v24  }
0x300: {  	v46 =	vld [tilespmem:s9+$0x300];
	v30 =	vtrunc.f32 v30  }
0x301: {  	v37 =	vld [tilespmem:s9+$0x0];
	v30 =	vcvt.f32.s32 v30;
	v31 =	vmul.f32 v31, v20;
	v26 =	vsub.f32 v26, v25  }
0x302: {  	[tilespmem:v29+s26+$0x0] =	vst.idx.add.f32.msk $0xffff, v9;
	v29 =	vmul.f32 v41, v20  }
0x303: {  	v39 =	vld [tilespmem:s17+$0x250];
	v31 =	vsub.f32 v31, v21;
	v26 =	vtrunc.f32 v26  }
0x304: {  	[tilespmem:v28+s26+$0x0] =	vst.idx.add.f32.msk $0xffff, v9;
	v29 =	vsub.f32 v29, v21;
	v27 =	vmul.f32 v27, v10;
	v26 =	vcvt.f32.s32 v26  }
0x305: {  	[tilespmem:v33+s26+$0x0] =	vst.idx.add.f32.msk $0xffff, v9;
	v31 =	vtrunc.f32 v31  }
0x306: {  	v28 =	vld [tilespmem:s17+$0x150];
	v31 =	vcvt.f32.s32 v31;
	v29 =	vtrunc.f32 v29;
	v27 =	vsub.f32 v27, v11  }
0x307: {  	v47 =	vmul.f32 v44, v10;
	[tilespmem:v30+s26+$0x0] =	vst.idx.add.f32.msk $0xffff, v9;
	v29 =	vcvt.f32.s32 v29  }
0x308: {  	v30 =	vld [tilespmem:s9+$0x80];
	v27 =	vtrunc.f32 v27  }
0x309: {  	v32 =	vmul.f32 v42, v10;
	v33 =	vsub.f32 v47, v11;
	v38 =	vld [tilespmem:s17+$0x1D0];
	v27 =	vcvt.f32.s32 v27  }
0x30a: {  	v35 =	vmul.f32 v45, v10;
	[tilespmem:v26+s26+$0x0] =	vst.idx.add.f32.msk $0xffff, v9;
	v26 =	vmul.f32 v43, v10  }
0x30b: {  	v37 =	vmul.f32 v37, v10;
	v32 =	vsub.f32 v32, v11;
	v40 =	vld [tilespmem:s17+$0x350];
	v33 =	vtrunc.f32 v33  }
0x30c: {  	v36 =	vmul.f32 v46, v10;
	v33 =	vcvt.f32.s32 v33;
	[tilespmem:v31+s26+$0x0] =	vst.idx.add.f32.msk $0xffff, v9;
	v26 =	vsub.f32 v26, v11  }
0x30d: {  	v30 =	vmul.f32 v30, v10;
	v31 =	vsub.f32 v37, v11;
	[tilespmem:v29+s26+$0x0] =	vst.idx.add.f32.msk $0xffff, v9;
	v29 =	vtrunc.f32 v32  }
0x30e: {  	v49 =	vsub.f32 v35, v11;
	v48 =	vld [tilespmem:s17+$0x2D0];
	v29 =	vcvt.f32.s32 v29;
	v26 =	vtrunc.f32 v26  }
0x30f: {  	v30 =	vsub.f32 v30, v11;
	v31 =	vtrunc.f32 v31;
	[tilespmem:v27+s26+$0x0] =	vst.idx.add.f32.msk $0xffff, v9;
	v26 =	vcvt.f32.s32 v26  }
0x310: {  	v32 =	vtrunc.f32 v49;
	v31 =	vcvt.f32.s32 v31;
	v50 =	vld [tilespmem:s9+$0x390]  }
0x311: {  	v52 =	vld [tilespmem:s17+$0xE0];
	v30 =	vtrunc.f32 v30;
	v32 =	vcvt.f32.s32 v32  }
0x312: {  	[tilespmem:v33+s26+$0x0] =	vst.idx.add.f32.msk $0xffff, v9;
	v30 =	vcvt.f32.s32 v30;
	v27 =	vsub.f32 v36, v11  }
0x313: {  	v57 =	vld [tilespmem:s9+$0x210]  }
0x314: {  	v27 =	vtrunc.f32 v27;
	[tilespmem:v29+s26+$0x0] =	vst.idx.add.f32.msk $0xffff, v9;
	v29 =	vmul.f32 v38, v20  }
0x315: {  	v27 =	vcvt.f32.s32 v27;
	[tilespmem:v26+s26+$0x0] =	vst.idx.add.f32.msk $0xffff, v9;
	v26 =	vmul.f32 v50, v12  }
0x316: {  	[tilespmem:v31+s26+$0x0] =	vst.idx.add.f32.msk $0xffff, v9;
	v29 =	vsub.f32 v29, v21  }
0x317: {  	[tilespmem:v32+s26+$0x0] =	vst.idx.add.f32.msk $0xffff, v9;
	v31 =	vmul.f32 v48, v20;
	v26 =	vsub.f32 v26, v13  }
0x318: {  	v28 =	vmul.f32 v28, v20;
	[tilespmem:v30+s26+$0x0] =	vst.idx.add.f32.msk $0xffff, v9;
	v29 =	vtrunc.f32 v29  }
0x319: {  	v55 =	vld [tilespmem:s9+$0x110];
	v31 =	vsub.f32 v31, v21;
	v29 =	vcvt.f32.s32 v29;
	v26 =	vtrunc.f32 v26  }
0x31a: {  	v28 =	vsub.f32 v28, v21;
	v30 =	vmul.f32 v39, v20;
	v58 =	vld [tilespmem:s9+$0x290];
	v26 =	vcvt.f32.s32 v26  }
0x31b: {  	v31 =	vtrunc.f32 v31;
	[tilespmem:v27+s26+$0x0] =	vst.idx.add.f32.msk $0xffff, v9  }
0x31c: {  	v31 =	vcvt.f32.s32 v31;
	v27 =	vtrunc.f32 v28;
	v28 =	vsub.f32 v30, v21;
	v30 =	vld [tilespmem:s9+$0x10]  }
0x31d: {  	v53 =	vmul.f32 v40, v20;
	v54 =	vld [tilespmem:s9+$0x90]  }
0x31e: {  	v56 =	vld [tilespmem:s9+$0x190]  }
0x31f: {  	v32 =	vsub.f32 v53, v21;
	v27 =	vcvt.f32.s32 v27;
	v28 =	vtrunc.f32 v28;
	[tilespmem:v29+s26+$0x0] =	vst.idx.add.f32.msk $0xffff, v9  }
0x320: {  	v34 =	vmul.f32 v55, v12;
	v28 =	vcvt.f32.s32 v28;
	[tilespmem:v26+s26+$0x0] =	vst.idx.add.f32.msk $0xffff, v9  }
0x321: {  	v32 =	vtrunc.f32 v32;
	v30 =	vmul.f32 v30, v12;
	v59 =	vld [tilespmem:s9+$0x3A0]  }
0x322: {  	v29 =	vsub.f32 v34, v13;
	[tilespmem:v31+s26+$0x0] =	vst.idx.add.f32.msk $0xffff, v9;
	v31 =	vmul.f32 v58, v12;
	v26 =	vcvt.f32.s32 v32  }
0x323: {  	v51 =	vld [tilespmem:s17+$0x60];
	v33 =	vmul.f32 v54, v12;
	v30 =	vsub.f32 v30, v13  }
0x324: {  	v60 =	vld [tilespmem:s9+$0x310];
	v29 =	vtrunc.f32 v29;
	v31 =	vsub.f32 v31, v13;
	v61 =	vmul.f32 v56, v12  }
0x325: {  	[tilespmem:v27+s26+$0x0] =	vst.idx.add.f32.msk $0xffff, v9;
	v27 =	vsub.f32 v33, v13;
	v29 =	vcvt.f32.s32 v29;
	v30 =	vtrunc.f32 v30  }
0x326: {  	[tilespmem:v28+s26+$0x0] =	vst.idx.add.f32.msk $0xffff, v9;
	v30 =	vcvt.f32.s32 v30;
	v28 =	vsub.f32 v61, v13;
	v32 =	vmul.f32 v59, v14  }
0x327: {  	v42 =	vld [tilespmem:s17+$0x1E0];
	v31 =	vtrunc.f32 v31;
	v27 =	vtrunc.f32 v27  }
0x328: {  	v31 =	vcvt.f32.s32 v31;
	[tilespmem:v26+s26+$0x0] =	vst.idx.add.f32.msk $0xffff, v9;
	v26 =	vtrunc.f32 v28;
	v28 =	vsub.f32 v32, v15  }
0x329: {  	v62 =	vmul.f32 v57, v12;
	v45 =	vld [tilespmem:s17+$0x2E0];
	v27 =	vcvt.f32.s32 v27  }
0x32a: {  	v63 =	vld [tilespmem:s17+$0x160];
	v26 =	vcvt.f32.s32 v26;
	v28 =	vtrunc.f32 v28  }
0x32b: {  	v34 =	vsub.f32 v62, v13;
	v41 =	vmul.f32 v60, v12;
	[tilespmem:v29+s26+$0x0] =	vst.idx.add.f32.msk $0xffff, v9;
	v28 =	vcvt.f32.s32 v28  }
0x32c: {  	[tilespmem:v30+s26+$0x0] =	vst.idx.add.f32.msk $0xffff, v9  }
0x32d: {  	v33 =	vsub.f32 v41, v13;
	v30 =	vtrunc.f32 v34;
	v44 =	vld [tilespmem:s9+$0x20]  }
0x32e: {  	[tilespmem:v31+s26+$0x0] =	vst.idx.add.f32.msk $0xffff, v9;
	v30 =	vcvt.f32.s32 v30  }
0x32f: {  	v33 =	vtrunc.f32 v33;
	[tilespmem:v27+s26+$0x0] =	vst.idx.add.f32.msk $0xffff, v9;
	v32 =	vmul.f32 v63, v22  }
0x330: {  	v29 =	vmul.f32 v52, v22;
	v27 =	vmul.f32 v51, v22;
	[tilespmem:v26+s26+$0x0] =	vst.idx.add.f32.msk $0xffff, v9  }
0x331: {  	v33 =	vcvt.f32.s32 v33;
	v31 =	vsub.f32 v32, v23;
	[tilespmem:v28+s26+$0x0] =	vst.idx.add.f32.msk $0xffff, v9  }
0x332: {  	v26 =	vsub.f32 v27, v23;
	v27 =	vmul.f32 v44, v14;
	v28 =	vsub.f32 v29, v23;
	v29 =	vld [tilespmem:s9+$0x3B0]  }
0x333: {  	v43 =	vld [tilespmem:s17+$0x260]  }
0x334: {  	[tilespmem:v30+s26+$0x0] =	vst.idx.add.f32.msk $0xffff, v9;
	v30 =	vmul.f32 v42, v22;
	v31 =	vtrunc.f32 v31;
	v27 =	vsub.f32 v27, v15  }
0x335: {  	v52 =	vld [tilespmem:s9+$0x2A0];
	v31 =	vcvt.f32.s32 v31  }
0x336: {  	v48 =	vld [tilespmem:s9+$0x120];
	v30 =	vsub.f32 v30, v23;
	v26 =	vtrunc.f32 v26;
	v27 =	vtrunc.f32 v27  }
0x337: {  	v49 =	vld [tilespmem:s9+$0x1A0];
	v27 =	vcvt.f32.s32 v27;
	v29 =	vmul.f32 v29, v17  }
0x338: {  	[tilespmem:v33+s26+$0x0] =	vst.idx.add.f32.msk $0xffff, v9;
	v30 =	vtrunc.f32 v30;
	v26 =	vcvt.f32.s32 v26  }
0x339: {  	v47 =	vld [tilespmem:s9+$0xA0];
	v30 =	vcvt.f32.s32 v30;
	v29 =	vsub.f32 v29, v16  }
0x33a: {  	v53 =	vld [tilespmem:s9+$0x320];
	v57 =	vmul.f32 v52, v14;
	v28 =	vtrunc.f32 v28  }
0x33b: {  	v51 =	vld [tilespmem:s9+$0x220];
	v28 =	vcvt.f32.s32 v28;
	v29 =	vtrunc.f32 v29  }
0x33c: {  	v35 =	vmul.f32 v49, v14;
	[tilespmem:v31+s26+$0x0] =	vst.idx.add.f32.msk $0xffff, v9;
	v31 =	vsub.f32 v57, v15;
	v29 =	vcvt.f32.s32 v29  }
0x33d: {  	[tilespmem:v27+s26+$0x0] =	vst.idx.add.f32.msk $0xffff, v9;
	v27 =	vmul.f32 v48, v14  }
0x33e: {  	v33 =	vmul.f32 v47, v14;
	v31 =	vtrunc.f32 v31;
	[tilespmem:v26+s26+$0x0] =	vst.idx.add.f32.msk $0xffff, v9;
	v26 =	vsub.f32 v35, v15  }
0x33f: {  	v58 =	vmul.f32 v53, v14;
	[tilespmem:v30+s26+$0x0] =	vst.idx.add.f32.msk $0xffff, v9;
	v30 =	vcvt.f32.s32 v31;
	v27 =	vsub.f32 v27, v15  }
0x340: {  	v33 =	vsub.f32 v33, v15;
	v37 =	vmul.f32 v51, v14;
	v26 =	vtrunc.f32 v26;
	v55 =	vld [tilespmem:s9+$0x30]  }
0x341: {  	v26 =	vcvt.f32.s32 v26;
	[tilespmem:v28+s26+$0x0] =	vst.idx.add.f32.msk $0xffff, v9;
	v27 =	vtrunc.f32 v27  }
0x342: {  	v33 =	vtrunc.f32 v33;
	v28 =	vsub.f32 v37, v15;
	v27 =	vcvt.f32.s32 v27;
	[tilespmem:v29+s26+$0x0] =	vst.idx.add.f32.msk $0xffff, v9  }
0x343: {  	v33 =	vcvt.f32.s32 v33;
	v59 =	vld [tilespmem:s9+$0x3C0]  }
0x344: {  	v56 =	vld [tilespmem:s17+$0x360];
	v28 =	vtrunc.f32 v28;
	v29 =	vsub.f32 v58, v15  }
0x345: {  	v50 =	vmul.f32 v45, v22;
	[tilespmem:v30+s26+$0x0] =	vst.idx.add.f32.msk $0xffff, v9;
	v28 =	vcvt.f32.s32 v28  }
0x346: {  	v61 =	vld [tilespmem:s9+$0x2B0];
	v29 =	vtrunc.f32 v29  }
0x347: {  	v36 =	vsub.f32 v50, v23;
	[tilespmem:v26+s26+$0x0] =	vst.idx.add.f32.msk $0xffff, v9;
	v26 =	vmul.f32 v55, v17;
	v29 =	vcvt.f32.s32 v29  }
0x348: {  	[tilespmem:v27+s26+$0x0] =	vst.idx.add.f32.msk $0xffff, v9;
	v27 =	vmul.f32 v59, v19  }
0x349: {  	v54 =	vtrunc.f32 v36;
	[tilespmem:v33+s26+$0x0] =	vst.idx.add.f32.msk $0xffff, v9;
	v26 =	vsub.f32 v26, v16  }
0x34a: {  	v34 =	vcvt.f32.s32 v54;
	v31 =	vld [tilespmem:s9+$0x1B0];
	v27 =	vsub.f32 v27, v18  }
0x34b: {  	v33 =	vmul.f32 v61, v17;
	[tilespmem:v28+s26+$0x0] =	vst.idx.add.f32.msk $0xffff, v9;
	v26 =	vtrunc.f32 v26  }
0x34c: {  	v30 =	vld [tilespmem:s9+$0x130];
	v26 =	vcvt.f32.s32 v26;
	v27 =	vtrunc.f32 v27  }
0x34d: {  	v28 =	vmul.f32 v56, v22;
	[tilespmem:v29+s26+$0x0] =	vst.idx.add.f32.msk $0xffff, v9;
	v27 =	vcvt.f32.s32 v27  }
0x34e: {  	v29 =	vld [tilespmem:s9+$0xB0]  }
0x34f: {  	v60 =	vld [tilespmem:s9+$0x230];
	v33 =	vsub.f32 v33, v16;
	v28 =	vsub.f32 v28, v23  }
0x350: {  	v46 =	vmul.f32 v43, v22;
	[tilespmem:v34+s26+$0x0] =	vst.idx.add.f32.msk $0xffff, v9  }
0x351: {  	v43 =	vld [tilespmem:s17+$0x170];
	v33 =	vtrunc.f32 v33;
	v28 =	vtrunc.f32 v28  }
0x352: {  	v28 =	vcvt.f32.s32 v28;
	[tilespmem:v26+s26+$0x0] =	vst.idx.add.f32.msk $0xffff, v9;
	v26 =	vmul.f32 v31, v17  }
0x353: {  	v33 =	vcvt.f32.s32 v33;
	v29 =	vmul.f32 v29, v17;
	[tilespmem:v27+s26+$0x0] =	vst.idx.add.f32.msk $0xffff, v9  }
0x354: {  	v31 =	vmul.f32 v60, v17;
	v26 =	vsub.f32 v26, v16;
	v27 =	vmul.f32 v30, v17;
	v30 =	vld [tilespmem:s9+$0x3D0]  }
0x355: {  	v44 =	vld [tilespmem:s17+$0x1F0];
	v29 =	vsub.f32 v29, v16  }
0x356: {  	v42 =	vld [tilespmem:s17+$0xF0];
	v31 =	vsub.f32 v31, v16;
	v26 =	vtrunc.f32 v26  }
0x357: {  	v63 =	vld [tilespmem:s9+$0x40];
	v26 =	vcvt.f32.s32 v26;
	v29 =	vtrunc.f32 v29  }
0x358: {  	[tilespmem:v28+s26+$0x0] =	vst.idx.add.f32.msk $0xffff, v9;
	v31 =	vtrunc.f32 v31;
	v28 =	vcvt.f32.s32 v29  }
0x359: {  	v62 =	vld [tilespmem:s9+$0x330];
	v31 =	vcvt.f32.s32 v31;
	v27 =	vsub.f32 v27, v16;
	v30 =	vmul.f32 v30, v20  }
0x35a: {  	[tilespmem:v33+s26+$0x0] =	vst.idx.add.f32.msk $0xffff, v9  }
0x35b: {  	v53 =	vld [tilespmem:s9+$0x2C0];
	v27 =	vtrunc.f32 v27;
	v30 =	vsub.f32 v30, v21  }
0x35c: {  	v29 =	vld [tilespmem:s17+$0x70];
	v27 =	vcvt.f32.s32 v27  }
0x35d: {  	[tilespmem:v26+s26+$0x0] =	vst.idx.add.f32.msk $0xffff, v9;
	v30 =	vtrunc.f32 v30  }
0x35e: {  	v32 =	vsub.f32 v46, v23;
	[tilespmem:v28+s26+$0x0] =	vst.idx.add.f32.msk $0xffff, v9;
	v28 =	vcvt.f32.s32 v30  }
0x35f: {  	v34 =	vmul.f32 v62, v17;
	[tilespmem:v31+s26+$0x0] =	vst.idx.add.f32.msk $0xffff, v9;
	v31 =	vmul.f32 v43, v24  }
0x360: {  	v32 =	vtrunc.f32 v32;
	v51 =	vld [tilespmem:s9+$0x1C0]  }
0x361: {  	v32 =	vcvt.f32.s32 v32;
	v34 =	vsub.f32 v34, v16;
	v31 =	vsub.f32 v31, v25;
	v47 =	vld [tilespmem:s9+$0xC0]  }
0x362: {  	v58 =	vmul.f32 v53, v19;
	[tilespmem:v27+s26+$0x0] =	vst.idx.add.f32.msk $0xffff, v9;
	v27 =	vmul.f32 v63, v19  }
0x363: {  	v52 =	vld [tilespmem:s9+$0x240];
	v31 =	vtrunc.f32 v31;
	v30 =	vtrunc.f32 v34  }
0x364: {  	v26 =	vmul.f32 v29, v24;
	v30 =	vcvt.f32.s32 v30;
	v27 =	vsub.f32 v27, v18;
	[tilespmem:v28+s26+$0x0] =	vst.idx.add.f32.msk $0xffff, v9  }
0x365: {  	v29 =	vmul.f32 v42, v24;
	v31 =	vcvt.f32.s32 v31;
	v49 =	vld [tilespmem:s9+$0x3E0]  }
0x366: {  	v46 =	vld [tilespmem:s17+$0x2F0];
	v26 =	vsub.f32 v26, v25;
	v48 =	vmul.f32 v47, v19;
	v27 =	vtrunc.f32 v27  }
0x367: {  	[tilespmem:v32+s26+$0x0] =	vst.idx.add.f32.msk $0xffff, v9;
	v35 =	vmul.f32 v51, v19;
	v27 =	vcvt.f32.s32 v27  }
0x368: {  	v36 =	vmul.f32 v52, v19;
	v26 =	vtrunc.f32 v26;
	v50 =	vld [tilespmem:s9+$0x140];
	v32 =	vsub.f32 v48, v18  }
0x369: {  	v45 =	vld [tilespmem:s17+$0x270];
	v29 =	vsub.f32 v29, v25;
	v26 =	vcvt.f32.s32 v26;
	v28 =	vmul.f32 v44, v24  }
0x36a: {  	[tilespmem:v30+s26+$0x0] =	vst.idx.add.f32.msk $0xffff, v9;
	v32 =	vtrunc.f32 v32;
	v33 =	vmul.f32 v49, v22  }
0x36b: {  	v29 =	vtrunc.f32 v29;
	v28 =	vsub.f32 v28, v25;
	v32 =	vcvt.f32.s32 v32;
	v54 =	vld [tilespmem:s9+$0x340]  }
0x36c: {  	v56 =	vld [tilespmem:s17+$0x370];
	v57 =	vsub.f32 v35, v18;
	v29 =	vcvt.f32.s32 v29;
	v33 =	vsub.f32 v33, v23  }
0x36d: {  	v36 =	vsub.f32 v36, v18;
	v28 =	vtrunc.f32 v28;
	[tilespmem:v27+s26+$0x0] =	vst.idx.add.f32.msk $0xffff, v9;
	v27 =	vmul.f32 v50, v19  }
0x36e: {  	v35 =	vsub.f32 v58, v18;
	[tilespmem:v31+s26+$0x0] =	vst.idx.add.f32.msk $0xffff, v9;
	v28 =	vcvt.f32.s32 v28;
	v33 =	vtrunc.f32 v33  }
0x36f: {  	v60 =	vtrunc.f32 v36;
	[tilespmem:v26+s26+$0x0] =	vst.idx.add.f32.msk $0xffff, v9;
	v33 =	vcvt.f32.s32 v33  }
0x370: {  	v62 =	vtrunc.f32 v35;
	v55 =	vld [tilespmem:s9+$0x50];
	v27 =	vsub.f32 v27, v18;
	v38 =	vmul.f32 v54, v19  }
0x371: {  	v31 =	vcvt.f32.s32 v62;
	[tilespmem:v32+s26+$0x0] =	vst.idx.add.f32.msk $0xffff, v9;
	v32 =	vtrunc.f32 v57  }
0x372: {  	[tilespmem:v29+s26+$0x0] =	vst.idx.add.f32.msk $0xffff, v9;
	v27 =	vtrunc.f32 v27;
	v26 =	vcvt.f32.s32 v32;
	v61 =	vsub.f32 v38, v18  }
0x373: {  	v29 =	vcvt.f32.s32 v60;
	v59 =	vld [tilespmem:s9+$0xD0];
	v27 =	vcvt.f32.s32 v27  }
0x374: {  	v63 =	vtrunc.f32 v61;
	[tilespmem:v28+s26+$0x0] =	vst.idx.add.f32.msk $0xffff, v9;
	v28 =	vmul.f32 v46, v24  }
0x375: {  	v30 =	vmul.f32 v45, v24;
	v32 =	vcvt.f32.s32 v63;
	[tilespmem:v33+s26+$0x0] =	vst.idx.add.f32.msk $0xffff, v9  }
0x376: {  	v34 =	vmul.f32 v55, v20;
	v28 =	vsub.f32 v28, v25;
	v33 =	vld [tilespmem:s9+$0x3F0]  }
0x377: {  	[tilespmem:v31+s26+$0x0] =	vst.idx.add.f32.msk $0xffff, v9;
	v30 =	vsub.f32 v30, v25  }
0x378: {  	v34 =	vsub.f32 v34, v21;
	[tilespmem:v26+s26+$0x0] =	vst.idx.add.f32.msk $0xffff, v9;
	v26 =	vtrunc.f32 v28;
	v28 =	vmul.f32 v56, v24  }
0x379: {  	[tilespmem:v27+s26+$0x0] =	vst.idx.add.f32.msk $0xffff, v9;
	v27 =	vtrunc.f32 v30;
	v30 =	vmul.f32 v59, v20  }
0x37a: {  	[tilespmem:v29+s26+$0x0] =	vst.idx.add.f32.msk $0xffff, v9;
	v29 =	vtrunc.f32 v34;
	v28 =	vsub.f32 v28, v25  }
0x37b: {  	v26 =	vcvt.f32.s32 v26;
	v30 =	vsub.f32 v30, v21;
	[tilespmem:v32+s26+$0x0] =	vst.idx.add.f32.msk $0xffff, v9;
	v31 =	vmul.f32 v33, v24  }
0x37c: {  	v29 =	vcvt.f32.s32 v29;
	v27 =	vcvt.f32.s32 v27;
	v32 =	vld [tilespmem:s9+$0x150]  }
0x37d: {  	v28 =	vtrunc.f32 v28;
	v30 =	vtrunc.f32 v30;
	v33 =	vld [tilespmem:s9+$0x1D0];
	v31 =	vsub.f32 v31, v25  }
0x37e: {  	s13 =	simm.s32 $0x8;
	s16 =	simm.s32 $0x4800;
	v34 =	vld [tilespmem:s9+$0x250];
	v28 =	vcvt.f32.s32 v28;
	v30 =	vcvt.f32.s32 v30  }
.LBB2_5:
0x37f: {  	v35 =	vld [tilespmem:s16+$0x380];
	s13 =	sadd.s32 $0x8, s13;
	v31 =	vtrunc.f32 v31  }
0x380: {  	v36 =	vld [tilespmem:s16+$0x80];
	p0 =	slt.u32 s13, $0x78;
	v31 =	vcvt.f32.s32 v31  }
0x381: {  	v37 =	vld [tilespmem:s16+$0x100];
	v32 =	vmul.f32 v32, v20  }
0x382: {  	v38 =	vld [tilespmem:s16+$0x180];
	v33 =	vmul.f32 v33, v20  }
0x383: {  	v39 =	vld [tilespmem:s16+$0x200];
	v32 =	vsub.f32 v32, v21;
	v34 =	vmul.f32 v34, v20  }
0x384: {  	v40 =	vld [tilespmem:s16+$0x280];
	v35 =	vmul.f32 v35, v10;
	v33 =	vsub.f32 v33, v21  }
0x385: {  	v36 =	vmul.f32 v36, v10;
	v41 =	vld [tilespmem:s16+$0x300];
	v32 =	vtrunc.f32 v32;
	v34 =	vsub.f32 v34, v21  }
0x386: {  	v37 =	vmul.f32 v37, v10;
	v35 =	vsub.f32 v35, v11;
	v33 =	vtrunc.f32 v33;
	[tilespmem:v31+s26+$0x0] =	vst.idx.add.f32.msk $0xffff, v9  }
0x387: {  	v31 =	vld [tilespmem:s16+$0x0];
	v36 =	vsub.f32 v36, v11;
	v38 =	vmul.f32 v38, v10;
	v34 =	vtrunc.f32 v34  }
0x388: {  	v37 =	vsub.f32 v37, v11;
	v39 =	vmul.f32 v39, v10;
	v35 =	vtrunc.f32 v35;
	v42 =	vld [tilespmem:s9+$0x2D0]  }
0x389: {  	v38 =	vsub.f32 v38, v11;
	v40 =	vmul.f32 v40, v10;
	v35 =	vcvt.f32.s32 v35;
	v43 =	vld [tilespmem:s9+$0x350]  }
0x38a: {  	v36 =	vtrunc.f32 v36;
	v39 =	vsub.f32 v39, v11;
	v41 =	vmul.f32 v41, v10;
	[tilespmem:v29+s26+$0x0] =	vst.idx.add.f32.msk $0xffff, v9  }
0x38b: {  	v29 =	vtrunc.f32 v37;
	v37 =	vtrunc.f32 v38;
	v38 =	vsub.f32 v40, v11;
	[tilespmem:v30+s26+$0x0] =	vst.idx.add.f32.msk $0xffff, v9  }
0x38c: {  	v30 =	vmul.f32 v31, v10;
	v31 =	vtrunc.f32 v39;
	v39 =	vsub.f32 v41, v11;
	v40 =	vld [tilespmem:s9+$0x60]  }
0x38d: {  	v36 =	vcvt.f32.s32 v36;
	v38 =	vtrunc.f32 v38;
	v41 =	vld [tilespmem:s9+$0xE0]  }
0x38e: {  	v29 =	vcvt.f32.s32 v29;
	v30 =	vsub.f32 v30, v11;
	v39 =	vtrunc.f32 v39;
	[tilespmem:v27+s26+$0x0] =	vst.idx.add.f32.msk $0xffff, v9  }
0x38f: {  	v31 =	vcvt.f32.s32 v31;
	v27 =	vcvt.f32.s32 v37;
	[tilespmem:v35+s26+$0x0] =	vst.idx.add.f32.msk $0xffff, v9  }
0x390: {  	v35 =	vcvt.f32.s32 v38;
	v30 =	vtrunc.f32 v30;
	v37 =	vld [tilespmem:s16+$0x390]  }
0x391: {  	v38 =	vcvt.f32.s32 v39;
	v30 =	vcvt.f32.s32 v30;
	[tilespmem:v26+s26+$0x0] =	vst.idx.add.f32.msk $0xffff, v9  }
0x392: {  	v39 =	vmul.f32 v43, v20;
	v26 =	vmul.f32 v42, v20;
	[tilespmem:v28+s26+$0x0] =	vst.idx.add.f32.msk $0xffff, v9  }
0x393: {  	v28 =	vcvt.f32.s32 v32;
	v32 =	vcvt.f32.s32 v33;
	[tilespmem:v36+s26+$0x0] =	vst.idx.add.f32.msk $0xffff, v9  }
0x394: {  	v33 =	vsub.f32 v39, v21;
	v26 =	vsub.f32 v26, v21;
	[tilespmem:v29+s26+$0x0] =	vst.idx.add.f32.msk $0xffff, v9;
	v29 =	vcvt.f32.s32 v34  }
0x395: {  	v34 =	vmul.f32 v40, v22;
	[tilespmem:v27+s26+$0x0] =	vst.idx.add.f32.msk $0xffff, v9;
	v27 =	vmul.f32 v37, v12  }
0x396: {  	v26 =	vtrunc.f32 v26;
	[tilespmem:v31+s26+$0x0] =	vst.idx.add.f32.msk $0xffff, v9;
	v31 =	vtrunc.f32 v33  }
0x397: {  	[tilespmem:v30+s26+$0x0] =	vst.idx.add.f32.msk $0xffff, v9;
	v27 =	vsub.f32 v27, v13;
	v30 =	vcvt.f32.s32 v26;
	v31 =	vcvt.f32.s32 v31  }
0x398: {  	v33 =	vmul.f32 v41, v22;
	v26 =	vsub.f32 v34, v23;
	[tilespmem:v35+s26+$0x0] =	vst.idx.add.f32.msk $0xffff, v9  }
0x399: {  	[tilespmem:v38+s26+$0x0] =	vst.idx.add.f32.msk $0xffff, v9;
	v27 =	vtrunc.f32 v27  }
0x39a: {  	v26 =	vtrunc.f32 v26;
	v34 =	vld [tilespmem:s16+$0x10];
	v35 =	vcvt.f32.s32 v27;
	v27 =	vsub.f32 v33, v23  }
0x39b: {  	v26 =	vcvt.f32.s32 v26;
	v33 =	vld [tilespmem:s16+$0x90]  }
0x39c: {  	v36 =	vld [tilespmem:s16+$0x110];
	v27 =	vtrunc.f32 v27  }
0x39d: {  	v37 =	vld [tilespmem:s16+$0x190];
	v27 =	vcvt.f32.s32 v27  }
0x39e: {  	v38 =	vld [tilespmem:s16+$0x210]  }
0x39f: {  	v34 =	vmul.f32 v34, v12;
	v39 =	vld [tilespmem:s16+$0x290]  }
0x3a0: {  	v33 =	vmul.f32 v33, v12;
	[tilespmem:v35+s26+$0x0] =	vst.idx.add.f32.msk $0xffff, v9  }
0x3a1: {  	v34 =	vsub.f32 v34, v13;
	v35 =	vmul.f32 v36, v12;
	v36 =	vld [tilespmem:s16+$0x3A0]  }
0x3a2: {  	v33 =	vsub.f32 v33, v13;
	v37 =	vmul.f32 v37, v12;
	v40 =	vld [tilespmem:s16+$0x310]  }
0x3a3: {  	v34 =	vtrunc.f32 v34;
	v35 =	vsub.f32 v35, v13;
	v38 =	vmul.f32 v38, v12;
	[tilespmem:v28+s26+$0x0] =	vst.idx.add.f32.msk $0xffff, v9  }
0x3a4: {  	v28 =	vtrunc.f32 v33;
	v33 =	vsub.f32 v37, v13;
	v37 =	vmul.f32 v39, v12;
	[tilespmem:v32+s26+$0x0] =	vst.idx.add.f32.msk $0xffff, v9  }
0x3a5: {  	v32 =	vcvt.f32.s32 v34;
	v34 =	vtrunc.f32 v35;
	v35 =	vsub.f32 v38, v13;
	[tilespmem:v29+s26+$0x0] =	vst.idx.add.f32.msk $0xffff, v9  }
0x3a6: {  	v29 =	vtrunc.f32 v33;
	v33 =	vsub.f32 v37, v13;
	v36 =	vmul.f32 v36, v14;
	[tilespmem:v30+s26+$0x0] =	vst.idx.add.f32.msk $0xffff, v9  }
0x3a7: {  	v30 =	vtrunc.f32 v35;
	v35 =	vmul.f32 v40, v12;
	[tilespmem:v31+s26+$0x0] =	vst.idx.add.f32.msk $0xffff, v9  }
0x3a8: {  	v28 =	vcvt.f32.s32 v28;
	v31 =	vtrunc.f32 v33;
	v33 =	vsub.f32 v36, v15;
	v36 =	vld [tilespmem:s9+$0x160]  }
0x3a9: {  	v34 =	vcvt.f32.s32 v34;
	v29 =	vcvt.f32.s32 v29;
	v35 =	vsub.f32 v35, v13;
	v37 =	vld [tilespmem:s9+$0x1E0]  }
0x3aa: {  	v30 =	vcvt.f32.s32 v30;
	v33 =	vtrunc.f32 v33;
	v38 =	vld [tilespmem:s9+$0x260]  }
0x3ab: {  	[tilespmem:v32+s26+$0x0] =	vst.idx.add.f32.msk $0xffff, v9;
	v32 =	vtrunc.f32 v35;
	v33 =	vcvt.f32.s32 v33  }
0x3ac: {  	v31 =	vcvt.f32.s32 v31;
	v35 =	vld [tilespmem:s16+$0x20];
	v32 =	vcvt.f32.s32 v32  }
0x3ad: {  	v36 =	vmul.f32 v36, v22;
	v39 =	vld [tilespmem:s9+$0x2E0]  }
0x3ae: {  	[tilespmem:v28+s26+$0x0] =	vst.idx.add.f32.msk $0xffff, v9;
	v28 =	vmul.f32 v37, v22  }
0x3af: {  	[tilespmem:v34+s26+$0x0] =	vst.idx.add.f32.msk $0xffff, v9;
	v34 =	vsub.f32 v36, v23;
	v36 =	vmul.f32 v38, v22  }
0x3b0: {  	[tilespmem:v29+s26+$0x0] =	vst.idx.add.f32.msk $0xffff, v9;
	v28 =	vsub.f32 v28, v23  }
0x3b1: {  	v29 =	vmul.f32 v35, v14;
	[tilespmem:v33+s26+$0x0] =	vst.idx.add.f32.msk $0xffff, v9;
	v33 =	vtrunc.f32 v34;
	v34 =	vsub.f32 v36, v23  }
0x3b2: {  	v35 =	vld [tilespmem:s16+$0x3B0];
	v28 =	vtrunc.f32 v28;
	v36 =	vmul.f32 v39, v22  }
0x3b3: {  	v29 =	vsub.f32 v29, v15;
	[tilespmem:v30+s26+$0x0] =	vst.idx.add.f32.msk $0xffff, v9;
	v30 =	vcvt.f32.s32 v33;
	v33 =	vtrunc.f32 v34  }
0x3b4: {  	v28 =	vcvt.f32.s32 v28;
	[tilespmem:v31+s26+$0x0] =	vst.idx.add.f32.msk $0xffff, v9;
	v31 =	vcvt.f32.s32 v33;
	v33 =	vsub.f32 v36, v23  }
0x3b5: {  	v29 =	vtrunc.f32 v29;
	[tilespmem:v32+s26+$0x0] =	vst.idx.add.f32.msk $0xffff, v9  }
0x3b6: {  	v29 =	vcvt.f32.s32 v29;
	v32 =	vld [tilespmem:s16+$0xA0];
	v33 =	vtrunc.f32 v33  }
0x3b7: {  	v34 =	vld [tilespmem:s16+$0x120];
	v35 =	vmul.f32 v35, v17;
	v33 =	vcvt.f32.s32 v33  }
0x3b8: {  	v36 =	vld [tilespmem:s16+$0x1A0]  }
0x3b9: {  	v37 =	vld [tilespmem:s16+$0x220];
	v35 =	vsub.f32 v35, v16  }
0x3ba: {  	v38 =	vld [tilespmem:s16+$0x2A0]  }
0x3bb: {  	v32 =	vmul.f32 v32, v14;
	v39 =	vld [tilespmem:s16+$0x320];
	v35 =	vtrunc.f32 v35  }
0x3bc: {  	[tilespmem:v29+s26+$0x0] =	vst.idx.add.f32.msk $0xffff, v9;
	v29 =	vmul.f32 v34, v14;
	v34 =	vcvt.f32.s32 v35  }
0x3bd: {  	v35 =	vld [tilespmem:s16+$0x30];
	v32 =	vsub.f32 v32, v15;
	v36 =	vmul.f32 v36, v14  }
0x3be: {  	v29 =	vsub.f32 v29, v15;
	v37 =	vmul.f32 v37, v14;
	v40 =	vld [tilespmem:s9+$0x360]  }
0x3bf: {  	v32 =	vtrunc.f32 v32;
	v36 =	vsub.f32 v36, v15;
	v38 =	vmul.f32 v38, v14;
	[tilespmem:v26+s26+$0x0] =	vst.idx.add.f32.msk $0xffff, v9  }
0x3c0: {  	v26 =	vtrunc.f32 v29;
	v29 =	vsub.f32 v37, v15;
	v37 =	vmul.f32 v39, v14;
	[tilespmem:v27+s26+$0x0] =	vst.idx.add.f32.msk $0xffff, v9  }
0x3c1: {  	v27 =	vcvt.f32.s32 v32;
	v32 =	vtrunc.f32 v36;
	v36 =	vsub.f32 v38, v15;
	[tilespmem:v30+s26+$0x0] =	vst.idx.add.f32.msk $0xffff, v9  }
0x3c2: {  	v26 =	vcvt.f32.s32 v26;
	v29 =	vtrunc.f32 v29;
	v30 =	vsub.f32 v37, v15;
	[tilespmem:v34+s26+$0x0] =	vst.idx.add.f32.msk $0xffff, v9  }
0x3c3: {  	v32 =	vcvt.f32.s32 v32;
	v34 =	vtrunc.f32 v36;
	v36 =	vld [tilespmem:s16+$0x3C0]  }
0x3c4: {  	v29 =	vcvt.f32.s32 v29;
	v30 =	vtrunc.f32 v30;
	[tilespmem:v28+s26+$0x0] =	vst.idx.add.f32.msk $0xffff, v9  }
0x3c5: {  	v28 =	vcvt.f32.s32 v34;
	v30 =	vcvt.f32.s32 v30;
	[tilespmem:v31+s26+$0x0] =	vst.idx.add.f32.msk $0xffff, v9  }
0x3c6: {  	v31 =	vmul.f32 v35, v17;
	[tilespmem:v33+s26+$0x0] =	vst.idx.add.f32.msk $0xffff, v9;
	v33 =	vmul.f32 v40, v22  }
0x3c7: {  	[tilespmem:v27+s26+$0x0] =	vst.idx.add.f32.msk $0xffff, v9  }
0x3c8: {  	v27 =	vsub.f32 v31, v16;
	[tilespmem:v26+s26+$0x0] =	vst.idx.add.f32.msk $0xffff, v9;
	v26 =	vmul.f32 v36, v19  }
0x3c9: {  	v31 =	vsub.f32 v33, v23;
	[tilespmem:v32+s26+$0x0] =	vst.idx.add.f32.msk $0xffff, v9  }
0x3ca: {  	v27 =	vtrunc.f32 v27;
	[tilespmem:v29+s26+$0x0] =	vst.idx.add.f32.msk $0xffff, v9;
	v26 =	vsub.f32 v26, v18  }
0x3cb: {  	v27 =	vcvt.f32.s32 v27;
	[tilespmem:v28+s26+$0x0] =	vst.idx.add.f32.msk $0xffff, v9;
	v28 =	vtrunc.f32 v31  }
0x3cc: {  	[tilespmem:v30+s26+$0x0] =	vst.idx.add.f32.msk $0xffff, v9;
	v26 =	vtrunc.f32 v26;
	v28 =	vcvt.f32.s32 v28  }
0x3cd: {  	v29 =	vld [tilespmem:s16+$0xB0];
	v26 =	vcvt.f32.s32 v26  }
0x3ce: {  	v30 =	vld [tilespmem:s16+$0x130]  }
0x3cf: {  	v31 =	vld [tilespmem:s16+$0x1B0]  }
0x3d0: {  	v32 =	vld [tilespmem:s16+$0x230]  }
0x3d1: {  	v33 =	vld [tilespmem:s16+$0x2B0]  }
0x3d2: {  	v29 =	vmul.f32 v29, v17;
	v34 =	vld [tilespmem:s16+$0x330]  }
0x3d3: {  	v30 =	vmul.f32 v30, v17;
	[tilespmem:v26+s26+$0x0] =	vst.idx.add.f32.msk $0xffff, v9  }
0x3d4: {  	v26 =	vsub.f32 v29, v16;
	v29 =	vmul.f32 v31, v17;
	v31 =	vld [tilespmem:s16+$0x3D0]  }
0x3d5: {  	[tilespmem:v27+s26+$0x0] =	vst.idx.add.f32.msk $0xffff, v9;
	v27 =	vsub.f32 v30, v16;
	v30 =	vmul.f32 v32, v17  }
0x3d6: {  	v32 =	vld [tilespmem:s16+$0x40];
	v26 =	vtrunc.f32 v26;
	v29 =	vsub.f32 v29, v16;
	v33 =	vmul.f32 v33, v17  }
0x3d7: {  	v27 =	vtrunc.f32 v27;
	v30 =	vsub.f32 v30, v16;
	v34 =	vmul.f32 v34, v17;
	[tilespmem:v28+s26+$0x0] =	vst.idx.add.f32.msk $0xffff, v9  }
0x3d8: {  	v26 =	vcvt.f32.s32 v26;
	v28 =	vtrunc.f32 v29;
	v29 =	vsub.f32 v33, v16;
	v33 =	vld [tilespmem:s9+$0x70]  }
0x3d9: {  	v30 =	vtrunc.f32 v30;
	v34 =	vsub.f32 v34, v16;
	v31 =	vmul.f32 v31, v20;
	v35 =	vld [tilespmem:s9+$0xF0]  }
0x3da: {  	v27 =	vcvt.f32.s32 v27;
	v29 =	vtrunc.f32 v29;
	v36 =	vld [tilespmem:s9+$0x170]  }
0x3db: {  	v28 =	vcvt.f32.s32 v28;
	v34 =	vtrunc.f32 v34;
	v31 =	vsub.f32 v31, v21;
	v37 =	vld [tilespmem:s9+$0x1F0]  }
0x3dc: {  	v30 =	vcvt.f32.s32 v30;
	v29 =	vcvt.f32.s32 v29;
	v38 =	vld [tilespmem:s9+$0x270]  }
0x3dd: {  	v34 =	vcvt.f32.s32 v34;
	v31 =	vtrunc.f32 v31;
	v39 =	vld [tilespmem:s9+$0x2F0]  }
0x3de: {  	v32 =	vmul.f32 v32, v19;
	[tilespmem:v26+s26+$0x0] =	vst.idx.add.f32.msk $0xffff, v9;
	v26 =	vcvt.f32.s32 v31  }
0x3df: {  	v33 =	vmul.f32 v33, v24;
	v35 =	vmul.f32 v35, v24;
	v31 =	vld [tilespmem:s16+$0xC0]  }
0x3e0: {  	v32 =	vsub.f32 v32, v18;
	[tilespmem:v27+s26+$0x0] =	vst.idx.add.f32.msk $0xffff, v9;
	v27 =	vmul.f32 v36, v24  }
0x3e1: {  	[tilespmem:v28+s26+$0x0] =	vst.idx.add.f32.msk $0xffff, v9;
	v28 =	vmul.f32 v37, v24;
	v36 =	vmul.f32 v38, v24  }
0x3e2: {  	v32 =	vtrunc.f32 v32;
	[tilespmem:v30+s26+$0x0] =	vst.idx.add.f32.msk $0xffff, v9;
	v30 =	vsub.f32 v33, v25;
	v33 =	vmul.f32 v39, v24  }
0x3e3: {  	v32 =	vcvt.f32.s32 v32;
	v27 =	vsub.f32 v27, v25;
	[tilespmem:v29+s26+$0x0] =	vst.idx.add.f32.msk $0xffff, v9;
	v29 =	vsub.f32 v35, v25  }
0x3e4: {  	v28 =	vsub.f32 v28, v25;
	v31 =	vmul.f32 v31, v19;
	[tilespmem:v26+s26+$0x0] =	vst.idx.add.f32.msk $0xffff, v9;
	v26 =	vtrunc.f32 v30  }
0x3e5: {  	v35 =	vsub.f32 v36, v25;
	v33 =	vsub.f32 v33, v25;
	v30 =	vld [tilespmem:s16+$0x3E0];
	v29 =	vtrunc.f32 v29  }
0x3e6: {  	v27 =	vtrunc.f32 v27;
	v28 =	vtrunc.f32 v28;
	v31 =	vsub.f32 v31, v18;
	[tilespmem:v34+s26+$0x0] =	vst.idx.add.f32.msk $0xffff, v9  }
0x3e7: {  	v35 =	vtrunc.f32 v35;
	v33 =	vtrunc.f32 v33;
	v34 =	vld [tilespmem:s16+$0x140]  }
0x3e8: {  	v37 =	vcvt.f32.s32 v26;
	v31 =	vtrunc.f32 v31;
	v36 =	vld [tilespmem:s16+$0x1C0]  }
0x3e9: {  	v29 =	vcvt.f32.s32 v29;
	v31 =	vcvt.f32.s32 v31;
	v38 =	vld [tilespmem:s16+$0x240]  }
0x3ea: {  	v39 =	vld [tilespmem:s16+$0x2C0];
	v26 =	vmul.f32 v30, v22;
	v30 =	vcvt.f32.s32 v27  }
0x3eb: {  	v28 =	vcvt.f32.s32 v28;
	v27 =	vcvt.f32.s32 v35;
	v40 =	vld [tilespmem:s16+$0x340]  }
0x3ec: {  	[tilespmem:v32+s26+$0x0] =	vst.idx.add.f32.msk $0xffff, v9;
	v32 =	vmul.f32 v34, v19;
	v34 =	vsub.f32 v26, v23;
	v26 =	vcvt.f32.s32 v33  }
0x3ed: {  	v33 =	vld [tilespmem:s16+$0x50];
	v35 =	vmul.f32 v36, v19  }
0x3ee: {  	v32 =	vsub.f32 v32, v18;
	v36 =	vmul.f32 v38, v19;
	v34 =	vtrunc.f32 v34;
	v38 =	vld [tilespmem:s9+$0x370];
	s9 =	smov.u32 s16  }
0x3ef: {  	[tilespmem:v31+s26+$0x0] =	vst.idx.add.f32.msk $0xffff, v9;
	v31 =	vsub.f32 v35, v18;
	v35 =	vmul.f32 v39, v19;
	v34 =	vcvt.f32.s32 v34  }
0x3f0: {  	v39 =	vld [tilespmem:s16+$0xD0];
	v32 =	vtrunc.f32 v32;
	v36 =	vsub.f32 v36, v18;
	v40 =	vmul.f32 v40, v19  }
0x3f1: {  	v32 =	vcvt.f32.s32 v32;
	v31 =	vtrunc.f32 v31;
	v35 =	vsub.f32 v35, v18;
	[tilespmem:v37+s26+$0x0] =	vst.idx.add.f32.msk $0xffff, v9  }
0x3f2: {  	v31 =	vcvt.f32.s32 v31;
	v36 =	vtrunc.f32 v36;
	v37 =	vsub.f32 v40, v18;
	[tilespmem:v29+s26+$0x0] =	vst.idx.add.f32.msk $0xffff, v9  }
0x3f3: {  	v29 =	vcvt.f32.s32 v36;
	v35 =	vtrunc.f32 v35;
	[tilespmem:v30+s26+$0x0] =	vst.idx.add.f32.msk $0xffff, v9  }
0x3f4: {  	v30 =	vcvt.f32.s32 v35;
	v35 =	vtrunc.f32 v37;
	[tilespmem:v28+s26+$0x0] =	vst.idx.add.f32.msk $0xffff, v9  }
0x3f5: {  	v28 =	vmul.f32 v33, v20;
	v33 =	vcvt.f32.s32 v35;
	[tilespmem:v34+s26+$0x0] =	vst.idx.add.f32.msk $0xffff, v9  }
0x3f6: {  	v36 =	vmul.f32 v38, v24;
	v34 =	vmul.f32 v39, v20;
	v35 =	vld [tilespmem:s16+$0x3F0]  }
0x3f7: {  	v28 =	vsub.f32 v28, v21;
	[tilespmem:v32+s26+$0x0] =	vst.idx.add.f32.msk $0xffff, v9  }
0x3f8: {  	v32 =	vsub.f32 v34, v21;
	[tilespmem:v31+s26+$0x0] =	vst.idx.add.f32.msk $0xffff, v9;
	v31 =	vsub.f32 v36, v25  }
0x3f9: {  	v28 =	vtrunc.f32 v28;
	[tilespmem:v29+s26+$0x0] =	vst.idx.add.f32.msk $0xffff, v9  }
.Ltmp3:
0x3fa: {  	v29 =	vcvt.f32.s32 v28;
	v28 =	vtrunc.f32 v32;
	[tilespmem:v30+s26+$0x0] =	vst.idx.add.f32.msk $0xffff, v9;
	(pc) =	sbr.rel @p0 .LBB2_5-.Ltmp3, $4  }
0x3fb: {  	v30 =	vcvt.f32.s32 v28;
	[tilespmem:v33+s26+$0x0] =	vst.idx.add.f32.msk $0xffff, v9;
	v28 =	vmul.f32 v35, v24  }
0x3fc: {  	v34 =	vtrunc.f32 v31;
	v32 =	vld [tilespmem:s16+$0x150]  }
0x3fd: {  	v33 =	vld [tilespmem:s16+$0x1D0];
	v31 =	vsub.f32 v28, v25;
	v28 =	vcvt.f32.s32 v34  }
0x3fe: {  	s16 =	sadd.s32 $0x400, s16;
	v34 =	vld [tilespmem:s9+$0x250]  }
0x3ff: {  	v35 =	vld [tilespmem:s9+$0x2D0];
	_ =	sdelay $0x2  }
0x400: {  	v32 =	vmul.f32 v32, v20  }
0x401: {  	v34 =	vmul.f32 v34, v20  }
0x402: {  	v32 =	vsub.f32 v32, v21;
	v35 =	vmul.f32 v35, v20  }
0x403: {  	v34 =	vsub.f32 v34, v21  }
0x404: {  	v33 =	vmul.f32 v33, v20;
	v32 =	vtrunc.f32 v32;
	v35 =	vsub.f32 v35, v21  }
0x405: {  	v32 =	vcvt.f32.s32 v32;
	v34 =	vtrunc.f32 v34  }
0x406: {  	[tilespmem:v29+s26+$0x0] =	vst.idx.add.f32.msk $0xffff, v9;
	v33 =	vsub.f32 v33, v21;
	v29 =	vcvt.f32.s32 v34;
	v61 =	vtrunc.f32 v35  }
0x407: {  	[tilespmem:v30+s26+$0x0] =	vst.idx.add.f32.msk $0xffff, v9;
	v30 =	vcvt.f32.s32 v61  }
0x408: {  	v36 =	vld [tilespmem:s9+$0x350];
	v33 =	vtrunc.f32 v33  }
0x409: {  	v33 =	vcvt.f32.s32 v33  }
0x40a: {  	v63 =	vld [tilespmem:s9+$0xE0]  }
0x40b: {  	[tilespmem:v32+s26+$0x0] =	vst.idx.add.f32.msk $0xffff, v9  }
0x40c: {  	[tilespmem:v29+s26+$0x0] =	vst.idx.add.f32.msk $0xffff, v9  }
0x40d: {  	v29 =	vmul.f32 v36, v20;
	[tilespmem:v30+s26+$0x0] =	vst.idx.add.f32.msk $0xffff, v9  }
0x40e: {  	v30 =	vld [tilespmem:s9+$0x160]  }
0x40f: {  	[tilespmem:v33+s26+$0x0] =	vst.idx.add.f32.msk $0xffff, v9;
	v29 =	vsub.f32 v29, v21  }
0x410: {  	v40 =	vld [tilespmem:s9+$0x1E0]  }
0x411: {  	v42 =	vld [tilespmem:s9+$0x260];
	v29 =	vtrunc.f32 v29  }
0x412: {  	v35 =	vmul.f32 v63, v22;
	v29 =	vcvt.f32.s32 v29  }
0x413: {  	v30 =	vmul.f32 v30, v22  }
0x414: {  	v35 =	vsub.f32 v35, v23;
	v43 =	vld [tilespmem:s9+$0x2E0]  }
0x415: {  	v32 =	vmul.f32 v40, v22;
	v30 =	vsub.f32 v30, v23  }
0x416: {  	v35 =	vtrunc.f32 v35;
	v34 =	vmul.f32 v42, v22  }
0x417: {  	v62 =	vld [tilespmem:s9+$0x60];
	v35 =	vcvt.f32.s32 v35;
	v32 =	vsub.f32 v32, v23;
	v30 =	vtrunc.f32 v30  }
0x418: {  	v34 =	vsub.f32 v34, v23;
	[tilespmem:v29+s26+$0x0] =	vst.idx.add.f32.msk $0xffff, v9;
	v30 =	vcvt.f32.s32 v30  }
0x419: {  	v36 =	vmul.f32 v43, v22;
	v29 =	vtrunc.f32 v32;
	v45 =	vld [tilespmem:s9+$0x360]  }
0x41a: {  	v34 =	vtrunc.f32 v34;
	v29 =	vcvt.f32.s32 v29  }
0x41b: {  	v44 =	vsub.f32 v36, v23;
	v34 =	vcvt.f32.s32 v34  }
0x41c: {  	v41 =	vmul.f32 v62, v22  }
0x41d: {  	[tilespmem:v35+s26+$0x0] =	vst.idx.add.f32.msk $0xffff, v9;
	v32 =	vtrunc.f32 v44  }
0x41e: {  	v33 =	vsub.f32 v41, v23;
	v32 =	vcvt.f32.s32 v32;
	[tilespmem:v30+s26+$0x0] =	vst.idx.add.f32.msk $0xffff, v9;
	v30 =	vmul.f32 v45, v22  }
0x41f: {  	v46 =	vld [tilespmem:s9+$0xF0]  }
0x420: {  	v33 =	vtrunc.f32 v33;
	[tilespmem:v29+s26+$0x0] =	vst.idx.add.f32.msk $0xffff, v9;
	v29 =	vsub.f32 v30, v23  }
0x421: {  	v33 =	vcvt.f32.s32 v33;
	[tilespmem:v34+s26+$0x0] =	vst.idx.add.f32.msk $0xffff, v9  }
0x422: {  	v47 =	vld [tilespmem:s9+$0x170];
	v29 =	vtrunc.f32 v29  }
0x423: {  	v49 =	vld [tilespmem:s9+$0x270];
	v29 =	vcvt.f32.s32 v29  }
0x424: {  	[tilespmem:v32+s26+$0x0] =	vst.idx.add.f32.msk $0xffff, v9  }
0x425: {  	v48 =	vld [tilespmem:s9+$0x1F0]  }
0x426: {  	v31 =	vtrunc.f32 v31;
	v50 =	vld [tilespmem:s9+$0x2F0]  }
0x427: {  	v31 =	vcvt.f32.s32 v31;
	[tilespmem:v33+s26+$0x0] =	vst.idx.add.f32.msk $0xffff, v9  }
0x428: {  	v30 =	vld [tilespmem:s9+$0x70];
	v51 =	vmul.f32 v47, v24;
	v35 =	vmul.f32 v49, v24  }
0x429: {  	[tilespmem:v29+s26+$0x0] =	vst.idx.add.f32.msk $0xffff, v9  }
0x42a: {  	v34 =	vmul.f32 v48, v24;
	v32 =	vsub.f32 v51, v25;
	v35 =	vsub.f32 v35, v25;
	v52 =	vld [tilespmem:s9+$0x370]  }
0x42b: {  	v36 =	vmul.f32 v50, v24  }
0x42c: {  	[tilespmem:v27+s26+$0x0] =	vst.idx.add.f32.msk $0xffff, v9;
	v34 =	vsub.f32 v34, v25;
	v32 =	vtrunc.f32 v32;
	v27 =	vtrunc.f32 v35  }
0x42d: {  	v29 =	vmul.f32 v30, v24;
	v30 =	vmul.f32 v46, v24  }
0x42e: {  	[tilespmem:v31+s26+$0x0] =	vst.idx.add.f32.msk $0xffff, v9;
	v31 =	vsub.f32 v36, v25;
	v34 =	vtrunc.f32 v34;
	v32 =	vcvt.f32.s32 v32  }
0x42f: {  	v27 =	vcvt.f32.s32 v27;
	v29 =	vsub.f32 v29, v25;
	v33 =	vmul.f32 v52, v24  }
0x430: {  	[tilespmem:v26+s26+$0x0] =	vst.idx.add.f32.msk $0xffff, v9;
	v26 =	vtrunc.f32 v31;
	v34 =	vcvt.f32.s32 v34;
	v30 =	vsub.f32 v30, v25  }
0x431: {  	v26 =	vcvt.f32.s32 v26;
	v29 =	vtrunc.f32 v29;
	v33 =	vsub.f32 v33, v25  }
0x432: {  	v30 =	vtrunc.f32 v30;
	v29 =	vcvt.f32.s32 v29  }
0x433: {  	[tilespmem:v28+s26+$0x0] =	vst.idx.add.f32.msk $0xffff, v9;
	v30 =	vcvt.f32.s32 v30;
	v28 =	vtrunc.f32 v33  }
0x434: {  	s9 =	sshll.u32 s8, $0x9;
	[tilespmem:v32+s26+$0x0] =	vst.idx.add.f32.msk $0xffff, v9;
	v28 =	vcvt.f32.s32 v28  }
0x435: {  	s13 =	sadd.s32 s9, s5;
	[tilespmem:v27+s26+$0x0] =	vst.idx.add.f32.msk $0xffff, v9  }
0x436: {  	s13 =	sshll.u32 s13, $0xB;
	[tilespmem:v34+s26+$0x0] =	vst.idx.add.f32.msk $0xffff, v9  }
0x437: {  	s13 =	sadd.s32 s6, s13;
	[tilespmem:v26+s26+$0x0] =	vst.idx.add.f32.msk $0xffff, v9  }
0x438: {  	s13 =	sadd.s32 $0x40000, s13;
	[tilespmem:v29+s26+$0x0] =	vst.idx.add.f32.msk $0xffff, v9  }
0x439: {  	s13 =	sshrl.u32 s13, $0x3;
	[tilespmem:v30+s26+$0x0] =	vst.idx.add.f32.msk $0xffff, v9  }
0x43a: {  	s12 =	sor.u32 $0x3, s12;
	p0 =	seq.s32 s8, $0x0;
	s13 =	sadd.s32 s2, s13;
	[tilespmem:v28+s26+$0x0] =	vst.idx.add.f32.msk $0xffff, v9  }
0x43b: {  	[hbm4b:s13+s21] =	stream.strided.scatter [tilespmem:s22], [sflag:$0x6], $0x4000, s22, s21, $0x38;
	[tilespmem:$0x10600] =	vst v63  }
0x43c: {  	s16 =	sshll.u32 @!p0 s12, $0x12;
	s13 =	simm.s32 @!p0 $0x8  }
0x43d: {  	s17 =	simm.s32 @!p0 $0x4000;
	s16 =	sadd.s32 @!p0 s7, s16;
	_ =	swait.ge @!p0 [sflag:s13], $0x4000  }
0x43e: {  	s10 =	simm.s32 @!p0 $0xC000;
	s16 =	sshrl.u32 @!p0 s16, $0x3;
	[sflag:s13] =	ssyncset.done @!p0 $0x0  }
0x43f: {  	[sflag:s13] =	ssyncadd.s32 @!p0 $0xFFFFC000;
	s13 =	sadd.s32 @!p0 s0, s16;
	s16 =	simm.s32 @!p0 $0x400  }
0x440: {  	[tilespmem:s10], [sflag:$0x4] =	stream.strided.gather @!p0 [hbm4b:s13+s16], $0x4000, s17, s16, $0x38;
	[tilespmem:$0x10600] =	vst v63  }
0x441: {  	_ =	swait.ge [sflag:s29], $0x4000  }
0x442: {  	[sflag:s29] =	ssyncset.done $0x0  }
0x443: {  	s17 =	simm.s32 $0x8000;
	[sflag:s29] =	ssyncadd.s32 $0xFFFFC000  }
0x444: {  	v26 =	vld [tilespmem:s17+$0x380];
	_ =	sdelay $0x4  }
0x445: {  	v26 =	vmul.f32 v26, v10;
	_ =	sdelay $0x1  }
0x446: {  	v27 =	vld [tilespmem:s17+$0x80];
	v26 =	vsub.f32 v26, v11  }
0x447: {  	v28 =	vld [tilespmem:s17+$0x100]  }
0x448: {  	v29 =	vld [tilespmem:s17+$0x180];
	v26 =	vtrunc.f32 v26  }
0x449: {  	v30 =	vld [tilespmem:s17+$0x200];
	v26 =	vcvt.f32.s32 v26  }
0x44a: {  	v53 =	vld [tilespmem:s17+$0x0];
	_ =	sdelay $0x1  }
0x44b: {  	v31 =	vld [tilespmem:s17+$0x280];
	v27 =	vmul.f32 v27, v10;
	_ =	sdelay $0x1  }
0x44c: {  	v28 =	vmul.f32 v28, v10;
	v30 =	vmul.f32 v30, v10;
	v27 =	vsub.f32 v27, v11  }
0x44d: {  	v29 =	vmul.f32 v29, v10;
	v32 =	vmul.f32 v53, v10;
	[tilespmem:v26+s26+$0x0] =	vst.idx.add.f32.msk $0xffff, v9  }
0x44e: {  	v28 =	vsub.f32 v28, v11;
	v27 =	vtrunc.f32 v27;
	v26 =	vsub.f32 v30, v11;
	v30 =	vld [tilespmem:s17+$0x390]  }
0x44f: {  	v31 =	vmul.f32 v31, v10;
	v29 =	vsub.f32 v29, v11;
	v27 =	vcvt.f32.s32 v27  }
0x450: {  	v32 =	vsub.f32 v32, v11;
	v28 =	vtrunc.f32 v28;
	v26 =	vtrunc.f32 v26  }
0x451: {  	v29 =	vtrunc.f32 v29;
	v26 =	vcvt.f32.s32 v26  }
0x452: {  	v31 =	vsub.f32 v31, v11;
	v32 =	vtrunc.f32 v32;
	v28 =	vcvt.f32.s32 v28  }
0x453: {  	v29 =	vcvt.f32.s32 v29;
	v30 =	vmul.f32 v30, v12  }
0x454: {  	v54 =	vld [tilespmem:s17+$0x300];
	v31 =	vtrunc.f32 v31;
	v32 =	vcvt.f32.s32 v32  }
0x455: {  	v31 =	vcvt.f32.s32 v31;
	[tilespmem:v27+s26+$0x0] =	vst.idx.add.f32.msk $0xffff, v9;
	v27 =	vsub.f32 v30, v13;
	_ =	sdelay $0x1  }
0x456: {  	[tilespmem:v26+s26+$0x0] =	vst.idx.add.f32.msk $0xffff, v9;
	v26 =	vtrunc.f32 v27  }
0x457: {  	[tilespmem:v28+s26+$0x0] =	vst.idx.add.f32.msk $0xffff, v9;
	v26 =	vcvt.f32.s32 v26  }
0x458: {  	[tilespmem:v29+s26+$0x0] =	vst.idx.add.f32.msk $0xffff, v9  }
0x459: {  	[tilespmem:v32+s26+$0x0] =	vst.idx.add.f32.msk $0xffff, v9;
	v27 =	vmul.f32 v54, v10  }
0x45a: {  	[tilespmem:v31+s26+$0x0] =	vst.idx.add.f32.msk $0xffff, v9  }
0x45b: {  	v28 =	vld [tilespmem:s17+$0x10];
	v27 =	vsub.f32 v27, v11  }
0x45c: {  	v29 =	vld [tilespmem:s17+$0x90]  }
0x45d: {  	v27 =	vtrunc.f32 v27;
	[tilespmem:v26+s26+$0x0] =	vst.idx.add.f32.msk $0xffff, v9  }
0x45e: {  	v26 =	vcvt.f32.s32 v27;
	v27 =	vld [tilespmem:s17+$0x3A0]  }
0x45f: {  	v31 =	vld [tilespmem:s17+$0x190]  }
0x460: {  	v30 =	vld [tilespmem:s17+$0x110]  }
0x461: {  	v28 =	vmul.f32 v28, v12  }
0x462: {  	v29 =	vmul.f32 v29, v12  }
0x463: {  	v56 =	vld [tilespmem:s17+$0x290];
	v28 =	vsub.f32 v28, v13;
	v27 =	vmul.f32 v27, v14  }
0x464: {  	v31 =	vmul.f32 v31, v12;
	v29 =	vsub.f32 v29, v13  }
0x465: {  	v55 =	vld [tilespmem:s17+$0x210];
	v28 =	vtrunc.f32 v28;
	v30 =	vmul.f32 v30, v12;
	v27 =	vsub.f32 v27, v15  }
0x466: {  	v31 =	vsub.f32 v31, v13;
	v29 =	vtrunc.f32 v29;
	v28 =	vcvt.f32.s32 v28;
	[tilespmem:v26+s26+$0x0] =	vst.idx.add.f32.msk $0xffff, v9  }
0x467: {  	v29 =	vcvt.f32.s32 v29;
	v26 =	vsub.f32 v30, v13;
	v57 =	vld [tilespmem:s17+$0x310];
	v27 =	vtrunc.f32 v27  }
0x468: {  	v33 =	vmul.f32 v56, v12;
	v27 =	vcvt.f32.s32 v27  }
0x469: {  	v31 =	vtrunc.f32 v31;
	v26 =	vtrunc.f32 v26  }
0x46a: {  	v33 =	vsub.f32 v33, v13;
	v30 =	vmul.f32 v55, v12;
	v26 =	vcvt.f32.s32 v26  }
0x46b: {  	v31 =	vcvt.f32.s32 v31  }
0x46c: {  	[tilespmem:v28+s26+$0x0] =	vst.idx.add.f32.msk $0xffff, v9;
	v28 =	vtrunc.f32 v33;
	v30 =	vsub.f32 v30, v13;
	v32 =	vmul.f32 v57, v12  }
0x46d: {  	[tilespmem:v29+s26+$0x0] =	vst.idx.add.f32.msk $0xffff, v9;
	v28 =	vcvt.f32.s32 v28  }
0x46e: {  	v30 =	vtrunc.f32 v30;
	v32 =	vsub.f32 v32, v13;
	[tilespmem:v27+s26+$0x0] =	vst.idx.add.f32.msk $0xffff, v9  }
0x46f: {  	v30 =	vcvt.f32.s32 v30;
	v27 =	vld [tilespmem:s17+$0x3B0]  }
0x470: {  	[tilespmem:v26+s26+$0x0] =	vst.idx.add.f32.msk $0xffff, v9;
	v26 =	vtrunc.f32 v32  }
0x471: {  	[tilespmem:v31+s26+$0x0] =	vst.idx.add.f32.msk $0xffff, v9;
	v26 =	vcvt.f32.s32 v26  }
0x472: {  	v58 =	vld [tilespmem:s17+$0x20]  }
0x473: {  	[tilespmem:v28+s26+$0x0] =	vst.idx.add.f32.msk $0xffff, v9  }
0x474: {  	v28 =	vld [tilespmem:s17+$0xA0];
	v27 =	vmul.f32 v27, v17  }
0x475: {  	[tilespmem:v30+s26+$0x0] =	vst.idx.add.f32.msk $0xffff, v9  }
0x476: {  	v31 =	vld [tilespmem:s17+$0x220];
	v27 =	vsub.f32 v27, v16  }
0x477: {  	[tilespmem:v26+s26+$0x0] =	vst.idx.add.f32.msk $0xffff, v9;
	v26 =	vmul.f32 v58, v14  }
0x478: {  	v27 =	vtrunc.f32 v27  }
0x479: {  	v60 =	vld [tilespmem:s17+$0x320];
	v26 =	vsub.f32 v26, v15;
	v27 =	vcvt.f32.s32 v27  }
0x47a: {  	v28 =	vmul.f32 v28, v14  }
0x47b: {  	v26 =	vtrunc.f32 v26  }
0x47c: {  	v28 =	vsub.f32 v28, v15;
	v31 =	vmul.f32 v31, v14;
	v26 =	vcvt.f32.s32 v26  }
0x47d: {  	v30 =	vld [tilespmem:s17+$0x1A0]  }
0x47e: {  	v59 =	vld [tilespmem:s17+$0x2A0];
	v28 =	vtrunc.f32 v28;
	v31 =	vsub.f32 v31, v15;
	v33 =	vmul.f32 v60, v14  }
0x47f: {  	v28 =	vcvt.f32.s32 v28;
	[tilespmem:v27+s26+$0x0] =	vst.idx.add.f32.msk $0xffff, v9  }
0x480: {  	v27 =	vtrunc.f32 v31;
	v31 =	vsub.f32 v33, v15;
	v61 =	vld [tilespmem:s17+$0x3C0]  }
0x481: {  	v27 =	vcvt.f32.s32 v27  }
0x482: {  	v30 =	vmul.f32 v30, v14;
	[tilespmem:v26+s26+$0x0] =	vst.idx.add.f32.msk $0xffff, v9;
	v26 =	vtrunc.f32 v31  }
0x483: {  	v32 =	vmul.f32 v59, v14;
	v26 =	vcvt.f32.s32 v26  }
0x484: {  	v29 =	vld [tilespmem:s17+$0x120];
	v30 =	vsub.f32 v30, v15  }
0x485: {  	v32 =	vsub.f32 v32, v15;
	[tilespmem:v28+s26+$0x0] =	vst.idx.add.f32.msk $0xffff, v9;
	v28 =	vmul.f32 v61, v19  }
0x486: {  	v30 =	vtrunc.f32 v30  }
0x487: {  	v32 =	vtrunc.f32 v32;
	v30 =	vcvt.f32.s32 v30;
	[tilespmem:v27+s26+$0x0] =	vst.idx.add.f32.msk $0xffff, v9;
	v27 =	vsub.f32 v28, v18  }
0x488: {  	v62 =	vld [tilespmem:s17+$0x30];
	v31 =	vcvt.f32.s32 v32  }
0x489: {  	[tilespmem:v26+s26+$0x0] =	vst.idx.add.f32.msk $0xffff, v9;
	v26 =	vtrunc.f32 v27  }
0x48a: {  	v29 =	vmul.f32 v29, v14;
	v26 =	vcvt.f32.s32 v26  }
0x48b: {  	v27 =	vld [tilespmem:s17+$0xB0]  }
0x48c: {  	v29 =	vsub.f32 v29, v15  }
0x48d: {  	[tilespmem:v30+s26+$0x0] =	vst.idx.add.f32.msk $0xffff, v9;
	v30 =	vmul.f32 v62, v17  }
0x48e: {  	v29 =	vtrunc.f32 v29;
	[tilespmem:v31+s26+$0x0] =	vst.idx.add.f32.msk $0xffff, v9  }
0x48f: {  	v29 =	vcvt.f32.s32 v29;
	v30 =	vsub.f32 v30, v16;
	v63 =	vld [tilespmem:s17+$0x2B0]  }
0x490: {  	v27 =	vmul.f32 v27, v17;
	[tilespmem:v26+s26+$0x0] =	vst.idx.add.f32.msk $0xffff, v9  }
0x491: {  	v26 =	vtrunc.f32 v30;
	v30 =	vld [tilespmem:s17+$0x3D0]  }
0x492: {  	v27 =	vsub.f32 v27, v16  }
0x493: {  	v26 =	vcvt.f32.s32 v26  }
0x494: {  	v27 =	vtrunc.f32 v27  }
0x495: {  	[tilespmem:v29+s26+$0x0] =	vst.idx.add.f32.msk $0xffff, v9;
	v32 =	vmul.f32 v63, v17;
	v27 =	vcvt.f32.s32 v27  }
0x496: {  	v28 =	vld [tilespmem:s17+$0x130];
	v30 =	vmul.f32 v30, v20  }
0x497: {  	v32 =	vsub.f32 v32, v16  }
0x498: {  	v29 =	vld [tilespmem:s17+$0x1B0];
	v30 =	vsub.f32 v30, v21  }
0x499: {  	[tilespmem:v26+s26+$0x0] =	vst.idx.add.f32.msk $0xffff, v9;
	v26 =	vtrunc.f32 v32  }
0x49a: {  	v31 =	vld [tilespmem:s17+$0x230];
	v26 =	vcvt.f32.s32 v26;
	v30 =	vtrunc.f32 v30  }
0x49b: {  	v28 =	vmul.f32 v28, v17;
	[tilespmem:v27+s26+$0x0] =	vst.idx.add.f32.msk $0xffff, v9;
	v27 =	vcvt.f32.s32 v30  }
0x49c: {  	v36 =	vld [tilespmem:s17+$0x330]  }
0x49d: {  	v28 =	vsub.f32 v28, v16  }
0x49e: {  	v29 =	vmul.f32 v29, v17  }
0x49f: {  	v31 =	vmul.f32 v31, v17;
	v28 =	vtrunc.f32 v28;
	v37 =	vld [tilespmem:s17+$0x40]  }
0x4a0: {  	v29 =	vsub.f32 v29, v16;
	v28 =	vcvt.f32.s32 v28;
	[tilespmem:v26+s26+$0x0] =	vst.idx.add.f32.msk $0xffff, v9  }
0x4a1: {  	v31 =	vsub.f32 v31, v16;
	v33 =	vmul.f32 v36, v17;
	[tilespmem:v27+s26+$0x0] =	vst.idx.add.f32.msk $0xffff, v9  }
0x4a2: {  	s13 =	simm.s32 $0x8400;
	v29 =	vtrunc.f32 v29;
	v26 =	vld [tilespmem:s17+$0x3E0]  }
0x4a3: {  	v42 =	vld [tilespmem:s13+$0x100];
	v29 =	vcvt.f32.s32 v29;
	v31 =	vtrunc.f32 v31;
	v33 =	vsub.f32 v33, v16  }
0x4a4: {  	v31 =	vcvt.f32.s32 v31;
	v38 =	vld [tilespmem:s17+$0xC0]  }
0x4a5: {  	v43 =	vld [tilespmem:s13+$0x180];
	v30 =	vtrunc.f32 v33  }
0x4a6: {  	[tilespmem:v28+s26+$0x0] =	vst.idx.add.f32.msk $0xffff, v9;
	v30 =	vcvt.f32.s32 v30;
	v27 =	vmul.f32 v37, v19  }
0x4a7: {  	v28 =	vld [tilespmem:s17+$0x140];
	v26 =	vmul.f32 v26, v22  }
0x4a8: {  	v44 =	vld [tilespmem:s13+$0x200];
	v27 =	vsub.f32 v27, v18  }
0x4a9: {  	[tilespmem:v29+s26+$0x0] =	vst.idx.add.f32.msk $0xffff, v9;
	v29 =	vmul.f32 v38, v19;
	v26 =	vsub.f32 v26, v23  }
0x4aa: {  	[tilespmem:v31+s26+$0x0] =	vst.idx.add.f32.msk $0xffff, v9;
	v27 =	vtrunc.f32 v27  }
0x4ab: {  	v31 =	vld [tilespmem:s17+$0x240];
	v29 =	vsub.f32 v29, v18;
	v27 =	vcvt.f32.s32 v27;
	v26 =	vtrunc.f32 v26  }
0x4ac: {  	v28 =	vmul.f32 v28, v19;
	[tilespmem:v30+s26+$0x0] =	vst.idx.add.f32.msk $0xffff, v9;
	v26 =	vcvt.f32.s32 v26  }
0x4ad: {  	v30 =	vld [tilespmem:s17+$0x1C0];
	v29 =	vtrunc.f32 v29  }
0x4ae: {  	v28 =	vsub.f32 v28, v18;
	v40 =	vld [tilespmem:s17+$0x340];
	v29 =	vcvt.f32.s32 v29  }
0x4af: {  	v45 =	vld [tilespmem:s13+$0x280]  }
0x4b0: {  	v31 =	vmul.f32 v31, v19;
	v39 =	vld [tilespmem:s17+$0x2C0];
	v28 =	vtrunc.f32 v28  }
0x4b1: {  	[tilespmem:v27+s26+$0x0] =	vst.idx.add.f32.msk $0xffff, v9;
	v27 =	vcvt.f32.s32 v28  }
0x4b2: {  	v31 =	vsub.f32 v31, v18;
	v30 =	vmul.f32 v30, v19;
	[tilespmem:v26+s26+$0x0] =	vst.idx.add.f32.msk $0xffff, v9  }
0x4b3: {  	v33 =	vmul.f32 v40, v19;
	v26 =	vld [tilespmem:s17+$0x3F0]  }
0x4b4: {  	v31 =	vtrunc.f32 v31;
	v30 =	vsub.f32 v30, v18;
	[tilespmem:v29+s26+$0x0] =	vst.idx.add.f32.msk $0xffff, v9  }
0x4b5: {  	v32 =	vmul.f32 v39, v19;
	v33 =	vsub.f32 v33, v18;
	v29 =	vcvt.f32.s32 v31;
	v31 =	vld [tilespmem:s17+$0xD0]  }
0x4b6: {  	v28 =	vtrunc.f32 v30;
	v41 =	vld [tilespmem:s17+$0x50]  }
0x4b7: {  	v30 =	vsub.f32 v32, v18;
	v33 =	vtrunc.f32 v33;
	v28 =	vcvt.f32.s32 v28;
	[tilespmem:v27+s26+$0x0] =	vst.idx.add.f32.msk $0xffff, v9  }
0x4b8: {  	v33 =	vcvt.f32.s32 v33;
	v27 =	vld [tilespmem:s13+$0x380];
	v26 =	vmul.f32 v26, v24  }
0x4b9: {  	v46 =	vld [tilespmem:s13+$0x300];
	v30 =	vtrunc.f32 v30  }
0x4ba: {  	v37 =	vld [tilespmem:s13+$0x0];
	v30 =	vcvt.f32.s32 v30;
	v31 =	vmul.f32 v31, v20;
	v26 =	vsub.f32 v26, v25  }
0x4bb: {  	[tilespmem:v29+s26+$0x0] =	vst.idx.add.f32.msk $0xffff, v9;
	v29 =	vmul.f32 v41, v20  }
0x4bc: {  	v39 =	vld [tilespmem:s17+$0x250];
	v31 =	vsub.f32 v31, v21;
	v26 =	vtrunc.f32 v26  }
0x4bd: {  	[tilespmem:v28+s26+$0x0] =	vst.idx.add.f32.msk $0xffff, v9;
	v29 =	vsub.f32 v29, v21;
	v27 =	vmul.f32 v27, v10;
	v26 =	vcvt.f32.s32 v26  }
0x4be: {  	[tilespmem:v33+s26+$0x0] =	vst.idx.add.f32.msk $0xffff, v9;
	v31 =	vtrunc.f32 v31  }
0x4bf: {  	v28 =	vld [tilespmem:s17+$0x150];
	v31 =	vcvt.f32.s32 v31;
	v29 =	vtrunc.f32 v29;
	v27 =	vsub.f32 v27, v11  }
0x4c0: {  	v47 =	vmul.f32 v44, v10;
	[tilespmem:v30+s26+$0x0] =	vst.idx.add.f32.msk $0xffff, v9;
	v29 =	vcvt.f32.s32 v29  }
0x4c1: {  	v30 =	vld [tilespmem:s13+$0x80];
	v27 =	vtrunc.f32 v27  }
0x4c2: {  	v32 =	vmul.f32 v42, v10;
	v33 =	vsub.f32 v47, v11;
	v38 =	vld [tilespmem:s17+$0x1D0];
	v27 =	vcvt.f32.s32 v27  }
0x4c3: {  	v35 =	vmul.f32 v45, v10;
	[tilespmem:v26+s26+$0x0] =	vst.idx.add.f32.msk $0xffff, v9;
	v26 =	vmul.f32 v43, v10  }
0x4c4: {  	v37 =	vmul.f32 v37, v10;
	v32 =	vsub.f32 v32, v11;
	v40 =	vld [tilespmem:s17+$0x350];
	v33 =	vtrunc.f32 v33  }
0x4c5: {  	v36 =	vmul.f32 v46, v10;
	v33 =	vcvt.f32.s32 v33;
	[tilespmem:v31+s26+$0x0] =	vst.idx.add.f32.msk $0xffff, v9;
	v26 =	vsub.f32 v26, v11  }
0x4c6: {  	v30 =	vmul.f32 v30, v10;
	v31 =	vsub.f32 v37, v11;
	[tilespmem:v29+s26+$0x0] =	vst.idx.add.f32.msk $0xffff, v9;
	v29 =	vtrunc.f32 v32  }
0x4c7: {  	v49 =	vsub.f32 v35, v11;
	v48 =	vld [tilespmem:s17+$0x2D0];
	v29 =	vcvt.f32.s32 v29;
	v26 =	vtrunc.f32 v26  }
0x4c8: {  	v30 =	vsub.f32 v30, v11;
	v31 =	vtrunc.f32 v31;
	[tilespmem:v27+s26+$0x0] =	vst.idx.add.f32.msk $0xffff, v9;
	v26 =	vcvt.f32.s32 v26  }
0x4c9: {  	v32 =	vtrunc.f32 v49;
	v31 =	vcvt.f32.s32 v31;
	v50 =	vld [tilespmem:s13+$0x390]  }
0x4ca: {  	v52 =	vld [tilespmem:s17+$0xE0];
	v30 =	vtrunc.f32 v30;
	v32 =	vcvt.f32.s32 v32  }
0x4cb: {  	[tilespmem:v33+s26+$0x0] =	vst.idx.add.f32.msk $0xffff, v9;
	v30 =	vcvt.f32.s32 v30;
	v27 =	vsub.f32 v36, v11  }
0x4cc: {  	v57 =	vld [tilespmem:s13+$0x210]  }
0x4cd: {  	v27 =	vtrunc.f32 v27;
	[tilespmem:v29+s26+$0x0] =	vst.idx.add.f32.msk $0xffff, v9;
	v29 =	vmul.f32 v38, v20  }
0x4ce: {  	v27 =	vcvt.f32.s32 v27;
	[tilespmem:v26+s26+$0x0] =	vst.idx.add.f32.msk $0xffff, v9;
	v26 =	vmul.f32 v50, v12  }
0x4cf: {  	[tilespmem:v31+s26+$0x0] =	vst.idx.add.f32.msk $0xffff, v9;
	v29 =	vsub.f32 v29, v21  }
0x4d0: {  	[tilespmem:v32+s26+$0x0] =	vst.idx.add.f32.msk $0xffff, v9;
	v31 =	vmul.f32 v48, v20;
	v26 =	vsub.f32 v26, v13  }
0x4d1: {  	v28 =	vmul.f32 v28, v20;
	[tilespmem:v30+s26+$0x0] =	vst.idx.add.f32.msk $0xffff, v9;
	v29 =	vtrunc.f32 v29  }
0x4d2: {  	v55 =	vld [tilespmem:s13+$0x110];
	v31 =	vsub.f32 v31, v21;
	v29 =	vcvt.f32.s32 v29;
	v26 =	vtrunc.f32 v26  }
0x4d3: {  	v28 =	vsub.f32 v28, v21;
	v30 =	vmul.f32 v39, v20;
	v58 =	vld [tilespmem:s13+$0x290];
	v26 =	vcvt.f32.s32 v26  }
0x4d4: {  	v31 =	vtrunc.f32 v31;
	[tilespmem:v27+s26+$0x0] =	vst.idx.add.f32.msk $0xffff, v9  }
0x4d5: {  	v31 =	vcvt.f32.s32 v31;
	v27 =	vtrunc.f32 v28;
	v28 =	vsub.f32 v30, v21;
	v30 =	vld [tilespmem:s13+$0x10]  }
0x4d6: {  	v53 =	vmul.f32 v40, v20;
	v54 =	vld [tilespmem:s13+$0x90]  }
0x4d7: {  	v56 =	vld [tilespmem:s13+$0x190]  }
0x4d8: {  	v32 =	vsub.f32 v53, v21;
	v27 =	vcvt.f32.s32 v27;
	v28 =	vtrunc.f32 v28;
	[tilespmem:v29+s26+$0x0] =	vst.idx.add.f32.msk $0xffff, v9  }
0x4d9: {  	v34 =	vmul.f32 v55, v12;
	v28 =	vcvt.f32.s32 v28;
	[tilespmem:v26+s26+$0x0] =	vst.idx.add.f32.msk $0xffff, v9  }
0x4da: {  	v32 =	vtrunc.f32 v32;
	v30 =	vmul.f32 v30, v12;
	v59 =	vld [tilespmem:s13+$0x3A0]  }
0x4db: {  	v29 =	vsub.f32 v34, v13;
	[tilespmem:v31+s26+$0x0] =	vst.idx.add.f32.msk $0xffff, v9;
	v31 =	vmul.f32 v58, v12;
	v26 =	vcvt.f32.s32 v32  }
0x4dc: {  	v51 =	vld [tilespmem:s17+$0x60];
	v33 =	vmul.f32 v54, v12;
	v30 =	vsub.f32 v30, v13  }
0x4dd: {  	v60 =	vld [tilespmem:s13+$0x310];
	v29 =	vtrunc.f32 v29;
	v31 =	vsub.f32 v31, v13;
	v61 =	vmul.f32 v56, v12  }
0x4de: {  	[tilespmem:v27+s26+$0x0] =	vst.idx.add.f32.msk $0xffff, v9;
	v27 =	vsub.f32 v33, v13;
	v29 =	vcvt.f32.s32 v29;
	v30 =	vtrunc.f32 v30  }
0x4df: {  	[tilespmem:v28+s26+$0x0] =	vst.idx.add.f32.msk $0xffff, v9;
	v30 =	vcvt.f32.s32 v30;
	v28 =	vsub.f32 v61, v13;
	v32 =	vmul.f32 v59, v14  }
0x4e0: {  	v42 =	vld [tilespmem:s17+$0x1E0];
	v31 =	vtrunc.f32 v31;
	v27 =	vtrunc.f32 v27  }
0x4e1: {  	v31 =	vcvt.f32.s32 v31;
	[tilespmem:v26+s26+$0x0] =	vst.idx.add.f32.msk $0xffff, v9;
	v26 =	vtrunc.f32 v28;
	v28 =	vsub.f32 v32, v15  }
0x4e2: {  	v62 =	vmul.f32 v57, v12;
	v45 =	vld [tilespmem:s17+$0x2E0];
	v27 =	vcvt.f32.s32 v27  }
0x4e3: {  	v63 =	vld [tilespmem:s17+$0x160];
	v26 =	vcvt.f32.s32 v26;
	v28 =	vtrunc.f32 v28  }
0x4e4: {  	v34 =	vsub.f32 v62, v13;
	v41 =	vmul.f32 v60, v12;
	[tilespmem:v29+s26+$0x0] =	vst.idx.add.f32.msk $0xffff, v9;
	v28 =	vcvt.f32.s32 v28  }
0x4e5: {  	[tilespmem:v30+s26+$0x0] =	vst.idx.add.f32.msk $0xffff, v9  }
0x4e6: {  	v33 =	vsub.f32 v41, v13;
	v30 =	vtrunc.f32 v34;
	v44 =	vld [tilespmem:s13+$0x20]  }
0x4e7: {  	[tilespmem:v31+s26+$0x0] =	vst.idx.add.f32.msk $0xffff, v9;
	v30 =	vcvt.f32.s32 v30  }
0x4e8: {  	v33 =	vtrunc.f32 v33;
	[tilespmem:v27+s26+$0x0] =	vst.idx.add.f32.msk $0xffff, v9;
	v32 =	vmul.f32 v63, v22  }
0x4e9: {  	v29 =	vmul.f32 v52, v22;
	v27 =	vmul.f32 v51, v22;
	[tilespmem:v26+s26+$0x0] =	vst.idx.add.f32.msk $0xffff, v9  }
0x4ea: {  	v33 =	vcvt.f32.s32 v33;
	v31 =	vsub.f32 v32, v23;
	[tilespmem:v28+s26+$0x0] =	vst.idx.add.f32.msk $0xffff, v9  }
0x4eb: {  	v26 =	vsub.f32 v27, v23;
	v27 =	vmul.f32 v44, v14;
	v28 =	vsub.f32 v29, v23;
	v29 =	vld [tilespmem:s13+$0x3B0]  }
0x4ec: {  	v43 =	vld [tilespmem:s17+$0x260]  }
0x4ed: {  	[tilespmem:v30+s26+$0x0] =	vst.idx.add.f32.msk $0xffff, v9;
	v30 =	vmul.f32 v42, v22;
	v31 =	vtrunc.f32 v31;
	v27 =	vsub.f32 v27, v15  }
0x4ee: {  	v52 =	vld [tilespmem:s13+$0x2A0];
	v31 =	vcvt.f32.s32 v31  }
0x4ef: {  	v48 =	vld [tilespmem:s13+$0x120];
	v30 =	vsub.f32 v30, v23;
	v26 =	vtrunc.f32 v26;
	v27 =	vtrunc.f32 v27  }
0x4f0: {  	v49 =	vld [tilespmem:s13+$0x1A0];
	v27 =	vcvt.f32.s32 v27;
	v29 =	vmul.f32 v29, v17  }
0x4f1: {  	[tilespmem:v33+s26+$0x0] =	vst.idx.add.f32.msk $0xffff, v9;
	v30 =	vtrunc.f32 v30;
	v26 =	vcvt.f32.s32 v26  }
0x4f2: {  	v47 =	vld [tilespmem:s13+$0xA0];
	v30 =	vcvt.f32.s32 v30;
	v29 =	vsub.f32 v29, v16  }
0x4f3: {  	v53 =	vld [tilespmem:s13+$0x320];
	v57 =	vmul.f32 v52, v14;
	v28 =	vtrunc.f32 v28  }
0x4f4: {  	v51 =	vld [tilespmem:s13+$0x220];
	v28 =	vcvt.f32.s32 v28;
	v29 =	vtrunc.f32 v29  }
0x4f5: {  	v35 =	vmul.f32 v49, v14;
	[tilespmem:v31+s26+$0x0] =	vst.idx.add.f32.msk $0xffff, v9;
	v31 =	vsub.f32 v57, v15;
	v29 =	vcvt.f32.s32 v29  }
0x4f6: {  	[tilespmem:v27+s26+$0x0] =	vst.idx.add.f32.msk $0xffff, v9;
	v27 =	vmul.f32 v48, v14  }
0x4f7: {  	v33 =	vmul.f32 v47, v14;
	v31 =	vtrunc.f32 v31;
	[tilespmem:v26+s26+$0x0] =	vst.idx.add.f32.msk $0xffff, v9;
	v26 =	vsub.f32 v35, v15  }
0x4f8: {  	v58 =	vmul.f32 v53, v14;
	[tilespmem:v30+s26+$0x0] =	vst.idx.add.f32.msk $0xffff, v9;
	v30 =	vcvt.f32.s32 v31;
	v27 =	vsub.f32 v27, v15  }
0x4f9: {  	v33 =	vsub.f32 v33, v15;
	v37 =	vmul.f32 v51, v14;
	v26 =	vtrunc.f32 v26;
	v55 =	vld [tilespmem:s13+$0x30]  }
0x4fa: {  	v26 =	vcvt.f32.s32 v26;
	[tilespmem:v28+s26+$0x0] =	vst.idx.add.f32.msk $0xffff, v9;
	v27 =	vtrunc.f32 v27  }
0x4fb: {  	v33 =	vtrunc.f32 v33;
	v28 =	vsub.f32 v37, v15;
	v27 =	vcvt.f32.s32 v27;
	[tilespmem:v29+s26+$0x0] =	vst.idx.add.f32.msk $0xffff, v9  }
0x4fc: {  	v33 =	vcvt.f32.s32 v33;
	v59 =	vld [tilespmem:s13+$0x3C0]  }
0x4fd: {  	v56 =	vld [tilespmem:s17+$0x360];
	v28 =	vtrunc.f32 v28;
	v29 =	vsub.f32 v58, v15  }
0x4fe: {  	v50 =	vmul.f32 v45, v22;
	[tilespmem:v30+s26+$0x0] =	vst.idx.add.f32.msk $0xffff, v9;
	v28 =	vcvt.f32.s32 v28  }
0x4ff: {  	v61 =	vld [tilespmem:s13+$0x2B0];
	v29 =	vtrunc.f32 v29  }
0x500: {  	v36 =	vsub.f32 v50, v23;
	[tilespmem:v26+s26+$0x0] =	vst.idx.add.f32.msk $0xffff, v9;
	v26 =	vmul.f32 v55, v17;
	v29 =	vcvt.f32.s32 v29  }
0x501: {  	[tilespmem:v27+s26+$0x0] =	vst.idx.add.f32.msk $0xffff, v9;
	v27 =	vmul.f32 v59, v19  }
0x502: {  	v54 =	vtrunc.f32 v36;
	[tilespmem:v33+s26+$0x0] =	vst.idx.add.f32.msk $0xffff, v9;
	v26 =	vsub.f32 v26, v16  }
0x503: {  	v34 =	vcvt.f32.s32 v54;
	v31 =	vld [tilespmem:s13+$0x1B0];
	v27 =	vsub.f32 v27, v18  }
0x504: {  	v33 =	vmul.f32 v61, v17;
	[tilespmem:v28+s26+$0x0] =	vst.idx.add.f32.msk $0xffff, v9;
	v26 =	vtrunc.f32 v26  }
0x505: {  	v30 =	vld [tilespmem:s13+$0x130];
	v26 =	vcvt.f32.s32 v26;
	v27 =	vtrunc.f32 v27  }
0x506: {  	v28 =	vmul.f32 v56, v22;
	[tilespmem:v29+s26+$0x0] =	vst.idx.add.f32.msk $0xffff, v9;
	v27 =	vcvt.f32.s32 v27  }
0x507: {  	v29 =	vld [tilespmem:s13+$0xB0]  }
0x508: {  	v60 =	vld [tilespmem:s13+$0x230];
	v33 =	vsub.f32 v33, v16;
	v28 =	vsub.f32 v28, v23  }
0x509: {  	v46 =	vmul.f32 v43, v22;
	[tilespmem:v34+s26+$0x0] =	vst.idx.add.f32.msk $0xffff, v9  }
0x50a: {  	v43 =	vld [tilespmem:s17+$0x170];
	v33 =	vtrunc.f32 v33;
	v28 =	vtrunc.f32 v28  }
0x50b: {  	v28 =	vcvt.f32.s32 v28;
	[tilespmem:v26+s26+$0x0] =	vst.idx.add.f32.msk $0xffff, v9;
	v26 =	vmul.f32 v31, v17  }
0x50c: {  	v33 =	vcvt.f32.s32 v33;
	v29 =	vmul.f32 v29, v17;
	[tilespmem:v27+s26+$0x0] =	vst.idx.add.f32.msk $0xffff, v9  }
0x50d: {  	v31 =	vmul.f32 v60, v17;
	v26 =	vsub.f32 v26, v16;
	v27 =	vmul.f32 v30, v17;
	v30 =	vld [tilespmem:s13+$0x3D0]  }
0x50e: {  	v44 =	vld [tilespmem:s17+$0x1F0];
	v29 =	vsub.f32 v29, v16  }
0x50f: {  	v42 =	vld [tilespmem:s17+$0xF0];
	v31 =	vsub.f32 v31, v16;
	v26 =	vtrunc.f32 v26  }
0x510: {  	v63 =	vld [tilespmem:s13+$0x40];
	v26 =	vcvt.f32.s32 v26;
	v29 =	vtrunc.f32 v29  }
0x511: {  	[tilespmem:v28+s26+$0x0] =	vst.idx.add.f32.msk $0xffff, v9;
	v31 =	vtrunc.f32 v31;
	v28 =	vcvt.f32.s32 v29  }
0x512: {  	v62 =	vld [tilespmem:s13+$0x330];
	v31 =	vcvt.f32.s32 v31;
	v27 =	vsub.f32 v27, v16;
	v30 =	vmul.f32 v30, v20  }
0x513: {  	[tilespmem:v33+s26+$0x0] =	vst.idx.add.f32.msk $0xffff, v9  }
0x514: {  	v53 =	vld [tilespmem:s13+$0x2C0];
	v27 =	vtrunc.f32 v27;
	v30 =	vsub.f32 v30, v21  }
0x515: {  	v29 =	vld [tilespmem:s17+$0x70];
	v27 =	vcvt.f32.s32 v27  }
0x516: {  	[tilespmem:v26+s26+$0x0] =	vst.idx.add.f32.msk $0xffff, v9;
	v30 =	vtrunc.f32 v30  }
0x517: {  	v32 =	vsub.f32 v46, v23;
	[tilespmem:v28+s26+$0x0] =	vst.idx.add.f32.msk $0xffff, v9;
	v28 =	vcvt.f32.s32 v30  }
0x518: {  	v34 =	vmul.f32 v62, v17;
	[tilespmem:v31+s26+$0x0] =	vst.idx.add.f32.msk $0xffff, v9;
	v31 =	vmul.f32 v43, v24  }
0x519: {  	v32 =	vtrunc.f32 v32;
	v51 =	vld [tilespmem:s13+$0x1C0]  }
0x51a: {  	v32 =	vcvt.f32.s32 v32;
	v34 =	vsub.f32 v34, v16;
	v31 =	vsub.f32 v31, v25;
	v47 =	vld [tilespmem:s13+$0xC0]  }
0x51b: {  	v58 =	vmul.f32 v53, v19;
	[tilespmem:v27+s26+$0x0] =	vst.idx.add.f32.msk $0xffff, v9;
	v27 =	vmul.f32 v63, v19  }
0x51c: {  	v52 =	vld [tilespmem:s13+$0x240];
	v31 =	vtrunc.f32 v31;
	v30 =	vtrunc.f32 v34  }
0x51d: {  	v26 =	vmul.f32 v29, v24;
	v30 =	vcvt.f32.s32 v30;
	v27 =	vsub.f32 v27, v18;
	[tilespmem:v28+s26+$0x0] =	vst.idx.add.f32.msk $0xffff, v9  }
0x51e: {  	v29 =	vmul.f32 v42, v24;
	v31 =	vcvt.f32.s32 v31;
	v49 =	vld [tilespmem:s13+$0x3E0]  }
0x51f: {  	v46 =	vld [tilespmem:s17+$0x2F0];
	v26 =	vsub.f32 v26, v25;
	v48 =	vmul.f32 v47, v19;
	v27 =	vtrunc.f32 v27  }
0x520: {  	[tilespmem:v32+s26+$0x0] =	vst.idx.add.f32.msk $0xffff, v9;
	v35 =	vmul.f32 v51, v19;
	v27 =	vcvt.f32.s32 v27  }
0x521: {  	v36 =	vmul.f32 v52, v19;
	v26 =	vtrunc.f32 v26;
	v50 =	vld [tilespmem:s13+$0x140];
	v32 =	vsub.f32 v48, v18  }
0x522: {  	v45 =	vld [tilespmem:s17+$0x270];
	v29 =	vsub.f32 v29, v25;
	v26 =	vcvt.f32.s32 v26;
	v28 =	vmul.f32 v44, v24  }
0x523: {  	[tilespmem:v30+s26+$0x0] =	vst.idx.add.f32.msk $0xffff, v9;
	v32 =	vtrunc.f32 v32;
	v33 =	vmul.f32 v49, v22  }
0x524: {  	v29 =	vtrunc.f32 v29;
	v28 =	vsub.f32 v28, v25;
	v32 =	vcvt.f32.s32 v32;
	v54 =	vld [tilespmem:s13+$0x340]  }
0x525: {  	v56 =	vld [tilespmem:s17+$0x370];
	v57 =	vsub.f32 v35, v18;
	v29 =	vcvt.f32.s32 v29;
	v33 =	vsub.f32 v33, v23  }
0x526: {  	v36 =	vsub.f32 v36, v18;
	v28 =	vtrunc.f32 v28;
	[tilespmem:v27+s26+$0x0] =	vst.idx.add.f32.msk $0xffff, v9;
	v27 =	vmul.f32 v50, v19  }
0x527: {  	v35 =	vsub.f32 v58, v18;
	[tilespmem:v31+s26+$0x0] =	vst.idx.add.f32.msk $0xffff, v9;
	v28 =	vcvt.f32.s32 v28;
	v33 =	vtrunc.f32 v33  }
0x528: {  	v60 =	vtrunc.f32 v36;
	[tilespmem:v26+s26+$0x0] =	vst.idx.add.f32.msk $0xffff, v9;
	v33 =	vcvt.f32.s32 v33  }
0x529: {  	v62 =	vtrunc.f32 v35;
	v55 =	vld [tilespmem:s13+$0x50];
	v27 =	vsub.f32 v27, v18;
	v38 =	vmul.f32 v54, v19  }
0x52a: {  	v31 =	vcvt.f32.s32 v62;
	[tilespmem:v32+s26+$0x0] =	vst.idx.add.f32.msk $0xffff, v9;
	v32 =	vtrunc.f32 v57  }
0x52b: {  	[tilespmem:v29+s26+$0x0] =	vst.idx.add.f32.msk $0xffff, v9;
	v27 =	vtrunc.f32 v27;
	v26 =	vcvt.f32.s32 v32;
	v61 =	vsub.f32 v38, v18  }
0x52c: {  	v29 =	vcvt.f32.s32 v60;
	v59 =	vld [tilespmem:s13+$0xD0];
	v27 =	vcvt.f32.s32 v27  }
0x52d: {  	v63 =	vtrunc.f32 v61;
	[tilespmem:v28+s26+$0x0] =	vst.idx.add.f32.msk $0xffff, v9;
	v28 =	vmul.f32 v46, v24  }
0x52e: {  	v30 =	vmul.f32 v45, v24;
	v32 =	vcvt.f32.s32 v63;
	[tilespmem:v33+s26+$0x0] =	vst.idx.add.f32.msk $0xffff, v9  }
0x52f: {  	v34 =	vmul.f32 v55, v20;
	v28 =	vsub.f32 v28, v25;
	v33 =	vld [tilespmem:s13+$0x3F0]  }
0x530: {  	[tilespmem:v31+s26+$0x0] =	vst.idx.add.f32.msk $0xffff, v9;
	v30 =	vsub.f32 v30, v25  }
0x531: {  	v34 =	vsub.f32 v34, v21;
	[tilespmem:v26+s26+$0x0] =	vst.idx.add.f32.msk $0xffff, v9;
	v26 =	vtrunc.f32 v28;
	v28 =	vmul.f32 v56, v24  }
0x532: {  	[tilespmem:v27+s26+$0x0] =	vst.idx.add.f32.msk $0xffff, v9;
	v27 =	vtrunc.f32 v30;
	v30 =	vmul.f32 v59, v20  }
0x533: {  	[tilespmem:v29+s26+$0x0] =	vst.idx.add.f32.msk $0xffff, v9;
	v29 =	vtrunc.f32 v34;
	v28 =	vsub.f32 v28, v25  }
0x534: {  	v26 =	vcvt.f32.s32 v26;
	v30 =	vsub.f32 v30, v21;
	[tilespmem:v32+s26+$0x0] =	vst.idx.add.f32.msk $0xffff, v9;
	v31 =	vmul.f32 v33, v24  }
0x535: {  	v29 =	vcvt.f32.s32 v29;
	v27 =	vcvt.f32.s32 v27;
	v32 =	vld [tilespmem:s13+$0x150]  }
0x536: {  	v28 =	vtrunc.f32 v28;
	v30 =	vtrunc.f32 v30;
	v33 =	vld [tilespmem:s13+$0x1D0];
	v31 =	vsub.f32 v31, v25  }
0x537: {  	s16 =	simm.s32 $0x8;
	s17 =	simm.s32 $0x8800;
	v34 =	vld [tilespmem:s13+$0x250];
	v28 =	vcvt.f32.s32 v28;
	v30 =	vcvt.f32.s32 v30  }
.LBB2_7:
0x538: {  	v35 =	vld [tilespmem:s17+$0x380];
	s16 =	sadd.s32 $0x8, s16;
	v31 =	vtrunc.f32 v31  }
0x539: {  	v36 =	vld [tilespmem:s17+$0x80];
	p0 =	slt.u32 s16, $0x78;
	v31 =	vcvt.f32.s32 v31  }
0x53a: {  	v37 =	vld [tilespmem:s17+$0x100];
	v32 =	vmul.f32 v32, v20  }
0x53b: {  	v38 =	vld [tilespmem:s17+$0x180];
	v33 =	vmul.f32 v33, v20  }
0x53c: {  	v39 =	vld [tilespmem:s17+$0x200];
	v32 =	vsub.f32 v32, v21;
	v34 =	vmul.f32 v34, v20  }
0x53d: {  	v40 =	vld [tilespmem:s17+$0x280];
	v35 =	vmul.f32 v35, v10;
	v33 =	vsub.f32 v33, v21  }
0x53e: {  	v36 =	vmul.f32 v36, v10;
	v41 =	vld [tilespmem:s17+$0x300];
	v32 =	vtrunc.f32 v32;
	v34 =	vsub.f32 v34, v21  }
0x53f: {  	v37 =	vmul.f32 v37, v10;
	v35 =	vsub.f32 v35, v11;
	v33 =	vtrunc.f32 v33;
	[tilespmem:v31+s26+$0x0] =	vst.idx.add.f32.msk $0xffff, v9  }
0x540: {  	v31 =	vld [tilespmem:s17+$0x0];
	v36 =	vsub.f32 v36, v11;
	v38 =	vmul.f32 v38, v10;
	v34 =	vtrunc.f32 v34  }
0x541: {  	v37 =	vsub.f32 v37, v11;
	v39 =	vmul.f32 v39, v10;
	v35 =	vtrunc.f32 v35;
	v42 =	vld [tilespmem:s13+$0x2D0]  }
0x542: {  	v38 =	vsub.f32 v38, v11;
	v40 =	vmul.f32 v40, v10;
	v35 =	vcvt.f32.s32 v35;
	v43 =	vld [tilespmem:s13+$0x350]  }
0x543: {  	v36 =	vtrunc.f32 v36;
	v39 =	vsub.f32 v39, v11;
	v41 =	vmul.f32 v41, v10;
	[tilespmem:v29+s26+$0x0] =	vst.idx.add.f32.msk $0xffff, v9  }
0x544: {  	v29 =	vtrunc.f32 v37;
	v37 =	vtrunc.f32 v38;
	v38 =	vsub.f32 v40, v11;
	[tilespmem:v30+s26+$0x0] =	vst.idx.add.f32.msk $0xffff, v9  }
0x545: {  	v30 =	vmul.f32 v31, v10;
	v31 =	vtrunc.f32 v39;
	v39 =	vsub.f32 v41, v11;
	v40 =	vld [tilespmem:s13+$0x60]  }
0x546: {  	v36 =	vcvt.f32.s32 v36;
	v38 =	vtrunc.f32 v38;
	v41 =	vld [tilespmem:s13+$0xE0]  }
0x547: {  	v29 =	vcvt.f32.s32 v29;
	v30 =	vsub.f32 v30, v11;
	v39 =	vtrunc.f32 v39;
	[tilespmem:v27+s26+$0x0] =	vst.idx.add.f32.msk $0xffff, v9  }
0x548: {  	v31 =	vcvt.f32.s32 v31;
	v27 =	vcvt.f32.s32 v37;
	[tilespmem:v35+s26+$0x0] =	vst.idx.add.f32.msk $0xffff, v9  }
0x549: {  	v35 =	vcvt.f32.s32 v38;
	v30 =	vtrunc.f32 v30;
	v37 =	vld [tilespmem:s17+$0x390]  }
0x54a: {  	v38 =	vcvt.f32.s32 v39;
	v30 =	vcvt.f32.s32 v30;
	[tilespmem:v26+s26+$0x0] =	vst.idx.add.f32.msk $0xffff, v9  }
0x54b: {  	v39 =	vmul.f32 v43, v20;
	v26 =	vmul.f32 v42, v20;
	[tilespmem:v28+s26+$0x0] =	vst.idx.add.f32.msk $0xffff, v9  }
0x54c: {  	v28 =	vcvt.f32.s32 v32;
	v32 =	vcvt.f32.s32 v33;
	[tilespmem:v36+s26+$0x0] =	vst.idx.add.f32.msk $0xffff, v9  }
0x54d: {  	v33 =	vsub.f32 v39, v21;
	v26 =	vsub.f32 v26, v21;
	[tilespmem:v29+s26+$0x0] =	vst.idx.add.f32.msk $0xffff, v9;
	v29 =	vcvt.f32.s32 v34  }
0x54e: {  	v34 =	vmul.f32 v40, v22;
	[tilespmem:v27+s26+$0x0] =	vst.idx.add.f32.msk $0xffff, v9;
	v27 =	vmul.f32 v37, v12  }
0x54f: {  	v26 =	vtrunc.f32 v26;
	[tilespmem:v31+s26+$0x0] =	vst.idx.add.f32.msk $0xffff, v9;
	v31 =	vtrunc.f32 v33  }
0x550: {  	[tilespmem:v30+s26+$0x0] =	vst.idx.add.f32.msk $0xffff, v9;
	v27 =	vsub.f32 v27, v13;
	v30 =	vcvt.f32.s32 v26;
	v31 =	vcvt.f32.s32 v31  }
0x551: {  	v33 =	vmul.f32 v41, v22;
	v26 =	vsub.f32 v34, v23;
	[tilespmem:v35+s26+$0x0] =	vst.idx.add.f32.msk $0xffff, v9  }
0x552: {  	[tilespmem:v38+s26+$0x0] =	vst.idx.add.f32.msk $0xffff, v9;
	v27 =	vtrunc.f32 v27  }
0x553: {  	v26 =	vtrunc.f32 v26;
	v34 =	vld [tilespmem:s17+$0x10];
	v35 =	vcvt.f32.s32 v27;
	v27 =	vsub.f32 v33, v23  }
0x554: {  	v26 =	vcvt.f32.s32 v26;
	v33 =	vld [tilespmem:s17+$0x90]  }
0x555: {  	v36 =	vld [tilespmem:s17+$0x110];
	v27 =	vtrunc.f32 v27  }
0x556: {  	v37 =	vld [tilespmem:s17+$0x190];
	v27 =	vcvt.f32.s32 v27  }
0x557: {  	v38 =	vld [tilespmem:s17+$0x210]  }
0x558: {  	v34 =	vmul.f32 v34, v12;
	v39 =	vld [tilespmem:s17+$0x290]  }
0x559: {  	v33 =	vmul.f32 v33, v12;
	[tilespmem:v35+s26+$0x0] =	vst.idx.add.f32.msk $0xffff, v9  }
0x55a: {  	v34 =	vsub.f32 v34, v13;
	v35 =	vmul.f32 v36, v12;
	v36 =	vld [tilespmem:s17+$0x3A0]  }
0x55b: {  	v33 =	vsub.f32 v33, v13;
	v37 =	vmul.f32 v37, v12;
	v40 =	vld [tilespmem:s17+$0x310]  }
0x55c: {  	v34 =	vtrunc.f32 v34;
	v35 =	vsub.f32 v35, v13;
	v38 =	vmul.f32 v38, v12;
	[tilespmem:v28+s26+$0x0] =	vst.idx.add.f32.msk $0xffff, v9  }
0x55d: {  	v28 =	vtrunc.f32 v33;
	v33 =	vsub.f32 v37, v13;
	v37 =	vmul.f32 v39, v12;
	[tilespmem:v32+s26+$0x0] =	vst.idx.add.f32.msk $0xffff, v9  }
0x55e: {  	v32 =	vcvt.f32.s32 v34;
	v34 =	vtrunc.f32 v35;
	v35 =	vsub.f32 v38, v13;
	[tilespmem:v29+s26+$0x0] =	vst.idx.add.f32.msk $0xffff, v9  }
0x55f: {  	v29 =	vtrunc.f32 v33;
	v33 =	vsub.f32 v37, v13;
	v36 =	vmul.f32 v36, v14;
	[tilespmem:v30+s26+$0x0] =	vst.idx.add.f32.msk $0xffff, v9  }
0x560: {  	v30 =	vtrunc.f32 v35;
	v35 =	vmul.f32 v40, v12;
	[tilespmem:v31+s26+$0x0] =	vst.idx.add.f32.msk $0xffff, v9  }
0x561: {  	v28 =	vcvt.f32.s32 v28;
	v31 =	vtrunc.f32 v33;
	v33 =	vsub.f32 v36, v15;
	v36 =	vld [tilespmem:s13+$0x160]  }
0x562: {  	v34 =	vcvt.f32.s32 v34;
	v29 =	vcvt.f32.s32 v29;
	v35 =	vsub.f32 v35, v13;
	v37 =	vld [tilespmem:s13+$0x1E0]  }
0x563: {  	v30 =	vcvt.f32.s32 v30;
	v33 =	vtrunc.f32 v33;
	v38 =	vld [tilespmem:s13+$0x260]  }
0x564: {  	[tilespmem:v32+s26+$0x0] =	vst.idx.add.f32.msk $0xffff, v9;
	v32 =	vtrunc.f32 v35;
	v33 =	vcvt.f32.s32 v33  }
0x565: {  	v31 =	vcvt.f32.s32 v31;
	v35 =	vld [tilespmem:s17+$0x20];
	v32 =	vcvt.f32.s32 v32  }
0x566: {  	v36 =	vmul.f32 v36, v22;
	v39 =	vld [tilespmem:s13+$0x2E0]  }
0x567: {  	[tilespmem:v28+s26+$0x0] =	vst.idx.add.f32.msk $0xffff, v9;
	v28 =	vmul.f32 v37, v22  }
0x568: {  	[tilespmem:v34+s26+$0x0] =	vst.idx.add.f32.msk $0xffff, v9;
	v34 =	vsub.f32 v36, v23;
	v36 =	vmul.f32 v38, v22  }
0x569: {  	[tilespmem:v29+s26+$0x0] =	vst.idx.add.f32.msk $0xffff, v9;
	v28 =	vsub.f32 v28, v23  }
0x56a: {  	v29 =	vmul.f32 v35, v14;
	[tilespmem:v33+s26+$0x0] =	vst.idx.add.f32.msk $0xffff, v9;
	v33 =	vtrunc.f32 v34;
	v34 =	vsub.f32 v36, v23  }
0x56b: {  	v35 =	vld [tilespmem:s17+$0x3B0];
	v28 =	vtrunc.f32 v28;
	v36 =	vmul.f32 v39, v22  }
0x56c: {  	v29 =	vsub.f32 v29, v15;
	[tilespmem:v30+s26+$0x0] =	vst.idx.add.f32.msk $0xffff, v9;
	v30 =	vcvt.f32.s32 v33;
	v33 =	vtrunc.f32 v34  }
0x56d: {  	v28 =	vcvt.f32.s32 v28;
	[tilespmem:v31+s26+$0x0] =	vst.idx.add.f32.msk $0xffff, v9;
	v31 =	vcvt.f32.s32 v33;
	v33 =	vsub.f32 v36, v23  }
0x56e: {  	v29 =	vtrunc.f32 v29;
	[tilespmem:v32+s26+$0x0] =	vst.idx.add.f32.msk $0xffff, v9  }
0x56f: {  	v29 =	vcvt.f32.s32 v29;
	v32 =	vld [tilespmem:s17+$0xA0];
	v33 =	vtrunc.f32 v33  }
0x570: {  	v34 =	vld [tilespmem:s17+$0x120];
	v35 =	vmul.f32 v35, v17;
	v33 =	vcvt.f32.s32 v33  }
0x571: {  	v36 =	vld [tilespmem:s17+$0x1A0]  }
0x572: {  	v37 =	vld [tilespmem:s17+$0x220];
	v35 =	vsub.f32 v35, v16  }
0x573: {  	v38 =	vld [tilespmem:s17+$0x2A0]  }
0x574: {  	v32 =	vmul.f32 v32, v14;
	v39 =	vld [tilespmem:s17+$0x320];
	v35 =	vtrunc.f32 v35  }
0x575: {  	[tilespmem:v29+s26+$0x0] =	vst.idx.add.f32.msk $0xffff, v9;
	v29 =	vmul.f32 v34, v14;
	v34 =	vcvt.f32.s32 v35  }
0x576: {  	v35 =	vld [tilespmem:s17+$0x30];
	v32 =	vsub.f32 v32, v15;
	v36 =	vmul.f32 v36, v14  }
0x577: {  	v29 =	vsub.f32 v29, v15;
	v37 =	vmul.f32 v37, v14;
	v40 =	vld [tilespmem:s13+$0x360]  }
0x578: {  	v32 =	vtrunc.f32 v32;
	v36 =	vsub.f32 v36, v15;
	v38 =	vmul.f32 v38, v14;
	[tilespmem:v26+s26+$0x0] =	vst.idx.add.f32.msk $0xffff, v9  }
0x579: {  	v26 =	vtrunc.f32 v29;
	v29 =	vsub.f32 v37, v15;
	v37 =	vmul.f32 v39, v14;
	[tilespmem:v27+s26+$0x0] =	vst.idx.add.f32.msk $0xffff, v9  }
0x57a: {  	v27 =	vcvt.f32.s32 v32;
	v32 =	vtrunc.f32 v36;
	v36 =	vsub.f32 v38, v15;
	[tilespmem:v30+s26+$0x0] =	vst.idx.add.f32.msk $0xffff, v9  }
0x57b: {  	v26 =	vcvt.f32.s32 v26;
	v29 =	vtrunc.f32 v29;
	v30 =	vsub.f32 v37, v15;
	[tilespmem:v34+s26+$0x0] =	vst.idx.add.f32.msk $0xffff, v9  }
0x57c: {  	v32 =	vcvt.f32.s32 v32;
	v34 =	vtrunc.f32 v36;
	v36 =	vld [tilespmem:s17+$0x3C0]  }
0x57d: {  	v29 =	vcvt.f32.s32 v29;
	v30 =	vtrunc.f32 v30;
	[tilespmem:v28+s26+$0x0] =	vst.idx.add.f32.msk $0xffff, v9  }
0x57e: {  	v28 =	vcvt.f32.s32 v34;
	v30 =	vcvt.f32.s32 v30;
	[tilespmem:v31+s26+$0x0] =	vst.idx.add.f32.msk $0xffff, v9  }
0x57f: {  	v31 =	vmul.f32 v35, v17;
	[tilespmem:v33+s26+$0x0] =	vst.idx.add.f32.msk $0xffff, v9;
	v33 =	vmul.f32 v40, v22  }
0x580: {  	[tilespmem:v27+s26+$0x0] =	vst.idx.add.f32.msk $0xffff, v9  }
0x581: {  	v27 =	vsub.f32 v31, v16;
	[tilespmem:v26+s26+$0x0] =	vst.idx.add.f32.msk $0xffff, v9;
	v26 =	vmul.f32 v36, v19  }
0x582: {  	v31 =	vsub.f32 v33, v23;
	[tilespmem:v32+s26+$0x0] =	vst.idx.add.f32.msk $0xffff, v9  }
0x583: {  	v27 =	vtrunc.f32 v27;
	[tilespmem:v29+s26+$0x0] =	vst.idx.add.f32.msk $0xffff, v9;
	v26 =	vsub.f32 v26, v18  }
0x584: {  	v27 =	vcvt.f32.s32 v27;
	[tilespmem:v28+s26+$0x0] =	vst.idx.add.f32.msk $0xffff, v9;
	v28 =	vtrunc.f32 v31  }
0x585: {  	[tilespmem:v30+s26+$0x0] =	vst.idx.add.f32.msk $0xffff, v9;
	v26 =	vtrunc.f32 v26;
	v28 =	vcvt.f32.s32 v28  }
0x586: {  	v29 =	vld [tilespmem:s17+$0xB0];
	v26 =	vcvt.f32.s32 v26  }
0x587: {  	v30 =	vld [tilespmem:s17+$0x130]  }
0x588: {  	v31 =	vld [tilespmem:s17+$0x1B0]  }
0x589: {  	v32 =	vld [tilespmem:s17+$0x230]  }
0x58a: {  	v33 =	vld [tilespmem:s17+$0x2B0]  }
0x58b: {  	v29 =	vmul.f32 v29, v17;
	v34 =	vld [tilespmem:s17+$0x330]  }
0x58c: {  	v30 =	vmul.f32 v30, v17;
	[tilespmem:v26+s26+$0x0] =	vst.idx.add.f32.msk $0xffff, v9  }
0x58d: {  	v26 =	vsub.f32 v29, v16;
	v29 =	vmul.f32 v31, v17;
	v31 =	vld [tilespmem:s17+$0x3D0]  }
0x58e: {  	[tilespmem:v27+s26+$0x0] =	vst.idx.add.f32.msk $0xffff, v9;
	v27 =	vsub.f32 v30, v16;
	v30 =	vmul.f32 v32, v17  }
0x58f: {  	v32 =	vld [tilespmem:s17+$0x40];
	v26 =	vtrunc.f32 v26;
	v29 =	vsub.f32 v29, v16;
	v33 =	vmul.f32 v33, v17  }
0x590: {  	v27 =	vtrunc.f32 v27;
	v30 =	vsub.f32 v30, v16;
	v34 =	vmul.f32 v34, v17;
	[tilespmem:v28+s26+$0x0] =	vst.idx.add.f32.msk $0xffff, v9  }
0x591: {  	v26 =	vcvt.f32.s32 v26;
	v28 =	vtrunc.f32 v29;
	v29 =	vsub.f32 v33, v16;
	v33 =	vld [tilespmem:s13+$0x70]  }
0x592: {  	v30 =	vtrunc.f32 v30;
	v34 =	vsub.f32 v34, v16;
	v31 =	vmul.f32 v31, v20;
	v35 =	vld [tilespmem:s13+$0xF0]  }
0x593: {  	v27 =	vcvt.f32.s32 v27;
	v29 =	vtrunc.f32 v29;
	v36 =	vld [tilespmem:s13+$0x170]  }
0x594: {  	v28 =	vcvt.f32.s32 v28;
	v34 =	vtrunc.f32 v34;
	v31 =	vsub.f32 v31, v21;
	v37 =	vld [tilespmem:s13+$0x1F0]  }
0x595: {  	v30 =	vcvt.f32.s32 v30;
	v29 =	vcvt.f32.s32 v29;
	v38 =	vld [tilespmem:s13+$0x270]  }
0x596: {  	v34 =	vcvt.f32.s32 v34;
	v31 =	vtrunc.f32 v31;
	v39 =	vld [tilespmem:s13+$0x2F0]  }
0x597: {  	v32 =	vmul.f32 v32, v19;
	[tilespmem:v26+s26+$0x0] =	vst.idx.add.f32.msk $0xffff, v9;
	v26 =	vcvt.f32.s32 v31  }
0x598: {  	v33 =	vmul.f32 v33, v24;
	v35 =	vmul.f32 v35, v24;
	v31 =	vld [tilespmem:s17+$0xC0]  }
0x599: {  	v32 =	vsub.f32 v32, v18;
	[tilespmem:v27+s26+$0x0] =	vst.idx.add.f32.msk $0xffff, v9;
	v27 =	vmul.f32 v36, v24  }
0x59a: {  	[tilespmem:v28+s26+$0x0] =	vst.idx.add.f32.msk $0xffff, v9;
	v28 =	vmul.f32 v37, v24;
	v36 =	vmul.f32 v38, v24  }
0x59b: {  	v32 =	vtrunc.f32 v32;
	[tilespmem:v30+s26+$0x0] =	vst.idx.add.f32.msk $0xffff, v9;
	v30 =	vsub.f32 v33, v25;
	v33 =	vmul.f32 v39, v24  }
0x59c: {  	v32 =	vcvt.f32.s32 v32;
	v27 =	vsub.f32 v27, v25;
	[tilespmem:v29+s26+$0x0] =	vst.idx.add.f32.msk $0xffff, v9;
	v29 =	vsub.f32 v35, v25  }
0x59d: {  	v28 =	vsub.f32 v28, v25;
	v31 =	vmul.f32 v31, v19;
	[tilespmem:v26+s26+$0x0] =	vst.idx.add.f32.msk $0xffff, v9;
	v26 =	vtrunc.f32 v30  }
0x59e: {  	v35 =	vsub.f32 v36, v25;
	v33 =	vsub.f32 v33, v25;
	v30 =	vld [tilespmem:s17+$0x3E0];
	v29 =	vtrunc.f32 v29  }
0x59f: {  	v27 =	vtrunc.f32 v27;
	v28 =	vtrunc.f32 v28;
	v31 =	vsub.f32 v31, v18;
	[tilespmem:v34+s26+$0x0] =	vst.idx.add.f32.msk $0xffff, v9  }
0x5a0: {  	v35 =	vtrunc.f32 v35;
	v33 =	vtrunc.f32 v33;
	v34 =	vld [tilespmem:s17+$0x140]  }
0x5a1: {  	v37 =	vcvt.f32.s32 v26;
	v31 =	vtrunc.f32 v31;
	v36 =	vld [tilespmem:s17+$0x1C0]  }
0x5a2: {  	v29 =	vcvt.f32.s32 v29;
	v31 =	vcvt.f32.s32 v31;
	v38 =	vld [tilespmem:s17+$0x240]  }
0x5a3: {  	v39 =	vld [tilespmem:s17+$0x2C0];
	v26 =	vmul.f32 v30, v22;
	v30 =	vcvt.f32.s32 v27  }
0x5a4: {  	v28 =	vcvt.f32.s32 v28;
	v27 =	vcvt.f32.s32 v35;
	v40 =	vld [tilespmem:s17+$0x340]  }
0x5a5: {  	[tilespmem:v32+s26+$0x0] =	vst.idx.add.f32.msk $0xffff, v9;
	v32 =	vmul.f32 v34, v19;
	v34 =	vsub.f32 v26, v23;
	v26 =	vcvt.f32.s32 v33  }
0x5a6: {  	v33 =	vld [tilespmem:s17+$0x50];
	v35 =	vmul.f32 v36, v19  }
0x5a7: {  	v32 =	vsub.f32 v32, v18;
	v36 =	vmul.f32 v38, v19;
	v34 =	vtrunc.f32 v34;
	v38 =	vld [tilespmem:s13+$0x370];
	s13 =	smov.u32 s17  }
0x5a8: {  	[tilespmem:v31+s26+$0x0] =	vst.idx.add.f32.msk $0xffff, v9;
	v31 =	vsub.f32 v35, v18;
	v35 =	vmul.f32 v39, v19;
	v34 =	vcvt.f32.s32 v34  }
0x5a9: {  	v39 =	vld [tilespmem:s17+$0xD0];
	v32 =	vtrunc.f32 v32;
	v36 =	vsub.f32 v36, v18;
	v40 =	vmul.f32 v40, v19  }
0x5aa: {  	v32 =	vcvt.f32.s32 v32;
	v31 =	vtrunc.f32 v31;
	v35 =	vsub.f32 v35, v18;
	[tilespmem:v37+s26+$0x0] =	vst.idx.add.f32.msk $0xffff, v9  }
0x5ab: {  	v31 =	vcvt.f32.s32 v31;
	v36 =	vtrunc.f32 v36;
	v37 =	vsub.f32 v40, v18;
	[tilespmem:v29+s26+$0x0] =	vst.idx.add.f32.msk $0xffff, v9  }
0x5ac: {  	v29 =	vcvt.f32.s32 v36;
	v35 =	vtrunc.f32 v35;
	[tilespmem:v30+s26+$0x0] =	vst.idx.add.f32.msk $0xffff, v9  }
0x5ad: {  	v30 =	vcvt.f32.s32 v35;
	v35 =	vtrunc.f32 v37;
	[tilespmem:v28+s26+$0x0] =	vst.idx.add.f32.msk $0xffff, v9  }
0x5ae: {  	v28 =	vmul.f32 v33, v20;
	v33 =	vcvt.f32.s32 v35;
	[tilespmem:v34+s26+$0x0] =	vst.idx.add.f32.msk $0xffff, v9  }
0x5af: {  	v36 =	vmul.f32 v38, v24;
	v34 =	vmul.f32 v39, v20;
	v35 =	vld [tilespmem:s17+$0x3F0]  }
0x5b0: {  	v28 =	vsub.f32 v28, v21;
	[tilespmem:v32+s26+$0x0] =	vst.idx.add.f32.msk $0xffff, v9  }
0x5b1: {  	v32 =	vsub.f32 v34, v21;
	[tilespmem:v31+s26+$0x0] =	vst.idx.add.f32.msk $0xffff, v9;
	v31 =	vsub.f32 v36, v25  }
0x5b2: {  	v28 =	vtrunc.f32 v28;
	[tilespmem:v29+s26+$0x0] =	vst.idx.add.f32.msk $0xffff, v9  }
.Ltmp4:
0x5b3: {  	v29 =	vcvt.f32.s32 v28;
	v28 =	vtrunc.f32 v32;
	[tilespmem:v30+s26+$0x0] =	vst.idx.add.f32.msk $0xffff, v9;
	(pc) =	sbr.rel @p0 .LBB2_7-.Ltmp4, $4  }
0x5b4: {  	v30 =	vcvt.f32.s32 v28;
	[tilespmem:v33+s26+$0x0] =	vst.idx.add.f32.msk $0xffff, v9;
	v28 =	vmul.f32 v35, v24  }
0x5b5: {  	v34 =	vtrunc.f32 v31;
	v32 =	vld [tilespmem:s17+$0x150]  }
0x5b6: {  	v33 =	vld [tilespmem:s17+$0x1D0];
	v31 =	vsub.f32 v28, v25;
	v28 =	vcvt.f32.s32 v34  }
0x5b7: {  	s17 =	sadd.s32 $0x400, s17;
	v34 =	vld [tilespmem:s13+$0x250]  }
0x5b8: {  	v35 =	vld [tilespmem:s13+$0x2D0];
	_ =	sdelay $0x2  }
0x5b9: {  	v32 =	vmul.f32 v32, v20  }
0x5ba: {  	v34 =	vmul.f32 v34, v20  }
0x5bb: {  	v32 =	vsub.f32 v32, v21;
	v35 =	vmul.f32 v35, v20  }
0x5bc: {  	v34 =	vsub.f32 v34, v21  }
0x5bd: {  	v33 =	vmul.f32 v33, v20;
	v32 =	vtrunc.f32 v32;
	v35 =	vsub.f32 v35, v21  }
0x5be: {  	v32 =	vcvt.f32.s32 v32;
	v34 =	vtrunc.f32 v34  }
0x5bf: {  	[tilespmem:v29+s26+$0x0] =	vst.idx.add.f32.msk $0xffff, v9;
	v33 =	vsub.f32 v33, v21;
	v29 =	vcvt.f32.s32 v34;
	v61 =	vtrunc.f32 v35  }
0x5c0: {  	[tilespmem:v30+s26+$0x0] =	vst.idx.add.f32.msk $0xffff, v9;
	v30 =	vcvt.f32.s32 v61  }
0x5c1: {  	v36 =	vld [tilespmem:s13+$0x350];
	v33 =	vtrunc.f32 v33  }
0x5c2: {  	v33 =	vcvt.f32.s32 v33  }
0x5c3: {  	v63 =	vld [tilespmem:s13+$0xE0]  }
0x5c4: {  	[tilespmem:v32+s26+$0x0] =	vst.idx.add.f32.msk $0xffff, v9  }
0x5c5: {  	[tilespmem:v29+s26+$0x0] =	vst.idx.add.f32.msk $0xffff, v9  }
0x5c6: {  	v29 =	vmul.f32 v36, v20;
	[tilespmem:v30+s26+$0x0] =	vst.idx.add.f32.msk $0xffff, v9  }
0x5c7: {  	v30 =	vld [tilespmem:s13+$0x160]  }
0x5c8: {  	[tilespmem:v33+s26+$0x0] =	vst.idx.add.f32.msk $0xffff, v9;
	v29 =	vsub.f32 v29, v21  }
0x5c9: {  	v40 =	vld [tilespmem:s13+$0x1E0]  }
0x5ca: {  	v42 =	vld [tilespmem:s13+$0x260];
	v29 =	vtrunc.f32 v29  }
0x5cb: {  	v35 =	vmul.f32 v63, v22;
	v29 =	vcvt.f32.s32 v29  }
0x5cc: {  	v30 =	vmul.f32 v30, v22  }
0x5cd: {  	v35 =	vsub.f32 v35, v23;
	v43 =	vld [tilespmem:s13+$0x2E0]  }
0x5ce: {  	v32 =	vmul.f32 v40, v22;
	v30 =	vsub.f32 v30, v23  }
0x5cf: {  	v35 =	vtrunc.f32 v35;
	v34 =	vmul.f32 v42, v22  }
0x5d0: {  	v62 =	vld [tilespmem:s13+$0x60];
	v35 =	vcvt.f32.s32 v35;
	v32 =	vsub.f32 v32, v23;
	v30 =	vtrunc.f32 v30  }
0x5d1: {  	v34 =	vsub.f32 v34, v23;
	[tilespmem:v29+s26+$0x0] =	vst.idx.add.f32.msk $0xffff, v9;
	v30 =	vcvt.f32.s32 v30  }
0x5d2: {  	v36 =	vmul.f32 v43, v22;
	v29 =	vtrunc.f32 v32;
	v45 =	vld [tilespmem:s13+$0x360]  }
0x5d3: {  	v34 =	vtrunc.f32 v34;
	v29 =	vcvt.f32.s32 v29  }
0x5d4: {  	v44 =	vsub.f32 v36, v23;
	v34 =	vcvt.f32.s32 v34  }
0x5d5: {  	v41 =	vmul.f32 v62, v22  }
0x5d6: {  	[tilespmem:v35+s26+$0x0] =	vst.idx.add.f32.msk $0xffff, v9;
	v32 =	vtrunc.f32 v44  }
0x5d7: {  	v33 =	vsub.f32 v41, v23;
	v32 =	vcvt.f32.s32 v32;
	[tilespmem:v30+s26+$0x0] =	vst.idx.add.f32.msk $0xffff, v9;
	v30 =	vmul.f32 v45, v22  }
0x5d8: {  	v46 =	vld [tilespmem:s13+$0xF0]  }
0x5d9: {  	v33 =	vtrunc.f32 v33;
	[tilespmem:v29+s26+$0x0] =	vst.idx.add.f32.msk $0xffff, v9;
	v29 =	vsub.f32 v30, v23  }
0x5da: {  	v33 =	vcvt.f32.s32 v33;
	[tilespmem:v34+s26+$0x0] =	vst.idx.add.f32.msk $0xffff, v9  }
0x5db: {  	v47 =	vld [tilespmem:s13+$0x170];
	v29 =	vtrunc.f32 v29  }
0x5dc: {  	v49 =	vld [tilespmem:s13+$0x270];
	v29 =	vcvt.f32.s32 v29  }
0x5dd: {  	[tilespmem:v32+s26+$0x0] =	vst.idx.add.f32.msk $0xffff, v9  }
0x5de: {  	v48 =	vld [tilespmem:s13+$0x1F0]  }
0x5df: {  	v31 =	vtrunc.f32 v31;
	v50 =	vld [tilespmem:s13+$0x2F0]  }
0x5e0: {  	v31 =	vcvt.f32.s32 v31;
	[tilespmem:v33+s26+$0x0] =	vst.idx.add.f32.msk $0xffff, v9  }
0x5e1: {  	v30 =	vld [tilespmem:s13+$0x70];
	v51 =	vmul.f32 v47, v24;
	v35 =	vmul.f32 v49, v24  }
0x5e2: {  	[tilespmem:v29+s26+$0x0] =	vst.idx.add.f32.msk $0xffff, v9  }
0x5e3: {  	v34 =	vmul.f32 v48, v24;
	v32 =	vsub.f32 v51, v25;
	v35 =	vsub.f32 v35, v25;
	v52 =	vld [tilespmem:s13+$0x370]  }
0x5e4: {  	v36 =	vmul.f32 v50, v24  }
0x5e5: {  	[tilespmem:v27+s26+$0x0] =	vst.idx.add.f32.msk $0xffff, v9;
	v34 =	vsub.f32 v34, v25;
	v32 =	vtrunc.f32 v32;
	v27 =	vtrunc.f32 v35  }
0x5e6: {  	v29 =	vmul.f32 v30, v24;
	v30 =	vmul.f32 v46, v24  }
0x5e7: {  	[tilespmem:v31+s26+$0x0] =	vst.idx.add.f32.msk $0xffff, v9;
	v31 =	vsub.f32 v36, v25;
	v34 =	vtrunc.f32 v34;
	v32 =	vcvt.f32.s32 v32  }
0x5e8: {  	v27 =	vcvt.f32.s32 v27;
	v29 =	vsub.f32 v29, v25;
	v33 =	vmul.f32 v52, v24  }
0x5e9: {  	[tilespmem:v26+s26+$0x0] =	vst.idx.add.f32.msk $0xffff, v9;
	v26 =	vtrunc.f32 v31;
	v34 =	vcvt.f32.s32 v34;
	v30 =	vsub.f32 v30, v25  }
0x5ea: {  	v26 =	vcvt.f32.s32 v26;
	v29 =	vtrunc.f32 v29;
	v33 =	vsub.f32 v33, v25  }
0x5eb: {  	v30 =	vtrunc.f32 v30;
	v29 =	vcvt.f32.s32 v29  }
0x5ec: {  	[tilespmem:v28+s26+$0x0] =	vst.idx.add.f32.msk $0xffff, v9;
	v30 =	vcvt.f32.s32 v30;
	v28 =	vtrunc.f32 v33  }
0x5ed: {  	[tilespmem:v32+s26+$0x0] =	vst.idx.add.f32.msk $0xffff, v9;
	v28 =	vcvt.f32.s32 v28  }
0x5ee: {  	[tilespmem:v27+s26+$0x0] =	vst.idx.add.f32.msk $0xffff, v9  }
0x5ef: {  	[tilespmem:v34+s26+$0x0] =	vst.idx.add.f32.msk $0xffff, v9  }
0x5f0: {  	s10 =	sshll.u32 s11, $0x12;
	[tilespmem:v26+s26+$0x0] =	vst.idx.add.f32.msk $0xffff, v9  }
0x5f1: {  	s10 =	sadd.s32 s7, s10;
	[tilespmem:v29+s26+$0x0] =	vst.idx.add.f32.msk $0xffff, v9  }
0x5f2: {  	s10 =	sshrl.u32 s10, $0x3;
	[tilespmem:v30+s26+$0x0] =	vst.idx.add.f32.msk $0xffff, v9  }
0x5f3: {  	p0 =	seq.s32 s8, $0x7;
	s10 =	sadd.s32 s2, s10;
	[tilespmem:v28+s26+$0x0] =	vst.idx.add.f32.msk $0xffff, v9  }
0x5f4: {  	[hbm4b:s10+s21] =	stream.strided.scatter [tilespmem:s23], [sflag:$0x7], $0x4000, s22, s21, $0x38;
	[tilespmem:$0x10600] =	vst v63  }
0x5f5: {  	s10 =	sadd.s32 @!p0 s9, s14  }
0x5f6: {  	s11 =	simm.s32 @!p0 $0x5;
	s10 =	sshll.u32 @!p0 s10, $0xB  }
0x5f7: {  	s16 =	simm.s32 @!p0 $0x0;
	_ =	swait.ge @!p0 [sflag:s11], $0x4000;
	s10 =	sor.u32 @!p0 s6, s10  }
0x5f8: {  	s13 =	simm.s32 @!p0 $0x4000;
	[sflag:s11] =	ssyncset.done @!p0 $0x0;
	s10 =	sshrl.u32 @!p0 s10, $0x3  }
0x5f9: {  	[sflag:s11] =	ssyncadd.s32 @!p0 $0xFFFFC000;
	s11 =	simm.s32 @!p0 $0x400;
	s10 =	sadd.s32 @!p0 s0, s10  }
0x5fa: {  	[tilespmem:s16], [sflag:$0x1] =	stream.strided.gather @!p0 [hbm4b:s10+s11], $0x4000, s13, s11, $0x38;
	[tilespmem:$0x10600] =	vst v63  }
0x5fb: {  	_ =	swait.ge [sflag:s30], $0x4000  }
0x5fc: {  	[sflag:s30] =	ssyncset.done $0x0  }
0x5fd: {  	s17 =	simm.s32 $0xC000;
	[sflag:s30] =	ssyncadd.s32 $0xFFFFC000  }
0x5fe: {  	v26 =	vld [tilespmem:s17+$0x380];
	_ =	sdelay $0x4  }
0x5ff: {  	v26 =	vmul.f32 v26, v10;
	_ =	sdelay $0x1  }
0x600: {  	v27 =	vld [tilespmem:s17+$0x80];
	v26 =	vsub.f32 v26, v11  }
0x601: {  	v28 =	vld [tilespmem:s17+$0x100]  }
0x602: {  	v29 =	vld [tilespmem:s17+$0x180];
	v26 =	vtrunc.f32 v26  }
0x603: {  	v30 =	vld [tilespmem:s17+$0x200];
	v26 =	vcvt.f32.s32 v26  }
0x604: {  	v53 =	vld [tilespmem:s17+$0x0];
	_ =	sdelay $0x1  }
0x605: {  	v31 =	vld [tilespmem:s17+$0x280];
	v27 =	vmul.f32 v27, v10;
	_ =	sdelay $0x1  }
0x606: {  	v28 =	vmul.f32 v28, v10;
	v30 =	vmul.f32 v30, v10;
	v27 =	vsub.f32 v27, v11  }
0x607: {  	v29 =	vmul.f32 v29, v10;
	v32 =	vmul.f32 v53, v10;
	[tilespmem:v26+s26+$0x0] =	vst.idx.add.f32.msk $0xffff, v9  }
0x608: {  	v28 =	vsub.f32 v28, v11;
	v27 =	vtrunc.f32 v27;
	v26 =	vsub.f32 v30, v11;
	v30 =	vld [tilespmem:s17+$0x390]  }
0x609: {  	v31 =	vmul.f32 v31, v10;
	v29 =	vsub.f32 v29, v11;
	v27 =	vcvt.f32.s32 v27  }
0x60a: {  	v32 =	vsub.f32 v32, v11;
	v28 =	vtrunc.f32 v28;
	v26 =	vtrunc.f32 v26  }
0x60b: {  	v29 =	vtrunc.f32 v29;
	v26 =	vcvt.f32.s32 v26  }
0x60c: {  	v31 =	vsub.f32 v31, v11;
	v32 =	vtrunc.f32 v32;
	v28 =	vcvt.f32.s32 v28  }
0x60d: {  	v29 =	vcvt.f32.s32 v29;
	v30 =	vmul.f32 v30, v12  }
0x60e: {  	v54 =	vld [tilespmem:s17+$0x300];
	v31 =	vtrunc.f32 v31;
	v32 =	vcvt.f32.s32 v32  }
0x60f: {  	v31 =	vcvt.f32.s32 v31;
	[tilespmem:v27+s26+$0x0] =	vst.idx.add.f32.msk $0xffff, v9;
	v27 =	vsub.f32 v30, v13;
	_ =	sdelay $0x1  }
0x610: {  	[tilespmem:v26+s26+$0x0] =	vst.idx.add.f32.msk $0xffff, v9;
	v26 =	vtrunc.f32 v27  }
0x611: {  	[tilespmem:v28+s26+$0x0] =	vst.idx.add.f32.msk $0xffff, v9;
	v26 =	vcvt.f32.s32 v26  }
0x612: {  	[tilespmem:v29+s26+$0x0] =	vst.idx.add.f32.msk $0xffff, v9  }
0x613: {  	[tilespmem:v32+s26+$0x0] =	vst.idx.add.f32.msk $0xffff, v9;
	v27 =	vmul.f32 v54, v10  }
0x614: {  	[tilespmem:v31+s26+$0x0] =	vst.idx.add.f32.msk $0xffff, v9  }
0x615: {  	v28 =	vld [tilespmem:s17+$0x10];
	v27 =	vsub.f32 v27, v11  }
0x616: {  	v29 =	vld [tilespmem:s17+$0x90]  }
0x617: {  	v27 =	vtrunc.f32 v27;
	[tilespmem:v26+s26+$0x0] =	vst.idx.add.f32.msk $0xffff, v9  }
0x618: {  	v26 =	vcvt.f32.s32 v27;
	v27 =	vld [tilespmem:s17+$0x3A0]  }
0x619: {  	v31 =	vld [tilespmem:s17+$0x190]  }
0x61a: {  	v30 =	vld [tilespmem:s17+$0x110]  }
0x61b: {  	v28 =	vmul.f32 v28, v12  }
0x61c: {  	v29 =	vmul.f32 v29, v12  }
0x61d: {  	v56 =	vld [tilespmem:s17+$0x290];
	v28 =	vsub.f32 v28, v13;
	v27 =	vmul.f32 v27, v14  }
0x61e: {  	v31 =	vmul.f32 v31, v12;
	v29 =	vsub.f32 v29, v13  }
0x61f: {  	v55 =	vld [tilespmem:s17+$0x210];
	v28 =	vtrunc.f32 v28;
	v30 =	vmul.f32 v30, v12;
	v27 =	vsub.f32 v27, v15  }
0x620: {  	v31 =	vsub.f32 v31, v13;
	v29 =	vtrunc.f32 v29;
	v28 =	vcvt.f32.s32 v28;
	[tilespmem:v26+s26+$0x0] =	vst.idx.add.f32.msk $0xffff, v9  }
0x621: {  	v29 =	vcvt.f32.s32 v29;
	v26 =	vsub.f32 v30, v13;
	v57 =	vld [tilespmem:s17+$0x310];
	v27 =	vtrunc.f32 v27  }
0x622: {  	v33 =	vmul.f32 v56, v12;
	v27 =	vcvt.f32.s32 v27  }
0x623: {  	v31 =	vtrunc.f32 v31;
	v26 =	vtrunc.f32 v26  }
0x624: {  	v33 =	vsub.f32 v33, v13;
	v30 =	vmul.f32 v55, v12;
	v26 =	vcvt.f32.s32 v26  }
0x625: {  	v31 =	vcvt.f32.s32 v31  }
0x626: {  	[tilespmem:v28+s26+$0x0] =	vst.idx.add.f32.msk $0xffff, v9;
	v28 =	vtrunc.f32 v33;
	v30 =	vsub.f32 v30, v13;
	v32 =	vmul.f32 v57, v12  }
0x627: {  	[tilespmem:v29+s26+$0x0] =	vst.idx.add.f32.msk $0xffff, v9;
	v28 =	vcvt.f32.s32 v28  }
0x628: {  	v30 =	vtrunc.f32 v30;
	v32 =	vsub.f32 v32, v13;
	[tilespmem:v27+s26+$0x0] =	vst.idx.add.f32.msk $0xffff, v9  }
0x629: {  	v30 =	vcvt.f32.s32 v30;
	v27 =	vld [tilespmem:s17+$0x3B0]  }
0x62a: {  	[tilespmem:v26+s26+$0x0] =	vst.idx.add.f32.msk $0xffff, v9;
	v26 =	vtrunc.f32 v32  }
0x62b: {  	[tilespmem:v31+s26+$0x0] =	vst.idx.add.f32.msk $0xffff, v9;
	v26 =	vcvt.f32.s32 v26  }
0x62c: {  	v58 =	vld [tilespmem:s17+$0x20]  }
0x62d: {  	[tilespmem:v28+s26+$0x0] =	vst.idx.add.f32.msk $0xffff, v9  }
0x62e: {  	v28 =	vld [tilespmem:s17+$0xA0];
	v27 =	vmul.f32 v27, v17  }
0x62f: {  	[tilespmem:v30+s26+$0x0] =	vst.idx.add.f32.msk $0xffff, v9  }
0x630: {  	v31 =	vld [tilespmem:s17+$0x220];
	v27 =	vsub.f32 v27, v16  }
0x631: {  	[tilespmem:v26+s26+$0x0] =	vst.idx.add.f32.msk $0xffff, v9;
	v26 =	vmul.f32 v58, v14  }
0x632: {  	v27 =	vtrunc.f32 v27  }
0x633: {  	v60 =	vld [tilespmem:s17+$0x320];
	v26 =	vsub.f32 v26, v15;
	v27 =	vcvt.f32.s32 v27  }
0x634: {  	v28 =	vmul.f32 v28, v14  }
0x635: {  	v26 =	vtrunc.f32 v26  }
0x636: {  	v28 =	vsub.f32 v28, v15;
	v31 =	vmul.f32 v31, v14;
	v26 =	vcvt.f32.s32 v26  }
0x637: {  	v30 =	vld [tilespmem:s17+$0x1A0]  }
0x638: {  	v59 =	vld [tilespmem:s17+$0x2A0];
	v28 =	vtrunc.f32 v28;
	v31 =	vsub.f32 v31, v15;
	v33 =	vmul.f32 v60, v14  }
0x639: {  	v28 =	vcvt.f32.s32 v28;
	[tilespmem:v27+s26+$0x0] =	vst.idx.add.f32.msk $0xffff, v9  }
0x63a: {  	v27 =	vtrunc.f32 v31;
	v31 =	vsub.f32 v33, v15;
	v61 =	vld [tilespmem:s17+$0x3C0]  }
0x63b: {  	v27 =	vcvt.f32.s32 v27  }
0x63c: {  	v30 =	vmul.f32 v30, v14;
	[tilespmem:v26+s26+$0x0] =	vst.idx.add.f32.msk $0xffff, v9;
	v26 =	vtrunc.f32 v31  }
0x63d: {  	v32 =	vmul.f32 v59, v14;
	v26 =	vcvt.f32.s32 v26  }
0x63e: {  	v29 =	vld [tilespmem:s17+$0x120];
	v30 =	vsub.f32 v30, v15  }
0x63f: {  	v32 =	vsub.f32 v32, v15;
	[tilespmem:v28+s26+$0x0] =	vst.idx.add.f32.msk $0xffff, v9;
	v28 =	vmul.f32 v61, v19  }
0x640: {  	v30 =	vtrunc.f32 v30  }
0x641: {  	v32 =	vtrunc.f32 v32;
	v30 =	vcvt.f32.s32 v30;
	[tilespmem:v27+s26+$0x0] =	vst.idx.add.f32.msk $0xffff, v9;
	v27 =	vsub.f32 v28, v18  }
0x642: {  	v62 =	vld [tilespmem:s17+$0x30];
	v31 =	vcvt.f32.s32 v32  }
0x643: {  	[tilespmem:v26+s26+$0x0] =	vst.idx.add.f32.msk $0xffff, v9;
	v26 =	vtrunc.f32 v27  }
0x644: {  	v29 =	vmul.f32 v29, v14;
	v26 =	vcvt.f32.s32 v26  }
0x645: {  	v27 =	vld [tilespmem:s17+$0xB0]  }
0x646: {  	v29 =	vsub.f32 v29, v15  }
0x647: {  	[tilespmem:v30+s26+$0x0] =	vst.idx.add.f32.msk $0xffff, v9;
	v30 =	vmul.f32 v62, v17  }
0x648: {  	v29 =	vtrunc.f32 v29;
	[tilespmem:v31+s26+$0x0] =	vst.idx.add.f32.msk $0xffff, v9  }
0x649: {  	v29 =	vcvt.f32.s32 v29;
	v30 =	vsub.f32 v30, v16;
	v63 =	vld [tilespmem:s17+$0x2B0]  }
0x64a: {  	v27 =	vmul.f32 v27, v17;
	[tilespmem:v26+s26+$0x0] =	vst.idx.add.f32.msk $0xffff, v9  }
0x64b: {  	v26 =	vtrunc.f32 v30;
	v30 =	vld [tilespmem:s17+$0x3D0]  }
0x64c: {  	v27 =	vsub.f32 v27, v16  }
0x64d: {  	v26 =	vcvt.f32.s32 v26  }
0x64e: {  	v27 =	vtrunc.f32 v27  }
0x64f: {  	[tilespmem:v29+s26+$0x0] =	vst.idx.add.f32.msk $0xffff, v9;
	v32 =	vmul.f32 v63, v17;
	v27 =	vcvt.f32.s32 v27  }
0x650: {  	v28 =	vld [tilespmem:s17+$0x130];
	v30 =	vmul.f32 v30, v20  }
0x651: {  	v32 =	vsub.f32 v32, v16  }
0x652: {  	v29 =	vld [tilespmem:s17+$0x1B0];
	v30 =	vsub.f32 v30, v21  }
0x653: {  	[tilespmem:v26+s26+$0x0] =	vst.idx.add.f32.msk $0xffff, v9;
	v26 =	vtrunc.f32 v32  }
0x654: {  	v31 =	vld [tilespmem:s17+$0x230];
	v26 =	vcvt.f32.s32 v26;
	v30 =	vtrunc.f32 v30  }
0x655: {  	v28 =	vmul.f32 v28, v17;
	[tilespmem:v27+s26+$0x0] =	vst.idx.add.f32.msk $0xffff, v9;
	v27 =	vcvt.f32.s32 v30  }
0x656: {  	v36 =	vld [tilespmem:s17+$0x330]  }
0x657: {  	v28 =	vsub.f32 v28, v16  }
0x658: {  	v29 =	vmul.f32 v29, v17  }
0x659: {  	v31 =	vmul.f32 v31, v17;
	v28 =	vtrunc.f32 v28;
	v37 =	vld [tilespmem:s17+$0x40]  }
0x65a: {  	v29 =	vsub.f32 v29, v16;
	v28 =	vcvt.f32.s32 v28;
	[tilespmem:v26+s26+$0x0] =	vst.idx.add.f32.msk $0xffff, v9  }
0x65b: {  	v31 =	vsub.f32 v31, v16;
	v33 =	vmul.f32 v36, v17;
	[tilespmem:v27+s26+$0x0] =	vst.idx.add.f32.msk $0xffff, v9  }
0x65c: {  	s11 =	simm.s32 $0xC400;
	v29 =	vtrunc.f32 v29;
	v26 =	vld [tilespmem:s17+$0x3E0]  }
0x65d: {  	v42 =	vld [tilespmem:s11+$0x100];
	v29 =	vcvt.f32.s32 v29;
	v31 =	vtrunc.f32 v31;
	v33 =	vsub.f32 v33, v16  }
0x65e: {  	v31 =	vcvt.f32.s32 v31;
	v38 =	vld [tilespmem:s17+$0xC0]  }
0x65f: {  	v43 =	vld [tilespmem:s11+$0x180];
	v30 =	vtrunc.f32 v33  }
0x660: {  	[tilespmem:v28+s26+$0x0] =	vst.idx.add.f32.msk $0xffff, v9;
	v30 =	vcvt.f32.s32 v30;
	v27 =	vmul.f32 v37, v19  }
0x661: {  	v28 =	vld [tilespmem:s17+$0x140];
	v26 =	vmul.f32 v26, v22  }
0x662: {  	v44 =	vld [tilespmem:s11+$0x200];
	v27 =	vsub.f32 v27, v18  }
0x663: {  	[tilespmem:v29+s26+$0x0] =	vst.idx.add.f32.msk $0xffff, v9;
	v29 =	vmul.f32 v38, v19;
	v26 =	vsub.f32 v26, v23  }
0x664: {  	[tilespmem:v31+s26+$0x0] =	vst.idx.add.f32.msk $0xffff, v9;
	v27 =	vtrunc.f32 v27  }
0x665: {  	v31 =	vld [tilespmem:s17+$0x240];
	v29 =	vsub.f32 v29, v18;
	v27 =	vcvt.f32.s32 v27;
	v26 =	vtrunc.f32 v26  }
0x666: {  	v28 =	vmul.f32 v28, v19;
	[tilespmem:v30+s26+$0x0] =	vst.idx.add.f32.msk $0xffff, v9;
	v26 =	vcvt.f32.s32 v26  }
0x667: {  	v30 =	vld [tilespmem:s17+$0x1C0];
	v29 =	vtrunc.f32 v29  }
0x668: {  	v28 =	vsub.f32 v28, v18;
	v40 =	vld [tilespmem:s17+$0x340];
	v29 =	vcvt.f32.s32 v29  }
0x669: {  	v45 =	vld [tilespmem:s11+$0x280]  }
0x66a: {  	v31 =	vmul.f32 v31, v19;
	v39 =	vld [tilespmem:s17+$0x2C0];
	v28 =	vtrunc.f32 v28  }
0x66b: {  	[tilespmem:v27+s26+$0x0] =	vst.idx.add.f32.msk $0xffff, v9;
	v27 =	vcvt.f32.s32 v28  }
0x66c: {  	v31 =	vsub.f32 v31, v18;
	v30 =	vmul.f32 v30, v19;
	[tilespmem:v26+s26+$0x0] =	vst.idx.add.f32.msk $0xffff, v9  }
0x66d: {  	v33 =	vmul.f32 v40, v19;
	v26 =	vld [tilespmem:s17+$0x3F0]  }
0x66e: {  	v31 =	vtrunc.f32 v31;
	v30 =	vsub.f32 v30, v18;
	[tilespmem:v29+s26+$0x0] =	vst.idx.add.f32.msk $0xffff, v9  }
0x66f: {  	v32 =	vmul.f32 v39, v19;
	v33 =	vsub.f32 v33, v18;
	v29 =	vcvt.f32.s32 v31;
	v31 =	vld [tilespmem:s17+$0xD0]  }
0x670: {  	v28 =	vtrunc.f32 v30;
	v41 =	vld [tilespmem:s17+$0x50]  }
0x671: {  	v30 =	vsub.f32 v32, v18;
	v33 =	vtrunc.f32 v33;
	v28 =	vcvt.f32.s32 v28;
	[tilespmem:v27+s26+$0x0] =	vst.idx.add.f32.msk $0xffff, v9  }
0x672: {  	v33 =	vcvt.f32.s32 v33;
	v27 =	vld [tilespmem:s11+$0x380];
	v26 =	vmul.f32 v26, v24  }
0x673: {  	v46 =	vld [tilespmem:s11+$0x300];
	v30 =	vtrunc.f32 v30  }
0x674: {  	v37 =	vld [tilespmem:s11+$0x0];
	v30 =	vcvt.f32.s32 v30;
	v31 =	vmul.f32 v31, v20;
	v26 =	vsub.f32 v26, v25  }
0x675: {  	[tilespmem:v29+s26+$0x0] =	vst.idx.add.f32.msk $0xffff, v9;
	v29 =	vmul.f32 v41, v20  }
0x676: {  	v39 =	vld [tilespmem:s17+$0x250];
	v31 =	vsub.f32 v31, v21;
	v26 =	vtrunc.f32 v26  }
0x677: {  	[tilespmem:v28+s26+$0x0] =	vst.idx.add.f32.msk $0xffff, v9;
	v29 =	vsub.f32 v29, v21;
	v27 =	vmul.f32 v27, v10;
	v26 =	vcvt.f32.s32 v26  }
0x678: {  	[tilespmem:v33+s26+$0x0] =	vst.idx.add.f32.msk $0xffff, v9;
	v31 =	vtrunc.f32 v31  }
0x679: {  	v28 =	vld [tilespmem:s17+$0x150];
	v31 =	vcvt.f32.s32 v31;
	v29 =	vtrunc.f32 v29;
	v27 =	vsub.f32 v27, v11  }
0x67a: {  	v47 =	vmul.f32 v44, v10;
	[tilespmem:v30+s26+$0x0] =	vst.idx.add.f32.msk $0xffff, v9;
	v29 =	vcvt.f32.s32 v29  }
0x67b: {  	v30 =	vld [tilespmem:s11+$0x80];
	v27 =	vtrunc.f32 v27  }
0x67c: {  	v32 =	vmul.f32 v42, v10;
	v33 =	vsub.f32 v47, v11;
	v38 =	vld [tilespmem:s17+$0x1D0];
	v27 =	vcvt.f32.s32 v27  }
0x67d: {  	v35 =	vmul.f32 v45, v10;
	[tilespmem:v26+s26+$0x0] =	vst.idx.add.f32.msk $0xffff, v9;
	v26 =	vmul.f32 v43, v10  }
0x67e: {  	v37 =	vmul.f32 v37, v10;
	v32 =	vsub.f32 v32, v11;
	v40 =	vld [tilespmem:s17+$0x350];
	v33 =	vtrunc.f32 v33  }
0x67f: {  	v36 =	vmul.f32 v46, v10;
	v33 =	vcvt.f32.s32 v33;
	[tilespmem:v31+s26+$0x0] =	vst.idx.add.f32.msk $0xffff, v9;
	v26 =	vsub.f32 v26, v11  }
0x680: {  	v30 =	vmul.f32 v30, v10;
	v31 =	vsub.f32 v37, v11;
	[tilespmem:v29+s26+$0x0] =	vst.idx.add.f32.msk $0xffff, v9;
	v29 =	vtrunc.f32 v32  }
0x681: {  	v49 =	vsub.f32 v35, v11;
	v48 =	vld [tilespmem:s17+$0x2D0];
	v29 =	vcvt.f32.s32 v29;
	v26 =	vtrunc.f32 v26  }
0x682: {  	v30 =	vsub.f32 v30, v11;
	v31 =	vtrunc.f32 v31;
	[tilespmem:v27+s26+$0x0] =	vst.idx.add.f32.msk $0xffff, v9;
	v26 =	vcvt.f32.s32 v26  }
0x683: {  	v32 =	vtrunc.f32 v49;
	v31 =	vcvt.f32.s32 v31;
	v50 =	vld [tilespmem:s11+$0x390]  }
0x684: {  	v52 =	vld [tilespmem:s17+$0xE0];
	v30 =	vtrunc.f32 v30;
	v32 =	vcvt.f32.s32 v32  }
0x685: {  	[tilespmem:v33+s26+$0x0] =	vst.idx.add.f32.msk $0xffff, v9;
	v30 =	vcvt.f32.s32 v30;
	v27 =	vsub.f32 v36, v11  }
0x686: {  	v57 =	vld [tilespmem:s11+$0x210]  }
0x687: {  	v27 =	vtrunc.f32 v27;
	[tilespmem:v29+s26+$0x0] =	vst.idx.add.f32.msk $0xffff, v9;
	v29 =	vmul.f32 v38, v20  }
0x688: {  	v27 =	vcvt.f32.s32 v27;
	[tilespmem:v26+s26+$0x0] =	vst.idx.add.f32.msk $0xffff, v9;
	v26 =	vmul.f32 v50, v12  }
0x689: {  	[tilespmem:v31+s26+$0x0] =	vst.idx.add.f32.msk $0xffff, v9;
	v29 =	vsub.f32 v29, v21  }
0x68a: {  	[tilespmem:v32+s26+$0x0] =	vst.idx.add.f32.msk $0xffff, v9;
	v31 =	vmul.f32 v48, v20;
	v26 =	vsub.f32 v26, v13  }
0x68b: {  	v28 =	vmul.f32 v28, v20;
	[tilespmem:v30+s26+$0x0] =	vst.idx.add.f32.msk $0xffff, v9;
	v29 =	vtrunc.f32 v29  }
0x68c: {  	v55 =	vld [tilespmem:s11+$0x110];
	v31 =	vsub.f32 v31, v21;
	v29 =	vcvt.f32.s32 v29;
	v26 =	vtrunc.f32 v26  }
0x68d: {  	v28 =	vsub.f32 v28, v21;
	v30 =	vmul.f32 v39, v20;
	v58 =	vld [tilespmem:s11+$0x290];
	v26 =	vcvt.f32.s32 v26  }
0x68e: {  	v31 =	vtrunc.f32 v31;
	[tilespmem:v27+s26+$0x0] =	vst.idx.add.f32.msk $0xffff, v9  }
0x68f: {  	v31 =	vcvt.f32.s32 v31;
	v27 =	vtrunc.f32 v28;
	v28 =	vsub.f32 v30, v21;
	v30 =	vld [tilespmem:s11+$0x10]  }
0x690: {  	v53 =	vmul.f32 v40, v20;
	v54 =	vld [tilespmem:s11+$0x90]  }
0x691: {  	v56 =	vld [tilespmem:s11+$0x190]  }
0x692: {  	v32 =	vsub.f32 v53, v21;
	v27 =	vcvt.f32.s32 v27;
	v28 =	vtrunc.f32 v28;
	[tilespmem:v29+s26+$0x0] =	vst.idx.add.f32.msk $0xffff, v9  }
0x693: {  	v34 =	vmul.f32 v55, v12;
	v28 =	vcvt.f32.s32 v28;
	[tilespmem:v26+s26+$0x0] =	vst.idx.add.f32.msk $0xffff, v9  }
0x694: {  	v32 =	vtrunc.f32 v32;
	v30 =	vmul.f32 v30, v12;
	v59 =	vld [tilespmem:s11+$0x3A0]  }
0x695: {  	v29 =	vsub.f32 v34, v13;
	[tilespmem:v31+s26+$0x0] =	vst.idx.add.f32.msk $0xffff, v9;
	v31 =	vmul.f32 v58, v12;
	v26 =	vcvt.f32.s32 v32  }
0x696: {  	v51 =	vld [tilespmem:s17+$0x60];
	v33 =	vmul.f32 v54, v12;
	v30 =	vsub.f32 v30, v13  }
0x697: {  	v60 =	vld [tilespmem:s11+$0x310];
	v29 =	vtrunc.f32 v29;
	v31 =	vsub.f32 v31, v13;
	v61 =	vmul.f32 v56, v12  }
0x698: {  	[tilespmem:v27+s26+$0x0] =	vst.idx.add.f32.msk $0xffff, v9;
	v27 =	vsub.f32 v33, v13;
	v29 =	vcvt.f32.s32 v29;
	v30 =	vtrunc.f32 v30  }
0x699: {  	[tilespmem:v28+s26+$0x0] =	vst.idx.add.f32.msk $0xffff, v9;
	v30 =	vcvt.f32.s32 v30;
	v28 =	vsub.f32 v61, v13;
	v32 =	vmul.f32 v59, v14  }
0x69a: {  	v42 =	vld [tilespmem:s17+$0x1E0];
	v31 =	vtrunc.f32 v31;
	v27 =	vtrunc.f32 v27  }
0x69b: {  	v31 =	vcvt.f32.s32 v31;
	[tilespmem:v26+s26+$0x0] =	vst.idx.add.f32.msk $0xffff, v9;
	v26 =	vtrunc.f32 v28;
	v28 =	vsub.f32 v32, v15  }
0x69c: {  	v62 =	vmul.f32 v57, v12;
	v45 =	vld [tilespmem:s17+$0x2E0];
	v27 =	vcvt.f32.s32 v27  }
0x69d: {  	v63 =	vld [tilespmem:s17+$0x160];
	v26 =	vcvt.f32.s32 v26;
	v28 =	vtrunc.f32 v28  }
0x69e: {  	v34 =	vsub.f32 v62, v13;
	v41 =	vmul.f32 v60, v12;
	[tilespmem:v29+s26+$0x0] =	vst.idx.add.f32.msk $0xffff, v9;
	v28 =	vcvt.f32.s32 v28  }
0x69f: {  	[tilespmem:v30+s26+$0x0] =	vst.idx.add.f32.msk $0xffff, v9  }
0x6a0: {  	v33 =	vsub.f32 v41, v13;
	v30 =	vtrunc.f32 v34;
	v44 =	vld [tilespmem:s11+$0x20]  }
0x6a1: {  	[tilespmem:v31+s26+$0x0] =	vst.idx.add.f32.msk $0xffff, v9;
	v30 =	vcvt.f32.s32 v30  }
0x6a2: {  	v33 =	vtrunc.f32 v33;
	[tilespmem:v27+s26+$0x0] =	vst.idx.add.f32.msk $0xffff, v9;
	v32 =	vmul.f32 v63, v22  }
0x6a3: {  	v29 =	vmul.f32 v52, v22;
	v27 =	vmul.f32 v51, v22;
	[tilespmem:v26+s26+$0x0] =	vst.idx.add.f32.msk $0xffff, v9  }
0x6a4: {  	v33 =	vcvt.f32.s32 v33;
	v31 =	vsub.f32 v32, v23;
	[tilespmem:v28+s26+$0x0] =	vst.idx.add.f32.msk $0xffff, v9  }
0x6a5: {  	v26 =	vsub.f32 v27, v23;
	v27 =	vmul.f32 v44, v14;
	v28 =	vsub.f32 v29, v23;
	v29 =	vld [tilespmem:s11+$0x3B0]  }
0x6a6: {  	v43 =	vld [tilespmem:s17+$0x260]  }
0x6a7: {  	[tilespmem:v30+s26+$0x0] =	vst.idx.add.f32.msk $0xffff, v9;
	v30 =	vmul.f32 v42, v22;
	v31 =	vtrunc.f32 v31;
	v27 =	vsub.f32 v27, v15  }
0x6a8: {  	v52 =	vld [tilespmem:s11+$0x2A0];
	v31 =	vcvt.f32.s32 v31  }
0x6a9: {  	v48 =	vld [tilespmem:s11+$0x120];
	v30 =	vsub.f32 v30, v23;
	v26 =	vtrunc.f32 v26;
	v27 =	vtrunc.f32 v27  }
0x6aa: {  	v49 =	vld [tilespmem:s11+$0x1A0];
	v27 =	vcvt.f32.s32 v27;
	v29 =	vmul.f32 v29, v17  }
0x6ab: {  	[tilespmem:v33+s26+$0x0] =	vst.idx.add.f32.msk $0xffff, v9;
	v30 =	vtrunc.f32 v30;
	v26 =	vcvt.f32.s32 v26  }
0x6ac: {  	v47 =	vld [tilespmem:s11+$0xA0];
	v30 =	vcvt.f32.s32 v30;
	v29 =	vsub.f32 v29, v16  }
0x6ad: {  	v53 =	vld [tilespmem:s11+$0x320];
	v57 =	vmul.f32 v52, v14;
	v28 =	vtrunc.f32 v28  }
0x6ae: {  	v51 =	vld [tilespmem:s11+$0x220];
	v28 =	vcvt.f32.s32 v28;
	v29 =	vtrunc.f32 v29  }
0x6af: {  	v35 =	vmul.f32 v49, v14;
	[tilespmem:v31+s26+$0x0] =	vst.idx.add.f32.msk $0xffff, v9;
	v31 =	vsub.f32 v57, v15;
	v29 =	vcvt.f32.s32 v29  }
0x6b0: {  	[tilespmem:v27+s26+$0x0] =	vst.idx.add.f32.msk $0xffff, v9;
	v27 =	vmul.f32 v48, v14  }
0x6b1: {  	v33 =	vmul.f32 v47, v14;
	v31 =	vtrunc.f32 v31;
	[tilespmem:v26+s26+$0x0] =	vst.idx.add.f32.msk $0xffff, v9;
	v26 =	vsub.f32 v35, v15  }
0x6b2: {  	v58 =	vmul.f32 v53, v14;
	[tilespmem:v30+s26+$0x0] =	vst.idx.add.f32.msk $0xffff, v9;
	v30 =	vcvt.f32.s32 v31;
	v27 =	vsub.f32 v27, v15  }
0x6b3: {  	v33 =	vsub.f32 v33, v15;
	v37 =	vmul.f32 v51, v14;
	v26 =	vtrunc.f32 v26;
	v55 =	vld [tilespmem:s11+$0x30]  }
0x6b4: {  	v26 =	vcvt.f32.s32 v26;
	[tilespmem:v28+s26+$0x0] =	vst.idx.add.f32.msk $0xffff, v9;
	v27 =	vtrunc.f32 v27  }
0x6b5: {  	v33 =	vtrunc.f32 v33;
	v28 =	vsub.f32 v37, v15;
	v27 =	vcvt.f32.s32 v27;
	[tilespmem:v29+s26+$0x0] =	vst.idx.add.f32.msk $0xffff, v9  }
0x6b6: {  	v33 =	vcvt.f32.s32 v33;
	v59 =	vld [tilespmem:s11+$0x3C0]  }
0x6b7: {  	v56 =	vld [tilespmem:s17+$0x360];
	v28 =	vtrunc.f32 v28;
	v29 =	vsub.f32 v58, v15  }
0x6b8: {  	v50 =	vmul.f32 v45, v22;
	[tilespmem:v30+s26+$0x0] =	vst.idx.add.f32.msk $0xffff, v9;
	v28 =	vcvt.f32.s32 v28  }
0x6b9: {  	v61 =	vld [tilespmem:s11+$0x2B0];
	v29 =	vtrunc.f32 v29  }
0x6ba: {  	v36 =	vsub.f32 v50, v23;
	[tilespmem:v26+s26+$0x0] =	vst.idx.add.f32.msk $0xffff, v9;
	v26 =	vmul.f32 v55, v17;
	v29 =	vcvt.f32.s32 v29  }
0x6bb: {  	[tilespmem:v27+s26+$0x0] =	vst.idx.add.f32.msk $0xffff, v9;
	v27 =	vmul.f32 v59, v19  }
0x6bc: {  	v54 =	vtrunc.f32 v36;
	[tilespmem:v33+s26+$0x0] =	vst.idx.add.f32.msk $0xffff, v9;
	v26 =	vsub.f32 v26, v16  }
0x6bd: {  	v34 =	vcvt.f32.s32 v54;
	v31 =	vld [tilespmem:s11+$0x1B0];
	v27 =	vsub.f32 v27, v18  }
0x6be: {  	v33 =	vmul.f32 v61, v17;
	[tilespmem:v28+s26+$0x0] =	vst.idx.add.f32.msk $0xffff, v9;
	v26 =	vtrunc.f32 v26  }
0x6bf: {  	v30 =	vld [tilespmem:s11+$0x130];
	v26 =	vcvt.f32.s32 v26;
	v27 =	vtrunc.f32 v27  }
0x6c0: {  	v28 =	vmul.f32 v56, v22;
	[tilespmem:v29+s26+$0x0] =	vst.idx.add.f32.msk $0xffff, v9;
	v27 =	vcvt.f32.s32 v27  }
0x6c1: {  	v29 =	vld [tilespmem:s11+$0xB0]  }
0x6c2: {  	v60 =	vld [tilespmem:s11+$0x230];
	v33 =	vsub.f32 v33, v16;
	v28 =	vsub.f32 v28, v23  }
0x6c3: {  	v46 =	vmul.f32 v43, v22;
	[tilespmem:v34+s26+$0x0] =	vst.idx.add.f32.msk $0xffff, v9  }
0x6c4: {  	v43 =	vld [tilespmem:s17+$0x170];
	v33 =	vtrunc.f32 v33;
	v28 =	vtrunc.f32 v28  }
0x6c5: {  	v28 =	vcvt.f32.s32 v28;
	[tilespmem:v26+s26+$0x0] =	vst.idx.add.f32.msk $0xffff, v9;
	v26 =	vmul.f32 v31, v17  }
0x6c6: {  	v33 =	vcvt.f32.s32 v33;
	v29 =	vmul.f32 v29, v17;
	[tilespmem:v27+s26+$0x0] =	vst.idx.add.f32.msk $0xffff, v9  }
0x6c7: {  	v31 =	vmul.f32 v60, v17;
	v26 =	vsub.f32 v26, v16;
	v27 =	vmul.f32 v30, v17;
	v30 =	vld [tilespmem:s11+$0x3D0]  }
0x6c8: {  	v44 =	vld [tilespmem:s17+$0x1F0];
	v29 =	vsub.f32 v29, v16  }
0x6c9: {  	v42 =	vld [tilespmem:s17+$0xF0];
	v31 =	vsub.f32 v31, v16;
	v26 =	vtrunc.f32 v26  }
0x6ca: {  	v63 =	vld [tilespmem:s11+$0x40];
	v26 =	vcvt.f32.s32 v26;
	v29 =	vtrunc.f32 v29  }
0x6cb: {  	[tilespmem:v28+s26+$0x0] =	vst.idx.add.f32.msk $0xffff, v9;
	v31 =	vtrunc.f32 v31;
	v28 =	vcvt.f32.s32 v29  }
0x6cc: {  	v62 =	vld [tilespmem:s11+$0x330];
	v31 =	vcvt.f32.s32 v31;
	v27 =	vsub.f32 v27, v16;
	v30 =	vmul.f32 v30, v20  }
0x6cd: {  	[tilespmem:v33+s26+$0x0] =	vst.idx.add.f32.msk $0xffff, v9  }
0x6ce: {  	v53 =	vld [tilespmem:s11+$0x2C0];
	v27 =	vtrunc.f32 v27;
	v30 =	vsub.f32 v30, v21  }
0x6cf: {  	v29 =	vld [tilespmem:s17+$0x70];
	v27 =	vcvt.f32.s32 v27  }
0x6d0: {  	[tilespmem:v26+s26+$0x0] =	vst.idx.add.f32.msk $0xffff, v9;
	v30 =	vtrunc.f32 v30  }
0x6d1: {  	v32 =	vsub.f32 v46, v23;
	[tilespmem:v28+s26+$0x0] =	vst.idx.add.f32.msk $0xffff, v9;
	v28 =	vcvt.f32.s32 v30  }
0x6d2: {  	v34 =	vmul.f32 v62, v17;
	[tilespmem:v31+s26+$0x0] =	vst.idx.add.f32.msk $0xffff, v9;
	v31 =	vmul.f32 v43, v24  }
0x6d3: {  	v32 =	vtrunc.f32 v32;
	v51 =	vld [tilespmem:s11+$0x1C0]  }
0x6d4: {  	v32 =	vcvt.f32.s32 v32;
	v34 =	vsub.f32 v34, v16;
	v31 =	vsub.f32 v31, v25;
	v47 =	vld [tilespmem:s11+$0xC0]  }
0x6d5: {  	v58 =	vmul.f32 v53, v19;
	[tilespmem:v27+s26+$0x0] =	vst.idx.add.f32.msk $0xffff, v9;
	v27 =	vmul.f32 v63, v19  }
0x6d6: {  	v52 =	vld [tilespmem:s11+$0x240];
	v31 =	vtrunc.f32 v31;
	v30 =	vtrunc.f32 v34  }
0x6d7: {  	v26 =	vmul.f32 v29, v24;
	v30 =	vcvt.f32.s32 v30;
	v27 =	vsub.f32 v27, v18;
	[tilespmem:v28+s26+$0x0] =	vst.idx.add.f32.msk $0xffff, v9  }
0x6d8: {  	v29 =	vmul.f32 v42, v24;
	v31 =	vcvt.f32.s32 v31;
	v49 =	vld [tilespmem:s11+$0x3E0]  }
0x6d9: {  	v46 =	vld [tilespmem:s17+$0x2F0];
	v26 =	vsub.f32 v26, v25;
	v48 =	vmul.f32 v47, v19;
	v27 =	vtrunc.f32 v27  }
0x6da: {  	[tilespmem:v32+s26+$0x0] =	vst.idx.add.f32.msk $0xffff, v9;
	v35 =	vmul.f32 v51, v19;
	v27 =	vcvt.f32.s32 v27  }
0x6db: {  	v36 =	vmul.f32 v52, v19;
	v26 =	vtrunc.f32 v26;
	v50 =	vld [tilespmem:s11+$0x140];
	v32 =	vsub.f32 v48, v18  }
0x6dc: {  	v45 =	vld [tilespmem:s17+$0x270];
	v29 =	vsub.f32 v29, v25;
	v26 =	vcvt.f32.s32 v26;
	v28 =	vmul.f32 v44, v24  }
0x6dd: {  	[tilespmem:v30+s26+$0x0] =	vst.idx.add.f32.msk $0xffff, v9;
	v32 =	vtrunc.f32 v32;
	v33 =	vmul.f32 v49, v22  }
0x6de: {  	v29 =	vtrunc.f32 v29;
	v28 =	vsub.f32 v28, v25;
	v32 =	vcvt.f32.s32 v32;
	v54 =	vld [tilespmem:s11+$0x340]  }
0x6df: {  	v56 =	vld [tilespmem:s17+$0x370];
	v57 =	vsub.f32 v35, v18;
	v29 =	vcvt.f32.s32 v29;
	v33 =	vsub.f32 v33, v23  }
0x6e0: {  	v36 =	vsub.f32 v36, v18;
	v28 =	vtrunc.f32 v28;
	[tilespmem:v27+s26+$0x0] =	vst.idx.add.f32.msk $0xffff, v9;
	v27 =	vmul.f32 v50, v19  }
0x6e1: {  	v35 =	vsub.f32 v58, v18;
	[tilespmem:v31+s26+$0x0] =	vst.idx.add.f32.msk $0xffff, v9;
	v28 =	vcvt.f32.s32 v28;
	v33 =	vtrunc.f32 v33  }
0x6e2: {  	v60 =	vtrunc.f32 v36;
	[tilespmem:v26+s26+$0x0] =	vst.idx.add.f32.msk $0xffff, v9;
	v33 =	vcvt.f32.s32 v33  }
0x6e3: {  	v62 =	vtrunc.f32 v35;
	v55 =	vld [tilespmem:s11+$0x50];
	v27 =	vsub.f32 v27, v18;
	v38 =	vmul.f32 v54, v19  }
0x6e4: {  	v31 =	vcvt.f32.s32 v62;
	[tilespmem:v32+s26+$0x0] =	vst.idx.add.f32.msk $0xffff, v9;
	v32 =	vtrunc.f32 v57  }
0x6e5: {  	[tilespmem:v29+s26+$0x0] =	vst.idx.add.f32.msk $0xffff, v9;
	v27 =	vtrunc.f32 v27;
	v26 =	vcvt.f32.s32 v32;
	v61 =	vsub.f32 v38, v18  }
0x6e6: {  	v29 =	vcvt.f32.s32 v60;
	v59 =	vld [tilespmem:s11+$0xD0];
	v27 =	vcvt.f32.s32 v27  }
0x6e7: {  	v63 =	vtrunc.f32 v61;
	[tilespmem:v28+s26+$0x0] =	vst.idx.add.f32.msk $0xffff, v9;
	v28 =	vmul.f32 v46, v24  }
0x6e8: {  	v30 =	vmul.f32 v45, v24;
	v32 =	vcvt.f32.s32 v63;
	[tilespmem:v33+s26+$0x0] =	vst.idx.add.f32.msk $0xffff, v9  }
0x6e9: {  	v34 =	vmul.f32 v55, v20;
	v28 =	vsub.f32 v28, v25;
	v33 =	vld [tilespmem:s11+$0x3F0]  }
0x6ea: {  	[tilespmem:v31+s26+$0x0] =	vst.idx.add.f32.msk $0xffff, v9;
	v30 =	vsub.f32 v30, v25  }
0x6eb: {  	v34 =	vsub.f32 v34, v21;
	[tilespmem:v26+s26+$0x0] =	vst.idx.add.f32.msk $0xffff, v9;
	v26 =	vtrunc.f32 v28;
	v28 =	vmul.f32 v56, v24  }
0x6ec: {  	[tilespmem:v27+s26+$0x0] =	vst.idx.add.f32.msk $0xffff, v9;
	v27 =	vtrunc.f32 v30;
	v30 =	vmul.f32 v59, v20  }
0x6ed: {  	[tilespmem:v29+s26+$0x0] =	vst.idx.add.f32.msk $0xffff, v9;
	v29 =	vtrunc.f32 v34;
	v28 =	vsub.f32 v28, v25  }
0x6ee: {  	v26 =	vcvt.f32.s32 v26;
	v30 =	vsub.f32 v30, v21;
	[tilespmem:v32+s26+$0x0] =	vst.idx.add.f32.msk $0xffff, v9;
	v31 =	vmul.f32 v33, v24  }
0x6ef: {  	v29 =	vcvt.f32.s32 v29;
	v27 =	vcvt.f32.s32 v27;
	v32 =	vld [tilespmem:s11+$0x150]  }
0x6f0: {  	v28 =	vtrunc.f32 v28;
	v30 =	vtrunc.f32 v30;
	v33 =	vld [tilespmem:s11+$0x1D0];
	v31 =	vsub.f32 v31, v25  }
0x6f1: {  	s13 =	simm.s32 $0x8;
	s16 =	simm.s32 $0xC800;
	v34 =	vld [tilespmem:s11+$0x250];
	v28 =	vcvt.f32.s32 v28;
	v30 =	vcvt.f32.s32 v30  }
.LBB2_9:
0x6f2: {  	v35 =	vld [tilespmem:s16+$0x380];
	s13 =	sadd.s32 $0x8, s13;
	v31 =	vtrunc.f32 v31  }
0x6f3: {  	v36 =	vld [tilespmem:s16+$0x80];
	p1 =	slt.u32 s13, $0x78;
	v31 =	vcvt.f32.s32 v31  }
0x6f4: {  	v37 =	vld [tilespmem:s16+$0x100];
	v32 =	vmul.f32 v32, v20  }
0x6f5: {  	v38 =	vld [tilespmem:s16+$0x180];
	v33 =	vmul.f32 v33, v20  }
0x6f6: {  	v39 =	vld [tilespmem:s16+$0x200];
	v32 =	vsub.f32 v32, v21;
	v34 =	vmul.f32 v34, v20  }
0x6f7: {  	v40 =	vld [tilespmem:s16+$0x280];
	v35 =	vmul.f32 v35, v10;
	v33 =	vsub.f32 v33, v21  }
0x6f8: {  	v36 =	vmul.f32 v36, v10;
	v41 =	vld [tilespmem:s16+$0x300];
	v32 =	vtrunc.f32 v32;
	v34 =	vsub.f32 v34, v21  }
0x6f9: {  	v37 =	vmul.f32 v37, v10;
	v35 =	vsub.f32 v35, v11;
	v33 =	vtrunc.f32 v33;
	[tilespmem:v31+s26+$0x0] =	vst.idx.add.f32.msk $0xffff, v9  }
0x6fa: {  	v31 =	vld [tilespmem:s16+$0x0];
	v36 =	vsub.f32 v36, v11;
	v38 =	vmul.f32 v38, v10;
	v34 =	vtrunc.f32 v34  }
0x6fb: {  	v37 =	vsub.f32 v37, v11;
	v39 =	vmul.f32 v39, v10;
	v35 =	vtrunc.f32 v35;
	v42 =	vld [tilespmem:s11+$0x2D0]  }
0x6fc: {  	v38 =	vsub.f32 v38, v11;
	v40 =	vmul.f32 v40, v10;
	v35 =	vcvt.f32.s32 v35;
	v43 =	vld [tilespmem:s11+$0x350]  }
0x6fd: {  	v36 =	vtrunc.f32 v36;
	v39 =	vsub.f32 v39, v11;
	v41 =	vmul.f32 v41, v10;
	[tilespmem:v29+s26+$0x0] =	vst.idx.add.f32.msk $0xffff, v9  }
0x6fe: {  	v29 =	vtrunc.f32 v37;
	v37 =	vtrunc.f32 v38;
	v38 =	vsub.f32 v40, v11;
	[tilespmem:v30+s26+$0x0] =	vst.idx.add.f32.msk $0xffff, v9  }
0x6ff: {  	v30 =	vmul.f32 v31, v10;
	v31 =	vtrunc.f32 v39;
	v39 =	vsub.f32 v41, v11;
	v40 =	vld [tilespmem:s11+$0x60]  }
0x700: {  	v36 =	vcvt.f32.s32 v36;
	v38 =	vtrunc.f32 v38;
	v41 =	vld [tilespmem:s11+$0xE0]  }
0x701: {  	v29 =	vcvt.f32.s32 v29;
	v30 =	vsub.f32 v30, v11;
	v39 =	vtrunc.f32 v39;
	[tilespmem:v27+s26+$0x0] =	vst.idx.add.f32.msk $0xffff, v9  }
0x702: {  	v31 =	vcvt.f32.s32 v31;
	v27 =	vcvt.f32.s32 v37;
	[tilespmem:v35+s26+$0x0] =	vst.idx.add.f32.msk $0xffff, v9  }
0x703: {  	v35 =	vcvt.f32.s32 v38;
	v30 =	vtrunc.f32 v30;
	v37 =	vld [tilespmem:s16+$0x390]  }
0x704: {  	v38 =	vcvt.f32.s32 v39;
	v30 =	vcvt.f32.s32 v30;
	[tilespmem:v26+s26+$0x0] =	vst.idx.add.f32.msk $0xffff, v9  }
0x705: {  	v39 =	vmul.f32 v43, v20;
	v26 =	vmul.f32 v42, v20;
	[tilespmem:v28+s26+$0x0] =	vst.idx.add.f32.msk $0xffff, v9  }
0x706: {  	v28 =	vcvt.f32.s32 v32;
	v32 =	vcvt.f32.s32 v33;
	[tilespmem:v36+s26+$0x0] =	vst.idx.add.f32.msk $0xffff, v9  }
0x707: {  	v33 =	vsub.f32 v39, v21;
	v26 =	vsub.f32 v26, v21;
	[tilespmem:v29+s26+$0x0] =	vst.idx.add.f32.msk $0xffff, v9;
	v29 =	vcvt.f32.s32 v34  }
0x708: {  	v34 =	vmul.f32 v40, v22;
	[tilespmem:v27+s26+$0x0] =	vst.idx.add.f32.msk $0xffff, v9;
	v27 =	vmul.f32 v37, v12  }
0x709: {  	v26 =	vtrunc.f32 v26;
	[tilespmem:v31+s26+$0x0] =	vst.idx.add.f32.msk $0xffff, v9;
	v31 =	vtrunc.f32 v33  }
0x70a: {  	[tilespmem:v30+s26+$0x0] =	vst.idx.add.f32.msk $0xffff, v9;
	v27 =	vsub.f32 v27, v13;
	v30 =	vcvt.f32.s32 v26;
	v31 =	vcvt.f32.s32 v31  }
0x70b: {  	v33 =	vmul.f32 v41, v22;
	v26 =	vsub.f32 v34, v23;
	[tilespmem:v35+s26+$0x0] =	vst.idx.add.f32.msk $0xffff, v9  }
0x70c: {  	[tilespmem:v38+s26+$0x0] =	vst.idx.add.f32.msk $0xffff, v9;
	v27 =	vtrunc.f32 v27  }
0x70d: {  	v26 =	vtrunc.f32 v26;
	v34 =	vld [tilespmem:s16+$0x10];
	v35 =	vcvt.f32.s32 v27;
	v27 =	vsub.f32 v33, v23  }
0x70e: {  	v26 =	vcvt.f32.s32 v26;
	v33 =	vld [tilespmem:s16+$0x90]  }
0x70f: {  	v36 =	vld [tilespmem:s16+$0x110];
	v27 =	vtrunc.f32 v27  }
0x710: {  	v37 =	vld [tilespmem:s16+$0x190];
	v27 =	vcvt.f32.s32 v27  }
0x711: {  	v38 =	vld [tilespmem:s16+$0x210]  }
0x712: {  	v34 =	vmul.f32 v34, v12;
	v39 =	vld [tilespmem:s16+$0x290]  }
0x713: {  	v33 =	vmul.f32 v33, v12;
	[tilespmem:v35+s26+$0x0] =	vst.idx.add.f32.msk $0xffff, v9  }
0x714: {  	v34 =	vsub.f32 v34, v13;
	v35 =	vmul.f32 v36, v12;
	v36 =	vld [tilespmem:s16+$0x3A0]  }
0x715: {  	v33 =	vsub.f32 v33, v13;
	v37 =	vmul.f32 v37, v12;
	v40 =	vld [tilespmem:s16+$0x310]  }
0x716: {  	v34 =	vtrunc.f32 v34;
	v35 =	vsub.f32 v35, v13;
	v38 =	vmul.f32 v38, v12;
	[tilespmem:v28+s26+$0x0] =	vst.idx.add.f32.msk $0xffff, v9  }
0x717: {  	v28 =	vtrunc.f32 v33;
	v33 =	vsub.f32 v37, v13;
	v37 =	vmul.f32 v39, v12;
	[tilespmem:v32+s26+$0x0] =	vst.idx.add.f32.msk $0xffff, v9  }
0x718: {  	v32 =	vcvt.f32.s32 v34;
	v34 =	vtrunc.f32 v35;
	v35 =	vsub.f32 v38, v13;
	[tilespmem:v29+s26+$0x0] =	vst.idx.add.f32.msk $0xffff, v9  }
0x719: {  	v29 =	vtrunc.f32 v33;
	v33 =	vsub.f32 v37, v13;
	v36 =	vmul.f32 v36, v14;
	[tilespmem:v30+s26+$0x0] =	vst.idx.add.f32.msk $0xffff, v9  }
0x71a: {  	v30 =	vtrunc.f32 v35;
	v35 =	vmul.f32 v40, v12;
	[tilespmem:v31+s26+$0x0] =	vst.idx.add.f32.msk $0xffff, v9  }
0x71b: {  	v28 =	vcvt.f32.s32 v28;
	v31 =	vtrunc.f32 v33;
	v33 =	vsub.f32 v36, v15;
	v36 =	vld [tilespmem:s11+$0x160]  }
0x71c: {  	v34 =	vcvt.f32.s32 v34;
	v29 =	vcvt.f32.s32 v29;
	v35 =	vsub.f32 v35, v13;
	v37 =	vld [tilespmem:s11+$0x1E0]  }
0x71d: {  	v30 =	vcvt.f32.s32 v30;
	v33 =	vtrunc.f32 v33;
	v38 =	vld [tilespmem:s11+$0x260]  }
0x71e: {  	[tilespmem:v32+s26+$0x0] =	vst.idx.add.f32.msk $0xffff, v9;
	v32 =	vtrunc.f32 v35;
	v33 =	vcvt.f32.s32 v33  }
0x71f: {  	v31 =	vcvt.f32.s32 v31;
	v35 =	vld [tilespmem:s16+$0x20];
	v32 =	vcvt.f32.s32 v32  }
0x720: {  	v36 =	vmul.f32 v36, v22;
	v39 =	vld [tilespmem:s11+$0x2E0]  }
0x721: {  	[tilespmem:v28+s26+$0x0] =	vst.idx.add.f32.msk $0xffff, v9;
	v28 =	vmul.f32 v37, v22  }
0x722: {  	[tilespmem:v34+s26+$0x0] =	vst.idx.add.f32.msk $0xffff, v9;
	v34 =	vsub.f32 v36, v23;
	v36 =	vmul.f32 v38, v22  }
0x723: {  	[tilespmem:v29+s26+$0x0] =	vst.idx.add.f32.msk $0xffff, v9;
	v28 =	vsub.f32 v28, v23  }
0x724: {  	v29 =	vmul.f32 v35, v14;
	[tilespmem:v33+s26+$0x0] =	vst.idx.add.f32.msk $0xffff, v9;
	v33 =	vtrunc.f32 v34;
	v34 =	vsub.f32 v36, v23  }
0x725: {  	v35 =	vld [tilespmem:s16+$0x3B0];
	v28 =	vtrunc.f32 v28;
	v36 =	vmul.f32 v39, v22  }
0x726: {  	v29 =	vsub.f32 v29, v15;
	[tilespmem:v30+s26+$0x0] =	vst.idx.add.f32.msk $0xffff, v9;
	v30 =	vcvt.f32.s32 v33;
	v33 =	vtrunc.f32 v34  }
0x727: {  	v28 =	vcvt.f32.s32 v28;
	[tilespmem:v31+s26+$0x0] =	vst.idx.add.f32.msk $0xffff, v9;
	v31 =	vcvt.f32.s32 v33;
	v33 =	vsub.f32 v36, v23  }
0x728: {  	v29 =	vtrunc.f32 v29;
	[tilespmem:v32+s26+$0x0] =	vst.idx.add.f32.msk $0xffff, v9  }
0x729: {  	v29 =	vcvt.f32.s32 v29;
	v32 =	vld [tilespmem:s16+$0xA0];
	v33 =	vtrunc.f32 v33  }
0x72a: {  	v34 =	vld [tilespmem:s16+$0x120];
	v35 =	vmul.f32 v35, v17;
	v33 =	vcvt.f32.s32 v33  }
0x72b: {  	v36 =	vld [tilespmem:s16+$0x1A0]  }
0x72c: {  	v37 =	vld [tilespmem:s16+$0x220];
	v35 =	vsub.f32 v35, v16  }
0x72d: {  	v38 =	vld [tilespmem:s16+$0x2A0]  }
0x72e: {  	v32 =	vmul.f32 v32, v14;
	v39 =	vld [tilespmem:s16+$0x320];
	v35 =	vtrunc.f32 v35  }
0x72f: {  	[tilespmem:v29+s26+$0x0] =	vst.idx.add.f32.msk $0xffff, v9;
	v29 =	vmul.f32 v34, v14;
	v34 =	vcvt.f32.s32 v35  }
0x730: {  	v35 =	vld [tilespmem:s16+$0x30];
	v32 =	vsub.f32 v32, v15;
	v36 =	vmul.f32 v36, v14  }
0x731: {  	v29 =	vsub.f32 v29, v15;
	v37 =	vmul.f32 v37, v14;
	v40 =	vld [tilespmem:s11+$0x360]  }
0x732: {  	v32 =	vtrunc.f32 v32;
	v36 =	vsub.f32 v36, v15;
	v38 =	vmul.f32 v38, v14;
	[tilespmem:v26+s26+$0x0] =	vst.idx.add.f32.msk $0xffff, v9  }
0x733: {  	v26 =	vtrunc.f32 v29;
	v29 =	vsub.f32 v37, v15;
	v37 =	vmul.f32 v39, v14;
	[tilespmem:v27+s26+$0x0] =	vst.idx.add.f32.msk $0xffff, v9  }
0x734: {  	v27 =	vcvt.f32.s32 v32;
	v32 =	vtrunc.f32 v36;
	v36 =	vsub.f32 v38, v15;
	[tilespmem:v30+s26+$0x0] =	vst.idx.add.f32.msk $0xffff, v9  }
0x735: {  	v26 =	vcvt.f32.s32 v26;
	v29 =	vtrunc.f32 v29;
	v30 =	vsub.f32 v37, v15;
	[tilespmem:v34+s26+$0x0] =	vst.idx.add.f32.msk $0xffff, v9  }
0x736: {  	v32 =	vcvt.f32.s32 v32;
	v34 =	vtrunc.f32 v36;
	v36 =	vld [tilespmem:s16+$0x3C0]  }
0x737: {  	v29 =	vcvt.f32.s32 v29;
	v30 =	vtrunc.f32 v30;
	[tilespmem:v28+s26+$0x0] =	vst.idx.add.f32.msk $0xffff, v9  }
0x738: {  	v28 =	vcvt.f32.s32 v34;
	v30 =	vcvt.f32.s32 v30;
	[tilespmem:v31+s26+$0x0] =	vst.idx.add.f32.msk $0xffff, v9  }
0x739: {  	v31 =	vmul.f32 v35, v17;
	[tilespmem:v33+s26+$0x0] =	vst.idx.add.f32.msk $0xffff, v9;
	v33 =	vmul.f32 v40, v22  }
0x73a: {  	[tilespmem:v27+s26+$0x0] =	vst.idx.add.f32.msk $0xffff, v9  }
0x73b: {  	v27 =	vsub.f32 v31, v16;
	[tilespmem:v26+s26+$0x0] =	vst.idx.add.f32.msk $0xffff, v9;
	v26 =	vmul.f32 v36, v19  }
0x73c: {  	v31 =	vsub.f32 v33, v23;
	[tilespmem:v32+s26+$0x0] =	vst.idx.add.f32.msk $0xffff, v9  }
0x73d: {  	v27 =	vtrunc.f32 v27;
	[tilespmem:v29+s26+$0x0] =	vst.idx.add.f32.msk $0xffff, v9;
	v26 =	vsub.f32 v26, v18  }
0x73e: {  	v27 =	vcvt.f32.s32 v27;
	[tilespmem:v28+s26+$0x0] =	vst.idx.add.f32.msk $0xffff, v9;
	v28 =	vtrunc.f32 v31  }
0x73f: {  	[tilespmem:v30+s26+$0x0] =	vst.idx.add.f32.msk $0xffff, v9;
	v26 =	vtrunc.f32 v26;
	v28 =	vcvt.f32.s32 v28  }
0x740: {  	v29 =	vld [tilespmem:s16+$0xB0];
	v26 =	vcvt.f32.s32 v26  }
0x741: {  	v30 =	vld [tilespmem:s16+$0x130]  }
0x742: {  	v31 =	vld [tilespmem:s16+$0x1B0]  }
0x743: {  	v32 =	vld [tilespmem:s16+$0x230]  }
0x744: {  	v33 =	vld [tilespmem:s16+$0x2B0]  }
0x745: {  	v29 =	vmul.f32 v29, v17;
	v34 =	vld [tilespmem:s16+$0x330]  }
0x746: {  	v30 =	vmul.f32 v30, v17;
	[tilespmem:v26+s26+$0x0] =	vst.idx.add.f32.msk $0xffff, v9  }
0x747: {  	v26 =	vsub.f32 v29, v16;
	v29 =	vmul.f32 v31, v17;
	v31 =	vld [tilespmem:s16+$0x3D0]  }
0x748: {  	[tilespmem:v27+s26+$0x0] =	vst.idx.add.f32.msk $0xffff, v9;
	v27 =	vsub.f32 v30, v16;
	v30 =	vmul.f32 v32, v17  }
0x749: {  	v32 =	vld [tilespmem:s16+$0x40];
	v26 =	vtrunc.f32 v26;
	v29 =	vsub.f32 v29, v16;
	v33 =	vmul.f32 v33, v17  }
0x74a: {  	v27 =	vtrunc.f32 v27;
	v30 =	vsub.f32 v30, v16;
	v34 =	vmul.f32 v34, v17;
	[tilespmem:v28+s26+$0x0] =	vst.idx.add.f32.msk $0xffff, v9  }
0x74b: {  	v26 =	vcvt.f32.s32 v26;
	v28 =	vtrunc.f32 v29;
	v29 =	vsub.f32 v33, v16;
	v33 =	vld [tilespmem:s11+$0x70]  }
0x74c: {  	v30 =	vtrunc.f32 v30;
	v34 =	vsub.f32 v34, v16;
	v31 =	vmul.f32 v31, v20;
	v35 =	vld [tilespmem:s11+$0xF0]  }
0x74d: {  	v27 =	vcvt.f32.s32 v27;
	v29 =	vtrunc.f32 v29;
	v36 =	vld [tilespmem:s11+$0x170]  }
0x74e: {  	v28 =	vcvt.f32.s32 v28;
	v34 =	vtrunc.f32 v34;
	v31 =	vsub.f32 v31, v21;
	v37 =	vld [tilespmem:s11+$0x1F0]  }
0x74f: {  	v30 =	vcvt.f32.s32 v30;
	v29 =	vcvt.f32.s32 v29;
	v38 =	vld [tilespmem:s11+$0x270]  }
0x750: {  	v34 =	vcvt.f32.s32 v34;
	v31 =	vtrunc.f32 v31;
	v39 =	vld [tilespmem:s11+$0x2F0]  }
0x751: {  	v32 =	vmul.f32 v32, v19;
	[tilespmem:v26+s26+$0x0] =	vst.idx.add.f32.msk $0xffff, v9;
	v26 =	vcvt.f32.s32 v31  }
0x752: {  	v33 =	vmul.f32 v33, v24;
	v35 =	vmul.f32 v35, v24;
	v31 =	vld [tilespmem:s16+$0xC0]  }
0x753: {  	v32 =	vsub.f32 v32, v18;
	[tilespmem:v27+s26+$0x0] =	vst.idx.add.f32.msk $0xffff, v9;
	v27 =	vmul.f32 v36, v24  }
0x754: {  	[tilespmem:v28+s26+$0x0] =	vst.idx.add.f32.msk $0xffff, v9;
	v28 =	vmul.f32 v37, v24;
	v36 =	vmul.f32 v38, v24  }
0x755: {  	v32 =	vtrunc.f32 v32;
	[tilespmem:v30+s26+$0x0] =	vst.idx.add.f32.msk $0xffff, v9;
	v30 =	vsub.f32 v33, v25;
	v33 =	vmul.f32 v39, v24  }
0x756: {  	v32 =	vcvt.f32.s32 v32;
	v27 =	vsub.f32 v27, v25;
	[tilespmem:v29+s26+$0x0] =	vst.idx.add.f32.msk $0xffff, v9;
	v29 =	vsub.f32 v35, v25  }
0x757: {  	v28 =	vsub.f32 v28, v25;
	v31 =	vmul.f32 v31, v19;
	[tilespmem:v26+s26+$0x0] =	vst.idx.add.f32.msk $0xffff, v9;
	v26 =	vtrunc.f32 v30  }
0x758: {  	v35 =	vsub.f32 v36, v25;
	v33 =	vsub.f32 v33, v25;
	v30 =	vld [tilespmem:s16+$0x3E0];
	v29 =	vtrunc.f32 v29  }
0x759: {  	v27 =	vtrunc.f32 v27;
	v28 =	vtrunc.f32 v28;
	v31 =	vsub.f32 v31, v18;
	[tilespmem:v34+s26+$0x0] =	vst.idx.add.f32.msk $0xffff, v9  }
0x75a: {  	v35 =	vtrunc.f32 v35;
	v33 =	vtrunc.f32 v33;
	v34 =	vld [tilespmem:s16+$0x140]  }
0x75b: {  	v37 =	vcvt.f32.s32 v26;
	v31 =	vtrunc.f32 v31;
	v36 =	vld [tilespmem:s16+$0x1C0]  }
0x75c: {  	v29 =	vcvt.f32.s32 v29;
	v31 =	vcvt.f32.s32 v31;
	v38 =	vld [tilespmem:s16+$0x240]  }
0x75d: {  	v39 =	vld [tilespmem:s16+$0x2C0];
	v26 =	vmul.f32 v30, v22;
	v30 =	vcvt.f32.s32 v27  }
0x75e: {  	v28 =	vcvt.f32.s32 v28;
	v27 =	vcvt.f32.s32 v35;
	v40 =	vld [tilespmem:s16+$0x340]  }
0x75f: {  	[tilespmem:v32+s26+$0x0] =	vst.idx.add.f32.msk $0xffff, v9;
	v32 =	vmul.f32 v34, v19;
	v34 =	vsub.f32 v26, v23;
	v26 =	vcvt.f32.s32 v33  }
0x760: {  	v33 =	vld [tilespmem:s16+$0x50];
	v35 =	vmul.f32 v36, v19  }
0x761: {  	v32 =	vsub.f32 v32, v18;
	v36 =	vmul.f32 v38, v19;
	v34 =	vtrunc.f32 v34;
	v38 =	vld [tilespmem:s11+$0x370];
	s11 =	smov.u32 s16  }
0x762: {  	[tilespmem:v31+s26+$0x0] =	vst.idx.add.f32.msk $0xffff, v9;
	v31 =	vsub.f32 v35, v18;
	v35 =	vmul.f32 v39, v19;
	v34 =	vcvt.f32.s32 v34  }
0x763: {  	v39 =	vld [tilespmem:s16+$0xD0];
	v32 =	vtrunc.f32 v32;
	v36 =	vsub.f32 v36, v18;
	v40 =	vmul.f32 v40, v19  }
0x764: {  	v32 =	vcvt.f32.s32 v32;
	v31 =	vtrunc.f32 v31;
	v35 =	vsub.f32 v35, v18;
	[tilespmem:v37+s26+$0x0] =	vst.idx.add.f32.msk $0xffff, v9  }
0x765: {  	v31 =	vcvt.f32.s32 v31;
	v36 =	vtrunc.f32 v36;
	v37 =	vsub.f32 v40, v18;
	[tilespmem:v29+s26+$0x0] =	vst.idx.add.f32.msk $0xffff, v9  }
0x766: {  	v29 =	vcvt.f32.s32 v36;
	v35 =	vtrunc.f32 v35;
	[tilespmem:v30+s26+$0x0] =	vst.idx.add.f32.msk $0xffff, v9  }
0x767: {  	v30 =	vcvt.f32.s32 v35;
	v35 =	vtrunc.f32 v37;
	[tilespmem:v28+s26+$0x0] =	vst.idx.add.f32.msk $0xffff, v9  }
0x768: {  	v28 =	vmul.f32 v33, v20;
	v33 =	vcvt.f32.s32 v35;
	[tilespmem:v34+s26+$0x0] =	vst.idx.add.f32.msk $0xffff, v9  }
0x769: {  	v36 =	vmul.f32 v38, v24;
	v34 =	vmul.f32 v39, v20;
	v35 =	vld [tilespmem:s16+$0x3F0]  }
0x76a: {  	v28 =	vsub.f32 v28, v21;
	[tilespmem:v32+s26+$0x0] =	vst.idx.add.f32.msk $0xffff, v9  }
0x76b: {  	v32 =	vsub.f32 v34, v21;
	[tilespmem:v31+s26+$0x0] =	vst.idx.add.f32.msk $0xffff, v9;
	v31 =	vsub.f32 v36, v25  }
0x76c: {  	v28 =	vtrunc.f32 v28;
	[tilespmem:v29+s26+$0x0] =	vst.idx.add.f32.msk $0xffff, v9  }
.Ltmp5:
0x76d: {  	v29 =	vcvt.f32.s32 v28;
	v28 =	vtrunc.f32 v32;
	[tilespmem:v30+s26+$0x0] =	vst.idx.add.f32.msk $0xffff, v9;
	(pc) =	sbr.rel @p1 .LBB2_9-.Ltmp5, $4  }
0x76e: {  	v30 =	vcvt.f32.s32 v28;
	[tilespmem:v33+s26+$0x0] =	vst.idx.add.f32.msk $0xffff, v9;
	v28 =	vmul.f32 v35, v24  }
0x76f: {  	v34 =	vtrunc.f32 v31;
	v32 =	vld [tilespmem:s16+$0x150]  }
0x770: {  	v33 =	vld [tilespmem:s16+$0x1D0];
	v31 =	vsub.f32 v28, v25;
	v28 =	vcvt.f32.s32 v34  }
0x771: {  	s16 =	sadd.s32 $0x400, s16;
	v34 =	vld [tilespmem:s11+$0x250]  }
0x772: {  	_ = 	snop  }
0x773: {  	v35 =	vld [tilespmem:s11+$0x2D0]  }
0x774: {  	v32 =	vmul.f32 v32, v20  }
0x775: {  	v33 =	vmul.f32 v33, v20  }
0x776: {  	v32 =	vsub.f32 v32, v21  }
0x777: {  	v34 =	vmul.f32 v34, v20;
	v33 =	vsub.f32 v33, v21  }
0x778: {  	v35 =	vmul.f32 v35, v20;
	v32 =	vtrunc.f32 v32  }
0x779: {  	v36 =	vld [tilespmem:s11+$0x350];
	v34 =	vsub.f32 v34, v21;
	v33 =	vtrunc.f32 v33;
	v32 =	vcvt.f32.s32 v32  }
0x77a: {  	v33 =	vcvt.f32.s32 v33  }
0x77b: {  	[tilespmem:v29+s26+$0x0] =	vst.idx.add.f32.msk $0xffff, v9;
	v35 =	vsub.f32 v35, v21;
	v34 =	vtrunc.f32 v34  }
0x77c: {  	[tilespmem:v30+s26+$0x0] =	vst.idx.add.f32.msk $0xffff, v9;
	v63 =	vcvt.f32.s32 v34  }
0x77d: {  	v39 =	vld [tilespmem:s11+$0x60];
	v37 =	vtrunc.f32 v35  }
0x77e: {  	v40 =	vld [tilespmem:s11+$0xE0];
	v41 =	vmul.f32 v36, v20;
	v38 =	vcvt.f32.s32 v37  }
0x77f: {  	[tilespmem:v32+s26+$0x0] =	vst.idx.add.f32.msk $0xffff, v9  }
0x780: {  	v29 =	vsub.f32 v41, v21;
	[tilespmem:v33+s26+$0x0] =	vst.idx.add.f32.msk $0xffff, v9  }
0x781: {  	v42 =	vld [tilespmem:s11+$0x160]  }
0x782: {  	v29 =	vtrunc.f32 v29;
	[tilespmem:v63+s26+$0x0] =	vst.idx.add.f32.msk $0xffff, v9  }
0x783: {  	v35 =	vmul.f32 v40, v22;
	v29 =	vcvt.f32.s32 v29;
	v43 =	vld [tilespmem:s11+$0x1E0]  }
0x784: {  	[tilespmem:v38+s26+$0x0] =	vst.idx.add.f32.msk $0xffff, v9  }
0x785: {  	v44 =	vmul.f32 v39, v22;
	v35 =	vsub.f32 v35, v23;
	v45 =	vld [tilespmem:s11+$0x260]  }
0x786: {  	v46 =	vld [tilespmem:s11+$0x2E0]  }
0x787: {  	v35 =	vtrunc.f32 v35;
	v33 =	vsub.f32 v44, v23;
	v30 =	vmul.f32 v42, v22  }
0x788: {  	v35 =	vcvt.f32.s32 v35;
	v32 =	vmul.f32 v43, v22  }
0x789: {  	v33 =	vtrunc.f32 v33;
	[tilespmem:v29+s26+$0x0] =	vst.idx.add.f32.msk $0xffff, v9;
	v30 =	vsub.f32 v30, v23  }
0x78a: {  	v33 =	vcvt.f32.s32 v33;
	v49 =	vld [tilespmem:s11+$0x360];
	v34 =	vmul.f32 v45, v22;
	v32 =	vsub.f32 v32, v23  }
0x78b: {  	v36 =	vmul.f32 v46, v22;
	v30 =	vtrunc.f32 v30  }
0x78c: {  	v34 =	vsub.f32 v34, v23;
	v47 =	vtrunc.f32 v32;
	v30 =	vcvt.f32.s32 v30  }
0x78d: {  	v29 =	vcvt.f32.s32 v47  }
0x78e: {  	[tilespmem:v35+s26+$0x0] =	vst.idx.add.f32.msk $0xffff, v9;
	v48 =	vsub.f32 v36, v23;
	v34 =	vtrunc.f32 v34  }
0x78f: {  	v53 =	vld [tilespmem:s11+$0xF0];
	v50 =	vmul.f32 v49, v22;
	v34 =	vcvt.f32.s32 v34  }
0x790: {  	[tilespmem:v33+s26+$0x0] =	vst.idx.add.f32.msk $0xffff, v9;
	v32 =	vtrunc.f32 v48  }
0x791: {  	v51 =	vsub.f32 v50, v23;
	v52 =	vld [tilespmem:s11+$0x70];
	v32 =	vcvt.f32.s32 v32  }
0x792: {  	[tilespmem:v30+s26+$0x0] =	vst.idx.add.f32.msk $0xffff, v9  }
0x793: {  	[tilespmem:v29+s26+$0x0] =	vst.idx.add.f32.msk $0xffff, v9;
	v29 =	vtrunc.f32 v51  }
0x794: {  	v54 =	vld [tilespmem:s11+$0x170];
	v29 =	vcvt.f32.s32 v29  }
0x795: {  	[tilespmem:v34+s26+$0x0] =	vst.idx.add.f32.msk $0xffff, v9  }
0x796: {  	v55 =	vld [tilespmem:s11+$0x1F0]  }
0x797: {  	v59 =	vmul.f32 v53, v24;
	[tilespmem:v32+s26+$0x0] =	vst.idx.add.f32.msk $0xffff, v9  }
0x798: {  	v56 =	vld [tilespmem:s11+$0x270]  }
0x799: {  	v30 =	vsub.f32 v59, v25;
	v57 =	vld [tilespmem:s11+$0x2F0]  }
0x79a: {  	v31 =	vtrunc.f32 v31;
	v58 =	vmul.f32 v52, v24;
	[tilespmem:v29+s26+$0x0] =	vst.idx.add.f32.msk $0xffff, v9  }
0x79b: {  	v30 =	vtrunc.f32 v30;
	v60 =	vmul.f32 v54, v24;
	v61 =	vld [tilespmem:s11+$0x370]  }
0x79c: {  	v31 =	vcvt.f32.s32 v31;
	v30 =	vcvt.f32.s32 v30  }
0x79d: {  	v34 =	vmul.f32 v55, v24;
	v29 =	vsub.f32 v58, v25;
	v32 =	vsub.f32 v60, v25  }
0x79e: {  	v35 =	vmul.f32 v56, v24;
	v36 =	vmul.f32 v57, v24  }
0x79f: {  	v34 =	vsub.f32 v34, v25;
	v29 =	vtrunc.f32 v29;
	v32 =	vtrunc.f32 v32  }
0x7a0: {  	v35 =	vsub.f32 v35, v25;
	v29 =	vcvt.f32.s32 v29;
	v33 =	vmul.f32 v61, v24  }
0x7a1: {  	[tilespmem:v27+s26+$0x0] =	vst.idx.add.f32.msk $0xffff, v9;
	v62 =	vsub.f32 v36, v25;
	v34 =	vtrunc.f32 v34;
	v32 =	vcvt.f32.s32 v32  }
0x7a2: {  	[tilespmem:v26+s26+$0x0] =	vst.idx.add.f32.msk $0xffff, v9;
	v27 =	vtrunc.f32 v35;
	v34 =	vcvt.f32.s32 v34;
	v33 =	vsub.f32 v33, v25  }
0x7a3: {  	[tilespmem:v28+s26+$0x0] =	vst.idx.add.f32.msk $0xffff, v9;
	v26 =	vtrunc.f32 v62;
	v27 =	vcvt.f32.s32 v27  }
0x7a4: {  	[tilespmem:v31+s26+$0x0] =	vst.idx.add.f32.msk $0xffff, v9;
	v26 =	vcvt.f32.s32 v26;
	v63 =	vtrunc.f32 v33  }
0x7a5: {  	[tilespmem:v30+s26+$0x0] =	vst.idx.add.f32.msk $0xffff, v9;
	v28 =	vcvt.f32.s32 v63  }
0x7a6: {  	[tilespmem:v29+s26+$0x0] =	vst.idx.add.f32.msk $0xffff, v9  }
0x7a7: {  	[tilespmem:v32+s26+$0x0] =	vst.idx.add.f32.msk $0xffff, v9  }
.Ltmp6:
0x7a8: {  	s10 =	sshll.u32 s12, $0x12;
	[tilespmem:v34+s26+$0x0] =	vst.idx.add.f32.msk $0xffff, v9;
	(pc) =	sbr.rel @p0 .LBB2_12-.Ltmp6, $4  }
0x7a9: {  	s10 =	sadd.s32 s7, s10;
	[tilespmem:v27+s26+$0x0] =	vst.idx.add.f32.msk $0xffff, v9  }
0x7aa: {  	s10 =	sshrl.u32 s10, $0x3;
	[tilespmem:v26+s26+$0x0] =	vst.idx.add.f32.msk $0xffff, v9  }
0x7ab: {  	s10 =	sadd.s32 s2, s10;
	[tilespmem:v28+s26+$0x0] =	vst.idx.add.f32.msk $0xffff, v9  }
0x7ac: {  	[hbm4b:s10+s21] =	stream.strided.scatter [tilespmem:s24], [sflag:$0x8], $0x4000, s22, s21, $0x38;
	[tilespmem:$0x10600] =	vst v63  }
0x7ad: {  	s9 =	sadd.s32 s9, s15  }
.Ltmp7:
0x7ae: {  	s9 =	sshll.u32 s9, $0xB;
	(pc) =	sbr.rel .LBB2_2-.Ltmp7, $4  }
0x7af: {  	_ =	swait.ge [sflag:s1], $0x4000;
	s9 =	sor.u32 s6, s9  }
0x7b0: {  	[sflag:s1] =	ssyncset.done $0x0;
	s9 =	sshrl.u32 s9, $0x3  }
0x7b1: {  	s8 =	sadd.s32 $0x1, s8;
	[sflag:s1] =	ssyncadd.s32 $0xFFFFC000;
	s9 =	sadd.s32 s0, s9  }
0x7b2: {  	[tilespmem:s22], [sflag:$0x2] =	stream.strided.gather [hbm4b:s9+s21], $0x4000, s22, s21, $0x38;
	[tilespmem:$0x10600] =	vst v63  }
.LBB2_13:
0x7b3: {  	_ =	sfence.sel $0x180000  }
0x7b4: {  	[bflag:$0x0] =	sbarrier.arrive $0xFFFF  }
0x7b5: {  	_ =	strace $0x90000047  }
0x7b6: {  	s0 =	stileid.u32;
	[bflag:$0x2] =	sbarrier.arrive $0xFFFF  }
0x7b7: {  	p0 =	sne.s32 s0, $0x0;
	s0 =	rddreg [dreg:$0x5]  }
0x7b8: {  	s0 =	sadd.s32 @!p0 $0x100000, s0  }
0x7b9: {  	[sflag:s0] =	ssyncadd.tile.s32 @!p0 $0x1;
	_ =	shalt  }
.Lfunc_end2:
_tile_overlayer_lowered:
.L_overlay_start_2:
0x7ba: {  	(tag) =	ssettag $0x2  }
0x7bb: {  	s0 =	rddreg [dreg:$0x0];
	s2 =	stileid.u32  }
0x7bc: {  	s1 =	rddreg [dreg:$0x1];
	p0 =	sne.s32 s2, $0x0  }
0x7bd: {  	s3 =	rddreg [dreg:$0x2];
	[bflag:$0x3] =	sbarrier.arrive $0xFFFF;
	s2 =	simm.s32 @!p0 $0x1C09  }
0x7be: {  	[timem:s3], [sflag:s2] =	dma.local @!p0 [hbm:s0], s1  }
0x7bf: {  	s0 =	simm.s32 @!p0 $0x9  }
0x7c0: {  	_ =	swait.ge @!p0 [sflag:s0], s1  }
0x7c1: {  	s1 =	ssub.s32 @!p0 $0x0, s1;
	[sflag:s0] =	ssyncset.done @!p0 $0x0  }
0x7c2: {  	[sflag:s0] =	ssyncadd.s32 @!p0 s1  }
0x7c3: {  	[bflag:$0x3] =	sbarrier.arrive $0xFFFF  }
0x7c4: {  	_ =	shalt  }

</sc_bundles>
